<compile_context>
chip_gen: v7x
topology: tpu7x:2x2x1
jax: 0.10.2.dev20260603
libtpu: 0.0.44.dev20260713+nightly
codegen_flags: <defaults>
</compile_context>

<pallas_src>
import dataclasses
import functools

import jax
import jax.numpy as jnp
from jax import lax
from jax.experimental import pallas as pl
from jax.experimental.pallas import tpu as pltpu
from jax.experimental.pallas import tpu_sc as plsc

BATCH = 16384
HIST = 200
D = 5
NW = 32
PER_W = BATCH // NW
G = 16
NGROUPS = PER_W // G
ROWS = G * HIST

_LOG2E = 1.4426950408889634
_LN2_HI = 0.693145751953125
_LN2_LO = 1.4286067653302226e-06


def _exp_f32(x):
    t = x * _LOG2E
    ni = (t + jnp.where(t >= 0.0, 0.5, -0.5)).astype(jnp.int32)
    ni = jnp.clip(ni, -126, 127)
    nf = ni.astype(jnp.float32)
    r = x - nf * _LN2_HI
    r = r - nf * _LN2_LO
    p = 1.0 / 120.0
    for c in (1.0 / 24.0, 1.0 / 6.0, 0.5, 1.0, 1.0):
        p = p * r + c
    scale = lax.bitcast_convert_type((ni + 127) << 23, jnp.float32)
    return p * scale


NPAIR = NGROUPS // 2
PADROWS = ROWS + G
NKB = (HIST + G - 1) // G


def _perm(x, idx):
    dnums = lax.GatherDimensionNumbers(
        offset_dims=(), collapsed_slice_dims=(0,), start_index_map=(0,))
    return lax.gather(x, idx[:, None], dnums, (1,),
                      mode=lax.GatherScatterMode.PROMISE_IN_BOUNDS)


def _sc_body(w_hbm, lflat_hbm, x_hbm, y_hbm, out_hbm,
             xv, exall, yv, lbuf0, lbuf1, ey0, ey1, outb, sem0, sem1):
    cid = lax.axis_index("c")
    sid = lax.axis_index("s")
    wid = sid * 2 + cid
    wbase = wid * PER_W

    pltpu.sync_copy(x_hbm.at[pl.ds(wbase, PER_W)], xv)
    pltpu.sync_copy(y_hbm.at[pl.ds(wbase, PER_W)], yv)
    pltpu.async_copy(w_hbm.at[xv], exall, sem0).wait()

    iota = lax.iota(jnp.int32, G)
    for lb in (lbuf0, lbuf1):
        lb[pl.ds(ROWS, G)] = jnp.zeros((G,), jnp.int32)
    perms = [iota ^ s for s in (8, 4, 2, 1)]

    def issue(g, lbuf, ey, sem):
        pltpu.sync_copy(lflat_hbm.at[pl.ds((wbase + g * G) * HIST, ROWS)],
                        lbuf.at[pl.ds(0, ROWS)])
        pltpu.make_async_copy(w_hbm.at[lbuf], ey, sem).start()

    def compute(g, lbuf, ey):
        def body(i_loc, outv):
            i = g * G + i_loc
            isplat = jnp.full((G,), 0, jnp.int32) + i
            exd = [plsc.load_gather(exall, [isplat, jnp.full((G,), d, jnp.int32)])
                   for d in range(D)]
            y_i = plsc.load_gather(yv, [isplat])
            rbase = i_loc * HIST
            denacc = jnp.zeros((G,), jnp.float32)
            numacc = jnp.zeros((G,), jnp.float32)
            for kb in range(NKB):
                k0 = kb * G
                rowv = iota + (rbase + k0)
                sc = exd[0] * plsc.load_gather(
                    ey, [rowv, jnp.full((G,), 0, jnp.int32)])
                for d in range(1, D):
                    sc = sc + exd[d] * plsc.load_gather(
                        ey, [rowv, jnp.full((G,), d, jnp.int32)])
                lvals = lbuf[pl.ds(rbase + k0, G)]
                mask = lvals > 0
                if kb == NKB - 1:
                    mask = mask & (iota + k0 < HIST)
                masked = jnp.where(mask, _exp_f32(sc), 0.0)
                denacc = denacc + masked
                numacc = numacc + jnp.where(iota + k0 == y_i, masked, 0.0)
            for p in perms:
                denacc = denacc + _perm(denacc, p)
                numacc = numacc + _perm(numacc, p)
            return jnp.where(iota == i_loc, numacc / denacc, outv)

        outv = lax.fori_loop(0, G, body, jnp.zeros((G,), jnp.float32))
        outb[pl.ds(g * G, G)] = outv

    issue(0, lbuf0, ey0, sem0)

    @pl.loop(0, NPAIR)
    def _pair(p):
        g0 = 2 * p
        issue(g0 + 1, lbuf1, ey1, sem1)
        pltpu.make_async_copy(w_hbm.at[lbuf0], ey0, sem0).wait()
        compute(g0, lbuf0, ey0)

        @pl.when(p < NPAIR - 1)
        def _():
            issue(g0 + 2, lbuf0, ey0, sem0)

        pltpu.make_async_copy(w_hbm.at[lbuf1], ey1, sem1).wait()
        compute(g0 + 1, lbuf1, ey1)

    pltpu.sync_copy(outb, out_hbm.at[pl.ds(wbase, PER_W)])


def kernel(x, y, l, W):
    w5 = W.astype(jnp.bfloat16).astype(jnp.float32)
    lflat = l.reshape(-1)
    mesh = plsc.VectorSubcoreMesh(core_axis_name="c", subcore_axis_name="s")
    cp = pltpu.CompilerParams()
    for fld, val in (("needs_layout_passes", False),
                     ("use_tc_tiling_on_sc", False)):
        if fld in pltpu.CompilerParams.__dataclass_fields__:
            cp = dataclasses.replace(cp, **{fld: val})
    run = pl.kernel(
        _sc_body,
        out_type=jax.ShapeDtypeStruct((BATCH,), jnp.float32),
        mesh=mesh,
        scratch_types=[
            pltpu.VMEM((PER_W,), jnp.int32),
            pltpu.VMEM((PER_W, D), jnp.float32),
            pltpu.VMEM((PER_W,), jnp.int32),
            pltpu.VMEM((PADROWS,), jnp.int32),
            pltpu.VMEM((PADROWS,), jnp.int32),
            pltpu.VMEM((PADROWS, D), jnp.float32),
            pltpu.VMEM((PADROWS, D), jnp.float32),
            pltpu.VMEM((PER_W,), jnp.float32),
            pltpu.SemaphoreType.DMA,
            pltpu.SemaphoreType.DMA,
        ],
        compiler_params=cp,
    )
    return run(w5, lflat, x.astype(jnp.int32), y.astype(jnp.int32))

# --- scband reference (transcript-rebuilt; emitter-appended) ---
"""Pipeline reference for scband-influence-34978213658862 (READ-ONLY COPY).

The authoritative reference and input builder live on the scoring server;
editing this copy changes nothing except your own understanding.
"""

import jax, jax.numpy as jnp
import numpy as np

NUM_DOCUMENTS = 100000
EMBED_DIM = 5
BATCH = 16384
HIST = 200

def setup_inputs(seed: int = 0) -> dict:
    key = jax.random.key(seed)
    kx, ky, kl, kw = (jax.random.fold_in(key, i) for i in range(4))
    x = jax.random.randint(kx, (BATCH,), 0, NUM_DOCUMENTS, dtype=jnp.int64 if jax.config.jax_enable_x64 else jnp.int32)
    y = jax.random.randint(ky, (BATCH,), 0, HIST, dtype=jnp.int64 if jax.config.jax_enable_x64 else jnp.int32)
    l = jax.random.randint(kl, (BATCH, HIST), 0, NUM_DOCUMENTS, dtype=jnp.int64 if jax.config.jax_enable_x64 else jnp.int32)
    W = jax.random.normal(kw, (NUM_DOCUMENTS, EMBED_DIM), dtype=jnp.float32)
    return {"x": x, "y": y, "l": l, "W": W}

def reference(x, y, l, W):
    # embx = Embedding(x.view(-1)) -> [B, 5]
    xf = x.reshape(-1)
    embx = jnp.take(W, xf, axis=0)
    # emby = Embedding(l) -> [B, K, 5]
    emby = jnp.take(W, l, axis=0)
    mask = (l > 0).astype(jnp.float32)
    scores = jnp.einsum('ij,ikj->ik', embx, emby)
    masked_scores = jnp.exp(scores) * mask
    scores = masked_scores / jnp.sum(masked_scores, axis=-1, keepdims=True)
    res = scores[jnp.arange(y.shape[0]), y]
    return res

if __name__ == "__main__":
    import jax
    _d = setup_inputs()
    print(jax.jit(kernel)(*tuple(_d.values())))

</pallas_src>

<mosaic_0001>
#map = affine_map<(d0, d1) -> (0, 0)>
#map1 = affine_map<(d0, d1) -> (0)>
module attributes {stable_mosaic.version = 14 : i64} {
  func.func @_sc_body(%arg0: i32, %arg1: i32, %arg2: memref<100000x5xf32, #tpu.memory_space<hbm>>, %arg3: memref<3276800xi32, #tpu.memory_space<hbm>>, %arg4: memref<16384xi32, #tpu.memory_space<hbm>>, %arg5: memref<16384xi32, #tpu.memory_space<hbm>>, %arg6: memref<16384xf32, #tpu.memory_space<hbm>>, %arg7: memref<512xi32, #tpu.memory_space<vmem>>, %arg8: memref<512x5xf32, #tpu.memory_space<vmem>>, %arg9: memref<512xi32, #tpu.memory_space<vmem>>, %arg10: memref<3216xi32, #tpu.memory_space<vmem>>, %arg11: memref<3216xi32, #tpu.memory_space<vmem>>, %arg12: memref<3216x5xf32, #tpu.memory_space<vmem>>, %arg13: memref<3216x5xf32, #tpu.memory_space<vmem>>, %arg14: memref<512xf32, #tpu.memory_space<vmem>>, %arg15: memref<!tpu.dma_semaphore, #tpu.memory_space<semaphore_mem>>, %arg16: memref<!tpu.dma_semaphore, #tpu.memory_space<semaphore_mem>>) attributes {dimension_semantics = [#tpu.dimension_semantics<core_parallel>, #tpu.dimension_semantics<subcore_parallel>], iteration_bounds = array<i64: 2, 16>, scalar_prefetch = 0 : i64, scratch_operands = 10 : i64, tpu.core_type = #tpu.core_type<sc_vector_subcore>, window_params = [{transform_indices = #map}, {transform_indices = #map1}, {transform_indices = #map1}, {transform_indices = #map1}, {transform_indices = #map1}]} {
    %mul3A = arith.constant 2 : i32
    %mul3A_0 = arith.muli %arg1, %mul3A : i32
    %add3A = arith.addi %mul3A_0, %arg0 : i32
    %mul3A_1 = arith.constant 512 : i32
    %mul3A_2 = arith.muli %add3A, %mul3A_1 : i32
    "tpu.region"() ({
      %run_scoped3A = tpu.sem_alloc : memref<!tpu.dma_semaphore, #tpu.memory_space<semaphore_mem>>
      %dma_start3A_35 = tpu.memref_slice %arg4[%mul3A_2] : memref<16384xi32, #tpu.memory_space<hbm>> -> memref<512xi32, #tpu.memory_space<hbm>>
      %dma_start3A_36 = tpu.memref_slice %arg4[%mul3A_2] : memref<16384xi32, #tpu.memory_space<hbm>> -> memref<512xi32, #tpu.memory_space<hbm>>
      tpu.enqueue_dma source(%dma_start3A_36 : memref<512xi32, #tpu.memory_space<hbm>>) target(%arg7 : memref<512xi32, #tpu.memory_space<vmem>>) target_semaphore(%run_scoped3A : memref<!tpu.dma_semaphore, #tpu.memory_space<semaphore_mem>>)
      %dma_wait3A_37 = tpu.memref_slice %arg4[%mul3A_2] : memref<16384xi32, #tpu.memory_space<hbm>> -> memref<512xi32, #tpu.memory_space<hbm>>
      %dma_wait3A_38 = tpu.memref_slice %arg4[%mul3A_2] : memref<16384xi32, #tpu.memory_space<hbm>> -> memref<512xi32, #tpu.memory_space<hbm>>
      tpu.wait_dma2 semaphore(%run_scoped3A : memref<!tpu.dma_semaphore, #tpu.memory_space<semaphore_mem>>) src(%dma_wait3A_38 : memref<512xi32, #tpu.memory_space<hbm>>) dst(%arg7 : memref<512xi32, #tpu.memory_space<vmem>>)
      tpu.yield
    }) : () -> ()
    "tpu.region"() ({
      %run_scoped3A = tpu.sem_alloc : memref<!tpu.dma_semaphore, #tpu.memory_space<semaphore_mem>>
      %dma_start3A_35 = tpu.memref_slice %arg5[%mul3A_2] : memref<16384xi32, #tpu.memory_space<hbm>> -> memref<512xi32, #tpu.memory_space<hbm>>
      %dma_start3A_36 = tpu.memref_slice %arg5[%mul3A_2] : memref<16384xi32, #tpu.memory_space<hbm>> -> memref<512xi32, #tpu.memory_space<hbm>>
      tpu.enqueue_dma source(%dma_start3A_36 : memref<512xi32, #tpu.memory_space<hbm>>) target(%arg9 : memref<512xi32, #tpu.memory_space<vmem>>) target_semaphore(%run_scoped3A : memref<!tpu.dma_semaphore, #tpu.memory_space<semaphore_mem>>)
      %dma_wait3A_37 = tpu.memref_slice %arg5[%mul3A_2] : memref<16384xi32, #tpu.memory_space<hbm>> -> memref<512xi32, #tpu.memory_space<hbm>>
      %dma_wait3A_38 = tpu.memref_slice %arg5[%mul3A_2] : memref<16384xi32, #tpu.memory_space<hbm>> -> memref<512xi32, #tpu.memory_space<hbm>>
      tpu.wait_dma2 semaphore(%run_scoped3A : memref<!tpu.dma_semaphore, #tpu.memory_space<semaphore_mem>>) src(%dma_wait3A_38 : memref<512xi32, #tpu.memory_space<hbm>>) dst(%arg9 : memref<512xi32, #tpu.memory_space<vmem>>)
      tpu.yield
    }) : () -> ()
    %dma_start3A = arith.constant 0 : i32
    %dma_start3A_3 = arith.constant 0 : i32
    %dma_start3A_4 = tpu.memref_slice %arg2[%dma_start3A, %dma_start3A_3] : memref<100000x5xf32, #tpu.memory_space<hbm>> -> memref<100000x5xf32, #tpu.memory_space<hbm>>
    tpu.enqueue_indirect_dma source(%dma_start3A_4 : memref<100000x5xf32, #tpu.memory_space<hbm>>) target(%arg8 : memref<512x5xf32, #tpu.memory_space<vmem>>) offsets(%arg7 : memref<512xi32, #tpu.memory_space<vmem>>) semaphore(%arg15 : memref<!tpu.dma_semaphore, #tpu.memory_space<semaphore_mem>>)
    %dma_wait3A = arith.constant 0 : i32
    %dma_wait3A_5 = arith.constant 0 : i32
    %dma_wait3A_6 = tpu.memref_slice %arg2[%dma_wait3A, %dma_wait3A_5] : memref<100000x5xf32, #tpu.memory_space<hbm>> -> memref<100000x5xf32, #tpu.memory_space<hbm>>
    tpu.wait_indirect_dma semaphore(%arg15 : memref<!tpu.dma_semaphore, #tpu.memory_space<semaphore_mem>>) src(%dma_wait3A_6 : memref<100000x5xf32, #tpu.memory_space<hbm>>) dst(%arg8 : memref<512x5xf32, #tpu.memory_space<vmem>>)
    %iota3A = tpu.iota {dimensions = array<i32: 0>} : vector<16xi32>
    %broadcast_in_dim3A = arith.constant 0 : i32
    %broadcast_in_dim3A_7 = vector.broadcast %broadcast_in_dim3A : i32 to vector<16xi32>
    %swap3A = arith.constant 3200 : index
    %swap3A_8 = tpu.vector_load %arg10[%swap3A] {strides = array<i32>} : memref<3216xi32, #tpu.memory_space<vmem>>, vector<16xi32>,
    tpu.vector_store %arg10[%swap3A], %broadcast_in_dim3A_7 {strides = array<i32>} : memref<3216xi32, #tpu.memory_space<vmem>>, vector<16xi32>,
    %broadcast_in_dim3A_9 = arith.constant 0 : i32
    %broadcast_in_dim3A_10 = vector.broadcast %broadcast_in_dim3A_9 : i32 to vector<16xi32>
    %swap3A_11 = arith.constant 3200 : index
    %swap3A_12 = tpu.vector_load %arg11[%swap3A_11] {strides = array<i32>} : memref<3216xi32, #tpu.memory_space<vmem>>, vector<16xi32>,
    tpu.vector_store %arg11[%swap3A_11], %broadcast_in_dim3A_10 {strides = array<i32>} : memref<3216xi32, #tpu.memory_space<vmem>>, vector<16xi32>,
    %xor3A = arith.constant 8 : i32
    %xor3A_13 = vector.broadcast %xor3A : i32 to vector<16xi32>
    %xor3A_14 = arith.xori %iota3A, %xor3A_13 : vector<16xi32>
    %xor3A_15 = arith.constant 4 : i32
    %xor3A_16 = vector.broadcast %xor3A_15 : i32 to vector<16xi32>
    %xor3A_17 = arith.xori %iota3A, %xor3A_16 : vector<16xi32>
    %xor3A_18 = arith.constant 2 : i32
    %xor3A_19 = vector.broadcast %xor3A_18 : i32 to vector<16xi32>
    %xor3A_20 = arith.xori %iota3A, %xor3A_19 : vector<16xi32>
    %xor3A_21 = arith.constant 1 : i32
    %xor3A_22 = vector.broadcast %xor3A_21 : i32 to vector<16xi32>
    %xor3A_23 = arith.xori %iota3A, %xor3A_22 : vector<16xi32>
    %add3A_24 = arith.constant 0 : i32
    %add3A_25 = arith.addi %mul3A_2, %add3A_24 : i32
    %mul3A_26 = arith.constant 200 : i32
    %mul3A_27 = arith.muli %add3A_25, %mul3A_26 : i32
    "tpu.region"() ({
      %run_scoped3A = tpu.sem_alloc : memref<!tpu.dma_semaphore, #tpu.memory_space<semaphore_mem>>
      %dma_start3A_35 = arith.constant 0 : i32
      %dma_start3A_36 = tpu.memref_slice %arg10[%dma_start3A_35] : memref<3216xi32, #tpu.memory_space<vmem>> -> memref<3200xi32, #tpu.memory_space<vmem>>
      %dma_start3A_37 = tpu.memref_slice %arg3[%mul3A_27] : memref<3276800xi32, #tpu.memory_space<hbm>> -> memref<3200xi32, #tpu.memory_space<hbm>>
      %dma_start3A_38 = arith.constant 0 : i32
      %dma_start3A_39 = tpu.memref_slice %arg10[%dma_start3A_38] : memref<3216xi32, #tpu.memory_space<vmem>> -> memref<3200xi32, #tpu.memory_space<vmem>>
      %dma_start3A_40 = tpu.memref_slice %arg3[%mul3A_27] : memref<3276800xi32, #tpu.memory_space<hbm>> -> memref<3200xi32, #tpu.memory_space<hbm>>
      tpu.enqueue_dma source(%dma_start3A_40 : memref<3200xi32, #tpu.memory_space<hbm>>) target(%dma_start3A_39 : memref<3200xi32, #tpu.memory_space<vmem>>) target_semaphore(%run_scoped3A : memref<!tpu.dma_semaphore, #tpu.memory_space<semaphore_mem>>)
      %dma_wait3A_41 = arith.constant 0 : i32
      %dma_wait3A_42 = tpu.memref_slice %arg10[%dma_wait3A_41] : memref<3216xi32, #tpu.memory_space<vmem>> -> memref<3200xi32, #tpu.memory_space<vmem>>
      %dma_wait3A_43 = tpu.memref_slice %arg3[%mul3A_27] : memref<3276800xi32, #tpu.memory_space<hbm>> -> memref<3200xi32, #tpu.memory_space<hbm>>
      %dma_wait3A_44 = arith.constant 0 : i32
      %dma_wait3A_45 = tpu.memref_slice %arg10[%dma_wait3A_44] : memref<3216xi32, #tpu.memory_space<vmem>> -> memref<3200xi32, #tpu.memory_space<vmem>>
      %dma_wait3A_46 = tpu.memref_slice %arg3[%mul3A_27] : memref<3276800xi32, #tpu.memory_space<hbm>> -> memref<3200xi32, #tpu.memory_space<hbm>>
      tpu.wait_dma2 semaphore(%run_scoped3A : memref<!tpu.dma_semaphore, #tpu.memory_space<semaphore_mem>>) src(%dma_wait3A_46 : memref<3200xi32, #tpu.memory_space<hbm>>) dst(%dma_wait3A_45 : memref<3200xi32, #tpu.memory_space<vmem>>)
      tpu.yield
    }) : () -> ()
    %dma_start3A_28 = arith.constant 0 : i32
    %dma_start3A_29 = arith.constant 0 : i32
    %dma_start3A_30 = tpu.memref_slice %arg2[%dma_start3A_28, %dma_start3A_29] : memref<100000x5xf32, #tpu.memory_space<hbm>> -> memref<100000x5xf32, #tpu.memory_space<hbm>>
    tpu.enqueue_indirect_dma source(%dma_start3A_30 : memref<100000x5xf32, #tpu.memory_space<hbm>>) target(%arg12 : memref<3216x5xf32, #tpu.memory_space<vmem>>) offsets(%arg10 : memref<3216xi32, #tpu.memory_space<vmem>>) semaphore(%arg15 : memref<!tpu.dma_semaphore, #tpu.memory_space<semaphore_mem>>)
    %scan3A = arith.constant 0 : i32
    %scan3A_31 = arith.constant 16 : i32
    %scan3A_32 = arith.addi %scan3A, %scan3A_31 : i32
    %scan3A_33 = arith.constant 1 : i32
    scf.for %scan3A_35 = %scan3A to %scan3A_32 step %scan3A_33  : i32 {
      %mul3A_36 = arith.constant 1 : i32
      %mul3A_37 = arith.muli %scan3A_35, %mul3A_36 : i32
      %add3A_38 = arith.constant 0 : i32
      %add3A_39 = arith.addi %add3A_38, %mul3A_37 : i32
      %mul3A_40 = arith.constant 2 : i32
      %mul3A_41 = arith.muli %mul3A_40, %add3A_39 : i32
      %add3A_42 = arith.constant 1 : i32
      %add3A_43 = arith.addi %mul3A_41, %add3A_42 : i32
      %mul3A_44 = arith.constant 16 : i32
      %mul3A_45 = arith.muli %add3A_43, %mul3A_44 : i32
      %add3A_46 = arith.addi %mul3A_2, %mul3A_45 : i32
      %mul3A_47 = arith.constant 200 : i32
      %mul3A_48 = arith.muli %add3A_46, %mul3A_47 : i32
      "tpu.region"() ({
        %run_scoped3A = tpu.sem_alloc : memref<!tpu.dma_semaphore, #tpu.memory_space<semaphore_mem>>
        %dma_start3A_86 = arith.constant 0 : i32
        %dma_start3A_87 = tpu.memref_slice %arg11[%dma_start3A_86] : memref<3216xi32, #tpu.memory_space<vmem>> -> memref<3200xi32, #tpu.memory_space<vmem>>
        %dma_start3A_88 = tpu.memref_slice %arg3[%mul3A_48] : memref<3276800xi32, #tpu.memory_space<hbm>> -> memref<3200xi32, #tpu.memory_space<hbm>>
        %dma_start3A_89 = arith.constant 0 : i32
        %dma_start3A_90 = tpu.memref_slice %arg11[%dma_start3A_89] : memref<3216xi32, #tpu.memory_space<vmem>> -> memref<3200xi32, #tpu.memory_space<vmem>>
        %dma_start3A_91 = tpu.memref_slice %arg3[%mul3A_48] : memref<3276800xi32, #tpu.memory_space<hbm>> -> memref<3200xi32, #tpu.memory_space<hbm>>
        tpu.enqueue_dma source(%dma_start3A_91 : memref<3200xi32, #tpu.memory_space<hbm>>) target(%dma_start3A_90 : memref<3200xi32, #tpu.memory_space<vmem>>) target_semaphore(%run_scoped3A : memref<!tpu.dma_semaphore, #tpu.memory_space<semaphore_mem>>)
        %dma_wait3A_92 = arith.constant 0 : i32
        %dma_wait3A_93 = tpu.memref_slice %arg11[%dma_wait3A_92] : memref<3216xi32, #tpu.memory_space<vmem>> -> memref<3200xi32, #tpu.memory_space<vmem>>
        %dma_wait3A_94 = tpu.memref_slice %arg3[%mul3A_48] : memref<3276800xi32, #tpu.memory_space<hbm>> -> memref<3200xi32, #tpu.memory_space<hbm>>
        %dma_wait3A_95 = arith.constant 0 : i32
        %dma_wait3A_96 = tpu.memref_slice %arg11[%dma_wait3A_95] : memref<3216xi32, #tpu.memory_space<vmem>> -> memref<3200xi32, #tpu.memory_space<vmem>>
        %dma_wait3A_97 = tpu.memref_slice %arg3[%mul3A_48] : memref<3276800xi32, #tpu.memory_space<hbm>> -> memref<3200xi32, #tpu.memory_space<hbm>>
        tpu.wait_dma2 semaphore(%run_scoped3A : memref<!tpu.dma_semaphore, #tpu.memory_space<semaphore_mem>>) src(%dma_wait3A_97 : memref<3200xi32, #tpu.memory_space<hbm>>) dst(%dma_wait3A_96 : memref<3200xi32, #tpu.memory_space<vmem>>)
        tpu.yield
      }) : () -> ()
      %dma_start3A_49 = arith.constant 0 : i32
      %dma_start3A_50 = arith.constant 0 : i32
      %dma_start3A_51 = tpu.memref_slice %arg2[%dma_start3A_49, %dma_start3A_50] : memref<100000x5xf32, #tpu.memory_space<hbm>> -> memref<100000x5xf32, #tpu.memory_space<hbm>>
      tpu.enqueue_indirect_dma source(%dma_start3A_51 : memref<100000x5xf32, #tpu.memory_space<hbm>>) target(%arg13 : memref<3216x5xf32, #tpu.memory_space<vmem>>) offsets(%arg11 : memref<3216xi32, #tpu.memory_space<vmem>>) semaphore(%arg16 : memref<!tpu.dma_semaphore, #tpu.memory_space<semaphore_mem>>)
      %dma_wait3A_52 = arith.constant 0 : i32
      %dma_wait3A_53 = arith.constant 0 : i32
      %dma_wait3A_54 = tpu.memref_slice %arg2[%dma_wait3A_52, %dma_wait3A_53] : memref<100000x5xf32, #tpu.memory_space<hbm>> -> memref<100000x5xf32, #tpu.memory_space<hbm>>
      tpu.wait_indirect_dma semaphore(%arg15 : memref<!tpu.dma_semaphore, #tpu.memory_space<semaphore_mem>>) src(%dma_wait3A_54 : memref<100000x5xf32, #tpu.memory_space<hbm>>) dst(%arg12 : memref<3216x5xf32, #tpu.memory_space<vmem>>)
      %broadcast_in_dim3A_55 = arith.constant 0.000000e+00 : f32
      %broadcast_in_dim3A_56 = vector.broadcast %broadcast_in_dim3A_55 : f32 to vector<16xf32>
      %scan3A_57 = arith.constant 0 : i32
      %scan3A_58 = arith.constant 16 : i32
      %scan3A_59 = arith.addi %scan3A_57, %scan3A_58 : i32
      %scan3A_60 = arith.constant 1 : i32
      %scan3A_61 = scf.for %scan3A_86 = %scan3A_57 to %scan3A_59 step %scan3A_60 iter_args(%scan3A_87 = %broadcast_in_dim3A_56) -> (vector<16xf32>)  : i32 {
        %mul3A_88 = arith.constant 16 : i32
        %mul3A_89 = arith.muli %mul3A_41, %mul3A_88 : i32
        %add3A_90 = arith.addi %mul3A_89, %scan3A_86 : i32
        %broadcast_in_dim3A_91 = arith.constant 0 : i32
        %broadcast_in_dim3A_92 = vector.broadcast %broadcast_in_dim3A_91 : i32 to vector<16xi32>
        %add3A_93 = vector.broadcast %add3A_90 : i32 to vector<16xi32>
        %add3A_94 = arith.addi %broadcast_in_dim3A_92, %add3A_93 : vector<16xi32>
        %broadcast_in_dim3A_95 = arith.constant 0 : i32
        %broadcast_in_dim3A_96 = vector.broadcast %broadcast_in_dim3A_95 : i32 to vector<16xi32>
        %gather3A = tpu.vector_load_idx %arg8[%add3A_94, %broadcast_in_dim3A_96] : memref<512x5xf32, #tpu.memory_space<vmem>>[vector<16xi32>, vector<16xi32>], vector<16xf32>,
        %broadcast_in_dim3A_97 = arith.constant 1 : i32
        %broadcast_in_dim3A_98 = vector.broadcast %broadcast_in_dim3A_97 : i32 to vector<16xi32>
        %gather3A_99 = tpu.vector_load_idx %arg8[%add3A_94, %broadcast_in_dim3A_98] : memref<512x5xf32, #tpu.memory_space<vmem>>[vector<16xi32>, vector<16xi32>], vector<16xf32>,
        %broadcast_in_dim3A_100 = arith.constant 2 : i32
        %broadcast_in_dim3A_101 = vector.broadcast %broadcast_in_dim3A_100 : i32 to vector<16xi32>
        %gather3A_102 = tpu.vector_load_idx %arg8[%add3A_94, %broadcast_in_dim3A_101] : memref<512x5xf32, #tpu.memory_space<vmem>>[vector<16xi32>, vector<16xi32>], vector<16xf32>,
        %broadcast_in_dim3A_103 = arith.constant 3 : i32
        %broadcast_in_dim3A_104 = vector.broadcast %broadcast_in_dim3A_103 : i32 to vector<16xi32>
        %gather3A_105 = tpu.vector_load_idx %arg8[%add3A_94, %broadcast_in_dim3A_104] : memref<512x5xf32, #tpu.memory_space<vmem>>[vector<16xi32>, vector<16xi32>], vector<16xf32>,
        %broadcast_in_dim3A_106 = arith.constant 4 : i32
        %broadcast_in_dim3A_107 = vector.broadcast %broadcast_in_dim3A_106 : i32 to vector<16xi32>
        %gather3A_108 = tpu.vector_load_idx %arg8[%add3A_94, %broadcast_in_dim3A_107] : memref<512x5xf32, #tpu.memory_space<vmem>>[vector<16xi32>, vector<16xi32>], vector<16xf32>,
        %gather3A_109 = tpu.vector_load_idx %arg9[%add3A_94] : memref<512xi32, #tpu.memory_space<vmem>>[vector<16xi32>], vector<16xi32>,
        %mul3A_110 = arith.constant 200 : i32
        %mul3A_111 = arith.muli %scan3A_86, %mul3A_110 : i32
        %broadcast_in_dim3A_112 = arith.constant 0.000000e+00 : f32
        %broadcast_in_dim3A_113 = vector.broadcast %broadcast_in_dim3A_112 : f32 to vector<16xf32>
        %broadcast_in_dim3A_114 = arith.constant 0.000000e+00 : f32
        %broadcast_in_dim3A_115 = vector.broadcast %broadcast_in_dim3A_114 : f32 to vector<16xf32>
        %add3A_116 = arith.constant 0 : i32
        %add3A_117 = arith.addi %mul3A_111, %add3A_116 : i32
        %add3A_118 = vector.broadcast %add3A_117 : i32 to vector<16xi32>
        %add3A_119 = arith.addi %iota3A, %add3A_118 : vector<16xi32>
        %broadcast_in_dim3A_120 = arith.constant 0 : i32
        %broadcast_in_dim3A_121 = vector.broadcast %broadcast_in_dim3A_120 : i32 to vector<16xi32>
        %gather3A_122 = tpu.vector_load_idx %arg12[%add3A_119, %broadcast_in_dim3A_121] : memref<3216x5xf32, #tpu.memory_space<vmem>>[vector<16xi32>, vector<16xi32>], vector<16xf32>,
        %mul3A_123 = arith.mulf %gather3A, %gather3A_122 : vector<16xf32>
        %broadcast_in_dim3A_124 = arith.constant 1 : i32
        %broadcast_in_dim3A_125 = vector.broadcast %broadcast_in_dim3A_124 : i32 to vector<16xi32>
        %gather3A_126 = tpu.vector_load_idx %arg12[%add3A_119, %broadcast_in_dim3A_125] : memref<3216x5xf32, #tpu.memory_space<vmem>>[vector<16xi32>, vector<16xi32>], vector<16xf32>,
        %mul3A_127 = arith.mulf %gather3A_99, %gather3A_126 : vector<16xf32>
        %add3A_128 = arith.addf %mul3A_123, %mul3A_127 : vector<16xf32>
        %broadcast_in_dim3A_129 = arith.constant 2 : i32
        %broadcast_in_dim3A_130 = vector.broadcast %broadcast_in_dim3A_129 : i32 to vector<16xi32>
        %gather3A_131 = tpu.vector_load_idx %arg12[%add3A_119, %broadcast_in_dim3A_130] : memref<3216x5xf32, #tpu.memory_space<vmem>>[vector<16xi32>, vector<16xi32>], vector<16xf32>,
        %mul3A_132 = arith.mulf %gather3A_102, %gather3A_131 : vector<16xf32>
        %add3A_133 = arith.addf %add3A_128, %mul3A_132 : vector<16xf32>
        %broadcast_in_dim3A_134 = arith.constant 3 : i32
        %broadcast_in_dim3A_135 = vector.broadcast %broadcast_in_dim3A_134 : i32 to vector<16xi32>
        %gather3A_136 = tpu.vector_load_idx %arg12[%add3A_119, %broadcast_in_dim3A_135] : memref<3216x5xf32, #tpu.memory_space<vmem>>[vector<16xi32>, vector<16xi32>], vector<16xf32>,
        %mul3A_137 = arith.mulf %gather3A_105, %gather3A_136 : vector<16xf32>
        %add3A_138 = arith.addf %add3A_133, %mul3A_137 : vector<16xf32>
        %broadcast_in_dim3A_139 = arith.constant 4 : i32
        %broadcast_in_dim3A_140 = vector.broadcast %broadcast_in_dim3A_139 : i32 to vector<16xi32>
        %gather3A_141 = tpu.vector_load_idx %arg12[%add3A_119, %broadcast_in_dim3A_140] : memref<3216x5xf32, #tpu.memory_space<vmem>>[vector<16xi32>, vector<16xi32>], vector<16xf32>,
        %mul3A_142 = arith.mulf %gather3A_108, %gather3A_141 : vector<16xf32>
        %add3A_143 = arith.addf %add3A_138, %mul3A_142 : vector<16xf32>
        %add3A_144 = arith.constant 0 : i32
        %add3A_145 = arith.addi %mul3A_111, %add3A_144 : i32
        %get3A = arith.index_cast %add3A_145 : i32 to index
        %get3A_146 = tpu.vector_load %arg10[%get3A] {strides = array<i32>} : memref<3216xi32, #tpu.memory_space<vmem>>, vector<16xi32>,
        %gt3A = arith.constant 0 : i32
        %gt3A_147 = vector.broadcast %gt3A : i32 to vector<16xi32>
        %gt3A_148 = arith.cmpi sgt, %get3A_146, %gt3A_147 : vector<16xi32>
        %mul3A_149 = arith.constant 1.44269502 : f32
        %mul3A_150 = vector.broadcast %mul3A_149 : f32 to vector<16xf32>
        %mul3A_151 = arith.mulf %add3A_143, %mul3A_150 : vector<16xf32>
        %ge3A = arith.constant 0.000000e+00 : f32
        %ge3A_152 = vector.broadcast %ge3A : f32 to vector<16xf32>
        %ge3A_153 = arith.cmpf oge, %mul3A_151, %ge3A_152 : vector<16xf32>
        %jit3A = arith.constant 5.000000e-01 : f32
        %jit3A_154 = arith.constant -5.000000e-01 : f32
        %broadcast_in_dim3A_155 = vector.broadcast %jit3A : f32 to vector<16xf32>
        %broadcast_in_dim3A_156 = vector.broadcast %jit3A_154 : f32 to vector<16xf32>
        %select_n3A = arith.select %ge3A_153, %broadcast_in_dim3A_155, %broadcast_in_dim3A_156 : vector<16xi1>, vector<16xf32>
        %add3A_157 = arith.addf %mul3A_151, %select_n3A : vector<16xf32>
        %convert_element_type3A_158 = arith.fptosi %add3A_157 : vector<16xf32> to vector<16xi32>
        %jit3A_159 = arith.constant -126 : i32
        %jit3A_160 = arith.constant 127 : i32
        %max3A = vector.broadcast %jit3A_159 : i32 to vector<16xi32>
        %max3A_161 = arith.maxsi %max3A, %convert_element_type3A_158 : vector<16xi32>
        %min3A = vector.broadcast %jit3A_160 : i32 to vector<16xi32>
        %min3A_162 = arith.minsi %min3A, %max3A_161 : vector<16xi32>
        %convert_element_type3A_163 = arith.sitofp %min3A_162 : vector<16xi32> to vector<16xf32>
        %mul3A_164 = arith.constant 0.693145751 : f32
        %mul3A_165 = vector.broadcast %mul3A_164 : f32 to vector<16xf32>
        %mul3A_166 = arith.mulf %convert_element_type3A_163, %mul3A_165 : vector<16xf32>
        %sub3A = arith.subf %add3A_143, %mul3A_166 : vector<16xf32>
        %mul3A_167 = arith.constant 1.42860677E-6 : f32
        %mul3A_168 = vector.broadcast %mul3A_167 : f32 to vector<16xf32>
        %mul3A_169 = arith.mulf %convert_element_type3A_163, %mul3A_168 : vector<16xf32>
        %sub3A_170 = arith.subf %sub3A, %mul3A_169 : vector<16xf32>
        %mul3A_171 = arith.constant 0.00833333377 : f32
        %mul3A_172 = vector.broadcast %mul3A_171 : f32 to vector<16xf32>
        %mul3A_173 = arith.mulf %mul3A_172, %sub3A_170 : vector<16xf32>
        %add3A_174 = arith.constant 0.0416666679 : f32
        %add3A_175 = vector.broadcast %add3A_174 : f32 to vector<16xf32>
        %add3A_176 = arith.addf %mul3A_173, %add3A_175 : vector<16xf32>
        %mul3A_177 = arith.mulf %add3A_176, %sub3A_170 : vector<16xf32>
        %add3A_178 = arith.constant 0.166666672 : f32
        %add3A_179 = vector.broadcast %add3A_178 : f32 to vector<16xf32>
        %add3A_180 = arith.addf %mul3A_177, %add3A_179 : vector<16xf32>
        %mul3A_181 = arith.mulf %add3A_180, %sub3A_170 : vector<16xf32>
        %add3A_182 = arith.constant 5.000000e-01 : f32
        %add3A_183 = vector.broadcast %add3A_182 : f32 to vector<16xf32>
        %add3A_184 = arith.addf %mul3A_181, %add3A_183 : vector<16xf32>
        %mul3A_185 = arith.mulf %add3A_184, %sub3A_170 : vector<16xf32>
        %add3A_186 = arith.constant 1.000000e+00 : f32
        %add3A_187 = vector.broadcast %add3A_186 : f32 to vector<16xf32>
        %add3A_188 = arith.addf %mul3A_185, %add3A_187 : vector<16xf32>
        %mul3A_189 = arith.mulf %add3A_188, %sub3A_170 : vector<16xf32>
        %add3A_190 = arith.constant 1.000000e+00 : f32
        %add3A_191 = vector.broadcast %add3A_190 : f32 to vector<16xf32>
        %add3A_192 = arith.addf %mul3A_189, %add3A_191 : vector<16xf32>
        %add3A_193 = arith.constant 127 : i32
        %add3A_194 = vector.broadcast %add3A_193 : i32 to vector<16xi32>
        %add3A_195 = arith.addi %min3A_162, %add3A_194 : vector<16xi32>
        %shift_left3A = arith.constant 23 : i32
        %shift_left3A_196 = vector.broadcast %shift_left3A : i32 to vector<16xi32>
        %shift_left3A_197 = arith.shli %add3A_195, %shift_left3A_196 : vector<16xi32>
        %bitcast_convert_type3A = tpu.bitcast %shift_left3A_197 : vector<16xi32> -> vector<16xf32>
        %mul3A_198 = arith.mulf %add3A_192, %bitcast_convert_type3A : vector<16xf32>
        %jit3A_199 = arith.constant 0.000000e+00 : f32
        %broadcast_in_dim3A_200 = vector.broadcast %jit3A_199 : f32 to vector<16xf32>
        %select_n3A_201 = arith.select %gt3A_148, %mul3A_198, %broadcast_in_dim3A_200 : vector<16xi1>, vector<16xf32>
        %add3A_202 = arith.addf %broadcast_in_dim3A_113, %select_n3A_201 : vector<16xf32>
        %add3A_203 = arith.constant 0 : i32
        %add3A_204 = vector.broadcast %add3A_203 : i32 to vector<16xi32>
        %add3A_205 = arith.addi %iota3A, %add3A_204 : vector<16xi32>
        %eq3A = arith.cmpi eq, %add3A_205, %gather3A_109 : vector<16xi32>
        %jit3A_206 = arith.constant 0.000000e+00 : f32
        %broadcast_in_dim3A_207 = vector.broadcast %jit3A_206 : f32 to vector<16xf32>
        %select_n3A_208 = arith.select %eq3A, %select_n3A_201, %broadcast_in_dim3A_207 : vector<16xi1>, vector<16xf32>
        %add3A_209 = arith.addf %broadcast_in_dim3A_115, %select_n3A_208 : vector<16xf32>
        %add3A_210 = arith.constant 16 : i32
        %add3A_211 = arith.addi %mul3A_111, %add3A_210 : i32
        %add3A_212 = vector.broadcast %add3A_211 : i32 to vector<16xi32>
        %add3A_213 = arith.addi %iota3A, %add3A_212 : vector<16xi32>
        %broadcast_in_dim3A_214 = arith.constant 0 : i32
        %broadcast_in_dim3A_215 = vector.broadcast %broadcast_in_dim3A_214 : i32 to vector<16xi32>
        %gather3A_216 = tpu.vector_load_idx %arg12[%add3A_213, %broadcast_in_dim3A_215] : memref<3216x5xf32, #tpu.memory_space<vmem>>[vector<16xi32>, vector<16xi32>], vector<16xf32>,
        %mul3A_217 = arith.mulf %gather3A, %gather3A_216 : vector<16xf32>
        %broadcast_in_dim3A_218 = arith.constant 1 : i32
        %broadcast_in_dim3A_219 = vector.broadcast %broadcast_in_dim3A_218 : i32 to vector<16xi32>
        %gather3A_220 = tpu.vector_load_idx %arg12[%add3A_213, %broadcast_in_dim3A_219] : memref<3216x5xf32, #tpu.memory_space<vmem>>[vector<16xi32>, vector<16xi32>], vector<16xf32>,
        %mul3A_221 = arith.mulf %gather3A_99, %gather3A_220 : vector<16xf32>
        %add3A_222 = arith.addf %mul3A_217, %mul3A_221 : vector<16xf32>
        %broadcast_in_dim3A_223 = arith.constant 2 : i32
        %broadcast_in_dim3A_224 = vector.broadcast %broadcast_in_dim3A_223 : i32 to vector<16xi32>
        %gather3A_225 = tpu.vector_load_idx %arg12[%add3A_213, %broadcast_in_dim3A_224] : memref<3216x5xf32, #tpu.memory_space<vmem>>[vector<16xi32>, vector<16xi32>], vector<16xf32>,
        %mul3A_226 = arith.mulf %gather3A_102, %gather3A_225 : vector<16xf32>
        %add3A_227 = arith.addf %add3A_222, %mul3A_226 : vector<16xf32>
        %broadcast_in_dim3A_228 = arith.constant 3 : i32
        %broadcast_in_dim3A_229 = vector.broadcast %broadcast_in_dim3A_228 : i32 to vector<16xi32>
        %gather3A_230 = tpu.vector_load_idx %arg12[%add3A_213, %broadcast_in_dim3A_229] : memref<3216x5xf32, #tpu.memory_space<vmem>>[vector<16xi32>, vector<16xi32>], vector<16xf32>,
        %mul3A_231 = arith.mulf %gather3A_105, %gather3A_230 : vector<16xf32>
        %add3A_232 = arith.addf %add3A_227, %mul3A_231 : vector<16xf32>
        %broadcast_in_dim3A_233 = arith.constant 4 : i32
        %broadcast_in_dim3A_234 = vector.broadcast %broadcast_in_dim3A_233 : i32 to vector<16xi32>
        %gather3A_235 = tpu.vector_load_idx %arg12[%add3A_213, %broadcast_in_dim3A_234] : memref<3216x5xf32, #tpu.memory_space<vmem>>[vector<16xi32>, vector<16xi32>], vector<16xf32>,
        %mul3A_236 = arith.mulf %gather3A_108, %gather3A_235 : vector<16xf32>
        %add3A_237 = arith.addf %add3A_232, %mul3A_236 : vector<16xf32>
        %add3A_238 = arith.constant 16 : i32
        %add3A_239 = arith.addi %mul3A_111, %add3A_238 : i32
        %get3A_240 = arith.index_cast %add3A_239 : i32 to index
        %get3A_241 = tpu.vector_load %arg10[%get3A_240] {strides = array<i32>} : memref<3216xi32, #tpu.memory_space<vmem>>, vector<16xi32>,
        %gt3A_242 = arith.constant 0 : i32
        %gt3A_243 = vector.broadcast %gt3A_242 : i32 to vector<16xi32>
        %gt3A_244 = arith.cmpi sgt, %get3A_241, %gt3A_243 : vector<16xi32>
        %mul3A_245 = arith.constant 1.44269502 : f32
        %mul3A_246 = vector.broadcast %mul3A_245 : f32 to vector<16xf32>
        %mul3A_247 = arith.mulf %add3A_237, %mul3A_246 : vector<16xf32>
        %ge3A_248 = arith.constant 0.000000e+00 : f32
        %ge3A_249 = vector.broadcast %ge3A_248 : f32 to vector<16xf32>
        %ge3A_250 = arith.cmpf oge, %mul3A_247, %ge3A_249 : vector<16xf32>
        %jit3A_251 = arith.constant 5.000000e-01 : f32
        %jit3A_252 = arith.constant -5.000000e-01 : f32
        %broadcast_in_dim3A_253 = vector.broadcast %jit3A_251 : f32 to vector<16xf32>
        %broadcast_in_dim3A_254 = vector.broadcast %jit3A_252 : f32 to vector<16xf32>
        %select_n3A_255 = arith.select %ge3A_250, %broadcast_in_dim3A_253, %broadcast_in_dim3A_254 : vector<16xi1>, vector<16xf32>
        %add3A_256 = arith.addf %mul3A_247, %select_n3A_255 : vector<16xf32>
        %convert_element_type3A_257 = arith.fptosi %add3A_256 : vector<16xf32> to vector<16xi32>
        %jit3A_258 = arith.constant -126 : i32
        %jit3A_259 = arith.constant 127 : i32
        %max3A_260 = vector.broadcast %jit3A_258 : i32 to vector<16xi32>
        %max3A_261 = arith.maxsi %max3A_260, %convert_element_type3A_257 : vector<16xi32>
        %min3A_262 = vector.broadcast %jit3A_259 : i32 to vector<16xi32>
        %min3A_263 = arith.minsi %min3A_262, %max3A_261 : vector<16xi32>
        %convert_element_type3A_264 = arith.sitofp %min3A_263 : vector<16xi32> to vector<16xf32>
        %mul3A_265 = arith.constant 0.693145751 : f32
        %mul3A_266 = vector.broadcast %mul3A_265 : f32 to vector<16xf32>
        %mul3A_267 = arith.mulf %convert_element_type3A_264, %mul3A_266 : vector<16xf32>
        %sub3A_268 = arith.subf %add3A_237, %mul3A_267 : vector<16xf32>
        %mul3A_269 = arith.constant 1.42860677E-6 : f32
        %mul3A_270 = vector.broadcast %mul3A_269 : f32 to vector<16xf32>
        %mul3A_271 = arith.mulf %convert_element_type3A_264, %mul3A_270 : vector<16xf32>
        %sub3A_272 = arith.subf %sub3A_268, %mul3A_271 : vector<16xf32>
        %mul3A_273 = arith.constant 0.00833333377 : f32
        %mul3A_274 = vector.broadcast %mul3A_273 : f32 to vector<16xf32>
        %mul3A_275 = arith.mulf %mul3A_274, %sub3A_272 : vector<16xf32>
        %add3A_276 = arith.constant 0.0416666679 : f32
        %add3A_277 = vector.broadcast %add3A_276 : f32 to vector<16xf32>
        %add3A_278 = arith.addf %mul3A_275, %add3A_277 : vector<16xf32>
        %mul3A_279 = arith.mulf %add3A_278, %sub3A_272 : vector<16xf32>
        %add3A_280 = arith.constant 0.166666672 : f32
        %add3A_281 = vector.broadcast %add3A_280 : f32 to vector<16xf32>
        %add3A_282 = arith.addf %mul3A_279, %add3A_281 : vector<16xf32>
        %mul3A_283 = arith.mulf %add3A_282, %sub3A_272 : vector<16xf32>
        %add3A_284 = arith.constant 5.000000e-01 : f32
        %add3A_285 = vector.broadcast %add3A_284 : f32 to vector<16xf32>
        %add3A_286 = arith.addf %mul3A_283, %add3A_285 : vector<16xf32>
        %mul3A_287 = arith.mulf %add3A_286, %sub3A_272 : vector<16xf32>
        %add3A_288 = arith.constant 1.000000e+00 : f32
        %add3A_289 = vector.broadcast %add3A_288 : f32 to vector<16xf32>
        %add3A_290 = arith.addf %mul3A_287, %add3A_289 : vector<16xf32>
        %mul3A_291 = arith.mulf %add3A_290, %sub3A_272 : vector<16xf32>
        %add3A_292 = arith.constant 1.000000e+00 : f32
        %add3A_293 = vector.broadcast %add3A_292 : f32 to vector<16xf32>
        %add3A_294 = arith.addf %mul3A_291, %add3A_293 : vector<16xf32>
        %add3A_295 = arith.constant 127 : i32
        %add3A_296 = vector.broadcast %add3A_295 : i32 to vector<16xi32>
        %add3A_297 = arith.addi %min3A_263, %add3A_296 : vector<16xi32>
        %shift_left3A_298 = arith.constant 23 : i32
        %shift_left3A_299 = vector.broadcast %shift_left3A_298 : i32 to vector<16xi32>
        %shift_left3A_300 = arith.shli %add3A_297, %shift_left3A_299 : vector<16xi32>
        %bitcast_convert_type3A_301 = tpu.bitcast %shift_left3A_300 : vector<16xi32> -> vector<16xf32>
        %mul3A_302 = arith.mulf %add3A_294, %bitcast_convert_type3A_301 : vector<16xf32>
        %jit3A_303 = arith.constant 0.000000e+00 : f32
        %broadcast_in_dim3A_304 = vector.broadcast %jit3A_303 : f32 to vector<16xf32>
        %select_n3A_305 = arith.select %gt3A_244, %mul3A_302, %broadcast_in_dim3A_304 : vector<16xi1>, vector<16xf32>
        %add3A_306 = arith.addf %add3A_202, %select_n3A_305 : vector<16xf32>
        %add3A_307 = arith.constant 16 : i32
        %add3A_308 = vector.broadcast %add3A_307 : i32 to vector<16xi32>
        %add3A_309 = arith.addi %iota3A, %add3A_308 : vector<16xi32>
        %eq3A_310 = arith.cmpi eq, %add3A_309, %gather3A_109 : vector<16xi32>
        %jit3A_311 = arith.constant 0.000000e+00 : f32
        %broadcast_in_dim3A_312 = vector.broadcast %jit3A_311 : f32 to vector<16xf32>
        %select_n3A_313 = arith.select %eq3A_310, %select_n3A_305, %broadcast_in_dim3A_312 : vector<16xi1>, vector<16xf32>
        %add3A_314 = arith.addf %add3A_209, %select_n3A_313 : vector<16xf32>
        %add3A_315 = arith.constant 32 : i32
        %add3A_316 = arith.addi %mul3A_111, %add3A_315 : i32
        %add3A_317 = vector.broadcast %add3A_316 : i32 to vector<16xi32>
        %add3A_318 = arith.addi %iota3A, %add3A_317 : vector<16xi32>
        %broadcast_in_dim3A_319 = arith.constant 0 : i32
        %broadcast_in_dim3A_320 = vector.broadcast %broadcast_in_dim3A_319 : i32 to vector<16xi32>
        %gather3A_321 = tpu.vector_load_idx %arg12[%add3A_318, %broadcast_in_dim3A_320] : memref<3216x5xf32, #tpu.memory_space<vmem>>[vector<16xi32>, vector<16xi32>], vector<16xf32>,
        %mul3A_322 = arith.mulf %gather3A, %gather3A_321 : vector<16xf32>
        %broadcast_in_dim3A_323 = arith.constant 1 : i32
        %broadcast_in_dim3A_324 = vector.broadcast %broadcast_in_dim3A_323 : i32 to vector<16xi32>
        %gather3A_325 = tpu.vector_load_idx %arg12[%add3A_318, %broadcast_in_dim3A_324] : memref<3216x5xf32, #tpu.memory_space<vmem>>[vector<16xi32>, vector<16xi32>], vector<16xf32>,
        %mul3A_326 = arith.mulf %gather3A_99, %gather3A_325 : vector<16xf32>
        %add3A_327 = arith.addf %mul3A_322, %mul3A_326 : vector<16xf32>
        %broadcast_in_dim3A_328 = arith.constant 2 : i32
        %broadcast_in_dim3A_329 = vector.broadcast %broadcast_in_dim3A_328 : i32 to vector<16xi32>
        %gather3A_330 = tpu.vector_load_idx %arg12[%add3A_318, %broadcast_in_dim3A_329] : memref<3216x5xf32, #tpu.memory_space<vmem>>[vector<16xi32>, vector<16xi32>], vector<16xf32>,
        %mul3A_331 = arith.mulf %gather3A_102, %gather3A_330 : vector<16xf32>
        %add3A_332 = arith.addf %add3A_327, %mul3A_331 : vector<16xf32>
        %broadcast_in_dim3A_333 = arith.constant 3 : i32
        %broadcast_in_dim3A_334 = vector.broadcast %broadcast_in_dim3A_333 : i32 to vector<16xi32>
        %gather3A_335 = tpu.vector_load_idx %arg12[%add3A_318, %broadcast_in_dim3A_334] : memref<3216x5xf32, #tpu.memory_space<vmem>>[vector<16xi32>, vector<16xi32>], vector<16xf32>,
        %mul3A_336 = arith.mulf %gather3A_105, %gather3A_335 : vector<16xf32>
        %add3A_337 = arith.addf %add3A_332, %mul3A_336 : vector<16xf32>
        %broadcast_in_dim3A_338 = arith.constant 4 : i32
        %broadcast_in_dim3A_339 = vector.broadcast %broadcast_in_dim3A_338 : i32 to vector<16xi32>
        %gather3A_340 = tpu.vector_load_idx %arg12[%add3A_318, %broadcast_in_dim3A_339] : memref<3216x5xf32, #tpu.memory_space<vmem>>[vector<16xi32>, vector<16xi32>], vector<16xf32>,
        %mul3A_341 = arith.mulf %gather3A_108, %gather3A_340 : vector<16xf32>
        %add3A_342 = arith.addf %add3A_337, %mul3A_341 : vector<16xf32>
        %add3A_343 = arith.constant 32 : i32
        %add3A_344 = arith.addi %mul3A_111, %add3A_343 : i32
        %get3A_345 = arith.index_cast %add3A_344 : i32 to index
        %get3A_346 = tpu.vector_load %arg10[%get3A_345] {strides = array<i32>} : memref<3216xi32, #tpu.memory_space<vmem>>, vector<16xi32>,
        %gt3A_347 = arith.constant 0 : i32
        %gt3A_348 = vector.broadcast %gt3A_347 : i32 to vector<16xi32>
        %gt3A_349 = arith.cmpi sgt, %get3A_346, %gt3A_348 : vector<16xi32>
        %mul3A_350 = arith.constant 1.44269502 : f32
        %mul3A_351 = vector.broadcast %mul3A_350 : f32 to vector<16xf32>
        %mul3A_352 = arith.mulf %add3A_342, %mul3A_351 : vector<16xf32>
        %ge3A_353 = arith.constant 0.000000e+00 : f32
        %ge3A_354 = vector.broadcast %ge3A_353 : f32 to vector<16xf32>
        %ge3A_355 = arith.cmpf oge, %mul3A_352, %ge3A_354 : vector<16xf32>
        %jit3A_356 = arith.constant 5.000000e-01 : f32
        %jit3A_357 = arith.constant -5.000000e-01 : f32
        %broadcast_in_dim3A_358 = vector.broadcast %jit3A_356 : f32 to vector<16xf32>
        %broadcast_in_dim3A_359 = vector.broadcast %jit3A_357 : f32 to vector<16xf32>
        %select_n3A_360 = arith.select %ge3A_355, %broadcast_in_dim3A_358, %broadcast_in_dim3A_359 : vector<16xi1>, vector<16xf32>
        %add3A_361 = arith.addf %mul3A_352, %select_n3A_360 : vector<16xf32>
        %convert_element_type3A_362 = arith.fptosi %add3A_361 : vector<16xf32> to vector<16xi32>
        %jit3A_363 = arith.constant -126 : i32
        %jit3A_364 = arith.constant 127 : i32
        %max3A_365 = vector.broadcast %jit3A_363 : i32 to vector<16xi32>
        %max3A_366 = arith.maxsi %max3A_365, %convert_element_type3A_362 : vector<16xi32>
        %min3A_367 = vector.broadcast %jit3A_364 : i32 to vector<16xi32>
        %min3A_368 = arith.minsi %min3A_367, %max3A_366 : vector<16xi32>
        %convert_element_type3A_369 = arith.sitofp %min3A_368 : vector<16xi32> to vector<16xf32>
        %mul3A_370 = arith.constant 0.693145751 : f32
        %mul3A_371 = vector.broadcast %mul3A_370 : f32 to vector<16xf32>
        %mul3A_372 = arith.mulf %convert_element_type3A_369, %mul3A_371 : vector<16xf32>
        %sub3A_373 = arith.subf %add3A_342, %mul3A_372 : vector<16xf32>
        %mul3A_374 = arith.constant 1.42860677E-6 : f32
        %mul3A_375 = vector.broadcast %mul3A_374 : f32 to vector<16xf32>
        %mul3A_376 = arith.mulf %convert_element_type3A_369, %mul3A_375 : vector<16xf32>
        %sub3A_377 = arith.subf %sub3A_373, %mul3A_376 : vector<16xf32>
        %mul3A_378 = arith.constant 0.00833333377 : f32
        %mul3A_379 = vector.broadcast %mul3A_378 : f32 to vector<16xf32>
        %mul3A_380 = arith.mulf %mul3A_379, %sub3A_377 : vector<16xf32>
        %add3A_381 = arith.constant 0.0416666679 : f32
        %add3A_382 = vector.broadcast %add3A_381 : f32 to vector<16xf32>
        %add3A_383 = arith.addf %mul3A_380, %add3A_382 : vector<16xf32>
        %mul3A_384 = arith.mulf %add3A_383, %sub3A_377 : vector<16xf32>
        %add3A_385 = arith.constant 0.166666672 : f32
        %add3A_386 = vector.broadcast %add3A_385 : f32 to vector<16xf32>
        %add3A_387 = arith.addf %mul3A_384, %add3A_386 : vector<16xf32>
        %mul3A_388 = arith.mulf %add3A_387, %sub3A_377 : vector<16xf32>
        %add3A_389 = arith.constant 5.000000e-01 : f32
        %add3A_390 = vector.broadcast %add3A_389 : f32 to vector<16xf32>
        %add3A_391 = arith.addf %mul3A_388, %add3A_390 : vector<16xf32>
        %mul3A_392 = arith.mulf %add3A_391, %sub3A_377 : vector<16xf32>
        %add3A_393 = arith.constant 1.000000e+00 : f32
        %add3A_394 = vector.broadcast %add3A_393 : f32 to vector<16xf32>
        %add3A_395 = arith.addf %mul3A_392, %add3A_394 : vector<16xf32>
        %mul3A_396 = arith.mulf %add3A_395, %sub3A_377 : vector<16xf32>
        %add3A_397 = arith.constant 1.000000e+00 : f32
        %add3A_398 = vector.broadcast %add3A_397 : f32 to vector<16xf32>
        %add3A_399 = arith.addf %mul3A_396, %add3A_398 : vector<16xf32>
        %add3A_400 = arith.constant 127 : i32
        %add3A_401 = vector.broadcast %add3A_400 : i32 to vector<16xi32>
        %add3A_402 = arith.addi %min3A_368, %add3A_401 : vector<16xi32>
        %shift_left3A_403 = arith.constant 23 : i32
        %shift_left3A_404 = vector.broadcast %shift_left3A_403 : i32 to vector<16xi32>
        %shift_left3A_405 = arith.shli %add3A_402, %shift_left3A_404 : vector<16xi32>
        %bitcast_convert_type3A_406 = tpu.bitcast %shift_left3A_405 : vector<16xi32> -> vector<16xf32>
        %mul3A_407 = arith.mulf %add3A_399, %bitcast_convert_type3A_406 : vector<16xf32>
        %jit3A_408 = arith.constant 0.000000e+00 : f32
        %broadcast_in_dim3A_409 = vector.broadcast %jit3A_408 : f32 to vector<16xf32>
        %select_n3A_410 = arith.select %gt3A_349, %mul3A_407, %broadcast_in_dim3A_409 : vector<16xi1>, vector<16xf32>
        %add3A_411 = arith.addf %add3A_306, %select_n3A_410 : vector<16xf32>
        %add3A_412 = arith.constant 32 : i32
        %add3A_413 = vector.broadcast %add3A_412 : i32 to vector<16xi32>
        %add3A_414 = arith.addi %iota3A, %add3A_413 : vector<16xi32>
        %eq3A_415 = arith.cmpi eq, %add3A_414, %gather3A_109 : vector<16xi32>
        %jit3A_416 = arith.constant 0.000000e+00 : f32
        %broadcast_in_dim3A_417 = vector.broadcast %jit3A_416 : f32 to vector<16xf32>
        %select_n3A_418 = arith.select %eq3A_415, %select_n3A_410, %broadcast_in_dim3A_417 : vector<16xi1>, vector<16xf32>
        %add3A_419 = arith.addf %add3A_314, %select_n3A_418 : vector<16xf32>
        %add3A_420 = arith.constant 48 : i32
        %add3A_421 = arith.addi %mul3A_111, %add3A_420 : i32
        %add3A_422 = vector.broadcast %add3A_421 : i32 to vector<16xi32>
        %add3A_423 = arith.addi %iota3A, %add3A_422 : vector<16xi32>
        %broadcast_in_dim3A_424 = arith.constant 0 : i32
        %broadcast_in_dim3A_425 = vector.broadcast %broadcast_in_dim3A_424 : i32 to vector<16xi32>
        %gather3A_426 = tpu.vector_load_idx %arg12[%add3A_423, %broadcast_in_dim3A_425] : memref<3216x5xf32, #tpu.memory_space<vmem>>[vector<16xi32>, vector<16xi32>], vector<16xf32>,
        %mul3A_427 = arith.mulf %gather3A, %gather3A_426 : vector<16xf32>
        %broadcast_in_dim3A_428 = arith.constant 1 : i32
        %broadcast_in_dim3A_429 = vector.broadcast %broadcast_in_dim3A_428 : i32 to vector<16xi32>
        %gather3A_430 = tpu.vector_load_idx %arg12[%add3A_423, %broadcast_in_dim3A_429] : memref<3216x5xf32, #tpu.memory_space<vmem>>[vector<16xi32>, vector<16xi32>], vector<16xf32>,
        %mul3A_431 = arith.mulf %gather3A_99, %gather3A_430 : vector<16xf32>
        %add3A_432 = arith.addf %mul3A_427, %mul3A_431 : vector<16xf32>
        %broadcast_in_dim3A_433 = arith.constant 2 : i32
        %broadcast_in_dim3A_434 = vector.broadcast %broadcast_in_dim3A_433 : i32 to vector<16xi32>
        %gather3A_435 = tpu.vector_load_idx %arg12[%add3A_423, %broadcast_in_dim3A_434] : memref<3216x5xf32, #tpu.memory_space<vmem>>[vector<16xi32>, vector<16xi32>], vector<16xf32>,
        %mul3A_436 = arith.mulf %gather3A_102, %gather3A_435 : vector<16xf32>
        %add3A_437 = arith.addf %add3A_432, %mul3A_436 : vector<16xf32>
        %broadcast_in_dim3A_438 = arith.constant 3 : i32
        %broadcast_in_dim3A_439 = vector.broadcast %broadcast_in_dim3A_438 : i32 to vector<16xi32>
        %gather3A_440 = tpu.vector_load_idx %arg12[%add3A_423, %broadcast_in_dim3A_439] : memref<3216x5xf32, #tpu.memory_space<vmem>>[vector<16xi32>, vector<16xi32>], vector<16xf32>,
        %mul3A_441 = arith.mulf %gather3A_105, %gather3A_440 : vector<16xf32>
        %add3A_442 = arith.addf %add3A_437, %mul3A_441 : vector<16xf32>
        %broadcast_in_dim3A_443 = arith.constant 4 : i32
        %broadcast_in_dim3A_444 = vector.broadcast %broadcast_in_dim3A_443 : i32 to vector<16xi32>
        %gather3A_445 = tpu.vector_load_idx %arg12[%add3A_423, %broadcast_in_dim3A_444] : memref<3216x5xf32, #tpu.memory_space<vmem>>[vector<16xi32>, vector<16xi32>], vector<16xf32>,
        %mul3A_446 = arith.mulf %gather3A_108, %gather3A_445 : vector<16xf32>
        %add3A_447 = arith.addf %add3A_442, %mul3A_446 : vector<16xf32>
        %add3A_448 = arith.constant 48 : i32
        %add3A_449 = arith.addi %mul3A_111, %add3A_448 : i32
        %get3A_450 = arith.index_cast %add3A_449 : i32 to index
        %get3A_451 = tpu.vector_load %arg10[%get3A_450] {strides = array<i32>} : memref<3216xi32, #tpu.memory_space<vmem>>, vector<16xi32>,
        %gt3A_452 = arith.constant 0 : i32
        %gt3A_453 = vector.broadcast %gt3A_452 : i32 to vector<16xi32>
        %gt3A_454 = arith.cmpi sgt, %get3A_451, %gt3A_453 : vector<16xi32>
        %mul3A_455 = arith.constant 1.44269502 : f32
        %mul3A_456 = vector.broadcast %mul3A_455 : f32 to vector<16xf32>
        %mul3A_457 = arith.mulf %add3A_447, %mul3A_456 : vector<16xf32>
        %ge3A_458 = arith.constant 0.000000e+00 : f32
        %ge3A_459 = vector.broadcast %ge3A_458 : f32 to vector<16xf32>
        %ge3A_460 = arith.cmpf oge, %mul3A_457, %ge3A_459 : vector<16xf32>
        %jit3A_461 = arith.constant 5.000000e-01 : f32
        %jit3A_462 = arith.constant -5.000000e-01 : f32
        %broadcast_in_dim3A_463 = vector.broadcast %jit3A_461 : f32 to vector<16xf32>
        %broadcast_in_dim3A_464 = vector.broadcast %jit3A_462 : f32 to vector<16xf32>
        %select_n3A_465 = arith.select %ge3A_460, %broadcast_in_dim3A_463, %broadcast_in_dim3A_464 : vector<16xi1>, vector<16xf32>
        %add3A_466 = arith.addf %mul3A_457, %select_n3A_465 : vector<16xf32>
        %convert_element_type3A_467 = arith.fptosi %add3A_466 : vector<16xf32> to vector<16xi32>
        %jit3A_468 = arith.constant -126 : i32
        %jit3A_469 = arith.constant 127 : i32
        %max3A_470 = vector.broadcast %jit3A_468 : i32 to vector<16xi32>
        %max3A_471 = arith.maxsi %max3A_470, %convert_element_type3A_467 : vector<16xi32>
        %min3A_472 = vector.broadcast %jit3A_469 : i32 to vector<16xi32>
        %min3A_473 = arith.minsi %min3A_472, %max3A_471 : vector<16xi32>
        %convert_element_type3A_474 = arith.sitofp %min3A_473 : vector<16xi32> to vector<16xf32>
        %mul3A_475 = arith.constant 0.693145751 : f32
        %mul3A_476 = vector.broadcast %mul3A_475 : f32 to vector<16xf32>
        %mul3A_477 = arith.mulf %convert_element_type3A_474, %mul3A_476 : vector<16xf32>
        %sub3A_478 = arith.subf %add3A_447, %mul3A_477 : vector<16xf32>
        %mul3A_479 = arith.constant 1.42860677E-6 : f32
        %mul3A_480 = vector.broadcast %mul3A_479 : f32 to vector<16xf32>
        %mul3A_481 = arith.mulf %convert_element_type3A_474, %mul3A_480 : vector<16xf32>
        %sub3A_482 = arith.subf %sub3A_478, %mul3A_481 : vector<16xf32>
        %mul3A_483 = arith.constant 0.00833333377 : f32
        %mul3A_484 = vector.broadcast %mul3A_483 : f32 to vector<16xf32>
        %mul3A_485 = arith.mulf %mul3A_484, %sub3A_482 : vector<16xf32>
        %add3A_486 = arith.constant 0.0416666679 : f32
        %add3A_487 = vector.broadcast %add3A_486 : f32 to vector<16xf32>
        %add3A_488 = arith.addf %mul3A_485, %add3A_487 : vector<16xf32>
        %mul3A_489 = arith.mulf %add3A_488, %sub3A_482 : vector<16xf32>
        %add3A_490 = arith.constant 0.166666672 : f32
        %add3A_491 = vector.broadcast %add3A_490 : f32 to vector<16xf32>
        %add3A_492 = arith.addf %mul3A_489, %add3A_491 : vector<16xf32>
        %mul3A_493 = arith.mulf %add3A_492, %sub3A_482 : vector<16xf32>
        %add3A_494 = arith.constant 5.000000e-01 : f32
        %add3A_495 = vector.broadcast %add3A_494 : f32 to vector<16xf32>
        %add3A_496 = arith.addf %mul3A_493, %add3A_495 : vector<16xf32>
        %mul3A_497 = arith.mulf %add3A_496, %sub3A_482 : vector<16xf32>
        %add3A_498 = arith.constant 1.000000e+00 : f32
        %add3A_499 = vector.broadcast %add3A_498 : f32 to vector<16xf32>
        %add3A_500 = arith.addf %mul3A_497, %add3A_499 : vector<16xf32>
        %mul3A_501 = arith.mulf %add3A_500, %sub3A_482 : vector<16xf32>
        %add3A_502 = arith.constant 1.000000e+00 : f32
        %add3A_503 = vector.broadcast %add3A_502 : f32 to vector<16xf32>
        %add3A_504 = arith.addf %mul3A_501, %add3A_503 : vector<16xf32>
        %add3A_505 = arith.constant 127 : i32
        %add3A_506 = vector.broadcast %add3A_505 : i32 to vector<16xi32>
        %add3A_507 = arith.addi %min3A_473, %add3A_506 : vector<16xi32>
        %shift_left3A_508 = arith.constant 23 : i32
        %shift_left3A_509 = vector.broadcast %shift_left3A_508 : i32 to vector<16xi32>
        %shift_left3A_510 = arith.shli %add3A_507, %shift_left3A_509 : vector<16xi32>
        %bitcast_convert_type3A_511 = tpu.bitcast %shift_left3A_510 : vector<16xi32> -> vector<16xf32>
        %mul3A_512 = arith.mulf %add3A_504, %bitcast_convert_type3A_511 : vector<16xf32>
        %jit3A_513 = arith.constant 0.000000e+00 : f32
        %broadcast_in_dim3A_514 = vector.broadcast %jit3A_513 : f32 to vector<16xf32>
        %select_n3A_515 = arith.select %gt3A_454, %mul3A_512, %broadcast_in_dim3A_514 : vector<16xi1>, vector<16xf32>
        %add3A_516 = arith.addf %add3A_411, %select_n3A_515 : vector<16xf32>
        %add3A_517 = arith.constant 48 : i32
        %add3A_518 = vector.broadcast %add3A_517 : i32 to vector<16xi32>
        %add3A_519 = arith.addi %iota3A, %add3A_518 : vector<16xi32>
        %eq3A_520 = arith.cmpi eq, %add3A_519, %gather3A_109 : vector<16xi32>
        %jit3A_521 = arith.constant 0.000000e+00 : f32
        %broadcast_in_dim3A_522 = vector.broadcast %jit3A_521 : f32 to vector<16xf32>
        %select_n3A_523 = arith.select %eq3A_520, %select_n3A_515, %broadcast_in_dim3A_522 : vector<16xi1>, vector<16xf32>
        %add3A_524 = arith.addf %add3A_419, %select_n3A_523 : vector<16xf32>
        %add3A_525 = arith.constant 64 : i32
        %add3A_526 = arith.addi %mul3A_111, %add3A_525 : i32
        %add3A_527 = vector.broadcast %add3A_526 : i32 to vector<16xi32>
        %add3A_528 = arith.addi %iota3A, %add3A_527 : vector<16xi32>
        %broadcast_in_dim3A_529 = arith.constant 0 : i32
        %broadcast_in_dim3A_530 = vector.broadcast %broadcast_in_dim3A_529 : i32 to vector<16xi32>
        %gather3A_531 = tpu.vector_load_idx %arg12[%add3A_528, %broadcast_in_dim3A_530] : memref<3216x5xf32, #tpu.memory_space<vmem>>[vector<16xi32>, vector<16xi32>], vector<16xf32>,
        %mul3A_532 = arith.mulf %gather3A, %gather3A_531 : vector<16xf32>
        %broadcast_in_dim3A_533 = arith.constant 1 : i32
        %broadcast_in_dim3A_534 = vector.broadcast %broadcast_in_dim3A_533 : i32 to vector<16xi32>
        %gather3A_535 = tpu.vector_load_idx %arg12[%add3A_528, %broadcast_in_dim3A_534] : memref<3216x5xf32, #tpu.memory_space<vmem>>[vector<16xi32>, vector<16xi32>], vector<16xf32>,
        %mul3A_536 = arith.mulf %gather3A_99, %gather3A_535 : vector<16xf32>
        %add3A_537 = arith.addf %mul3A_532, %mul3A_536 : vector<16xf32>
        %broadcast_in_dim3A_538 = arith.constant 2 : i32
        %broadcast_in_dim3A_539 = vector.broadcast %broadcast_in_dim3A_538 : i32 to vector<16xi32>
        %gather3A_540 = tpu.vector_load_idx %arg12[%add3A_528, %broadcast_in_dim3A_539] : memref<3216x5xf32, #tpu.memory_space<vmem>>[vector<16xi32>, vector<16xi32>], vector<16xf32>,
        %mul3A_541 = arith.mulf %gather3A_102, %gather3A_540 : vector<16xf32>
        %add3A_542 = arith.addf %add3A_537, %mul3A_541 : vector<16xf32>
        %broadcast_in_dim3A_543 = arith.constant 3 : i32
        %broadcast_in_dim3A_544 = vector.broadcast %broadcast_in_dim3A_543 : i32 to vector<16xi32>
        %gather3A_545 = tpu.vector_load_idx %arg12[%add3A_528, %broadcast_in_dim3A_544] : memref<3216x5xf32, #tpu.memory_space<vmem>>[vector<16xi32>, vector<16xi32>], vector<16xf32>,
        %mul3A_546 = arith.mulf %gather3A_105, %gather3A_545 : vector<16xf32>
        %add3A_547 = arith.addf %add3A_542, %mul3A_546 : vector<16xf32>
        %broadcast_in_dim3A_548 = arith.constant 4 : i32
        %broadcast_in_dim3A_549 = vector.broadcast %broadcast_in_dim3A_548 : i32 to vector<16xi32>
        %gather3A_550 = tpu.vector_load_idx %arg12[%add3A_528, %broadcast_in_dim3A_549] : memref<3216x5xf32, #tpu.memory_space<vmem>>[vector<16xi32>, vector<16xi32>], vector<16xf32>,
        %mul3A_551 = arith.mulf %gather3A_108, %gather3A_550 : vector<16xf32>
        %add3A_552 = arith.addf %add3A_547, %mul3A_551 : vector<16xf32>
        %add3A_553 = arith.constant 64 : i32
        %add3A_554 = arith.addi %mul3A_111, %add3A_553 : i32
        %get3A_555 = arith.index_cast %add3A_554 : i32 to index
        %get3A_556 = tpu.vector_load %arg10[%get3A_555] {strides = array<i32>} : memref<3216xi32, #tpu.memory_space<vmem>>, vector<16xi32>,
        %gt3A_557 = arith.constant 0 : i32
        %gt3A_558 = vector.broadcast %gt3A_557 : i32 to vector<16xi32>
        %gt3A_559 = arith.cmpi sgt, %get3A_556, %gt3A_558 : vector<16xi32>
        %mul3A_560 = arith.constant 1.44269502 : f32
        %mul3A_561 = vector.broadcast %mul3A_560 : f32 to vector<16xf32>
        %mul3A_562 = arith.mulf %add3A_552, %mul3A_561 : vector<16xf32>
        %ge3A_563 = arith.constant 0.000000e+00 : f32
        %ge3A_564 = vector.broadcast %ge3A_563 : f32 to vector<16xf32>
        %ge3A_565 = arith.cmpf oge, %mul3A_562, %ge3A_564 : vector<16xf32>
        %jit3A_566 = arith.constant 5.000000e-01 : f32
        %jit3A_567 = arith.constant -5.000000e-01 : f32
        %broadcast_in_dim3A_568 = vector.broadcast %jit3A_566 : f32 to vector<16xf32>
        %broadcast_in_dim3A_569 = vector.broadcast %jit3A_567 : f32 to vector<16xf32>
        %select_n3A_570 = arith.select %ge3A_565, %broadcast_in_dim3A_568, %broadcast_in_dim3A_569 : vector<16xi1>, vector<16xf32>
        %add3A_571 = arith.addf %mul3A_562, %select_n3A_570 : vector<16xf32>
        %convert_element_type3A_572 = arith.fptosi %add3A_571 : vector<16xf32> to vector<16xi32>
        %jit3A_573 = arith.constant -126 : i32
        %jit3A_574 = arith.constant 127 : i32
        %max3A_575 = vector.broadcast %jit3A_573 : i32 to vector<16xi32>
        %max3A_576 = arith.maxsi %max3A_575, %convert_element_type3A_572 : vector<16xi32>
        %min3A_577 = vector.broadcast %jit3A_574 : i32 to vector<16xi32>
        %min3A_578 = arith.minsi %min3A_577, %max3A_576 : vector<16xi32>
        %convert_element_type3A_579 = arith.sitofp %min3A_578 : vector<16xi32> to vector<16xf32>
        %mul3A_580 = arith.constant 0.693145751 : f32
        %mul3A_581 = vector.broadcast %mul3A_580 : f32 to vector<16xf32>
        %mul3A_582 = arith.mulf %convert_element_type3A_579, %mul3A_581 : vector<16xf32>
        %sub3A_583 = arith.subf %add3A_552, %mul3A_582 : vector<16xf32>
        %mul3A_584 = arith.constant 1.42860677E-6 : f32
        %mul3A_585 = vector.broadcast %mul3A_584 : f32 to vector<16xf32>
        %mul3A_586 = arith.mulf %convert_element_type3A_579, %mul3A_585 : vector<16xf32>
        %sub3A_587 = arith.subf %sub3A_583, %mul3A_586 : vector<16xf32>
        %mul3A_588 = arith.constant 0.00833333377 : f32
        %mul3A_589 = vector.broadcast %mul3A_588 : f32 to vector<16xf32>
        %mul3A_590 = arith.mulf %mul3A_589, %sub3A_587 : vector<16xf32>
        %add3A_591 = arith.constant 0.0416666679 : f32
        %add3A_592 = vector.broadcast %add3A_591 : f32 to vector<16xf32>
        %add3A_593 = arith.addf %mul3A_590, %add3A_592 : vector<16xf32>
        %mul3A_594 = arith.mulf %add3A_593, %sub3A_587 : vector<16xf32>
        %add3A_595 = arith.constant 0.166666672 : f32
        %add3A_596 = vector.broadcast %add3A_595 : f32 to vector<16xf32>
        %add3A_597 = arith.addf %mul3A_594, %add3A_596 : vector<16xf32>
        %mul3A_598 = arith.mulf %add3A_597, %sub3A_587 : vector<16xf32>
        %add3A_599 = arith.constant 5.000000e-01 : f32
        %add3A_600 = vector.broadcast %add3A_599 : f32 to vector<16xf32>
        %add3A_601 = arith.addf %mul3A_598, %add3A_600 : vector<16xf32>
        %mul3A_602 = arith.mulf %add3A_601, %sub3A_587 : vector<16xf32>
        %add3A_603 = arith.constant 1.000000e+00 : f32
        %add3A_604 = vector.broadcast %add3A_603 : f32 to vector<16xf32>
        %add3A_605 = arith.addf %mul3A_602, %add3A_604 : vector<16xf32>
        %mul3A_606 = arith.mulf %add3A_605, %sub3A_587 : vector<16xf32>
        %add3A_607 = arith.constant 1.000000e+00 : f32
        %add3A_608 = vector.broadcast %add3A_607 : f32 to vector<16xf32>
        %add3A_609 = arith.addf %mul3A_606, %add3A_608 : vector<16xf32>
        %add3A_610 = arith.constant 127 : i32
        %add3A_611 = vector.broadcast %add3A_610 : i32 to vector<16xi32>
        %add3A_612 = arith.addi %min3A_578, %add3A_611 : vector<16xi32>
        %shift_left3A_613 = arith.constant 23 : i32
        %shift_left3A_614 = vector.broadcast %shift_left3A_613 : i32 to vector<16xi32>
        %shift_left3A_615 = arith.shli %add3A_612, %shift_left3A_614 : vector<16xi32>
        %bitcast_convert_type3A_616 = tpu.bitcast %shift_left3A_615 : vector<16xi32> -> vector<16xf32>
        %mul3A_617 = arith.mulf %add3A_609, %bitcast_convert_type3A_616 : vector<16xf32>
        %jit3A_618 = arith.constant 0.000000e+00 : f32
        %broadcast_in_dim3A_619 = vector.broadcast %jit3A_618 : f32 to vector<16xf32>
        %select_n3A_620 = arith.select %gt3A_559, %mul3A_617, %broadcast_in_dim3A_619 : vector<16xi1>, vector<16xf32>
        %add3A_621 = arith.addf %add3A_516, %select_n3A_620 : vector<16xf32>
        %add3A_622 = arith.constant 64 : i32
        %add3A_623 = vector.broadcast %add3A_622 : i32 to vector<16xi32>
        %add3A_624 = arith.addi %iota3A, %add3A_623 : vector<16xi32>
        %eq3A_625 = arith.cmpi eq, %add3A_624, %gather3A_109 : vector<16xi32>
        %jit3A_626 = arith.constant 0.000000e+00 : f32
        %broadcast_in_dim3A_627 = vector.broadcast %jit3A_626 : f32 to vector<16xf32>
        %select_n3A_628 = arith.select %eq3A_625, %select_n3A_620, %broadcast_in_dim3A_627 : vector<16xi1>, vector<16xf32>
        %add3A_629 = arith.addf %add3A_524, %select_n3A_628 : vector<16xf32>
        %add3A_630 = arith.constant 80 : i32
        %add3A_631 = arith.addi %mul3A_111, %add3A_630 : i32
        %add3A_632 = vector.broadcast %add3A_631 : i32 to vector<16xi32>
        %add3A_633 = arith.addi %iota3A, %add3A_632 : vector<16xi32>
        %broadcast_in_dim3A_634 = arith.constant 0 : i32
        %broadcast_in_dim3A_635 = vector.broadcast %broadcast_in_dim3A_634 : i32 to vector<16xi32>
        %gather3A_636 = tpu.vector_load_idx %arg12[%add3A_633, %broadcast_in_dim3A_635] : memref<3216x5xf32, #tpu.memory_space<vmem>>[vector<16xi32>, vector<16xi32>], vector<16xf32>,
        %mul3A_637 = arith.mulf %gather3A, %gather3A_636 : vector<16xf32>
        %broadcast_in_dim3A_638 = arith.constant 1 : i32
        %broadcast_in_dim3A_639 = vector.broadcast %broadcast_in_dim3A_638 : i32 to vector<16xi32>
        %gather3A_640 = tpu.vector_load_idx %arg12[%add3A_633, %broadcast_in_dim3A_639] : memref<3216x5xf32, #tpu.memory_space<vmem>>[vector<16xi32>, vector<16xi32>], vector<16xf32>,
        %mul3A_641 = arith.mulf %gather3A_99, %gather3A_640 : vector<16xf32>
        %add3A_642 = arith.addf %mul3A_637, %mul3A_641 : vector<16xf32>
        %broadcast_in_dim3A_643 = arith.constant 2 : i32
        %broadcast_in_dim3A_644 = vector.broadcast %broadcast_in_dim3A_643 : i32 to vector<16xi32>
        %gather3A_645 = tpu.vector_load_idx %arg12[%add3A_633, %broadcast_in_dim3A_644] : memref<3216x5xf32, #tpu.memory_space<vmem>>[vector<16xi32>, vector<16xi32>], vector<16xf32>,
        %mul3A_646 = arith.mulf %gather3A_102, %gather3A_645 : vector<16xf32>
        %add3A_647 = arith.addf %add3A_642, %mul3A_646 : vector<16xf32>
        %broadcast_in_dim3A_648 = arith.constant 3 : i32
        %broadcast_in_dim3A_649 = vector.broadcast %broadcast_in_dim3A_648 : i32 to vector<16xi32>
        %gather3A_650 = tpu.vector_load_idx %arg12[%add3A_633, %broadcast_in_dim3A_649] : memref<3216x5xf32, #tpu.memory_space<vmem>>[vector<16xi32>, vector<16xi32>], vector<16xf32>,
        %mul3A_651 = arith.mulf %gather3A_105, %gather3A_650 : vector<16xf32>
        %add3A_652 = arith.addf %add3A_647, %mul3A_651 : vector<16xf32>
        %broadcast_in_dim3A_653 = arith.constant 4 : i32
        %broadcast_in_dim3A_654 = vector.broadcast %broadcast_in_dim3A_653 : i32 to vector<16xi32>
        %gather3A_655 = tpu.vector_load_idx %arg12[%add3A_633, %broadcast_in_dim3A_654] : memref<3216x5xf32, #tpu.memory_space<vmem>>[vector<16xi32>, vector<16xi32>], vector<16xf32>,
        %mul3A_656 = arith.mulf %gather3A_108, %gather3A_655 : vector<16xf32>
        %add3A_657 = arith.addf %add3A_652, %mul3A_656 : vector<16xf32>
        %add3A_658 = arith.constant 80 : i32
        %add3A_659 = arith.addi %mul3A_111, %add3A_658 : i32
        %get3A_660 = arith.index_cast %add3A_659 : i32 to index
        %get3A_661 = tpu.vector_load %arg10[%get3A_660] {strides = array<i32>} : memref<3216xi32, #tpu.memory_space<vmem>>, vector<16xi32>,
        %gt3A_662 = arith.constant 0 : i32
        %gt3A_663 = vector.broadcast %gt3A_662 : i32 to vector<16xi32>
        %gt3A_664 = arith.cmpi sgt, %get3A_661, %gt3A_663 : vector<16xi32>
        %mul3A_665 = arith.constant 1.44269502 : f32
        %mul3A_666 = vector.broadcast %mul3A_665 : f32 to vector<16xf32>
        %mul3A_667 = arith.mulf %add3A_657, %mul3A_666 : vector<16xf32>
        %ge3A_668 = arith.constant 0.000000e+00 : f32
        %ge3A_669 = vector.broadcast %ge3A_668 : f32 to vector<16xf32>
        %ge3A_670 = arith.cmpf oge, %mul3A_667, %ge3A_669 : vector<16xf32>
        %jit3A_671 = arith.constant 5.000000e-01 : f32
        %jit3A_672 = arith.constant -5.000000e-01 : f32
        %broadcast_in_dim3A_673 = vector.broadcast %jit3A_671 : f32 to vector<16xf32>
        %broadcast_in_dim3A_674 = vector.broadcast %jit3A_672 : f32 to vector<16xf32>
        %select_n3A_675 = arith.select %ge3A_670, %broadcast_in_dim3A_673, %broadcast_in_dim3A_674 : vector<16xi1>, vector<16xf32>
        %add3A_676 = arith.addf %mul3A_667, %select_n3A_675 : vector<16xf32>
        %convert_element_type3A_677 = arith.fptosi %add3A_676 : vector<16xf32> to vector<16xi32>
        %jit3A_678 = arith.constant -126 : i32
        %jit3A_679 = arith.constant 127 : i32
        %max3A_680 = vector.broadcast %jit3A_678 : i32 to vector<16xi32>
        %max3A_681 = arith.maxsi %max3A_680, %convert_element_type3A_677 : vector<16xi32>
        %min3A_682 = vector.broadcast %jit3A_679 : i32 to vector<16xi32>
        %min3A_683 = arith.minsi %min3A_682, %max3A_681 : vector<16xi32>
        %convert_element_type3A_684 = arith.sitofp %min3A_683 : vector<16xi32> to vector<16xf32>
        %mul3A_685 = arith.constant 0.693145751 : f32
        %mul3A_686 = vector.broadcast %mul3A_685 : f32 to vector<16xf32>
        %mul3A_687 = arith.mulf %convert_element_type3A_684, %mul3A_686 : vector<16xf32>
        %sub3A_688 = arith.subf %add3A_657, %mul3A_687 : vector<16xf32>
        %mul3A_689 = arith.constant 1.42860677E-6 : f32
        %mul3A_690 = vector.broadcast %mul3A_689 : f32 to vector<16xf32>
        %mul3A_691 = arith.mulf %convert_element_type3A_684, %mul3A_690 : vector<16xf32>
        %sub3A_692 = arith.subf %sub3A_688, %mul3A_691 : vector<16xf32>
        %mul3A_693 = arith.constant 0.00833333377 : f32
        %mul3A_694 = vector.broadcast %mul3A_693 : f32 to vector<16xf32>
        %mul3A_695 = arith.mulf %mul3A_694, %sub3A_692 : vector<16xf32>
        %add3A_696 = arith.constant 0.0416666679 : f32
        %add3A_697 = vector.broadcast %add3A_696 : f32 to vector<16xf32>
        %add3A_698 = arith.addf %mul3A_695, %add3A_697 : vector<16xf32>
        %mul3A_699 = arith.mulf %add3A_698, %sub3A_692 : vector<16xf32>
        %add3A_700 = arith.constant 0.166666672 : f32
        %add3A_701 = vector.broadcast %add3A_700 : f32 to vector<16xf32>
        %add3A_702 = arith.addf %mul3A_699, %add3A_701 : vector<16xf32>
        %mul3A_703 = arith.mulf %add3A_702, %sub3A_692 : vector<16xf32>
        %add3A_704 = arith.constant 5.000000e-01 : f32
        %add3A_705 = vector.broadcast %add3A_704 : f32 to vector<16xf32>
        %add3A_706 = arith.addf %mul3A_703, %add3A_705 : vector<16xf32>
        %mul3A_707 = arith.mulf %add3A_706, %sub3A_692 : vector<16xf32>
        %add3A_708 = arith.constant 1.000000e+00 : f32
        %add3A_709 = vector.broadcast %add3A_708 : f32 to vector<16xf32>
        %add3A_710 = arith.addf %mul3A_707, %add3A_709 : vector<16xf32>
        %mul3A_711 = arith.mulf %add3A_710, %sub3A_692 : vector<16xf32>
        %add3A_712 = arith.constant 1.000000e+00 : f32
        %add3A_713 = vector.broadcast %add3A_712 : f32 to vector<16xf32>
        %add3A_714 = arith.addf %mul3A_711, %add3A_713 : vector<16xf32>
        %add3A_715 = arith.constant 127 : i32
        %add3A_716 = vector.broadcast %add3A_715 : i32 to vector<16xi32>
        %add3A_717 = arith.addi %min3A_683, %add3A_716 : vector<16xi32>
        %shift_left3A_718 = arith.constant 23 : i32
        %shift_left3A_719 = vector.broadcast %shift_left3A_718 : i32 to vector<16xi32>
        %shift_left3A_720 = arith.shli %add3A_717, %shift_left3A_719 : vector<16xi32>
        %bitcast_convert_type3A_721 = tpu.bitcast %shift_left3A_720 : vector<16xi32> -> vector<16xf32>
        %mul3A_722 = arith.mulf %add3A_714, %bitcast_convert_type3A_721 : vector<16xf32>
        %jit3A_723 = arith.constant 0.000000e+00 : f32
        %broadcast_in_dim3A_724 = vector.broadcast %jit3A_723 : f32 to vector<16xf32>
        %select_n3A_725 = arith.select %gt3A_664, %mul3A_722, %broadcast_in_dim3A_724 : vector<16xi1>, vector<16xf32>
        %add3A_726 = arith.addf %add3A_621, %select_n3A_725 : vector<16xf32>
        %add3A_727 = arith.constant 80 : i32
        %add3A_728 = vector.broadcast %add3A_727 : i32 to vector<16xi32>
        %add3A_729 = arith.addi %iota3A, %add3A_728 : vector<16xi32>
        %eq3A_730 = arith.cmpi eq, %add3A_729, %gather3A_109 : vector<16xi32>
        %jit3A_731 = arith.constant 0.000000e+00 : f32
        %broadcast_in_dim3A_732 = vector.broadcast %jit3A_731 : f32 to vector<16xf32>
        %select_n3A_733 = arith.select %eq3A_730, %select_n3A_725, %broadcast_in_dim3A_732 : vector<16xi1>, vector<16xf32>
        %add3A_734 = arith.addf %add3A_629, %select_n3A_733 : vector<16xf32>
        %add3A_735 = arith.constant 96 : i32
        %add3A_736 = arith.addi %mul3A_111, %add3A_735 : i32
        %add3A_737 = vector.broadcast %add3A_736 : i32 to vector<16xi32>
        %add3A_738 = arith.addi %iota3A, %add3A_737 : vector<16xi32>
        %broadcast_in_dim3A_739 = arith.constant 0 : i32
        %broadcast_in_dim3A_740 = vector.broadcast %broadcast_in_dim3A_739 : i32 to vector<16xi32>
        %gather3A_741 = tpu.vector_load_idx %arg12[%add3A_738, %broadcast_in_dim3A_740] : memref<3216x5xf32, #tpu.memory_space<vmem>>[vector<16xi32>, vector<16xi32>], vector<16xf32>,
        %mul3A_742 = arith.mulf %gather3A, %gather3A_741 : vector<16xf32>
        %broadcast_in_dim3A_743 = arith.constant 1 : i32
        %broadcast_in_dim3A_744 = vector.broadcast %broadcast_in_dim3A_743 : i32 to vector<16xi32>
        %gather3A_745 = tpu.vector_load_idx %arg12[%add3A_738, %broadcast_in_dim3A_744] : memref<3216x5xf32, #tpu.memory_space<vmem>>[vector<16xi32>, vector<16xi32>], vector<16xf32>,
        %mul3A_746 = arith.mulf %gather3A_99, %gather3A_745 : vector<16xf32>
        %add3A_747 = arith.addf %mul3A_742, %mul3A_746 : vector<16xf32>
        %broadcast_in_dim3A_748 = arith.constant 2 : i32
        %broadcast_in_dim3A_749 = vector.broadcast %broadcast_in_dim3A_748 : i32 to vector<16xi32>
        %gather3A_750 = tpu.vector_load_idx %arg12[%add3A_738, %broadcast_in_dim3A_749] : memref<3216x5xf32, #tpu.memory_space<vmem>>[vector<16xi32>, vector<16xi32>], vector<16xf32>,
        %mul3A_751 = arith.mulf %gather3A_102, %gather3A_750 : vector<16xf32>
        %add3A_752 = arith.addf %add3A_747, %mul3A_751 : vector<16xf32>
        %broadcast_in_dim3A_753 = arith.constant 3 : i32
        %broadcast_in_dim3A_754 = vector.broadcast %broadcast_in_dim3A_753 : i32 to vector<16xi32>
        %gather3A_755 = tpu.vector_load_idx %arg12[%add3A_738, %broadcast_in_dim3A_754] : memref<3216x5xf32, #tpu.memory_space<vmem>>[vector<16xi32>, vector<16xi32>], vector<16xf32>,
        %mul3A_756 = arith.mulf %gather3A_105, %gather3A_755 : vector<16xf32>
        %add3A_757 = arith.addf %add3A_752, %mul3A_756 : vector<16xf32>
        %broadcast_in_dim3A_758 = arith.constant 4 : i32
        %broadcast_in_dim3A_759 = vector.broadcast %broadcast_in_dim3A_758 : i32 to vector<16xi32>
        %gather3A_760 = tpu.vector_load_idx %arg12[%add3A_738, %broadcast_in_dim3A_759] : memref<3216x5xf32, #tpu.memory_space<vmem>>[vector<16xi32>, vector<16xi32>], vector<16xf32>,
        %mul3A_761 = arith.mulf %gather3A_108, %gather3A_760 : vector<16xf32>
        %add3A_762 = arith.addf %add3A_757, %mul3A_761 : vector<16xf32>
        %add3A_763 = arith.constant 96 : i32
        %add3A_764 = arith.addi %mul3A_111, %add3A_763 : i32
        %get3A_765 = arith.index_cast %add3A_764 : i32 to index
        %get3A_766 = tpu.vector_load %arg10[%get3A_765] {strides = array<i32>} : memref<3216xi32, #tpu.memory_space<vmem>>, vector<16xi32>,
        %gt3A_767 = arith.constant 0 : i32
        %gt3A_768 = vector.broadcast %gt3A_767 : i32 to vector<16xi32>
        %gt3A_769 = arith.cmpi sgt, %get3A_766, %gt3A_768 : vector<16xi32>
        %mul3A_770 = arith.constant 1.44269502 : f32
        %mul3A_771 = vector.broadcast %mul3A_770 : f32 to vector<16xf32>
        %mul3A_772 = arith.mulf %add3A_762, %mul3A_771 : vector<16xf32>
        %ge3A_773 = arith.constant 0.000000e+00 : f32
        %ge3A_774 = vector.broadcast %ge3A_773 : f32 to vector<16xf32>
        %ge3A_775 = arith.cmpf oge, %mul3A_772, %ge3A_774 : vector<16xf32>
        %jit3A_776 = arith.constant 5.000000e-01 : f32
        %jit3A_777 = arith.constant -5.000000e-01 : f32
        %broadcast_in_dim3A_778 = vector.broadcast %jit3A_776 : f32 to vector<16xf32>
        %broadcast_in_dim3A_779 = vector.broadcast %jit3A_777 : f32 to vector<16xf32>
        %select_n3A_780 = arith.select %ge3A_775, %broadcast_in_dim3A_778, %broadcast_in_dim3A_779 : vector<16xi1>, vector<16xf32>
        %add3A_781 = arith.addf %mul3A_772, %select_n3A_780 : vector<16xf32>
        %convert_element_type3A_782 = arith.fptosi %add3A_781 : vector<16xf32> to vector<16xi32>
        %jit3A_783 = arith.constant -126 : i32
        %jit3A_784 = arith.constant 127 : i32
        %max3A_785 = vector.broadcast %jit3A_783 : i32 to vector<16xi32>
        %max3A_786 = arith.maxsi %max3A_785, %convert_element_type3A_782 : vector<16xi32>
        %min3A_787 = vector.broadcast %jit3A_784 : i32 to vector<16xi32>
        %min3A_788 = arith.minsi %min3A_787, %max3A_786 : vector<16xi32>
        %convert_element_type3A_789 = arith.sitofp %min3A_788 : vector<16xi32> to vector<16xf32>
        %mul3A_790 = arith.constant 0.693145751 : f32
        %mul3A_791 = vector.broadcast %mul3A_790 : f32 to vector<16xf32>
        %mul3A_792 = arith.mulf %convert_element_type3A_789, %mul3A_791 : vector<16xf32>
        %sub3A_793 = arith.subf %add3A_762, %mul3A_792 : vector<16xf32>
        %mul3A_794 = arith.constant 1.42860677E-6 : f32
        %mul3A_795 = vector.broadcast %mul3A_794 : f32 to vector<16xf32>
        %mul3A_796 = arith.mulf %convert_element_type3A_789, %mul3A_795 : vector<16xf32>
        %sub3A_797 = arith.subf %sub3A_793, %mul3A_796 : vector<16xf32>
        %mul3A_798 = arith.constant 0.00833333377 : f32
        %mul3A_799 = vector.broadcast %mul3A_798 : f32 to vector<16xf32>
        %mul3A_800 = arith.mulf %mul3A_799, %sub3A_797 : vector<16xf32>
        %add3A_801 = arith.constant 0.0416666679 : f32
        %add3A_802 = vector.broadcast %add3A_801 : f32 to vector<16xf32>
        %add3A_803 = arith.addf %mul3A_800, %add3A_802 : vector<16xf32>
        %mul3A_804 = arith.mulf %add3A_803, %sub3A_797 : vector<16xf32>
        %add3A_805 = arith.constant 0.166666672 : f32
        %add3A_806 = vector.broadcast %add3A_805 : f32 to vector<16xf32>
        %add3A_807 = arith.addf %mul3A_804, %add3A_806 : vector<16xf32>
        %mul3A_808 = arith.mulf %add3A_807, %sub3A_797 : vector<16xf32>
        %add3A_809 = arith.constant 5.000000e-01 : f32
        %add3A_810 = vector.broadcast %add3A_809 : f32 to vector<16xf32>
        %add3A_811 = arith.addf %mul3A_808, %add3A_810 : vector<16xf32>
        %mul3A_812 = arith.mulf %add3A_811, %sub3A_797 : vector<16xf32>
        %add3A_813 = arith.constant 1.000000e+00 : f32
        %add3A_814 = vector.broadcast %add3A_813 : f32 to vector<16xf32>
        %add3A_815 = arith.addf %mul3A_812, %add3A_814 : vector<16xf32>
        %mul3A_816 = arith.mulf %add3A_815, %sub3A_797 : vector<16xf32>
        %add3A_817 = arith.constant 1.000000e+00 : f32
        %add3A_818 = vector.broadcast %add3A_817 : f32 to vector<16xf32>
        %add3A_819 = arith.addf %mul3A_816, %add3A_818 : vector<16xf32>
        %add3A_820 = arith.constant 127 : i32
        %add3A_821 = vector.broadcast %add3A_820 : i32 to vector<16xi32>
        %add3A_822 = arith.addi %min3A_788, %add3A_821 : vector<16xi32>
        %shift_left3A_823 = arith.constant 23 : i32
        %shift_left3A_824 = vector.broadcast %shift_left3A_823 : i32 to vector<16xi32>
        %shift_left3A_825 = arith.shli %add3A_822, %shift_left3A_824 : vector<16xi32>
        %bitcast_convert_type3A_826 = tpu.bitcast %shift_left3A_825 : vector<16xi32> -> vector<16xf32>
        %mul3A_827 = arith.mulf %add3A_819, %bitcast_convert_type3A_826 : vector<16xf32>
        %jit3A_828 = arith.constant 0.000000e+00 : f32
        %broadcast_in_dim3A_829 = vector.broadcast %jit3A_828 : f32 to vector<16xf32>
        %select_n3A_830 = arith.select %gt3A_769, %mul3A_827, %broadcast_in_dim3A_829 : vector<16xi1>, vector<16xf32>
        %add3A_831 = arith.addf %add3A_726, %select_n3A_830 : vector<16xf32>
        %add3A_832 = arith.constant 96 : i32
        %add3A_833 = vector.broadcast %add3A_832 : i32 to vector<16xi32>
        %add3A_834 = arith.addi %iota3A, %add3A_833 : vector<16xi32>
        %eq3A_835 = arith.cmpi eq, %add3A_834, %gather3A_109 : vector<16xi32>
        %jit3A_836 = arith.constant 0.000000e+00 : f32
        %broadcast_in_dim3A_837 = vector.broadcast %jit3A_836 : f32 to vector<16xf32>
        %select_n3A_838 = arith.select %eq3A_835, %select_n3A_830, %broadcast_in_dim3A_837 : vector<16xi1>, vector<16xf32>
        %add3A_839 = arith.addf %add3A_734, %select_n3A_838 : vector<16xf32>
        %add3A_840 = arith.constant 112 : i32
        %add3A_841 = arith.addi %mul3A_111, %add3A_840 : i32
        %add3A_842 = vector.broadcast %add3A_841 : i32 to vector<16xi32>
        %add3A_843 = arith.addi %iota3A, %add3A_842 : vector<16xi32>
        %broadcast_in_dim3A_844 = arith.constant 0 : i32
        %broadcast_in_dim3A_845 = vector.broadcast %broadcast_in_dim3A_844 : i32 to vector<16xi32>
        %gather3A_846 = tpu.vector_load_idx %arg12[%add3A_843, %broadcast_in_dim3A_845] : memref<3216x5xf32, #tpu.memory_space<vmem>>[vector<16xi32>, vector<16xi32>], vector<16xf32>,
        %mul3A_847 = arith.mulf %gather3A, %gather3A_846 : vector<16xf32>
        %broadcast_in_dim3A_848 = arith.constant 1 : i32
        %broadcast_in_dim3A_849 = vector.broadcast %broadcast_in_dim3A_848 : i32 to vector<16xi32>
        %gather3A_850 = tpu.vector_load_idx %arg12[%add3A_843, %broadcast_in_dim3A_849] : memref<3216x5xf32, #tpu.memory_space<vmem>>[vector<16xi32>, vector<16xi32>], vector<16xf32>,
        %mul3A_851 = arith.mulf %gather3A_99, %gather3A_850 : vector<16xf32>
        %add3A_852 = arith.addf %mul3A_847, %mul3A_851 : vector<16xf32>
        %broadcast_in_dim3A_853 = arith.constant 2 : i32
        %broadcast_in_dim3A_854 = vector.broadcast %broadcast_in_dim3A_853 : i32 to vector<16xi32>
        %gather3A_855 = tpu.vector_load_idx %arg12[%add3A_843, %broadcast_in_dim3A_854] : memref<3216x5xf32, #tpu.memory_space<vmem>>[vector<16xi32>, vector<16xi32>], vector<16xf32>,
        %mul3A_856 = arith.mulf %gather3A_102, %gather3A_855 : vector<16xf32>
        %add3A_857 = arith.addf %add3A_852, %mul3A_856 : vector<16xf32>
        %broadcast_in_dim3A_858 = arith.constant 3 : i32
        %broadcast_in_dim3A_859 = vector.broadcast %broadcast_in_dim3A_858 : i32 to vector<16xi32>
        %gather3A_860 = tpu.vector_load_idx %arg12[%add3A_843, %broadcast_in_dim3A_859] : memref<3216x5xf32, #tpu.memory_space<vmem>>[vector<16xi32>, vector<16xi32>], vector<16xf32>,
        %mul3A_861 = arith.mulf %gather3A_105, %gather3A_860 : vector<16xf32>
        %add3A_862 = arith.addf %add3A_857, %mul3A_861 : vector<16xf32>
        %broadcast_in_dim3A_863 = arith.constant 4 : i32
        %broadcast_in_dim3A_864 = vector.broadcast %broadcast_in_dim3A_863 : i32 to vector<16xi32>
        %gather3A_865 = tpu.vector_load_idx %arg12[%add3A_843, %broadcast_in_dim3A_864] : memref<3216x5xf32, #tpu.memory_space<vmem>>[vector<16xi32>, vector<16xi32>], vector<16xf32>,
        %mul3A_866 = arith.mulf %gather3A_108, %gather3A_865 : vector<16xf32>
        %add3A_867 = arith.addf %add3A_862, %mul3A_866 : vector<16xf32>
        %add3A_868 = arith.constant 112 : i32
        %add3A_869 = arith.addi %mul3A_111, %add3A_868 : i32
        %get3A_870 = arith.index_cast %add3A_869 : i32 to index
        %get3A_871 = tpu.vector_load %arg10[%get3A_870] {strides = array<i32>} : memref<3216xi32, #tpu.memory_space<vmem>>, vector<16xi32>,
        %gt3A_872 = arith.constant 0 : i32
        %gt3A_873 = vector.broadcast %gt3A_872 : i32 to vector<16xi32>
        %gt3A_874 = arith.cmpi sgt, %get3A_871, %gt3A_873 : vector<16xi32>
        %mul3A_875 = arith.constant 1.44269502 : f32
        %mul3A_876 = vector.broadcast %mul3A_875 : f32 to vector<16xf32>
        %mul3A_877 = arith.mulf %add3A_867, %mul3A_876 : vector<16xf32>
        %ge3A_878 = arith.constant 0.000000e+00 : f32
        %ge3A_879 = vector.broadcast %ge3A_878 : f32 to vector<16xf32>
        %ge3A_880 = arith.cmpf oge, %mul3A_877, %ge3A_879 : vector<16xf32>
        %jit3A_881 = arith.constant 5.000000e-01 : f32
        %jit3A_882 = arith.constant -5.000000e-01 : f32
        %broadcast_in_dim3A_883 = vector.broadcast %jit3A_881 : f32 to vector<16xf32>
        %broadcast_in_dim3A_884 = vector.broadcast %jit3A_882 : f32 to vector<16xf32>
        %select_n3A_885 = arith.select %ge3A_880, %broadcast_in_dim3A_883, %broadcast_in_dim3A_884 : vector<16xi1>, vector<16xf32>
        %add3A_886 = arith.addf %mul3A_877, %select_n3A_885 : vector<16xf32>
        %convert_element_type3A_887 = arith.fptosi %add3A_886 : vector<16xf32> to vector<16xi32>
        %jit3A_888 = arith.constant -126 : i32
        %jit3A_889 = arith.constant 127 : i32
        %max3A_890 = vector.broadcast %jit3A_888 : i32 to vector<16xi32>
        %max3A_891 = arith.maxsi %max3A_890, %convert_element_type3A_887 : vector<16xi32>
        %min3A_892 = vector.broadcast %jit3A_889 : i32 to vector<16xi32>
        %min3A_893 = arith.minsi %min3A_892, %max3A_891 : vector<16xi32>
        %convert_element_type3A_894 = arith.sitofp %min3A_893 : vector<16xi32> to vector<16xf32>
        %mul3A_895 = arith.constant 0.693145751 : f32
        %mul3A_896 = vector.broadcast %mul3A_895 : f32 to vector<16xf32>
        %mul3A_897 = arith.mulf %convert_element_type3A_894, %mul3A_896 : vector<16xf32>
        %sub3A_898 = arith.subf %add3A_867, %mul3A_897 : vector<16xf32>
        %mul3A_899 = arith.constant 1.42860677E-6 : f32
        %mul3A_900 = vector.broadcast %mul3A_899 : f32 to vector<16xf32>
        %mul3A_901 = arith.mulf %convert_element_type3A_894, %mul3A_900 : vector<16xf32>
        %sub3A_902 = arith.subf %sub3A_898, %mul3A_901 : vector<16xf32>
        %mul3A_903 = arith.constant 0.00833333377 : f32
        %mul3A_904 = vector.broadcast %mul3A_903 : f32 to vector<16xf32>
        %mul3A_905 = arith.mulf %mul3A_904, %sub3A_902 : vector<16xf32>
        %add3A_906 = arith.constant 0.0416666679 : f32
        %add3A_907 = vector.broadcast %add3A_906 : f32 to vector<16xf32>
        %add3A_908 = arith.addf %mul3A_905, %add3A_907 : vector<16xf32>
        %mul3A_909 = arith.mulf %add3A_908, %sub3A_902 : vector<16xf32>
        %add3A_910 = arith.constant 0.166666672 : f32
        %add3A_911 = vector.broadcast %add3A_910 : f32 to vector<16xf32>
        %add3A_912 = arith.addf %mul3A_909, %add3A_911 : vector<16xf32>
        %mul3A_913 = arith.mulf %add3A_912, %sub3A_902 : vector<16xf32>
        %add3A_914 = arith.constant 5.000000e-01 : f32
        %add3A_915 = vector.broadcast %add3A_914 : f32 to vector<16xf32>
        %add3A_916 = arith.addf %mul3A_913, %add3A_915 : vector<16xf32>
        %mul3A_917 = arith.mulf %add3A_916, %sub3A_902 : vector<16xf32>
        %add3A_918 = arith.constant 1.000000e+00 : f32
        %add3A_919 = vector.broadcast %add3A_918 : f32 to vector<16xf32>
        %add3A_920 = arith.addf %mul3A_917, %add3A_919 : vector<16xf32>
        %mul3A_921 = arith.mulf %add3A_920, %sub3A_902 : vector<16xf32>
        %add3A_922 = arith.constant 1.000000e+00 : f32
        %add3A_923 = vector.broadcast %add3A_922 : f32 to vector<16xf32>
        %add3A_924 = arith.addf %mul3A_921, %add3A_923 : vector<16xf32>
        %add3A_925 = arith.constant 127 : i32
        %add3A_926 = vector.broadcast %add3A_925 : i32 to vector<16xi32>
        %add3A_927 = arith.addi %min3A_893, %add3A_926 : vector<16xi32>
        %shift_left3A_928 = arith.constant 23 : i32
        %shift_left3A_929 = vector.broadcast %shift_left3A_928 : i32 to vector<16xi32>
        %shift_left3A_930 = arith.shli %add3A_927, %shift_left3A_929 : vector<16xi32>
        %bitcast_convert_type3A_931 = tpu.bitcast %shift_left3A_930 : vector<16xi32> -> vector<16xf32>
        %mul3A_932 = arith.mulf %add3A_924, %bitcast_convert_type3A_931 : vector<16xf32>
        %jit3A_933 = arith.constant 0.000000e+00 : f32
        %broadcast_in_dim3A_934 = vector.broadcast %jit3A_933 : f32 to vector<16xf32>
        %select_n3A_935 = arith.select %gt3A_874, %mul3A_932, %broadcast_in_dim3A_934 : vector<16xi1>, vector<16xf32>
        %add3A_936 = arith.addf %add3A_831, %select_n3A_935 : vector<16xf32>
        %add3A_937 = arith.constant 112 : i32
        %add3A_938 = vector.broadcast %add3A_937 : i32 to vector<16xi32>
        %add3A_939 = arith.addi %iota3A, %add3A_938 : vector<16xi32>
        %eq3A_940 = arith.cmpi eq, %add3A_939, %gather3A_109 : vector<16xi32>
        %jit3A_941 = arith.constant 0.000000e+00 : f32
        %broadcast_in_dim3A_942 = vector.broadcast %jit3A_941 : f32 to vector<16xf32>
        %select_n3A_943 = arith.select %eq3A_940, %select_n3A_935, %broadcast_in_dim3A_942 : vector<16xi1>, vector<16xf32>
        %add3A_944 = arith.addf %add3A_839, %select_n3A_943 : vector<16xf32>
        %add3A_945 = arith.constant 128 : i32
        %add3A_946 = arith.addi %mul3A_111, %add3A_945 : i32
        %add3A_947 = vector.broadcast %add3A_946 : i32 to vector<16xi32>
        %add3A_948 = arith.addi %iota3A, %add3A_947 : vector<16xi32>
        %broadcast_in_dim3A_949 = arith.constant 0 : i32
        %broadcast_in_dim3A_950 = vector.broadcast %broadcast_in_dim3A_949 : i32 to vector<16xi32>
        %gather3A_951 = tpu.vector_load_idx %arg12[%add3A_948, %broadcast_in_dim3A_950] : memref<3216x5xf32, #tpu.memory_space<vmem>>[vector<16xi32>, vector<16xi32>], vector<16xf32>,
        %mul3A_952 = arith.mulf %gather3A, %gather3A_951 : vector<16xf32>
        %broadcast_in_dim3A_953 = arith.constant 1 : i32
        %broadcast_in_dim3A_954 = vector.broadcast %broadcast_in_dim3A_953 : i32 to vector<16xi32>
        %gather3A_955 = tpu.vector_load_idx %arg12[%add3A_948, %broadcast_in_dim3A_954] : memref<3216x5xf32, #tpu.memory_space<vmem>>[vector<16xi32>, vector<16xi32>], vector<16xf32>,
        %mul3A_956 = arith.mulf %gather3A_99, %gather3A_955 : vector<16xf32>
        %add3A_957 = arith.addf %mul3A_952, %mul3A_956 : vector<16xf32>
        %broadcast_in_dim3A_958 = arith.constant 2 : i32
        %broadcast_in_dim3A_959 = vector.broadcast %broadcast_in_dim3A_958 : i32 to vector<16xi32>
        %gather3A_960 = tpu.vector_load_idx %arg12[%add3A_948, %broadcast_in_dim3A_959] : memref<3216x5xf32, #tpu.memory_space<vmem>>[vector<16xi32>, vector<16xi32>], vector<16xf32>,
        %mul3A_961 = arith.mulf %gather3A_102, %gather3A_960 : vector<16xf32>
        %add3A_962 = arith.addf %add3A_957, %mul3A_961 : vector<16xf32>
        %broadcast_in_dim3A_963 = arith.constant 3 : i32
        %broadcast_in_dim3A_964 = vector.broadcast %broadcast_in_dim3A_963 : i32 to vector<16xi32>
        %gather3A_965 = tpu.vector_load_idx %arg12[%add3A_948, %broadcast_in_dim3A_964] : memref<3216x5xf32, #tpu.memory_space<vmem>>[vector<16xi32>, vector<16xi32>], vector<16xf32>,
        %mul3A_966 = arith.mulf %gather3A_105, %gather3A_965 : vector<16xf32>
        %add3A_967 = arith.addf %add3A_962, %mul3A_966 : vector<16xf32>
        %broadcast_in_dim3A_968 = arith.constant 4 : i32
        %broadcast_in_dim3A_969 = vector.broadcast %broadcast_in_dim3A_968 : i32 to vector<16xi32>
        %gather3A_970 = tpu.vector_load_idx %arg12[%add3A_948, %broadcast_in_dim3A_969] : memref<3216x5xf32, #tpu.memory_space<vmem>>[vector<16xi32>, vector<16xi32>], vector<16xf32>,
        %mul3A_971 = arith.mulf %gather3A_108, %gather3A_970 : vector<16xf32>
        %add3A_972 = arith.addf %add3A_967, %mul3A_971 : vector<16xf32>
        %add3A_973 = arith.constant 128 : i32
        %add3A_974 = arith.addi %mul3A_111, %add3A_973 : i32
        %get3A_975 = arith.index_cast %add3A_974 : i32 to index
        %get3A_976 = tpu.vector_load %arg10[%get3A_975] {strides = array<i32>} : memref<3216xi32, #tpu.memory_space<vmem>>, vector<16xi32>,
        %gt3A_977 = arith.constant 0 : i32
        %gt3A_978 = vector.broadcast %gt3A_977 : i32 to vector<16xi32>
        %gt3A_979 = arith.cmpi sgt, %get3A_976, %gt3A_978 : vector<16xi32>
        %mul3A_980 = arith.constant 1.44269502 : f32
        %mul3A_981 = vector.broadcast %mul3A_980 : f32 to vector<16xf32>
        %mul3A_982 = arith.mulf %add3A_972, %mul3A_981 : vector<16xf32>
        %ge3A_983 = arith.constant 0.000000e+00 : f32
        %ge3A_984 = vector.broadcast %ge3A_983 : f32 to vector<16xf32>
        %ge3A_985 = arith.cmpf oge, %mul3A_982, %ge3A_984 : vector<16xf32>
        %jit3A_986 = arith.constant 5.000000e-01 : f32
        %jit3A_987 = arith.constant -5.000000e-01 : f32
        %broadcast_in_dim3A_988 = vector.broadcast %jit3A_986 : f32 to vector<16xf32>
        %broadcast_in_dim3A_989 = vector.broadcast %jit3A_987 : f32 to vector<16xf32>
        %select_n3A_990 = arith.select %ge3A_985, %broadcast_in_dim3A_988, %broadcast_in_dim3A_989 : vector<16xi1>, vector<16xf32>
        %add3A_991 = arith.addf %mul3A_982, %select_n3A_990 : vector<16xf32>
        %convert_element_type3A_992 = arith.fptosi %add3A_991 : vector<16xf32> to vector<16xi32>
        %jit3A_993 = arith.constant -126 : i32
        %jit3A_994 = arith.constant 127 : i32
        %max3A_995 = vector.broadcast %jit3A_993 : i32 to vector<16xi32>
        %max3A_996 = arith.maxsi %max3A_995, %convert_element_type3A_992 : vector<16xi32>
        %min3A_997 = vector.broadcast %jit3A_994 : i32 to vector<16xi32>
        %min3A_998 = arith.minsi %min3A_997, %max3A_996 : vector<16xi32>
        %convert_element_type3A_999 = arith.sitofp %min3A_998 : vector<16xi32> to vector<16xf32>
        %mul3A_1000 = arith.constant 0.693145751 : f32
        %mul3A_1001 = vector.broadcast %mul3A_1000 : f32 to vector<16xf32>
        %mul3A_1002 = arith.mulf %convert_element_type3A_999, %mul3A_1001 : vector<16xf32>
        %sub3A_1003 = arith.subf %add3A_972, %mul3A_1002 : vector<16xf32>
        %mul3A_1004 = arith.constant 1.42860677E-6 : f32
        %mul3A_1005 = vector.broadcast %mul3A_1004 : f32 to vector<16xf32>
        %mul3A_1006 = arith.mulf %convert_element_type3A_999, %mul3A_1005 : vector<16xf32>
        %sub3A_1007 = arith.subf %sub3A_1003, %mul3A_1006 : vector<16xf32>
        %mul3A_1008 = arith.constant 0.00833333377 : f32
        %mul3A_1009 = vector.broadcast %mul3A_1008 : f32 to vector<16xf32>
        %mul3A_1010 = arith.mulf %mul3A_1009, %sub3A_1007 : vector<16xf32>
        %add3A_1011 = arith.constant 0.0416666679 : f32
        %add3A_1012 = vector.broadcast %add3A_1011 : f32 to vector<16xf32>
        %add3A_1013 = arith.addf %mul3A_1010, %add3A_1012 : vector<16xf32>
        %mul3A_1014 = arith.mulf %add3A_1013, %sub3A_1007 : vector<16xf32>
        %add3A_1015 = arith.constant 0.166666672 : f32
        %add3A_1016 = vector.broadcast %add3A_1015 : f32 to vector<16xf32>
        %add3A_1017 = arith.addf %mul3A_1014, %add3A_1016 : vector<16xf32>
        %mul3A_1018 = arith.mulf %add3A_1017, %sub3A_1007 : vector<16xf32>
        %add3A_1019 = arith.constant 5.000000e-01 : f32
        %add3A_1020 = vector.broadcast %add3A_1019 : f32 to vector<16xf32>
        %add3A_1021 = arith.addf %mul3A_1018, %add3A_1020 : vector<16xf32>
        %mul3A_1022 = arith.mulf %add3A_1021, %sub3A_1007 : vector<16xf32>
        %add3A_1023 = arith.constant 1.000000e+00 : f32
        %add3A_1024 = vector.broadcast %add3A_1023 : f32 to vector<16xf32>
        %add3A_1025 = arith.addf %mul3A_1022, %add3A_1024 : vector<16xf32>
        %mul3A_1026 = arith.mulf %add3A_1025, %sub3A_1007 : vector<16xf32>
        %add3A_1027 = arith.constant 1.000000e+00 : f32
        %add3A_1028 = vector.broadcast %add3A_1027 : f32 to vector<16xf32>
        %add3A_1029 = arith.addf %mul3A_1026, %add3A_1028 : vector<16xf32>
        %add3A_1030 = arith.constant 127 : i32
        %add3A_1031 = vector.broadcast %add3A_1030 : i32 to vector<16xi32>
        %add3A_1032 = arith.addi %min3A_998, %add3A_1031 : vector<16xi32>
        %shift_left3A_1033 = arith.constant 23 : i32
        %shift_left3A_1034 = vector.broadcast %shift_left3A_1033 : i32 to vector<16xi32>
        %shift_left3A_1035 = arith.shli %add3A_1032, %shift_left3A_1034 : vector<16xi32>
        %bitcast_convert_type3A_1036 = tpu.bitcast %shift_left3A_1035 : vector<16xi32> -> vector<16xf32>
        %mul3A_1037 = arith.mulf %add3A_1029, %bitcast_convert_type3A_1036 : vector<16xf32>
        %jit3A_1038 = arith.constant 0.000000e+00 : f32
        %broadcast_in_dim3A_1039 = vector.broadcast %jit3A_1038 : f32 to vector<16xf32>
        %select_n3A_1040 = arith.select %gt3A_979, %mul3A_1037, %broadcast_in_dim3A_1039 : vector<16xi1>, vector<16xf32>
        %add3A_1041 = arith.addf %add3A_936, %select_n3A_1040 : vector<16xf32>
        %add3A_1042 = arith.constant 128 : i32
        %add3A_1043 = vector.broadcast %add3A_1042 : i32 to vector<16xi32>
        %add3A_1044 = arith.addi %iota3A, %add3A_1043 : vector<16xi32>
        %eq3A_1045 = arith.cmpi eq, %add3A_1044, %gather3A_109 : vector<16xi32>
        %jit3A_1046 = arith.constant 0.000000e+00 : f32
        %broadcast_in_dim3A_1047 = vector.broadcast %jit3A_1046 : f32 to vector<16xf32>
        %select_n3A_1048 = arith.select %eq3A_1045, %select_n3A_1040, %broadcast_in_dim3A_1047 : vector<16xi1>, vector<16xf32>
        %add3A_1049 = arith.addf %add3A_944, %select_n3A_1048 : vector<16xf32>
        %add3A_1050 = arith.constant 144 : i32
        %add3A_1051 = arith.addi %mul3A_111, %add3A_1050 : i32
        %add3A_1052 = vector.broadcast %add3A_1051 : i32 to vector<16xi32>
        %add3A_1053 = arith.addi %iota3A, %add3A_1052 : vector<16xi32>
        %broadcast_in_dim3A_1054 = arith.constant 0 : i32
        %broadcast_in_dim3A_1055 = vector.broadcast %broadcast_in_dim3A_1054 : i32 to vector<16xi32>
        %gather3A_1056 = tpu.vector_load_idx %arg12[%add3A_1053, %broadcast_in_dim3A_1055] : memref<3216x5xf32, #tpu.memory_space<vmem>>[vector<16xi32>, vector<16xi32>], vector<16xf32>,
        %mul3A_1057 = arith.mulf %gather3A, %gather3A_1056 : vector<16xf32>
        %broadcast_in_dim3A_1058 = arith.constant 1 : i32
        %broadcast_in_dim3A_1059 = vector.broadcast %broadcast_in_dim3A_1058 : i32 to vector<16xi32>
        %gather3A_1060 = tpu.vector_load_idx %arg12[%add3A_1053, %broadcast_in_dim3A_1059] : memref<3216x5xf32, #tpu.memory_space<vmem>>[vector<16xi32>, vector<16xi32>], vector<16xf32>,
        %mul3A_1061 = arith.mulf %gather3A_99, %gather3A_1060 : vector<16xf32>
        %add3A_1062 = arith.addf %mul3A_1057, %mul3A_1061 : vector<16xf32>
        %broadcast_in_dim3A_1063 = arith.constant 2 : i32
        %broadcast_in_dim3A_1064 = vector.broadcast %broadcast_in_dim3A_1063 : i32 to vector<16xi32>
        %gather3A_1065 = tpu.vector_load_idx %arg12[%add3A_1053, %broadcast_in_dim3A_1064] : memref<3216x5xf32, #tpu.memory_space<vmem>>[vector<16xi32>, vector<16xi32>], vector<16xf32>,
        %mul3A_1066 = arith.mulf %gather3A_102, %gather3A_1065 : vector<16xf32>
        %add3A_1067 = arith.addf %add3A_1062, %mul3A_1066 : vector<16xf32>
        %broadcast_in_dim3A_1068 = arith.constant 3 : i32
        %broadcast_in_dim3A_1069 = vector.broadcast %broadcast_in_dim3A_1068 : i32 to vector<16xi32>
        %gather3A_1070 = tpu.vector_load_idx %arg12[%add3A_1053, %broadcast_in_dim3A_1069] : memref<3216x5xf32, #tpu.memory_space<vmem>>[vector<16xi32>, vector<16xi32>], vector<16xf32>,
        %mul3A_1071 = arith.mulf %gather3A_105, %gather3A_1070 : vector<16xf32>
        %add3A_1072 = arith.addf %add3A_1067, %mul3A_1071 : vector<16xf32>
        %broadcast_in_dim3A_1073 = arith.constant 4 : i32
        %broadcast_in_dim3A_1074 = vector.broadcast %broadcast_in_dim3A_1073 : i32 to vector<16xi32>
        %gather3A_1075 = tpu.vector_load_idx %arg12[%add3A_1053, %broadcast_in_dim3A_1074] : memref<3216x5xf32, #tpu.memory_space<vmem>>[vector<16xi32>, vector<16xi32>], vector<16xf32>,
        %mul3A_1076 = arith.mulf %gather3A_108, %gather3A_1075 : vector<16xf32>
        %add3A_1077 = arith.addf %add3A_1072, %mul3A_1076 : vector<16xf32>
        %add3A_1078 = arith.constant 144 : i32
        %add3A_1079 = arith.addi %mul3A_111, %add3A_1078 : i32
        %get3A_1080 = arith.index_cast %add3A_1079 : i32 to index
        %get3A_1081 = tpu.vector_load %arg10[%get3A_1080] {strides = array<i32>} : memref<3216xi32, #tpu.memory_space<vmem>>, vector<16xi32>,
        %gt3A_1082 = arith.constant 0 : i32
        %gt3A_1083 = vector.broadcast %gt3A_1082 : i32 to vector<16xi32>
        %gt3A_1084 = arith.cmpi sgt, %get3A_1081, %gt3A_1083 : vector<16xi32>
        %mul3A_1085 = arith.constant 1.44269502 : f32
        %mul3A_1086 = vector.broadcast %mul3A_1085 : f32 to vector<16xf32>
        %mul3A_1087 = arith.mulf %add3A_1077, %mul3A_1086 : vector<16xf32>
        %ge3A_1088 = arith.constant 0.000000e+00 : f32
        %ge3A_1089 = vector.broadcast %ge3A_1088 : f32 to vector<16xf32>
        %ge3A_1090 = arith.cmpf oge, %mul3A_1087, %ge3A_1089 : vector<16xf32>
        %jit3A_1091 = arith.constant 5.000000e-01 : f32
        %jit3A_1092 = arith.constant -5.000000e-01 : f32
        %broadcast_in_dim3A_1093 = vector.broadcast %jit3A_1091 : f32 to vector<16xf32>
        %broadcast_in_dim3A_1094 = vector.broadcast %jit3A_1092 : f32 to vector<16xf32>
        %select_n3A_1095 = arith.select %ge3A_1090, %broadcast_in_dim3A_1093, %broadcast_in_dim3A_1094 : vector<16xi1>, vector<16xf32>
        %add3A_1096 = arith.addf %mul3A_1087, %select_n3A_1095 : vector<16xf32>
        %convert_element_type3A_1097 = arith.fptosi %add3A_1096 : vector<16xf32> to vector<16xi32>
        %jit3A_1098 = arith.constant -126 : i32
        %jit3A_1099 = arith.constant 127 : i32
        %max3A_1100 = vector.broadcast %jit3A_1098 : i32 to vector<16xi32>
        %max3A_1101 = arith.maxsi %max3A_1100, %convert_element_type3A_1097 : vector<16xi32>
        %min3A_1102 = vector.broadcast %jit3A_1099 : i32 to vector<16xi32>
        %min3A_1103 = arith.minsi %min3A_1102, %max3A_1101 : vector<16xi32>
        %convert_element_type3A_1104 = arith.sitofp %min3A_1103 : vector<16xi32> to vector<16xf32>
        %mul3A_1105 = arith.constant 0.693145751 : f32
        %mul3A_1106 = vector.broadcast %mul3A_1105 : f32 to vector<16xf32>
        %mul3A_1107 = arith.mulf %convert_element_type3A_1104, %mul3A_1106 : vector<16xf32>
        %sub3A_1108 = arith.subf %add3A_1077, %mul3A_1107 : vector<16xf32>
        %mul3A_1109 = arith.constant 1.42860677E-6 : f32
        %mul3A_1110 = vector.broadcast %mul3A_1109 : f32 to vector<16xf32>
        %mul3A_1111 = arith.mulf %convert_element_type3A_1104, %mul3A_1110 : vector<16xf32>
        %sub3A_1112 = arith.subf %sub3A_1108, %mul3A_1111 : vector<16xf32>
        %mul3A_1113 = arith.constant 0.00833333377 : f32
        %mul3A_1114 = vector.broadcast %mul3A_1113 : f32 to vector<16xf32>
        %mul3A_1115 = arith.mulf %mul3A_1114, %sub3A_1112 : vector<16xf32>
        %add3A_1116 = arith.constant 0.0416666679 : f32
        %add3A_1117 = vector.broadcast %add3A_1116 : f32 to vector<16xf32>
        %add3A_1118 = arith.addf %mul3A_1115, %add3A_1117 : vector<16xf32>
        %mul3A_1119 = arith.mulf %add3A_1118, %sub3A_1112 : vector<16xf32>
        %add3A_1120 = arith.constant 0.166666672 : f32
        %add3A_1121 = vector.broadcast %add3A_1120 : f32 to vector<16xf32>
        %add3A_1122 = arith.addf %mul3A_1119, %add3A_1121 : vector<16xf32>
        %mul3A_1123 = arith.mulf %add3A_1122, %sub3A_1112 : vector<16xf32>
        %add3A_1124 = arith.constant 5.000000e-01 : f32
        %add3A_1125 = vector.broadcast %add3A_1124 : f32 to vector<16xf32>
        %add3A_1126 = arith.addf %mul3A_1123, %add3A_1125 : vector<16xf32>
        %mul3A_1127 = arith.mulf %add3A_1126, %sub3A_1112 : vector<16xf32>
        %add3A_1128 = arith.constant 1.000000e+00 : f32
        %add3A_1129 = vector.broadcast %add3A_1128 : f32 to vector<16xf32>
        %add3A_1130 = arith.addf %mul3A_1127, %add3A_1129 : vector<16xf32>
        %mul3A_1131 = arith.mulf %add3A_1130, %sub3A_1112 : vector<16xf32>
        %add3A_1132 = arith.constant 1.000000e+00 : f32
        %add3A_1133 = vector.broadcast %add3A_1132 : f32 to vector<16xf32>
        %add3A_1134 = arith.addf %mul3A_1131, %add3A_1133 : vector<16xf32>
        %add3A_1135 = arith.constant 127 : i32
        %add3A_1136 = vector.broadcast %add3A_1135 : i32 to vector<16xi32>
        %add3A_1137 = arith.addi %min3A_1103, %add3A_1136 : vector<16xi32>
        %shift_left3A_1138 = arith.constant 23 : i32
        %shift_left3A_1139 = vector.broadcast %shift_left3A_1138 : i32 to vector<16xi32>
        %shift_left3A_1140 = arith.shli %add3A_1137, %shift_left3A_1139 : vector<16xi32>
        %bitcast_convert_type3A_1141 = tpu.bitcast %shift_left3A_1140 : vector<16xi32> -> vector<16xf32>
        %mul3A_1142 = arith.mulf %add3A_1134, %bitcast_convert_type3A_1141 : vector<16xf32>
        %jit3A_1143 = arith.constant 0.000000e+00 : f32
        %broadcast_in_dim3A_1144 = vector.broadcast %jit3A_1143 : f32 to vector<16xf32>
        %select_n3A_1145 = arith.select %gt3A_1084, %mul3A_1142, %broadcast_in_dim3A_1144 : vector<16xi1>, vector<16xf32>
        %add3A_1146 = arith.addf %add3A_1041, %select_n3A_1145 : vector<16xf32>
        %add3A_1147 = arith.constant 144 : i32
        %add3A_1148 = vector.broadcast %add3A_1147 : i32 to vector<16xi32>
        %add3A_1149 = arith.addi %iota3A, %add3A_1148 : vector<16xi32>
        %eq3A_1150 = arith.cmpi eq, %add3A_1149, %gather3A_109 : vector<16xi32>
        %jit3A_1151 = arith.constant 0.000000e+00 : f32
        %broadcast_in_dim3A_1152 = vector.broadcast %jit3A_1151 : f32 to vector<16xf32>
        %select_n3A_1153 = arith.select %eq3A_1150, %select_n3A_1145, %broadcast_in_dim3A_1152 : vector<16xi1>, vector<16xf32>
        %add3A_1154 = arith.addf %add3A_1049, %select_n3A_1153 : vector<16xf32>
        %add3A_1155 = arith.constant 160 : i32
        %add3A_1156 = arith.addi %mul3A_111, %add3A_1155 : i32
        %add3A_1157 = vector.broadcast %add3A_1156 : i32 to vector<16xi32>
        %add3A_1158 = arith.addi %iota3A, %add3A_1157 : vector<16xi32>
        %broadcast_in_dim3A_1159 = arith.constant 0 : i32
        %broadcast_in_dim3A_1160 = vector.broadcast %broadcast_in_dim3A_1159 : i32 to vector<16xi32>
        %gather3A_1161 = tpu.vector_load_idx %arg12[%add3A_1158, %broadcast_in_dim3A_1160] : memref<3216x5xf32, #tpu.memory_space<vmem>>[vector<16xi32>, vector<16xi32>], vector<16xf32>,
        %mul3A_1162 = arith.mulf %gather3A, %gather3A_1161 : vector<16xf32>
        %broadcast_in_dim3A_1163 = arith.constant 1 : i32
        %broadcast_in_dim3A_1164 = vector.broadcast %broadcast_in_dim3A_1163 : i32 to vector<16xi32>
        %gather3A_1165 = tpu.vector_load_idx %arg12[%add3A_1158, %broadcast_in_dim3A_1164] : memref<3216x5xf32, #tpu.memory_space<vmem>>[vector<16xi32>, vector<16xi32>], vector<16xf32>,
        %mul3A_1166 = arith.mulf %gather3A_99, %gather3A_1165 : vector<16xf32>
        %add3A_1167 = arith.addf %mul3A_1162, %mul3A_1166 : vector<16xf32>
        %broadcast_in_dim3A_1168 = arith.constant 2 : i32
        %broadcast_in_dim3A_1169 = vector.broadcast %broadcast_in_dim3A_1168 : i32 to vector<16xi32>
        %gather3A_1170 = tpu.vector_load_idx %arg12[%add3A_1158, %broadcast_in_dim3A_1169] : memref<3216x5xf32, #tpu.memory_space<vmem>>[vector<16xi32>, vector<16xi32>], vector<16xf32>,
        %mul3A_1171 = arith.mulf %gather3A_102, %gather3A_1170 : vector<16xf32>
        %add3A_1172 = arith.addf %add3A_1167, %mul3A_1171 : vector<16xf32>
        %broadcast_in_dim3A_1173 = arith.constant 3 : i32
        %broadcast_in_dim3A_1174 = vector.broadcast %broadcast_in_dim3A_1173 : i32 to vector<16xi32>
        %gather3A_1175 = tpu.vector_load_idx %arg12[%add3A_1158, %broadcast_in_dim3A_1174] : memref<3216x5xf32, #tpu.memory_space<vmem>>[vector<16xi32>, vector<16xi32>], vector<16xf32>,
        %mul3A_1176 = arith.mulf %gather3A_105, %gather3A_1175 : vector<16xf32>
        %add3A_1177 = arith.addf %add3A_1172, %mul3A_1176 : vector<16xf32>
        %broadcast_in_dim3A_1178 = arith.constant 4 : i32
        %broadcast_in_dim3A_1179 = vector.broadcast %broadcast_in_dim3A_1178 : i32 to vector<16xi32>
        %gather3A_1180 = tpu.vector_load_idx %arg12[%add3A_1158, %broadcast_in_dim3A_1179] : memref<3216x5xf32, #tpu.memory_space<vmem>>[vector<16xi32>, vector<16xi32>], vector<16xf32>,
        %mul3A_1181 = arith.mulf %gather3A_108, %gather3A_1180 : vector<16xf32>
        %add3A_1182 = arith.addf %add3A_1177, %mul3A_1181 : vector<16xf32>
        %add3A_1183 = arith.constant 160 : i32
        %add3A_1184 = arith.addi %mul3A_111, %add3A_1183 : i32
        %get3A_1185 = arith.index_cast %add3A_1184 : i32 to index
        %get3A_1186 = tpu.vector_load %arg10[%get3A_1185] {strides = array<i32>} : memref<3216xi32, #tpu.memory_space<vmem>>, vector<16xi32>,
        %gt3A_1187 = arith.constant 0 : i32
        %gt3A_1188 = vector.broadcast %gt3A_1187 : i32 to vector<16xi32>
        %gt3A_1189 = arith.cmpi sgt, %get3A_1186, %gt3A_1188 : vector<16xi32>
        %mul3A_1190 = arith.constant 1.44269502 : f32
        %mul3A_1191 = vector.broadcast %mul3A_1190 : f32 to vector<16xf32>
        %mul3A_1192 = arith.mulf %add3A_1182, %mul3A_1191 : vector<16xf32>
        %ge3A_1193 = arith.constant 0.000000e+00 : f32
        %ge3A_1194 = vector.broadcast %ge3A_1193 : f32 to vector<16xf32>
        %ge3A_1195 = arith.cmpf oge, %mul3A_1192, %ge3A_1194 : vector<16xf32>
        %jit3A_1196 = arith.constant 5.000000e-01 : f32
        %jit3A_1197 = arith.constant -5.000000e-01 : f32
        %broadcast_in_dim3A_1198 = vector.broadcast %jit3A_1196 : f32 to vector<16xf32>
        %broadcast_in_dim3A_1199 = vector.broadcast %jit3A_1197 : f32 to vector<16xf32>
        %select_n3A_1200 = arith.select %ge3A_1195, %broadcast_in_dim3A_1198, %broadcast_in_dim3A_1199 : vector<16xi1>, vector<16xf32>
        %add3A_1201 = arith.addf %mul3A_1192, %select_n3A_1200 : vector<16xf32>
        %convert_element_type3A_1202 = arith.fptosi %add3A_1201 : vector<16xf32> to vector<16xi32>
        %jit3A_1203 = arith.constant -126 : i32
        %jit3A_1204 = arith.constant 127 : i32
        %max3A_1205 = vector.broadcast %jit3A_1203 : i32 to vector<16xi32>
        %max3A_1206 = arith.maxsi %max3A_1205, %convert_element_type3A_1202 : vector<16xi32>
        %min3A_1207 = vector.broadcast %jit3A_1204 : i32 to vector<16xi32>
        %min3A_1208 = arith.minsi %min3A_1207, %max3A_1206 : vector<16xi32>
        %convert_element_type3A_1209 = arith.sitofp %min3A_1208 : vector<16xi32> to vector<16xf32>
        %mul3A_1210 = arith.constant 0.693145751 : f32
        %mul3A_1211 = vector.broadcast %mul3A_1210 : f32 to vector<16xf32>
        %mul3A_1212 = arith.mulf %convert_element_type3A_1209, %mul3A_1211 : vector<16xf32>
        %sub3A_1213 = arith.subf %add3A_1182, %mul3A_1212 : vector<16xf32>
        %mul3A_1214 = arith.constant 1.42860677E-6 : f32
        %mul3A_1215 = vector.broadcast %mul3A_1214 : f32 to vector<16xf32>
        %mul3A_1216 = arith.mulf %convert_element_type3A_1209, %mul3A_1215 : vector<16xf32>
        %sub3A_1217 = arith.subf %sub3A_1213, %mul3A_1216 : vector<16xf32>
        %mul3A_1218 = arith.constant 0.00833333377 : f32
        %mul3A_1219 = vector.broadcast %mul3A_1218 : f32 to vector<16xf32>
        %mul3A_1220 = arith.mulf %mul3A_1219, %sub3A_1217 : vector<16xf32>
        %add3A_1221 = arith.constant 0.0416666679 : f32
        %add3A_1222 = vector.broadcast %add3A_1221 : f32 to vector<16xf32>
        %add3A_1223 = arith.addf %mul3A_1220, %add3A_1222 : vector<16xf32>
        %mul3A_1224 = arith.mulf %add3A_1223, %sub3A_1217 : vector<16xf32>
        %add3A_1225 = arith.constant 0.166666672 : f32
        %add3A_1226 = vector.broadcast %add3A_1225 : f32 to vector<16xf32>
        %add3A_1227 = arith.addf %mul3A_1224, %add3A_1226 : vector<16xf32>
        %mul3A_1228 = arith.mulf %add3A_1227, %sub3A_1217 : vector<16xf32>
        %add3A_1229 = arith.constant 5.000000e-01 : f32
        %add3A_1230 = vector.broadcast %add3A_1229 : f32 to vector<16xf32>
        %add3A_1231 = arith.addf %mul3A_1228, %add3A_1230 : vector<16xf32>
        %mul3A_1232 = arith.mulf %add3A_1231, %sub3A_1217 : vector<16xf32>
        %add3A_1233 = arith.constant 1.000000e+00 : f32
        %add3A_1234 = vector.broadcast %add3A_1233 : f32 to vector<16xf32>
        %add3A_1235 = arith.addf %mul3A_1232, %add3A_1234 : vector<16xf32>
        %mul3A_1236 = arith.mulf %add3A_1235, %sub3A_1217 : vector<16xf32>
        %add3A_1237 = arith.constant 1.000000e+00 : f32
        %add3A_1238 = vector.broadcast %add3A_1237 : f32 to vector<16xf32>
        %add3A_1239 = arith.addf %mul3A_1236, %add3A_1238 : vector<16xf32>
        %add3A_1240 = arith.constant 127 : i32
        %add3A_1241 = vector.broadcast %add3A_1240 : i32 to vector<16xi32>
        %add3A_1242 = arith.addi %min3A_1208, %add3A_1241 : vector<16xi32>
        %shift_left3A_1243 = arith.constant 23 : i32
        %shift_left3A_1244 = vector.broadcast %shift_left3A_1243 : i32 to vector<16xi32>
        %shift_left3A_1245 = arith.shli %add3A_1242, %shift_left3A_1244 : vector<16xi32>
        %bitcast_convert_type3A_1246 = tpu.bitcast %shift_left3A_1245 : vector<16xi32> -> vector<16xf32>
        %mul3A_1247 = arith.mulf %add3A_1239, %bitcast_convert_type3A_1246 : vector<16xf32>
        %jit3A_1248 = arith.constant 0.000000e+00 : f32
        %broadcast_in_dim3A_1249 = vector.broadcast %jit3A_1248 : f32 to vector<16xf32>
        %select_n3A_1250 = arith.select %gt3A_1189, %mul3A_1247, %broadcast_in_dim3A_1249 : vector<16xi1>, vector<16xf32>
        %add3A_1251 = arith.addf %add3A_1146, %select_n3A_1250 : vector<16xf32>
        %add3A_1252 = arith.constant 160 : i32
        %add3A_1253 = vector.broadcast %add3A_1252 : i32 to vector<16xi32>
        %add3A_1254 = arith.addi %iota3A, %add3A_1253 : vector<16xi32>
        %eq3A_1255 = arith.cmpi eq, %add3A_1254, %gather3A_109 : vector<16xi32>
        %jit3A_1256 = arith.constant 0.000000e+00 : f32
        %broadcast_in_dim3A_1257 = vector.broadcast %jit3A_1256 : f32 to vector<16xf32>
        %select_n3A_1258 = arith.select %eq3A_1255, %select_n3A_1250, %broadcast_in_dim3A_1257 : vector<16xi1>, vector<16xf32>
        %add3A_1259 = arith.addf %add3A_1154, %select_n3A_1258 : vector<16xf32>
        %add3A_1260 = arith.constant 176 : i32
        %add3A_1261 = arith.addi %mul3A_111, %add3A_1260 : i32
        %add3A_1262 = vector.broadcast %add3A_1261 : i32 to vector<16xi32>
        %add3A_1263 = arith.addi %iota3A, %add3A_1262 : vector<16xi32>
        %broadcast_in_dim3A_1264 = arith.constant 0 : i32
        %broadcast_in_dim3A_1265 = vector.broadcast %broadcast_in_dim3A_1264 : i32 to vector<16xi32>
        %gather3A_1266 = tpu.vector_load_idx %arg12[%add3A_1263, %broadcast_in_dim3A_1265] : memref<3216x5xf32, #tpu.memory_space<vmem>>[vector<16xi32>, vector<16xi32>], vector<16xf32>,
        %mul3A_1267 = arith.mulf %gather3A, %gather3A_1266 : vector<16xf32>
        %broadcast_in_dim3A_1268 = arith.constant 1 : i32
        %broadcast_in_dim3A_1269 = vector.broadcast %broadcast_in_dim3A_1268 : i32 to vector<16xi32>
        %gather3A_1270 = tpu.vector_load_idx %arg12[%add3A_1263, %broadcast_in_dim3A_1269] : memref<3216x5xf32, #tpu.memory_space<vmem>>[vector<16xi32>, vector<16xi32>], vector<16xf32>,
        %mul3A_1271 = arith.mulf %gather3A_99, %gather3A_1270 : vector<16xf32>
        %add3A_1272 = arith.addf %mul3A_1267, %mul3A_1271 : vector<16xf32>
        %broadcast_in_dim3A_1273 = arith.constant 2 : i32
        %broadcast_in_dim3A_1274 = vector.broadcast %broadcast_in_dim3A_1273 : i32 to vector<16xi32>
        %gather3A_1275 = tpu.vector_load_idx %arg12[%add3A_1263, %broadcast_in_dim3A_1274] : memref<3216x5xf32, #tpu.memory_space<vmem>>[vector<16xi32>, vector<16xi32>], vector<16xf32>,
        %mul3A_1276 = arith.mulf %gather3A_102, %gather3A_1275 : vector<16xf32>
        %add3A_1277 = arith.addf %add3A_1272, %mul3A_1276 : vector<16xf32>
        %broadcast_in_dim3A_1278 = arith.constant 3 : i32
        %broadcast_in_dim3A_1279 = vector.broadcast %broadcast_in_dim3A_1278 : i32 to vector<16xi32>
        %gather3A_1280 = tpu.vector_load_idx %arg12[%add3A_1263, %broadcast_in_dim3A_1279] : memref<3216x5xf32, #tpu.memory_space<vmem>>[vector<16xi32>, vector<16xi32>], vector<16xf32>,
        %mul3A_1281 = arith.mulf %gather3A_105, %gather3A_1280 : vector<16xf32>
        %add3A_1282 = arith.addf %add3A_1277, %mul3A_1281 : vector<16xf32>
        %broadcast_in_dim3A_1283 = arith.constant 4 : i32
        %broadcast_in_dim3A_1284 = vector.broadcast %broadcast_in_dim3A_1283 : i32 to vector<16xi32>
        %gather3A_1285 = tpu.vector_load_idx %arg12[%add3A_1263, %broadcast_in_dim3A_1284] : memref<3216x5xf32, #tpu.memory_space<vmem>>[vector<16xi32>, vector<16xi32>], vector<16xf32>,
        %mul3A_1286 = arith.mulf %gather3A_108, %gather3A_1285 : vector<16xf32>
        %add3A_1287 = arith.addf %add3A_1282, %mul3A_1286 : vector<16xf32>
        %add3A_1288 = arith.constant 176 : i32
        %add3A_1289 = arith.addi %mul3A_111, %add3A_1288 : i32
        %get3A_1290 = arith.index_cast %add3A_1289 : i32 to index
        %get3A_1291 = tpu.vector_load %arg10[%get3A_1290] {strides = array<i32>} : memref<3216xi32, #tpu.memory_space<vmem>>, vector<16xi32>,
        %gt3A_1292 = arith.constant 0 : i32
        %gt3A_1293 = vector.broadcast %gt3A_1292 : i32 to vector<16xi32>
        %gt3A_1294 = arith.cmpi sgt, %get3A_1291, %gt3A_1293 : vector<16xi32>
        %mul3A_1295 = arith.constant 1.44269502 : f32
        %mul3A_1296 = vector.broadcast %mul3A_1295 : f32 to vector<16xf32>
        %mul3A_1297 = arith.mulf %add3A_1287, %mul3A_1296 : vector<16xf32>
        %ge3A_1298 = arith.constant 0.000000e+00 : f32
        %ge3A_1299 = vector.broadcast %ge3A_1298 : f32 to vector<16xf32>
        %ge3A_1300 = arith.cmpf oge, %mul3A_1297, %ge3A_1299 : vector<16xf32>
        %jit3A_1301 = arith.constant 5.000000e-01 : f32
        %jit3A_1302 = arith.constant -5.000000e-01 : f32
        %broadcast_in_dim3A_1303 = vector.broadcast %jit3A_1301 : f32 to vector<16xf32>
        %broadcast_in_dim3A_1304 = vector.broadcast %jit3A_1302 : f32 to vector<16xf32>
        %select_n3A_1305 = arith.select %ge3A_1300, %broadcast_in_dim3A_1303, %broadcast_in_dim3A_1304 : vector<16xi1>, vector<16xf32>
        %add3A_1306 = arith.addf %mul3A_1297, %select_n3A_1305 : vector<16xf32>
        %convert_element_type3A_1307 = arith.fptosi %add3A_1306 : vector<16xf32> to vector<16xi32>
        %jit3A_1308 = arith.constant -126 : i32
        %jit3A_1309 = arith.constant 127 : i32
        %max3A_1310 = vector.broadcast %jit3A_1308 : i32 to vector<16xi32>
        %max3A_1311 = arith.maxsi %max3A_1310, %convert_element_type3A_1307 : vector<16xi32>
        %min3A_1312 = vector.broadcast %jit3A_1309 : i32 to vector<16xi32>
        %min3A_1313 = arith.minsi %min3A_1312, %max3A_1311 : vector<16xi32>
        %convert_element_type3A_1314 = arith.sitofp %min3A_1313 : vector<16xi32> to vector<16xf32>
        %mul3A_1315 = arith.constant 0.693145751 : f32
        %mul3A_1316 = vector.broadcast %mul3A_1315 : f32 to vector<16xf32>
        %mul3A_1317 = arith.mulf %convert_element_type3A_1314, %mul3A_1316 : vector<16xf32>
        %sub3A_1318 = arith.subf %add3A_1287, %mul3A_1317 : vector<16xf32>
        %mul3A_1319 = arith.constant 1.42860677E-6 : f32
        %mul3A_1320 = vector.broadcast %mul3A_1319 : f32 to vector<16xf32>
        %mul3A_1321 = arith.mulf %convert_element_type3A_1314, %mul3A_1320 : vector<16xf32>
        %sub3A_1322 = arith.subf %sub3A_1318, %mul3A_1321 : vector<16xf32>
        %mul3A_1323 = arith.constant 0.00833333377 : f32
        %mul3A_1324 = vector.broadcast %mul3A_1323 : f32 to vector<16xf32>
        %mul3A_1325 = arith.mulf %mul3A_1324, %sub3A_1322 : vector<16xf32>
        %add3A_1326 = arith.constant 0.0416666679 : f32
        %add3A_1327 = vector.broadcast %add3A_1326 : f32 to vector<16xf32>
        %add3A_1328 = arith.addf %mul3A_1325, %add3A_1327 : vector<16xf32>
        %mul3A_1329 = arith.mulf %add3A_1328, %sub3A_1322 : vector<16xf32>
        %add3A_1330 = arith.constant 0.166666672 : f32
        %add3A_1331 = vector.broadcast %add3A_1330 : f32 to vector<16xf32>
        %add3A_1332 = arith.addf %mul3A_1329, %add3A_1331 : vector<16xf32>
        %mul3A_1333 = arith.mulf %add3A_1332, %sub3A_1322 : vector<16xf32>
        %add3A_1334 = arith.constant 5.000000e-01 : f32
        %add3A_1335 = vector.broadcast %add3A_1334 : f32 to vector<16xf32>
        %add3A_1336 = arith.addf %mul3A_1333, %add3A_1335 : vector<16xf32>
        %mul3A_1337 = arith.mulf %add3A_1336, %sub3A_1322 : vector<16xf32>
        %add3A_1338 = arith.constant 1.000000e+00 : f32
        %add3A_1339 = vector.broadcast %add3A_1338 : f32 to vector<16xf32>
        %add3A_1340 = arith.addf %mul3A_1337, %add3A_1339 : vector<16xf32>
        %mul3A_1341 = arith.mulf %add3A_1340, %sub3A_1322 : vector<16xf32>
        %add3A_1342 = arith.constant 1.000000e+00 : f32
        %add3A_1343 = vector.broadcast %add3A_1342 : f32 to vector<16xf32>
        %add3A_1344 = arith.addf %mul3A_1341, %add3A_1343 : vector<16xf32>
        %add3A_1345 = arith.constant 127 : i32
        %add3A_1346 = vector.broadcast %add3A_1345 : i32 to vector<16xi32>
        %add3A_1347 = arith.addi %min3A_1313, %add3A_1346 : vector<16xi32>
        %shift_left3A_1348 = arith.constant 23 : i32
        %shift_left3A_1349 = vector.broadcast %shift_left3A_1348 : i32 to vector<16xi32>
        %shift_left3A_1350 = arith.shli %add3A_1347, %shift_left3A_1349 : vector<16xi32>
        %bitcast_convert_type3A_1351 = tpu.bitcast %shift_left3A_1350 : vector<16xi32> -> vector<16xf32>
        %mul3A_1352 = arith.mulf %add3A_1344, %bitcast_convert_type3A_1351 : vector<16xf32>
        %jit3A_1353 = arith.constant 0.000000e+00 : f32
        %broadcast_in_dim3A_1354 = vector.broadcast %jit3A_1353 : f32 to vector<16xf32>
        %select_n3A_1355 = arith.select %gt3A_1294, %mul3A_1352, %broadcast_in_dim3A_1354 : vector<16xi1>, vector<16xf32>
        %add3A_1356 = arith.addf %add3A_1251, %select_n3A_1355 : vector<16xf32>
        %add3A_1357 = arith.constant 176 : i32
        %add3A_1358 = vector.broadcast %add3A_1357 : i32 to vector<16xi32>
        %add3A_1359 = arith.addi %iota3A, %add3A_1358 : vector<16xi32>
        %eq3A_1360 = arith.cmpi eq, %add3A_1359, %gather3A_109 : vector<16xi32>
        %jit3A_1361 = arith.constant 0.000000e+00 : f32
        %broadcast_in_dim3A_1362 = vector.broadcast %jit3A_1361 : f32 to vector<16xf32>
        %select_n3A_1363 = arith.select %eq3A_1360, %select_n3A_1355, %broadcast_in_dim3A_1362 : vector<16xi1>, vector<16xf32>
        %add3A_1364 = arith.addf %add3A_1259, %select_n3A_1363 : vector<16xf32>
        %add3A_1365 = arith.constant 192 : i32
        %add3A_1366 = arith.addi %mul3A_111, %add3A_1365 : i32
        %add3A_1367 = vector.broadcast %add3A_1366 : i32 to vector<16xi32>
        %add3A_1368 = arith.addi %iota3A, %add3A_1367 : vector<16xi32>
        %broadcast_in_dim3A_1369 = arith.constant 0 : i32
        %broadcast_in_dim3A_1370 = vector.broadcast %broadcast_in_dim3A_1369 : i32 to vector<16xi32>
        %gather3A_1371 = tpu.vector_load_idx %arg12[%add3A_1368, %broadcast_in_dim3A_1370] : memref<3216x5xf32, #tpu.memory_space<vmem>>[vector<16xi32>, vector<16xi32>], vector<16xf32>,
        %mul3A_1372 = arith.mulf %gather3A, %gather3A_1371 : vector<16xf32>
        %broadcast_in_dim3A_1373 = arith.constant 1 : i32
        %broadcast_in_dim3A_1374 = vector.broadcast %broadcast_in_dim3A_1373 : i32 to vector<16xi32>
        %gather3A_1375 = tpu.vector_load_idx %arg12[%add3A_1368, %broadcast_in_dim3A_1374] : memref<3216x5xf32, #tpu.memory_space<vmem>>[vector<16xi32>, vector<16xi32>], vector<16xf32>,
        %mul3A_1376 = arith.mulf %gather3A_99, %gather3A_1375 : vector<16xf32>
        %add3A_1377 = arith.addf %mul3A_1372, %mul3A_1376 : vector<16xf32>
        %broadcast_in_dim3A_1378 = arith.constant 2 : i32
        %broadcast_in_dim3A_1379 = vector.broadcast %broadcast_in_dim3A_1378 : i32 to vector<16xi32>
        %gather3A_1380 = tpu.vector_load_idx %arg12[%add3A_1368, %broadcast_in_dim3A_1379] : memref<3216x5xf32, #tpu.memory_space<vmem>>[vector<16xi32>, vector<16xi32>], vector<16xf32>,
        %mul3A_1381 = arith.mulf %gather3A_102, %gather3A_1380 : vector<16xf32>
        %add3A_1382 = arith.addf %add3A_1377, %mul3A_1381 : vector<16xf32>
        %broadcast_in_dim3A_1383 = arith.constant 3 : i32
        %broadcast_in_dim3A_1384 = vector.broadcast %broadcast_in_dim3A_1383 : i32 to vector<16xi32>
        %gather3A_1385 = tpu.vector_load_idx %arg12[%add3A_1368, %broadcast_in_dim3A_1384] : memref<3216x5xf32, #tpu.memory_space<vmem>>[vector<16xi32>, vector<16xi32>], vector<16xf32>,
        %mul3A_1386 = arith.mulf %gather3A_105, %gather3A_1385 : vector<16xf32>
        %add3A_1387 = arith.addf %add3A_1382, %mul3A_1386 : vector<16xf32>
        %broadcast_in_dim3A_1388 = arith.constant 4 : i32
        %broadcast_in_dim3A_1389 = vector.broadcast %broadcast_in_dim3A_1388 : i32 to vector<16xi32>
        %gather3A_1390 = tpu.vector_load_idx %arg12[%add3A_1368, %broadcast_in_dim3A_1389] : memref<3216x5xf32, #tpu.memory_space<vmem>>[vector<16xi32>, vector<16xi32>], vector<16xf32>,
        %mul3A_1391 = arith.mulf %gather3A_108, %gather3A_1390 : vector<16xf32>
        %add3A_1392 = arith.addf %add3A_1387, %mul3A_1391 : vector<16xf32>
        %add3A_1393 = arith.constant 192 : i32
        %add3A_1394 = arith.addi %mul3A_111, %add3A_1393 : i32
        %get3A_1395 = arith.index_cast %add3A_1394 : i32 to index
        %get3A_1396 = tpu.vector_load %arg10[%get3A_1395] {strides = array<i32>} : memref<3216xi32, #tpu.memory_space<vmem>>, vector<16xi32>,
        %gt3A_1397 = arith.constant 0 : i32
        %gt3A_1398 = vector.broadcast %gt3A_1397 : i32 to vector<16xi32>
        %gt3A_1399 = arith.cmpi sgt, %get3A_1396, %gt3A_1398 : vector<16xi32>
        %add3A_1400 = arith.constant 192 : i32
        %add3A_1401 = vector.broadcast %add3A_1400 : i32 to vector<16xi32>
        %add3A_1402 = arith.addi %iota3A, %add3A_1401 : vector<16xi32>
        %lt3A_1403 = arith.constant 200 : i32
        %lt3A_1404 = vector.broadcast %lt3A_1403 : i32 to vector<16xi32>
        %lt3A_1405 = arith.cmpi slt, %add3A_1402, %lt3A_1404 : vector<16xi32>
        %and3A = arith.andi %gt3A_1399, %lt3A_1405 : vector<16xi1>
        %mul3A_1406 = arith.constant 1.44269502 : f32
        %mul3A_1407 = vector.broadcast %mul3A_1406 : f32 to vector<16xf32>
        %mul3A_1408 = arith.mulf %add3A_1392, %mul3A_1407 : vector<16xf32>
        %ge3A_1409 = arith.constant 0.000000e+00 : f32
        %ge3A_1410 = vector.broadcast %ge3A_1409 : f32 to vector<16xf32>
        %ge3A_1411 = arith.cmpf oge, %mul3A_1408, %ge3A_1410 : vector<16xf32>
        %jit3A_1412 = arith.constant 5.000000e-01 : f32
        %jit3A_1413 = arith.constant -5.000000e-01 : f32
        %broadcast_in_dim3A_1414 = vector.broadcast %jit3A_1412 : f32 to vector<16xf32>
        %broadcast_in_dim3A_1415 = vector.broadcast %jit3A_1413 : f32 to vector<16xf32>
        %select_n3A_1416 = arith.select %ge3A_1411, %broadcast_in_dim3A_1414, %broadcast_in_dim3A_1415 : vector<16xi1>, vector<16xf32>
        %add3A_1417 = arith.addf %mul3A_1408, %select_n3A_1416 : vector<16xf32>
        %convert_element_type3A_1418 = arith.fptosi %add3A_1417 : vector<16xf32> to vector<16xi32>
        %jit3A_1419 = arith.constant -126 : i32
        %jit3A_1420 = arith.constant 127 : i32
        %max3A_1421 = vector.broadcast %jit3A_1419 : i32 to vector<16xi32>
        %max3A_1422 = arith.maxsi %max3A_1421, %convert_element_type3A_1418 : vector<16xi32>
        %min3A_1423 = vector.broadcast %jit3A_1420 : i32 to vector<16xi32>
        %min3A_1424 = arith.minsi %min3A_1423, %max3A_1422 : vector<16xi32>
        %convert_element_type3A_1425 = arith.sitofp %min3A_1424 : vector<16xi32> to vector<16xf32>
        %mul3A_1426 = arith.constant 0.693145751 : f32
        %mul3A_1427 = vector.broadcast %mul3A_1426 : f32 to vector<16xf32>
        %mul3A_1428 = arith.mulf %convert_element_type3A_1425, %mul3A_1427 : vector<16xf32>
        %sub3A_1429 = arith.subf %add3A_1392, %mul3A_1428 : vector<16xf32>
        %mul3A_1430 = arith.constant 1.42860677E-6 : f32
        %mul3A_1431 = vector.broadcast %mul3A_1430 : f32 to vector<16xf32>
        %mul3A_1432 = arith.mulf %convert_element_type3A_1425, %mul3A_1431 : vector<16xf32>
        %sub3A_1433 = arith.subf %sub3A_1429, %mul3A_1432 : vector<16xf32>
        %mul3A_1434 = arith.constant 0.00833333377 : f32
        %mul3A_1435 = vector.broadcast %mul3A_1434 : f32 to vector<16xf32>
        %mul3A_1436 = arith.mulf %mul3A_1435, %sub3A_1433 : vector<16xf32>
        %add3A_1437 = arith.constant 0.0416666679 : f32
        %add3A_1438 = vector.broadcast %add3A_1437 : f32 to vector<16xf32>
        %add3A_1439 = arith.addf %mul3A_1436, %add3A_1438 : vector<16xf32>
        %mul3A_1440 = arith.mulf %add3A_1439, %sub3A_1433 : vector<16xf32>
        %add3A_1441 = arith.constant 0.166666672 : f32
        %add3A_1442 = vector.broadcast %add3A_1441 : f32 to vector<16xf32>
        %add3A_1443 = arith.addf %mul3A_1440, %add3A_1442 : vector<16xf32>
        %mul3A_1444 = arith.mulf %add3A_1443, %sub3A_1433 : vector<16xf32>
        %add3A_1445 = arith.constant 5.000000e-01 : f32
        %add3A_1446 = vector.broadcast %add3A_1445 : f32 to vector<16xf32>
        %add3A_1447 = arith.addf %mul3A_1444, %add3A_1446 : vector<16xf32>
        %mul3A_1448 = arith.mulf %add3A_1447, %sub3A_1433 : vector<16xf32>
        %add3A_1449 = arith.constant 1.000000e+00 : f32
        %add3A_1450 = vector.broadcast %add3A_1449 : f32 to vector<16xf32>
        %add3A_1451 = arith.addf %mul3A_1448, %add3A_1450 : vector<16xf32>
        %mul3A_1452 = arith.mulf %add3A_1451, %sub3A_1433 : vector<16xf32>
        %add3A_1453 = arith.constant 1.000000e+00 : f32
        %add3A_1454 = vector.broadcast %add3A_1453 : f32 to vector<16xf32>
        %add3A_1455 = arith.addf %mul3A_1452, %add3A_1454 : vector<16xf32>
        %add3A_1456 = arith.constant 127 : i32
        %add3A_1457 = vector.broadcast %add3A_1456 : i32 to vector<16xi32>
        %add3A_1458 = arith.addi %min3A_1424, %add3A_1457 : vector<16xi32>
        %shift_left3A_1459 = arith.constant 23 : i32
        %shift_left3A_1460 = vector.broadcast %shift_left3A_1459 : i32 to vector<16xi32>
        %shift_left3A_1461 = arith.shli %add3A_1458, %shift_left3A_1460 : vector<16xi32>
        %bitcast_convert_type3A_1462 = tpu.bitcast %shift_left3A_1461 : vector<16xi32> -> vector<16xf32>
        %mul3A_1463 = arith.mulf %add3A_1455, %bitcast_convert_type3A_1462 : vector<16xf32>
        %jit3A_1464 = arith.constant 0.000000e+00 : f32
        %broadcast_in_dim3A_1465 = vector.broadcast %jit3A_1464 : f32 to vector<16xf32>
        %select_n3A_1466 = arith.select %and3A, %mul3A_1463, %broadcast_in_dim3A_1465 : vector<16xi1>, vector<16xf32>
        %add3A_1467 = arith.addf %add3A_1356, %select_n3A_1466 : vector<16xf32>
        %add3A_1468 = arith.constant 192 : i32
        %add3A_1469 = vector.broadcast %add3A_1468 : i32 to vector<16xi32>
        %add3A_1470 = arith.addi %iota3A, %add3A_1469 : vector<16xi32>
        %eq3A_1471 = arith.cmpi eq, %add3A_1470, %gather3A_109 : vector<16xi32>
        %jit3A_1472 = arith.constant 0.000000e+00 : f32
        %broadcast_in_dim3A_1473 = vector.broadcast %jit3A_1472 : f32 to vector<16xf32>
        %select_n3A_1474 = arith.select %eq3A_1471, %select_n3A_1466, %broadcast_in_dim3A_1473 : vector<16xi1>, vector<16xf32>
        %add3A_1475 = arith.addf %add3A_1364, %select_n3A_1474 : vector<16xf32>
        %broadcast_in_dim3A_1476 = vector.shape_cast %xor3A_14 : vector<16xi32> to vector<16x1xi32>
        %gather3A_1477 = vector.shape_cast %broadcast_in_dim3A_1476 : vector<16x1xi32> to vector<16xi32>
        %gather3A_1478 = tpu.dynamic_gather %add3A_1467[%gather3A_1477] in [0] : vector<16xf32>, vector<16xi32> -> vector<16xf32>
        %add3A_1479 = arith.addf %add3A_1467, %gather3A_1478 : vector<16xf32>
        %broadcast_in_dim3A_1480 = vector.shape_cast %xor3A_14 : vector<16xi32> to vector<16x1xi32>
        %gather3A_1481 = vector.shape_cast %broadcast_in_dim3A_1480 : vector<16x1xi32> to vector<16xi32>
        %gather3A_1482 = tpu.dynamic_gather %add3A_1475[%gather3A_1481] in [0] : vector<16xf32>, vector<16xi32> -> vector<16xf32>
        %add3A_1483 = arith.addf %add3A_1475, %gather3A_1482 : vector<16xf32>
        %broadcast_in_dim3A_1484 = vector.shape_cast %xor3A_17 : vector<16xi32> to vector<16x1xi32>
        %gather3A_1485 = vector.shape_cast %broadcast_in_dim3A_1484 : vector<16x1xi32> to vector<16xi32>
        %gather3A_1486 = tpu.dynamic_gather %add3A_1479[%gather3A_1485] in [0] : vector<16xf32>, vector<16xi32> -> vector<16xf32>
        %add3A_1487 = arith.addf %add3A_1479, %gather3A_1486 : vector<16xf32>
        %broadcast_in_dim3A_1488 = vector.shape_cast %xor3A_17 : vector<16xi32> to vector<16x1xi32>
        %gather3A_1489 = vector.shape_cast %broadcast_in_dim3A_1488 : vector<16x1xi32> to vector<16xi32>
        %gather3A_1490 = tpu.dynamic_gather %add3A_1483[%gather3A_1489] in [0] : vector<16xf32>, vector<16xi32> -> vector<16xf32>
        %add3A_1491 = arith.addf %add3A_1483, %gather3A_1490 : vector<16xf32>
        %broadcast_in_dim3A_1492 = vector.shape_cast %xor3A_20 : vector<16xi32> to vector<16x1xi32>
        %gather3A_1493 = vector.shape_cast %broadcast_in_dim3A_1492 : vector<16x1xi32> to vector<16xi32>
        %gather3A_1494 = tpu.dynamic_gather %add3A_1487[%gather3A_1493] in [0] : vector<16xf32>, vector<16xi32> -> vector<16xf32>
        %add3A_1495 = arith.addf %add3A_1487, %gather3A_1494 : vector<16xf32>
        %broadcast_in_dim3A_1496 = vector.shape_cast %xor3A_20 : vector<16xi32> to vector<16x1xi32>
        %gather3A_1497 = vector.shape_cast %broadcast_in_dim3A_1496 : vector<16x1xi32> to vector<16xi32>
        %gather3A_1498 = tpu.dynamic_gather %add3A_1491[%gather3A_1497] in [0] : vector<16xf32>, vector<16xi32> -> vector<16xf32>
        %add3A_1499 = arith.addf %add3A_1491, %gather3A_1498 : vector<16xf32>
        %broadcast_in_dim3A_1500 = vector.shape_cast %xor3A_23 : vector<16xi32> to vector<16x1xi32>
        %gather3A_1501 = vector.shape_cast %broadcast_in_dim3A_1500 : vector<16x1xi32> to vector<16xi32>
        %gather3A_1502 = tpu.dynamic_gather %add3A_1495[%gather3A_1501] in [0] : vector<16xf32>, vector<16xi32> -> vector<16xf32>
        %add3A_1503 = arith.addf %add3A_1495, %gather3A_1502 : vector<16xf32>
        %broadcast_in_dim3A_1504 = vector.shape_cast %xor3A_23 : vector<16xi32> to vector<16x1xi32>
        %gather3A_1505 = vector.shape_cast %broadcast_in_dim3A_1504 : vector<16x1xi32> to vector<16xi32>
        %gather3A_1506 = tpu.dynamic_gather %add3A_1499[%gather3A_1505] in [0] : vector<16xf32>, vector<16xi32> -> vector<16xf32>
        %add3A_1507 = arith.addf %add3A_1499, %gather3A_1506 : vector<16xf32>
        %eq3A_1508 = vector.broadcast %scan3A_86 : i32 to vector<16xi32>
        %eq3A_1509 = arith.cmpi eq, %iota3A, %eq3A_1508 : vector<16xi32>
        %div3A = arith.divf %add3A_1507, %add3A_1503 : vector<16xf32>
        %select_n3A_1510 = arith.select %eq3A_1509, %div3A, %scan3A_87 : vector<16xi1>, vector<16xf32>
        scf.yield %select_n3A_1510 : vector<16xf32>
      }
      %scan3A_62 = arith.constant 16 : i32
      %mul3A_63 = arith.constant 16 : i32
      %mul3A_64 = arith.muli %mul3A_41, %mul3A_63 : i32
      %swap3A_65 = arith.index_cast %mul3A_64 : i32 to index
      %swap3A_66 = tpu.vector_load %arg14[%swap3A_65] {strides = array<i32>} : memref<512xf32, #tpu.memory_space<vmem>>, vector<16xf32>,
      tpu.vector_store %arg14[%swap3A_65], %scan3A_61 {strides = array<i32>} : memref<512xf32, #tpu.memory_space<vmem>>, vector<16xf32>,
      %lt3A = arith.constant 15 : i32
      %lt3A_67 = arith.cmpi slt, %add3A_39, %lt3A : i32
      %convert_element_type3A = arith.extui %lt3A_67 : i1 to i32
      %cond3A = arith.constant 0 : i32
      %cond3A_68 = arith.cmpi ne, %convert_element_type3A, %cond3A : i32
      scf.if %cond3A_68 {
        %add3A_86 = arith.constant 2 : i32
        %add3A_87 = arith.addi %mul3A_41, %add3A_86 : i32
        %mul3A_88 = arith.constant 16 : i32
        %mul3A_89 = arith.muli %add3A_87, %mul3A_88 : i32
        %add3A_90 = arith.addi %mul3A_2, %mul3A_89 : i32
        %mul3A_91 = arith.constant 200 : i32
        %mul3A_92 = arith.muli %add3A_90, %mul3A_91 : i32
        "tpu.region"() ({
          %run_scoped3A = tpu.sem_alloc : memref<!tpu.dma_semaphore, #tpu.memory_space<semaphore_mem>>
          %dma_start3A_96 = arith.constant 0 : i32
          %dma_start3A_97 = tpu.memref_slice %arg10[%dma_start3A_96] : memref<3216xi32, #tpu.memory_space<vmem>> -> memref<3200xi32, #tpu.memory_space<vmem>>
          %dma_start3A_98 = tpu.memref_slice %arg3[%mul3A_92] : memref<3276800xi32, #tpu.memory_space<hbm>> -> memref<3200xi32, #tpu.memory_space<hbm>>
          %dma_start3A_99 = arith.constant 0 : i32
          %dma_start3A_100 = tpu.memref_slice %arg10[%dma_start3A_99] : memref<3216xi32, #tpu.memory_space<vmem>> -> memref<3200xi32, #tpu.memory_space<vmem>>
          %dma_start3A_101 = tpu.memref_slice %arg3[%mul3A_92] : memref<3276800xi32, #tpu.memory_space<hbm>> -> memref<3200xi32, #tpu.memory_space<hbm>>
          tpu.enqueue_dma source(%dma_start3A_101 : memref<3200xi32, #tpu.memory_space<hbm>>) target(%dma_start3A_100 : memref<3200xi32, #tpu.memory_space<vmem>>) target_semaphore(%run_scoped3A : memref<!tpu.dma_semaphore, #tpu.memory_space<semaphore_mem>>)
          %dma_wait3A_102 = arith.constant 0 : i32
          %dma_wait3A_103 = tpu.memref_slice %arg10[%dma_wait3A_102] : memref<3216xi32, #tpu.memory_space<vmem>> -> memref<3200xi32, #tpu.memory_space<vmem>>
          %dma_wait3A_104 = tpu.memref_slice %arg3[%mul3A_92] : memref<3276800xi32, #tpu.memory_space<hbm>> -> memref<3200xi32, #tpu.memory_space<hbm>>
          %dma_wait3A_105 = arith.constant 0 : i32
          %dma_wait3A_106 = tpu.memref_slice %arg10[%dma_wait3A_105] : memref<3216xi32, #tpu.memory_space<vmem>> -> memref<3200xi32, #tpu.memory_space<vmem>>
          %dma_wait3A_107 = tpu.memref_slice %arg3[%mul3A_92] : memref<3276800xi32, #tpu.memory_space<hbm>> -> memref<3200xi32, #tpu.memory_space<hbm>>
          tpu.wait_dma2 semaphore(%run_scoped3A : memref<!tpu.dma_semaphore, #tpu.memory_space<semaphore_mem>>) src(%dma_wait3A_107 : memref<3200xi32, #tpu.memory_space<hbm>>) dst(%dma_wait3A_106 : memref<3200xi32, #tpu.memory_space<vmem>>)
          tpu.yield
        }) : () -> ()
        %dma_start3A_93 = arith.constant 0 : i32
        %dma_start3A_94 = arith.constant 0 : i32
        %dma_start3A_95 = tpu.memref_slice %arg2[%dma_start3A_93, %dma_start3A_94] : memref<100000x5xf32, #tpu.memory_space<hbm>> -> memref<100000x5xf32, #tpu.memory_space<hbm>>
        tpu.enqueue_indirect_dma source(%dma_start3A_95 : memref<100000x5xf32, #tpu.memory_space<hbm>>) target(%arg12 : memref<3216x5xf32, #tpu.memory_space<vmem>>) offsets(%arg10 : memref<3216xi32, #tpu.memory_space<vmem>>) semaphore(%arg15 : memref<!tpu.dma_semaphore, #tpu.memory_space<semaphore_mem>>)
      } else {
      }
      %dma_wait3A_69 = arith.constant 0 : i32
      %dma_wait3A_70 = arith.constant 0 : i32
      %dma_wait3A_71 = tpu.memref_slice %arg2[%dma_wait3A_69, %dma_wait3A_70] : memref<100000x5xf32, #tpu.memory_space<hbm>> -> memref<100000x5xf32, #tpu.memory_space<hbm>>
      tpu.wait_indirect_dma semaphore(%arg16 : memref<!tpu.dma_semaphore, #tpu.memory_space<semaphore_mem>>) src(%dma_wait3A_71 : memref<100000x5xf32, #tpu.memory_space<hbm>>) dst(%arg13 : memref<3216x5xf32, #tpu.memory_space<vmem>>)
      %add3A_72 = arith.constant 1 : i32
      %add3A_73 = arith.addi %mul3A_41, %add3A_72 : i32
      %broadcast_in_dim3A_74 = arith.constant 0.000000e+00 : f32
      %broadcast_in_dim3A_75 = vector.broadcast %broadcast_in_dim3A_74 : f32 to vector<16xf32>
      %scan3A_76 = arith.constant 0 : i32
      %scan3A_77 = arith.constant 16 : i32
      %scan3A_78 = arith.addi %scan3A_76, %scan3A_77 : i32
      %scan3A_79 = arith.constant 1 : i32
      %scan3A_80 = scf.for %scan3A_86 = %scan3A_76 to %scan3A_78 step %scan3A_79 iter_args(%scan3A_87 = %broadcast_in_dim3A_75) -> (vector<16xf32>)  : i32 {
        %mul3A_88 = arith.constant 16 : i32
        %mul3A_89 = arith.muli %add3A_73, %mul3A_88 : i32
        %add3A_90 = arith.addi %mul3A_89, %scan3A_86 : i32
        %broadcast_in_dim3A_91 = arith.constant 0 : i32
        %broadcast_in_dim3A_92 = vector.broadcast %broadcast_in_dim3A_91 : i32 to vector<16xi32>
        %add3A_93 = vector.broadcast %add3A_90 : i32 to vector<16xi32>
        %add3A_94 = arith.addi %broadcast_in_dim3A_92, %add3A_93 : vector<16xi32>
        %broadcast_in_dim3A_95 = arith.constant 0 : i32
        %broadcast_in_dim3A_96 = vector.broadcast %broadcast_in_dim3A_95 : i32 to vector<16xi32>
        %gather3A = tpu.vector_load_idx %arg8[%add3A_94, %broadcast_in_dim3A_96] : memref<512x5xf32, #tpu.memory_space<vmem>>[vector<16xi32>, vector<16xi32>], vector<16xf32>,
        %broadcast_in_dim3A_97 = arith.constant 1 : i32
        %broadcast_in_dim3A_98 = vector.broadcast %broadcast_in_dim3A_97 : i32 to vector<16xi32>
        %gather3A_99 = tpu.vector_load_idx %arg8[%add3A_94, %broadcast_in_dim3A_98] : memref<512x5xf32, #tpu.memory_space<vmem>>[vector<16xi32>, vector<16xi32>], vector<16xf32>,
        %broadcast_in_dim3A_100 = arith.constant 2 : i32
        %broadcast_in_dim3A_101 = vector.broadcast %broadcast_in_dim3A_100 : i32 to vector<16xi32>
        %gather3A_102 = tpu.vector_load_idx %arg8[%add3A_94, %broadcast_in_dim3A_101] : memref<512x5xf32, #tpu.memory_space<vmem>>[vector<16xi32>, vector<16xi32>], vector<16xf32>,
        %broadcast_in_dim3A_103 = arith.constant 3 : i32
        %broadcast_in_dim3A_104 = vector.broadcast %broadcast_in_dim3A_103 : i32 to vector<16xi32>
        %gather3A_105 = tpu.vector_load_idx %arg8[%add3A_94, %broadcast_in_dim3A_104] : memref<512x5xf32, #tpu.memory_space<vmem>>[vector<16xi32>, vector<16xi32>], vector<16xf32>,
        %broadcast_in_dim3A_106 = arith.constant 4 : i32
        %broadcast_in_dim3A_107 = vector.broadcast %broadcast_in_dim3A_106 : i32 to vector<16xi32>
        %gather3A_108 = tpu.vector_load_idx %arg8[%add3A_94, %broadcast_in_dim3A_107] : memref<512x5xf32, #tpu.memory_space<vmem>>[vector<16xi32>, vector<16xi32>], vector<16xf32>,
        %gather3A_109 = tpu.vector_load_idx %arg9[%add3A_94] : memref<512xi32, #tpu.memory_space<vmem>>[vector<16xi32>], vector<16xi32>,
        %mul3A_110 = arith.constant 200 : i32
        %mul3A_111 = arith.muli %scan3A_86, %mul3A_110 : i32
        %broadcast_in_dim3A_112 = arith.constant 0.000000e+00 : f32
        %broadcast_in_dim3A_113 = vector.broadcast %broadcast_in_dim3A_112 : f32 to vector<16xf32>
        %broadcast_in_dim3A_114 = arith.constant 0.000000e+00 : f32
        %broadcast_in_dim3A_115 = vector.broadcast %broadcast_in_dim3A_114 : f32 to vector<16xf32>
        %add3A_116 = arith.constant 0 : i32
        %add3A_117 = arith.addi %mul3A_111, %add3A_116 : i32
        %add3A_118 = vector.broadcast %add3A_117 : i32 to vector<16xi32>
        %add3A_119 = arith.addi %iota3A, %add3A_118 : vector<16xi32>
        %broadcast_in_dim3A_120 = arith.constant 0 : i32
        %broadcast_in_dim3A_121 = vector.broadcast %broadcast_in_dim3A_120 : i32 to vector<16xi32>
        %gather3A_122 = tpu.vector_load_idx %arg13[%add3A_119, %broadcast_in_dim3A_121] : memref<3216x5xf32, #tpu.memory_space<vmem>>[vector<16xi32>, vector<16xi32>], vector<16xf32>,
        %mul3A_123 = arith.mulf %gather3A, %gather3A_122 : vector<16xf32>
        %broadcast_in_dim3A_124 = arith.constant 1 : i32
        %broadcast_in_dim3A_125 = vector.broadcast %broadcast_in_dim3A_124 : i32 to vector<16xi32>
        %gather3A_126 = tpu.vector_load_idx %arg13[%add3A_119, %broadcast_in_dim3A_125] : memref<3216x5xf32, #tpu.memory_space<vmem>>[vector<16xi32>, vector<16xi32>], vector<16xf32>,
        %mul3A_127 = arith.mulf %gather3A_99, %gather3A_126 : vector<16xf32>
        %add3A_128 = arith.addf %mul3A_123, %mul3A_127 : vector<16xf32>
        %broadcast_in_dim3A_129 = arith.constant 2 : i32
        %broadcast_in_dim3A_130 = vector.broadcast %broadcast_in_dim3A_129 : i32 to vector<16xi32>
        %gather3A_131 = tpu.vector_load_idx %arg13[%add3A_119, %broadcast_in_dim3A_130] : memref<3216x5xf32, #tpu.memory_space<vmem>>[vector<16xi32>, vector<16xi32>], vector<16xf32>,
        %mul3A_132 = arith.mulf %gather3A_102, %gather3A_131 : vector<16xf32>
        %add3A_133 = arith.addf %add3A_128, %mul3A_132 : vector<16xf32>
        %broadcast_in_dim3A_134 = arith.constant 3 : i32
        %broadcast_in_dim3A_135 = vector.broadcast %broadcast_in_dim3A_134 : i32 to vector<16xi32>
        %gather3A_136 = tpu.vector_load_idx %arg13[%add3A_119, %broadcast_in_dim3A_135] : memref<3216x5xf32, #tpu.memory_space<vmem>>[vector<16xi32>, vector<16xi32>], vector<16xf32>,
        %mul3A_137 = arith.mulf %gather3A_105, %gather3A_136 : vector<16xf32>
        %add3A_138 = arith.addf %add3A_133, %mul3A_137 : vector<16xf32>
        %broadcast_in_dim3A_139 = arith.constant 4 : i32
        %broadcast_in_dim3A_140 = vector.broadcast %broadcast_in_dim3A_139 : i32 to vector<16xi32>
        %gather3A_141 = tpu.vector_load_idx %arg13[%add3A_119, %broadcast_in_dim3A_140] : memref<3216x5xf32, #tpu.memory_space<vmem>>[vector<16xi32>, vector<16xi32>], vector<16xf32>,
        %mul3A_142 = arith.mulf %gather3A_108, %gather3A_141 : vector<16xf32>
        %add3A_143 = arith.addf %add3A_138, %mul3A_142 : vector<16xf32>
        %add3A_144 = arith.constant 0 : i32
        %add3A_145 = arith.addi %mul3A_111, %add3A_144 : i32
        %get3A = arith.index_cast %add3A_145 : i32 to index
        %get3A_146 = tpu.vector_load %arg11[%get3A] {strides = array<i32>} : memref<3216xi32, #tpu.memory_space<vmem>>, vector<16xi32>,
        %gt3A = arith.constant 0 : i32
        %gt3A_147 = vector.broadcast %gt3A : i32 to vector<16xi32>
        %gt3A_148 = arith.cmpi sgt, %get3A_146, %gt3A_147 : vector<16xi32>
        %mul3A_149 = arith.constant 1.44269502 : f32
        %mul3A_150 = vector.broadcast %mul3A_149 : f32 to vector<16xf32>
        %mul3A_151 = arith.mulf %add3A_143, %mul3A_150 : vector<16xf32>
        %ge3A = arith.constant 0.000000e+00 : f32
        %ge3A_152 = vector.broadcast %ge3A : f32 to vector<16xf32>
        %ge3A_153 = arith.cmpf oge, %mul3A_151, %ge3A_152 : vector<16xf32>
        %jit3A = arith.constant 5.000000e-01 : f32
        %jit3A_154 = arith.constant -5.000000e-01 : f32
        %broadcast_in_dim3A_155 = vector.broadcast %jit3A : f32 to vector<16xf32>
        %broadcast_in_dim3A_156 = vector.broadcast %jit3A_154 : f32 to vector<16xf32>
        %select_n3A = arith.select %ge3A_153, %broadcast_in_dim3A_155, %broadcast_in_dim3A_156 : vector<16xi1>, vector<16xf32>
        %add3A_157 = arith.addf %mul3A_151, %select_n3A : vector<16xf32>
        %convert_element_type3A_158 = arith.fptosi %add3A_157 : vector<16xf32> to vector<16xi32>
        %jit3A_159 = arith.constant -126 : i32
        %jit3A_160 = arith.constant 127 : i32
        %max3A = vector.broadcast %jit3A_159 : i32 to vector<16xi32>
        %max3A_161 = arith.maxsi %max3A, %convert_element_type3A_158 : vector<16xi32>
        %min3A = vector.broadcast %jit3A_160 : i32 to vector<16xi32>
        %min3A_162 = arith.minsi %min3A, %max3A_161 : vector<16xi32>
        %convert_element_type3A_163 = arith.sitofp %min3A_162 : vector<16xi32> to vector<16xf32>
        %mul3A_164 = arith.constant 0.693145751 : f32
        %mul3A_165 = vector.broadcast %mul3A_164 : f32 to vector<16xf32>
        %mul3A_166 = arith.mulf %convert_element_type3A_163, %mul3A_165 : vector<16xf32>
        %sub3A = arith.subf %add3A_143, %mul3A_166 : vector<16xf32>
        %mul3A_167 = arith.constant 1.42860677E-6 : f32
        %mul3A_168 = vector.broadcast %mul3A_167 : f32 to vector<16xf32>
        %mul3A_169 = arith.mulf %convert_element_type3A_163, %mul3A_168 : vector<16xf32>
        %sub3A_170 = arith.subf %sub3A, %mul3A_169 : vector<16xf32>
        %mul3A_171 = arith.constant 0.00833333377 : f32
        %mul3A_172 = vector.broadcast %mul3A_171 : f32 to vector<16xf32>
        %mul3A_173 = arith.mulf %mul3A_172, %sub3A_170 : vector<16xf32>
        %add3A_174 = arith.constant 0.0416666679 : f32
        %add3A_175 = vector.broadcast %add3A_174 : f32 to vector<16xf32>
        %add3A_176 = arith.addf %mul3A_173, %add3A_175 : vector<16xf32>
        %mul3A_177 = arith.mulf %add3A_176, %sub3A_170 : vector<16xf32>
        %add3A_178 = arith.constant 0.166666672 : f32
        %add3A_179 = vector.broadcast %add3A_178 : f32 to vector<16xf32>
        %add3A_180 = arith.addf %mul3A_177, %add3A_179 : vector<16xf32>
        %mul3A_181 = arith.mulf %add3A_180, %sub3A_170 : vector<16xf32>
        %add3A_182 = arith.constant 5.000000e-01 : f32
        %add3A_183 = vector.broadcast %add3A_182 : f32 to vector<16xf32>
        %add3A_184 = arith.addf %mul3A_181, %add3A_183 : vector<16xf32>
        %mul3A_185 = arith.mulf %add3A_184, %sub3A_170 : vector<16xf32>
        %add3A_186 = arith.constant 1.000000e+00 : f32
        %add3A_187 = vector.broadcast %add3A_186 : f32 to vector<16xf32>
        %add3A_188 = arith.addf %mul3A_185, %add3A_187 : vector<16xf32>
        %mul3A_189 = arith.mulf %add3A_188, %sub3A_170 : vector<16xf32>
        %add3A_190 = arith.constant 1.000000e+00 : f32
        %add3A_191 = vector.broadcast %add3A_190 : f32 to vector<16xf32>
        %add3A_192 = arith.addf %mul3A_189, %add3A_191 : vector<16xf32>
        %add3A_193 = arith.constant 127 : i32
        %add3A_194 = vector.broadcast %add3A_193 : i32 to vector<16xi32>
        %add3A_195 = arith.addi %min3A_162, %add3A_194 : vector<16xi32>
        %shift_left3A = arith.constant 23 : i32
        %shift_left3A_196 = vector.broadcast %shift_left3A : i32 to vector<16xi32>
        %shift_left3A_197 = arith.shli %add3A_195, %shift_left3A_196 : vector<16xi32>
        %bitcast_convert_type3A = tpu.bitcast %shift_left3A_197 : vector<16xi32> -> vector<16xf32>
        %mul3A_198 = arith.mulf %add3A_192, %bitcast_convert_type3A : vector<16xf32>
        %jit3A_199 = arith.constant 0.000000e+00 : f32
        %broadcast_in_dim3A_200 = vector.broadcast %jit3A_199 : f32 to vector<16xf32>
        %select_n3A_201 = arith.select %gt3A_148, %mul3A_198, %broadcast_in_dim3A_200 : vector<16xi1>, vector<16xf32>
        %add3A_202 = arith.addf %broadcast_in_dim3A_113, %select_n3A_201 : vector<16xf32>
        %add3A_203 = arith.constant 0 : i32
        %add3A_204 = vector.broadcast %add3A_203 : i32 to vector<16xi32>
        %add3A_205 = arith.addi %iota3A, %add3A_204 : vector<16xi32>
        %eq3A = arith.cmpi eq, %add3A_205, %gather3A_109 : vector<16xi32>
        %jit3A_206 = arith.constant 0.000000e+00 : f32
        %broadcast_in_dim3A_207 = vector.broadcast %jit3A_206 : f32 to vector<16xf32>
        %select_n3A_208 = arith.select %eq3A, %select_n3A_201, %broadcast_in_dim3A_207 : vector<16xi1>, vector<16xf32>
        %add3A_209 = arith.addf %broadcast_in_dim3A_115, %select_n3A_208 : vector<16xf32>
        %add3A_210 = arith.constant 16 : i32
        %add3A_211 = arith.addi %mul3A_111, %add3A_210 : i32
        %add3A_212 = vector.broadcast %add3A_211 : i32 to vector<16xi32>
        %add3A_213 = arith.addi %iota3A, %add3A_212 : vector<16xi32>
        %broadcast_in_dim3A_214 = arith.constant 0 : i32
        %broadcast_in_dim3A_215 = vector.broadcast %broadcast_in_dim3A_214 : i32 to vector<16xi32>
        %gather3A_216 = tpu.vector_load_idx %arg13[%add3A_213, %broadcast_in_dim3A_215] : memref<3216x5xf32, #tpu.memory_space<vmem>>[vector<16xi32>, vector<16xi32>], vector<16xf32>,
        %mul3A_217 = arith.mulf %gather3A, %gather3A_216 : vector<16xf32>
        %broadcast_in_dim3A_218 = arith.constant 1 : i32
        %broadcast_in_dim3A_219 = vector.broadcast %broadcast_in_dim3A_218 : i32 to vector<16xi32>
        %gather3A_220 = tpu.vector_load_idx %arg13[%add3A_213, %broadcast_in_dim3A_219] : memref<3216x5xf32, #tpu.memory_space<vmem>>[vector<16xi32>, vector<16xi32>], vector<16xf32>,
        %mul3A_221 = arith.mulf %gather3A_99, %gather3A_220 : vector<16xf32>
        %add3A_222 = arith.addf %mul3A_217, %mul3A_221 : vector<16xf32>
        %broadcast_in_dim3A_223 = arith.constant 2 : i32
        %broadcast_in_dim3A_224 = vector.broadcast %broadcast_in_dim3A_223 : i32 to vector<16xi32>
        %gather3A_225 = tpu.vector_load_idx %arg13[%add3A_213, %broadcast_in_dim3A_224] : memref<3216x5xf32, #tpu.memory_space<vmem>>[vector<16xi32>, vector<16xi32>], vector<16xf32>,
        %mul3A_226 = arith.mulf %gather3A_102, %gather3A_225 : vector<16xf32>
        %add3A_227 = arith.addf %add3A_222, %mul3A_226 : vector<16xf32>
        %broadcast_in_dim3A_228 = arith.constant 3 : i32
        %broadcast_in_dim3A_229 = vector.broadcast %broadcast_in_dim3A_228 : i32 to vector<16xi32>
        %gather3A_230 = tpu.vector_load_idx %arg13[%add3A_213, %broadcast_in_dim3A_229] : memref<3216x5xf32, #tpu.memory_space<vmem>>[vector<16xi32>, vector<16xi32>], vector<16xf32>,
        %mul3A_231 = arith.mulf %gather3A_105, %gather3A_230 : vector<16xf32>
        %add3A_232 = arith.addf %add3A_227, %mul3A_231 : vector<16xf32>
        %broadcast_in_dim3A_233 = arith.constant 4 : i32
        %broadcast_in_dim3A_234 = vector.broadcast %broadcast_in_dim3A_233 : i32 to vector<16xi32>
        %gather3A_235 = tpu.vector_load_idx %arg13[%add3A_213, %broadcast_in_dim3A_234] : memref<3216x5xf32, #tpu.memory_space<vmem>>[vector<16xi32>, vector<16xi32>], vector<16xf32>,
        %mul3A_236 = arith.mulf %gather3A_108, %gather3A_235 : vector<16xf32>
        %add3A_237 = arith.addf %add3A_232, %mul3A_236 : vector<16xf32>
        %add3A_238 = arith.constant 16 : i32
        %add3A_239 = arith.addi %mul3A_111, %add3A_238 : i32
        %get3A_240 = arith.index_cast %add3A_239 : i32 to index
        %get3A_241 = tpu.vector_load %arg11[%get3A_240] {strides = array<i32>} : memref<3216xi32, #tpu.memory_space<vmem>>, vector<16xi32>,
        %gt3A_242 = arith.constant 0 : i32
        %gt3A_243 = vector.broadcast %gt3A_242 : i32 to vector<16xi32>
        %gt3A_244 = arith.cmpi sgt, %get3A_241, %gt3A_243 : vector<16xi32>
        %mul3A_245 = arith.constant 1.44269502 : f32
        %mul3A_246 = vector.broadcast %mul3A_245 : f32 to vector<16xf32>
        %mul3A_247 = arith.mulf %add3A_237, %mul3A_246 : vector<16xf32>
        %ge3A_248 = arith.constant 0.000000e+00 : f32
        %ge3A_249 = vector.broadcast %ge3A_248 : f32 to vector<16xf32>
        %ge3A_250 = arith.cmpf oge, %mul3A_247, %ge3A_249 : vector<16xf32>
        %jit3A_251 = arith.constant 5.000000e-01 : f32
        %jit3A_252 = arith.constant -5.000000e-01 : f32
        %broadcast_in_dim3A_253 = vector.broadcast %jit3A_251 : f32 to vector<16xf32>
        %broadcast_in_dim3A_254 = vector.broadcast %jit3A_252 : f32 to vector<16xf32>
        %select_n3A_255 = arith.select %ge3A_250, %broadcast_in_dim3A_253, %broadcast_in_dim3A_254 : vector<16xi1>, vector<16xf32>
        %add3A_256 = arith.addf %mul3A_247, %select_n3A_255 : vector<16xf32>
        %convert_element_type3A_257 = arith.fptosi %add3A_256 : vector<16xf32> to vector<16xi32>
        %jit3A_258 = arith.constant -126 : i32
        %jit3A_259 = arith.constant 127 : i32
        %max3A_260 = vector.broadcast %jit3A_258 : i32 to vector<16xi32>
        %max3A_261 = arith.maxsi %max3A_260, %convert_element_type3A_257 : vector<16xi32>
        %min3A_262 = vector.broadcast %jit3A_259 : i32 to vector<16xi32>
        %min3A_263 = arith.minsi %min3A_262, %max3A_261 : vector<16xi32>
        %convert_element_type3A_264 = arith.sitofp %min3A_263 : vector<16xi32> to vector<16xf32>
        %mul3A_265 = arith.constant 0.693145751 : f32
        %mul3A_266 = vector.broadcast %mul3A_265 : f32 to vector<16xf32>
        %mul3A_267 = arith.mulf %convert_element_type3A_264, %mul3A_266 : vector<16xf32>
        %sub3A_268 = arith.subf %add3A_237, %mul3A_267 : vector<16xf32>
        %mul3A_269 = arith.constant 1.42860677E-6 : f32
        %mul3A_270 = vector.broadcast %mul3A_269 : f32 to vector<16xf32>
        %mul3A_271 = arith.mulf %convert_element_type3A_264, %mul3A_270 : vector<16xf32>
        %sub3A_272 = arith.subf %sub3A_268, %mul3A_271 : vector<16xf32>
        %mul3A_273 = arith.constant 0.00833333377 : f32
        %mul3A_274 = vector.broadcast %mul3A_273 : f32 to vector<16xf32>
        %mul3A_275 = arith.mulf %mul3A_274, %sub3A_272 : vector<16xf32>
        %add3A_276 = arith.constant 0.0416666679 : f32
        %add3A_277 = vector.broadcast %add3A_276 : f32 to vector<16xf32>
        %add3A_278 = arith.addf %mul3A_275, %add3A_277 : vector<16xf32>
        %mul3A_279 = arith.mulf %add3A_278, %sub3A_272 : vector<16xf32>
        %add3A_280 = arith.constant 0.166666672 : f32
        %add3A_281 = vector.broadcast %add3A_280 : f32 to vector<16xf32>
        %add3A_282 = arith.addf %mul3A_279, %add3A_281 : vector<16xf32>
        %mul3A_283 = arith.mulf %add3A_282, %sub3A_272 : vector<16xf32>
        %add3A_284 = arith.constant 5.000000e-01 : f32
        %add3A_285 = vector.broadcast %add3A_284 : f32 to vector<16xf32>
        %add3A_286 = arith.addf %mul3A_283, %add3A_285 : vector<16xf32>
        %mul3A_287 = arith.mulf %add3A_286, %sub3A_272 : vector<16xf32>
        %add3A_288 = arith.constant 1.000000e+00 : f32
        %add3A_289 = vector.broadcast %add3A_288 : f32 to vector<16xf32>
        %add3A_290 = arith.addf %mul3A_287, %add3A_289 : vector<16xf32>
        %mul3A_291 = arith.mulf %add3A_290, %sub3A_272 : vector<16xf32>
        %add3A_292 = arith.constant 1.000000e+00 : f32
        %add3A_293 = vector.broadcast %add3A_292 : f32 to vector<16xf32>
        %add3A_294 = arith.addf %mul3A_291, %add3A_293 : vector<16xf32>
        %add3A_295 = arith.constant 127 : i32
        %add3A_296 = vector.broadcast %add3A_295 : i32 to vector<16xi32>
        %add3A_297 = arith.addi %min3A_263, %add3A_296 : vector<16xi32>
        %shift_left3A_298 = arith.constant 23 : i32
        %shift_left3A_299 = vector.broadcast %shift_left3A_298 : i32 to vector<16xi32>
        %shift_left3A_300 = arith.shli %add3A_297, %shift_left3A_299 : vector<16xi32>
        %bitcast_convert_type3A_301 = tpu.bitcast %shift_left3A_300 : vector<16xi32> -> vector<16xf32>
        %mul3A_302 = arith.mulf %add3A_294, %bitcast_convert_type3A_301 : vector<16xf32>
        %jit3A_303 = arith.constant 0.000000e+00 : f32
        %broadcast_in_dim3A_304 = vector.broadcast %jit3A_303 : f32 to vector<16xf32>
        %select_n3A_305 = arith.select %gt3A_244, %mul3A_302, %broadcast_in_dim3A_304 : vector<16xi1>, vector<16xf32>
        %add3A_306 = arith.addf %add3A_202, %select_n3A_305 : vector<16xf32>
        %add3A_307 = arith.constant 16 : i32
        %add3A_308 = vector.broadcast %add3A_307 : i32 to vector<16xi32>
        %add3A_309 = arith.addi %iota3A, %add3A_308 : vector<16xi32>
        %eq3A_310 = arith.cmpi eq, %add3A_309, %gather3A_109 : vector<16xi32>
        %jit3A_311 = arith.constant 0.000000e+00 : f32
        %broadcast_in_dim3A_312 = vector.broadcast %jit3A_311 : f32 to vector<16xf32>
        %select_n3A_313 = arith.select %eq3A_310, %select_n3A_305, %broadcast_in_dim3A_312 : vector<16xi1>, vector<16xf32>
        %add3A_314 = arith.addf %add3A_209, %select_n3A_313 : vector<16xf32>
        %add3A_315 = arith.constant 32 : i32
        %add3A_316 = arith.addi %mul3A_111, %add3A_315 : i32
        %add3A_317 = vector.broadcast %add3A_316 : i32 to vector<16xi32>
        %add3A_318 = arith.addi %iota3A, %add3A_317 : vector<16xi32>
        %broadcast_in_dim3A_319 = arith.constant 0 : i32
        %broadcast_in_dim3A_320 = vector.broadcast %broadcast_in_dim3A_319 : i32 to vector<16xi32>
        %gather3A_321 = tpu.vector_load_idx %arg13[%add3A_318, %broadcast_in_dim3A_320] : memref<3216x5xf32, #tpu.memory_space<vmem>>[vector<16xi32>, vector<16xi32>], vector<16xf32>,
        %mul3A_322 = arith.mulf %gather3A, %gather3A_321 : vector<16xf32>
        %broadcast_in_dim3A_323 = arith.constant 1 : i32
        %broadcast_in_dim3A_324 = vector.broadcast %broadcast_in_dim3A_323 : i32 to vector<16xi32>
        %gather3A_325 = tpu.vector_load_idx %arg13[%add3A_318, %broadcast_in_dim3A_324] : memref<3216x5xf32, #tpu.memory_space<vmem>>[vector<16xi32>, vector<16xi32>], vector<16xf32>,
        %mul3A_326 = arith.mulf %gather3A_99, %gather3A_325 : vector<16xf32>
        %add3A_327 = arith.addf %mul3A_322, %mul3A_326 : vector<16xf32>
        %broadcast_in_dim3A_328 = arith.constant 2 : i32
        %broadcast_in_dim3A_329 = vector.broadcast %broadcast_in_dim3A_328 : i32 to vector<16xi32>
        %gather3A_330 = tpu.vector_load_idx %arg13[%add3A_318, %broadcast_in_dim3A_329] : memref<3216x5xf32, #tpu.memory_space<vmem>>[vector<16xi32>, vector<16xi32>], vector<16xf32>,
        %mul3A_331 = arith.mulf %gather3A_102, %gather3A_330 : vector<16xf32>
        %add3A_332 = arith.addf %add3A_327, %mul3A_331 : vector<16xf32>
        %broadcast_in_dim3A_333 = arith.constant 3 : i32
        %broadcast_in_dim3A_334 = vector.broadcast %broadcast_in_dim3A_333 : i32 to vector<16xi32>
        %gather3A_335 = tpu.vector_load_idx %arg13[%add3A_318, %broadcast_in_dim3A_334] : memref<3216x5xf32, #tpu.memory_space<vmem>>[vector<16xi32>, vector<16xi32>], vector<16xf32>,
        %mul3A_336 = arith.mulf %gather3A_105, %gather3A_335 : vector<16xf32>
        %add3A_337 = arith.addf %add3A_332, %mul3A_336 : vector<16xf32>
        %broadcast_in_dim3A_338 = arith.constant 4 : i32
        %broadcast_in_dim3A_339 = vector.broadcast %broadcast_in_dim3A_338 : i32 to vector<16xi32>
        %gather3A_340 = tpu.vector_load_idx %arg13[%add3A_318, %broadcast_in_dim3A_339] : memref<3216x5xf32, #tpu.memory_space<vmem>>[vector<16xi32>, vector<16xi32>], vector<16xf32>,
        %mul3A_341 = arith.mulf %gather3A_108, %gather3A_340 : vector<16xf32>
        %add3A_342 = arith.addf %add3A_337, %mul3A_341 : vector<16xf32>
        %add3A_343 = arith.constant 32 : i32
        %add3A_344 = arith.addi %mul3A_111, %add3A_343 : i32
        %get3A_345 = arith.index_cast %add3A_344 : i32 to index
        %get3A_346 = tpu.vector_load %arg11[%get3A_345] {strides = array<i32>} : memref<3216xi32, #tpu.memory_space<vmem>>, vector<16xi32>,
        %gt3A_347 = arith.constant 0 : i32
        %gt3A_348 = vector.broadcast %gt3A_347 : i32 to vector<16xi32>
        %gt3A_349 = arith.cmpi sgt, %get3A_346, %gt3A_348 : vector<16xi32>
        %mul3A_350 = arith.constant 1.44269502 : f32
        %mul3A_351 = vector.broadcast %mul3A_350 : f32 to vector<16xf32>
        %mul3A_352 = arith.mulf %add3A_342, %mul3A_351 : vector<16xf32>
        %ge3A_353 = arith.constant 0.000000e+00 : f32
        %ge3A_354 = vector.broadcast %ge3A_353 : f32 to vector<16xf32>
        %ge3A_355 = arith.cmpf oge, %mul3A_352, %ge3A_354 : vector<16xf32>
        %jit3A_356 = arith.constant 5.000000e-01 : f32
        %jit3A_357 = arith.constant -5.000000e-01 : f32
        %broadcast_in_dim3A_358 = vector.broadcast %jit3A_356 : f32 to vector<16xf32>
        %broadcast_in_dim3A_359 = vector.broadcast %jit3A_357 : f32 to vector<16xf32>
        %select_n3A_360 = arith.select %ge3A_355, %broadcast_in_dim3A_358, %broadcast_in_dim3A_359 : vector<16xi1>, vector<16xf32>
        %add3A_361 = arith.addf %mul3A_352, %select_n3A_360 : vector<16xf32>
        %convert_element_type3A_362 = arith.fptosi %add3A_361 : vector<16xf32> to vector<16xi32>
        %jit3A_363 = arith.constant -126 : i32
        %jit3A_364 = arith.constant 127 : i32
        %max3A_365 = vector.broadcast %jit3A_363 : i32 to vector<16xi32>
        %max3A_366 = arith.maxsi %max3A_365, %convert_element_type3A_362 : vector<16xi32>
        %min3A_367 = vector.broadcast %jit3A_364 : i32 to vector<16xi32>
        %min3A_368 = arith.minsi %min3A_367, %max3A_366 : vector<16xi32>
        %convert_element_type3A_369 = arith.sitofp %min3A_368 : vector<16xi32> to vector<16xf32>
        %mul3A_370 = arith.constant 0.693145751 : f32
        %mul3A_371 = vector.broadcast %mul3A_370 : f32 to vector<16xf32>
        %mul3A_372 = arith.mulf %convert_element_type3A_369, %mul3A_371 : vector<16xf32>
        %sub3A_373 = arith.subf %add3A_342, %mul3A_372 : vector<16xf32>
        %mul3A_374 = arith.constant 1.42860677E-6 : f32
        %mul3A_375 = vector.broadcast %mul3A_374 : f32 to vector<16xf32>
        %mul3A_376 = arith.mulf %convert_element_type3A_369, %mul3A_375 : vector<16xf32>
        %sub3A_377 = arith.subf %sub3A_373, %mul3A_376 : vector<16xf32>
        %mul3A_378 = arith.constant 0.00833333377 : f32
        %mul3A_379 = vector.broadcast %mul3A_378 : f32 to vector<16xf32>
        %mul3A_380 = arith.mulf %mul3A_379, %sub3A_377 : vector<16xf32>
        %add3A_381 = arith.constant 0.0416666679 : f32
        %add3A_382 = vector.broadcast %add3A_381 : f32 to vector<16xf32>
        %add3A_383 = arith.addf %mul3A_380, %add3A_382 : vector<16xf32>
        %mul3A_384 = arith.mulf %add3A_383, %sub3A_377 : vector<16xf32>
        %add3A_385 = arith.constant 0.166666672 : f32
        %add3A_386 = vector.broadcast %add3A_385 : f32 to vector<16xf32>
        %add3A_387 = arith.addf %mul3A_384, %add3A_386 : vector<16xf32>
        %mul3A_388 = arith.mulf %add3A_387, %sub3A_377 : vector<16xf32>
        %add3A_389 = arith.constant 5.000000e-01 : f32
        %add3A_390 = vector.broadcast %add3A_389 : f32 to vector<16xf32>
        %add3A_391 = arith.addf %mul3A_388, %add3A_390 : vector<16xf32>
        %mul3A_392 = arith.mulf %add3A_391, %sub3A_377 : vector<16xf32>
        %add3A_393 = arith.constant 1.000000e+00 : f32
        %add3A_394 = vector.broadcast %add3A_393 : f32 to vector<16xf32>
        %add3A_395 = arith.addf %mul3A_392, %add3A_394 : vector<16xf32>
        %mul3A_396 = arith.mulf %add3A_395, %sub3A_377 : vector<16xf32>
        %add3A_397 = arith.constant 1.000000e+00 : f32
        %add3A_398 = vector.broadcast %add3A_397 : f32 to vector<16xf32>
        %add3A_399 = arith.addf %mul3A_396, %add3A_398 : vector<16xf32>
        %add3A_400 = arith.constant 127 : i32
        %add3A_401 = vector.broadcast %add3A_400 : i32 to vector<16xi32>
        %add3A_402 = arith.addi %min3A_368, %add3A_401 : vector<16xi32>
        %shift_left3A_403 = arith.constant 23 : i32
        %shift_left3A_404 = vector.broadcast %shift_left3A_403 : i32 to vector<16xi32>
        %shift_left3A_405 = arith.shli %add3A_402, %shift_left3A_404 : vector<16xi32>
        %bitcast_convert_type3A_406 = tpu.bitcast %shift_left3A_405 : vector<16xi32> -> vector<16xf32>
        %mul3A_407 = arith.mulf %add3A_399, %bitcast_convert_type3A_406 : vector<16xf32>
        %jit3A_408 = arith.constant 0.000000e+00 : f32
        %broadcast_in_dim3A_409 = vector.broadcast %jit3A_408 : f32 to vector<16xf32>
        %select_n3A_410 = arith.select %gt3A_349, %mul3A_407, %broadcast_in_dim3A_409 : vector<16xi1>, vector<16xf32>
        %add3A_411 = arith.addf %add3A_306, %select_n3A_410 : vector<16xf32>
        %add3A_412 = arith.constant 32 : i32
        %add3A_413 = vector.broadcast %add3A_412 : i32 to vector<16xi32>
        %add3A_414 = arith.addi %iota3A, %add3A_413 : vector<16xi32>
        %eq3A_415 = arith.cmpi eq, %add3A_414, %gather3A_109 : vector<16xi32>
        %jit3A_416 = arith.constant 0.000000e+00 : f32
        %broadcast_in_dim3A_417 = vector.broadcast %jit3A_416 : f32 to vector<16xf32>
        %select_n3A_418 = arith.select %eq3A_415, %select_n3A_410, %broadcast_in_dim3A_417 : vector<16xi1>, vector<16xf32>
        %add3A_419 = arith.addf %add3A_314, %select_n3A_418 : vector<16xf32>
        %add3A_420 = arith.constant 48 : i32
        %add3A_421 = arith.addi %mul3A_111, %add3A_420 : i32
        %add3A_422 = vector.broadcast %add3A_421 : i32 to vector<16xi32>
        %add3A_423 = arith.addi %iota3A, %add3A_422 : vector<16xi32>
        %broadcast_in_dim3A_424 = arith.constant 0 : i32
        %broadcast_in_dim3A_425 = vector.broadcast %broadcast_in_dim3A_424 : i32 to vector<16xi32>
        %gather3A_426 = tpu.vector_load_idx %arg13[%add3A_423, %broadcast_in_dim3A_425] : memref<3216x5xf32, #tpu.memory_space<vmem>>[vector<16xi32>, vector<16xi32>], vector<16xf32>,
        %mul3A_427 = arith.mulf %gather3A, %gather3A_426 : vector<16xf32>
        %broadcast_in_dim3A_428 = arith.constant 1 : i32
        %broadcast_in_dim3A_429 = vector.broadcast %broadcast_in_dim3A_428 : i32 to vector<16xi32>
        %gather3A_430 = tpu.vector_load_idx %arg13[%add3A_423, %broadcast_in_dim3A_429] : memref<3216x5xf32, #tpu.memory_space<vmem>>[vector<16xi32>, vector<16xi32>], vector<16xf32>,
        %mul3A_431 = arith.mulf %gather3A_99, %gather3A_430 : vector<16xf32>
        %add3A_432 = arith.addf %mul3A_427, %mul3A_431 : vector<16xf32>
        %broadcast_in_dim3A_433 = arith.constant 2 : i32
        %broadcast_in_dim3A_434 = vector.broadcast %broadcast_in_dim3A_433 : i32 to vector<16xi32>
        %gather3A_435 = tpu.vector_load_idx %arg13[%add3A_423, %broadcast_in_dim3A_434] : memref<3216x5xf32, #tpu.memory_space<vmem>>[vector<16xi32>, vector<16xi32>], vector<16xf32>,
        %mul3A_436 = arith.mulf %gather3A_102, %gather3A_435 : vector<16xf32>
        %add3A_437 = arith.addf %add3A_432, %mul3A_436 : vector<16xf32>
        %broadcast_in_dim3A_438 = arith.constant 3 : i32
        %broadcast_in_dim3A_439 = vector.broadcast %broadcast_in_dim3A_438 : i32 to vector<16xi32>
        %gather3A_440 = tpu.vector_load_idx %arg13[%add3A_423, %broadcast_in_dim3A_439] : memref<3216x5xf32, #tpu.memory_space<vmem>>[vector<16xi32>, vector<16xi32>], vector<16xf32>,
        %mul3A_441 = arith.mulf %gather3A_105, %gather3A_440 : vector<16xf32>
        %add3A_442 = arith.addf %add3A_437, %mul3A_441 : vector<16xf32>
        %broadcast_in_dim3A_443 = arith.constant 4 : i32
        %broadcast_in_dim3A_444 = vector.broadcast %broadcast_in_dim3A_443 : i32 to vector<16xi32>
        %gather3A_445 = tpu.vector_load_idx %arg13[%add3A_423, %broadcast_in_dim3A_444] : memref<3216x5xf32, #tpu.memory_space<vmem>>[vector<16xi32>, vector<16xi32>], vector<16xf32>,
        %mul3A_446 = arith.mulf %gather3A_108, %gather3A_445 : vector<16xf32>
        %add3A_447 = arith.addf %add3A_442, %mul3A_446 : vector<16xf32>
        %add3A_448 = arith.constant 48 : i32
        %add3A_449 = arith.addi %mul3A_111, %add3A_448 : i32
        %get3A_450 = arith.index_cast %add3A_449 : i32 to index
        %get3A_451 = tpu.vector_load %arg11[%get3A_450] {strides = array<i32>} : memref<3216xi32, #tpu.memory_space<vmem>>, vector<16xi32>,
        %gt3A_452 = arith.constant 0 : i32
        %gt3A_453 = vector.broadcast %gt3A_452 : i32 to vector<16xi32>
        %gt3A_454 = arith.cmpi sgt, %get3A_451, %gt3A_453 : vector<16xi32>
        %mul3A_455 = arith.constant 1.44269502 : f32
        %mul3A_456 = vector.broadcast %mul3A_455 : f32 to vector<16xf32>
        %mul3A_457 = arith.mulf %add3A_447, %mul3A_456 : vector<16xf32>
        %ge3A_458 = arith.constant 0.000000e+00 : f32
        %ge3A_459 = vector.broadcast %ge3A_458 : f32 to vector<16xf32>
        %ge3A_460 = arith.cmpf oge, %mul3A_457, %ge3A_459 : vector<16xf32>
        %jit3A_461 = arith.constant 5.000000e-01 : f32
        %jit3A_462 = arith.constant -5.000000e-01 : f32
        %broadcast_in_dim3A_463 = vector.broadcast %jit3A_461 : f32 to vector<16xf32>
        %broadcast_in_dim3A_464 = vector.broadcast %jit3A_462 : f32 to vector<16xf32>
        %select_n3A_465 = arith.select %ge3A_460, %broadcast_in_dim3A_463, %broadcast_in_dim3A_464 : vector<16xi1>, vector<16xf32>
        %add3A_466 = arith.addf %mul3A_457, %select_n3A_465 : vector<16xf32>
        %convert_element_type3A_467 = arith.fptosi %add3A_466 : vector<16xf32> to vector<16xi32>
        %jit3A_468 = arith.constant -126 : i32
        %jit3A_469 = arith.constant 127 : i32
        %max3A_470 = vector.broadcast %jit3A_468 : i32 to vector<16xi32>
        %max3A_471 = arith.maxsi %max3A_470, %convert_element_type3A_467 : vector<16xi32>
        %min3A_472 = vector.broadcast %jit3A_469 : i32 to vector<16xi32>
        %min3A_473 = arith.minsi %min3A_472, %max3A_471 : vector<16xi32>
        %convert_element_type3A_474 = arith.sitofp %min3A_473 : vector<16xi32> to vector<16xf32>
        %mul3A_475 = arith.constant 0.693145751 : f32
        %mul3A_476 = vector.broadcast %mul3A_475 : f32 to vector<16xf32>
        %mul3A_477 = arith.mulf %convert_element_type3A_474, %mul3A_476 : vector<16xf32>
        %sub3A_478 = arith.subf %add3A_447, %mul3A_477 : vector<16xf32>
        %mul3A_479 = arith.constant 1.42860677E-6 : f32
        %mul3A_480 = vector.broadcast %mul3A_479 : f32 to vector<16xf32>
        %mul3A_481 = arith.mulf %convert_element_type3A_474, %mul3A_480 : vector<16xf32>
        %sub3A_482 = arith.subf %sub3A_478, %mul3A_481 : vector<16xf32>
        %mul3A_483 = arith.constant 0.00833333377 : f32
        %mul3A_484 = vector.broadcast %mul3A_483 : f32 to vector<16xf32>
        %mul3A_485 = arith.mulf %mul3A_484, %sub3A_482 : vector<16xf32>
        %add3A_486 = arith.constant 0.0416666679 : f32
        %add3A_487 = vector.broadcast %add3A_486 : f32 to vector<16xf32>
        %add3A_488 = arith.addf %mul3A_485, %add3A_487 : vector<16xf32>
        %mul3A_489 = arith.mulf %add3A_488, %sub3A_482 : vector<16xf32>
        %add3A_490 = arith.constant 0.166666672 : f32
        %add3A_491 = vector.broadcast %add3A_490 : f32 to vector<16xf32>
        %add3A_492 = arith.addf %mul3A_489, %add3A_491 : vector<16xf32>
        %mul3A_493 = arith.mulf %add3A_492, %sub3A_482 : vector<16xf32>
        %add3A_494 = arith.constant 5.000000e-01 : f32
        %add3A_495 = vector.broadcast %add3A_494 : f32 to vector<16xf32>
        %add3A_496 = arith.addf %mul3A_493, %add3A_495 : vector<16xf32>
        %mul3A_497 = arith.mulf %add3A_496, %sub3A_482 : vector<16xf32>
        %add3A_498 = arith.constant 1.000000e+00 : f32
        %add3A_499 = vector.broadcast %add3A_498 : f32 to vector<16xf32>
        %add3A_500 = arith.addf %mul3A_497, %add3A_499 : vector<16xf32>
        %mul3A_501 = arith.mulf %add3A_500, %sub3A_482 : vector<16xf32>
        %add3A_502 = arith.constant 1.000000e+00 : f32
        %add3A_503 = vector.broadcast %add3A_502 : f32 to vector<16xf32>
        %add3A_504 = arith.addf %mul3A_501, %add3A_503 : vector<16xf32>
        %add3A_505 = arith.constant 127 : i32
        %add3A_506 = vector.broadcast %add3A_505 : i32 to vector<16xi32>
        %add3A_507 = arith.addi %min3A_473, %add3A_506 : vector<16xi32>
        %shift_left3A_508 = arith.constant 23 : i32
        %shift_left3A_509 = vector.broadcast %shift_left3A_508 : i32 to vector<16xi32>
        %shift_left3A_510 = arith.shli %add3A_507, %shift_left3A_509 : vector<16xi32>
        %bitcast_convert_type3A_511 = tpu.bitcast %shift_left3A_510 : vector<16xi32> -> vector<16xf32>
        %mul3A_512 = arith.mulf %add3A_504, %bitcast_convert_type3A_511 : vector<16xf32>
        %jit3A_513 = arith.constant 0.000000e+00 : f32
        %broadcast_in_dim3A_514 = vector.broadcast %jit3A_513 : f32 to vector<16xf32>
        %select_n3A_515 = arith.select %gt3A_454, %mul3A_512, %broadcast_in_dim3A_514 : vector<16xi1>, vector<16xf32>
        %add3A_516 = arith.addf %add3A_411, %select_n3A_515 : vector<16xf32>
        %add3A_517 = arith.constant 48 : i32
        %add3A_518 = vector.broadcast %add3A_517 : i32 to vector<16xi32>
        %add3A_519 = arith.addi %iota3A, %add3A_518 : vector<16xi32>
        %eq3A_520 = arith.cmpi eq, %add3A_519, %gather3A_109 : vector<16xi32>
        %jit3A_521 = arith.constant 0.000000e+00 : f32
        %broadcast_in_dim3A_522 = vector.broadcast %jit3A_521 : f32 to vector<16xf32>
        %select_n3A_523 = arith.select %eq3A_520, %select_n3A_515, %broadcast_in_dim3A_522 : vector<16xi1>, vector<16xf32>
        %add3A_524 = arith.addf %add3A_419, %select_n3A_523 : vector<16xf32>
        %add3A_525 = arith.constant 64 : i32
        %add3A_526 = arith.addi %mul3A_111, %add3A_525 : i32
        %add3A_527 = vector.broadcast %add3A_526 : i32 to vector<16xi32>
        %add3A_528 = arith.addi %iota3A, %add3A_527 : vector<16xi32>
        %broadcast_in_dim3A_529 = arith.constant 0 : i32
        %broadcast_in_dim3A_530 = vector.broadcast %broadcast_in_dim3A_529 : i32 to vector<16xi32>
        %gather3A_531 = tpu.vector_load_idx %arg13[%add3A_528, %broadcast_in_dim3A_530] : memref<3216x5xf32, #tpu.memory_space<vmem>>[vector<16xi32>, vector<16xi32>], vector<16xf32>,
        %mul3A_532 = arith.mulf %gather3A, %gather3A_531 : vector<16xf32>
        %broadcast_in_dim3A_533 = arith.constant 1 : i32
        %broadcast_in_dim3A_534 = vector.broadcast %broadcast_in_dim3A_533 : i32 to vector<16xi32>
        %gather3A_535 = tpu.vector_load_idx %arg13[%add3A_528, %broadcast_in_dim3A_534] : memref<3216x5xf32, #tpu.memory_space<vmem>>[vector<16xi32>, vector<16xi32>], vector<16xf32>,
        %mul3A_536 = arith.mulf %gather3A_99, %gather3A_535 : vector<16xf32>
        %add3A_537 = arith.addf %mul3A_532, %mul3A_536 : vector<16xf32>
        %broadcast_in_dim3A_538 = arith.constant 2 : i32
        %broadcast_in_dim3A_539 = vector.broadcast %broadcast_in_dim3A_538 : i32 to vector<16xi32>
        %gather3A_540 = tpu.vector_load_idx %arg13[%add3A_528, %broadcast_in_dim3A_539] : memref<3216x5xf32, #tpu.memory_space<vmem>>[vector<16xi32>, vector<16xi32>], vector<16xf32>,
        %mul3A_541 = arith.mulf %gather3A_102, %gather3A_540 : vector<16xf32>
        %add3A_542 = arith.addf %add3A_537, %mul3A_541 : vector<16xf32>
        %broadcast_in_dim3A_543 = arith.constant 3 : i32
        %broadcast_in_dim3A_544 = vector.broadcast %broadcast_in_dim3A_543 : i32 to vector<16xi32>
        %gather3A_545 = tpu.vector_load_idx %arg13[%add3A_528, %broadcast_in_dim3A_544] : memref<3216x5xf32, #tpu.memory_space<vmem>>[vector<16xi32>, vector<16xi32>], vector<16xf32>,
        %mul3A_546 = arith.mulf %gather3A_105, %gather3A_545 : vector<16xf32>
        %add3A_547 = arith.addf %add3A_542, %mul3A_546 : vector<16xf32>
        %broadcast_in_dim3A_548 = arith.constant 4 : i32
        %broadcast_in_dim3A_549 = vector.broadcast %broadcast_in_dim3A_548 : i32 to vector<16xi32>
        %gather3A_550 = tpu.vector_load_idx %arg13[%add3A_528, %broadcast_in_dim3A_549] : memref<3216x5xf32, #tpu.memory_space<vmem>>[vector<16xi32>, vector<16xi32>], vector<16xf32>,
        %mul3A_551 = arith.mulf %gather3A_108, %gather3A_550 : vector<16xf32>
        %add3A_552 = arith.addf %add3A_547, %mul3A_551 : vector<16xf32>
        %add3A_553 = arith.constant 64 : i32
        %add3A_554 = arith.addi %mul3A_111, %add3A_553 : i32
        %get3A_555 = arith.index_cast %add3A_554 : i32 to index
        %get3A_556 = tpu.vector_load %arg11[%get3A_555] {strides = array<i32>} : memref<3216xi32, #tpu.memory_space<vmem>>, vector<16xi32>,
        %gt3A_557 = arith.constant 0 : i32
        %gt3A_558 = vector.broadcast %gt3A_557 : i32 to vector<16xi32>
        %gt3A_559 = arith.cmpi sgt, %get3A_556, %gt3A_558 : vector<16xi32>
        %mul3A_560 = arith.constant 1.44269502 : f32
        %mul3A_561 = vector.broadcast %mul3A_560 : f32 to vector<16xf32>
        %mul3A_562 = arith.mulf %add3A_552, %mul3A_561 : vector<16xf32>
        %ge3A_563 = arith.constant 0.000000e+00 : f32
        %ge3A_564 = vector.broadcast %ge3A_563 : f32 to vector<16xf32>
        %ge3A_565 = arith.cmpf oge, %mul3A_562, %ge3A_564 : vector<16xf32>
        %jit3A_566 = arith.constant 5.000000e-01 : f32
        %jit3A_567 = arith.constant -5.000000e-01 : f32
        %broadcast_in_dim3A_568 = vector.broadcast %jit3A_566 : f32 to vector<16xf32>
        %broadcast_in_dim3A_569 = vector.broadcast %jit3A_567 : f32 to vector<16xf32>
        %select_n3A_570 = arith.select %ge3A_565, %broadcast_in_dim3A_568, %broadcast_in_dim3A_569 : vector<16xi1>, vector<16xf32>
        %add3A_571 = arith.addf %mul3A_562, %select_n3A_570 : vector<16xf32>
        %convert_element_type3A_572 = arith.fptosi %add3A_571 : vector<16xf32> to vector<16xi32>
        %jit3A_573 = arith.constant -126 : i32
        %jit3A_574 = arith.constant 127 : i32
        %max3A_575 = vector.broadcast %jit3A_573 : i32 to vector<16xi32>
        %max3A_576 = arith.maxsi %max3A_575, %convert_element_type3A_572 : vector<16xi32>
        %min3A_577 = vector.broadcast %jit3A_574 : i32 to vector<16xi32>
        %min3A_578 = arith.minsi %min3A_577, %max3A_576 : vector<16xi32>
        %convert_element_type3A_579 = arith.sitofp %min3A_578 : vector<16xi32> to vector<16xf32>
        %mul3A_580 = arith.constant 0.693145751 : f32
        %mul3A_581 = vector.broadcast %mul3A_580 : f32 to vector<16xf32>
        %mul3A_582 = arith.mulf %convert_element_type3A_579, %mul3A_581 : vector<16xf32>
        %sub3A_583 = arith.subf %add3A_552, %mul3A_582 : vector<16xf32>
        %mul3A_584 = arith.constant 1.42860677E-6 : f32
        %mul3A_585 = vector.broadcast %mul3A_584 : f32 to vector<16xf32>
        %mul3A_586 = arith.mulf %convert_element_type3A_579, %mul3A_585 : vector<16xf32>
        %sub3A_587 = arith.subf %sub3A_583, %mul3A_586 : vector<16xf32>
        %mul3A_588 = arith.constant 0.00833333377 : f32
        %mul3A_589 = vector.broadcast %mul3A_588 : f32 to vector<16xf32>
        %mul3A_590 = arith.mulf %mul3A_589, %sub3A_587 : vector<16xf32>
        %add3A_591 = arith.constant 0.0416666679 : f32
        %add3A_592 = vector.broadcast %add3A_591 : f32 to vector<16xf32>
        %add3A_593 = arith.addf %mul3A_590, %add3A_592 : vector<16xf32>
        %mul3A_594 = arith.mulf %add3A_593, %sub3A_587 : vector<16xf32>
        %add3A_595 = arith.constant 0.166666672 : f32
        %add3A_596 = vector.broadcast %add3A_595 : f32 to vector<16xf32>
        %add3A_597 = arith.addf %mul3A_594, %add3A_596 : vector<16xf32>
        %mul3A_598 = arith.mulf %add3A_597, %sub3A_587 : vector<16xf32>
        %add3A_599 = arith.constant 5.000000e-01 : f32
        %add3A_600 = vector.broadcast %add3A_599 : f32 to vector<16xf32>
        %add3A_601 = arith.addf %mul3A_598, %add3A_600 : vector<16xf32>
        %mul3A_602 = arith.mulf %add3A_601, %sub3A_587 : vector<16xf32>
        %add3A_603 = arith.constant 1.000000e+00 : f32
        %add3A_604 = vector.broadcast %add3A_603 : f32 to vector<16xf32>
        %add3A_605 = arith.addf %mul3A_602, %add3A_604 : vector<16xf32>
        %mul3A_606 = arith.mulf %add3A_605, %sub3A_587 : vector<16xf32>
        %add3A_607 = arith.constant 1.000000e+00 : f32
        %add3A_608 = vector.broadcast %add3A_607 : f32 to vector<16xf32>
        %add3A_609 = arith.addf %mul3A_606, %add3A_608 : vector<16xf32>
        %add3A_610 = arith.constant 127 : i32
        %add3A_611 = vector.broadcast %add3A_610 : i32 to vector<16xi32>
        %add3A_612 = arith.addi %min3A_578, %add3A_611 : vector<16xi32>
        %shift_left3A_613 = arith.constant 23 : i32
        %shift_left3A_614 = vector.broadcast %shift_left3A_613 : i32 to vector<16xi32>
        %shift_left3A_615 = arith.shli %add3A_612, %shift_left3A_614 : vector<16xi32>
        %bitcast_convert_type3A_616 = tpu.bitcast %shift_left3A_615 : vector<16xi32> -> vector<16xf32>
        %mul3A_617 = arith.mulf %add3A_609, %bitcast_convert_type3A_616 : vector<16xf32>
        %jit3A_618 = arith.constant 0.000000e+00 : f32
        %broadcast_in_dim3A_619 = vector.broadcast %jit3A_618 : f32 to vector<16xf32>
        %select_n3A_620 = arith.select %gt3A_559, %mul3A_617, %broadcast_in_dim3A_619 : vector<16xi1>, vector<16xf32>
        %add3A_621 = arith.addf %add3A_516, %select_n3A_620 : vector<16xf32>
        %add3A_622 = arith.constant 64 : i32
        %add3A_623 = vector.broadcast %add3A_622 : i32 to vector<16xi32>
        %add3A_624 = arith.addi %iota3A, %add3A_623 : vector<16xi32>
        %eq3A_625 = arith.cmpi eq, %add3A_624, %gather3A_109 : vector<16xi32>
        %jit3A_626 = arith.constant 0.000000e+00 : f32
        %broadcast_in_dim3A_627 = vector.broadcast %jit3A_626 : f32 to vector<16xf32>
        %select_n3A_628 = arith.select %eq3A_625, %select_n3A_620, %broadcast_in_dim3A_627 : vector<16xi1>, vector<16xf32>
        %add3A_629 = arith.addf %add3A_524, %select_n3A_628 : vector<16xf32>
        %add3A_630 = arith.constant 80 : i32
        %add3A_631 = arith.addi %mul3A_111, %add3A_630 : i32
        %add3A_632 = vector.broadcast %add3A_631 : i32 to vector<16xi32>
        %add3A_633 = arith.addi %iota3A, %add3A_632 : vector<16xi32>
        %broadcast_in_dim3A_634 = arith.constant 0 : i32
        %broadcast_in_dim3A_635 = vector.broadcast %broadcast_in_dim3A_634 : i32 to vector<16xi32>
        %gather3A_636 = tpu.vector_load_idx %arg13[%add3A_633, %broadcast_in_dim3A_635] : memref<3216x5xf32, #tpu.memory_space<vmem>>[vector<16xi32>, vector<16xi32>], vector<16xf32>,
        %mul3A_637 = arith.mulf %gather3A, %gather3A_636 : vector<16xf32>
        %broadcast_in_dim3A_638 = arith.constant 1 : i32
        %broadcast_in_dim3A_639 = vector.broadcast %broadcast_in_dim3A_638 : i32 to vector<16xi32>
        %gather3A_640 = tpu.vector_load_idx %arg13[%add3A_633, %broadcast_in_dim3A_639] : memref<3216x5xf32, #tpu.memory_space<vmem>>[vector<16xi32>, vector<16xi32>], vector<16xf32>,
        %mul3A_641 = arith.mulf %gather3A_99, %gather3A_640 : vector<16xf32>
        %add3A_642 = arith.addf %mul3A_637, %mul3A_641 : vector<16xf32>
        %broadcast_in_dim3A_643 = arith.constant 2 : i32
        %broadcast_in_dim3A_644 = vector.broadcast %broadcast_in_dim3A_643 : i32 to vector<16xi32>
        %gather3A_645 = tpu.vector_load_idx %arg13[%add3A_633, %broadcast_in_dim3A_644] : memref<3216x5xf32, #tpu.memory_space<vmem>>[vector<16xi32>, vector<16xi32>], vector<16xf32>,
        %mul3A_646 = arith.mulf %gather3A_102, %gather3A_645 : vector<16xf32>
        %add3A_647 = arith.addf %add3A_642, %mul3A_646 : vector<16xf32>
        %broadcast_in_dim3A_648 = arith.constant 3 : i32
        %broadcast_in_dim3A_649 = vector.broadcast %broadcast_in_dim3A_648 : i32 to vector<16xi32>
        %gather3A_650 = tpu.vector_load_idx %arg13[%add3A_633, %broadcast_in_dim3A_649] : memref<3216x5xf32, #tpu.memory_space<vmem>>[vector<16xi32>, vector<16xi32>], vector<16xf32>,
        %mul3A_651 = arith.mulf %gather3A_105, %gather3A_650 : vector<16xf32>
        %add3A_652 = arith.addf %add3A_647, %mul3A_651 : vector<16xf32>
        %broadcast_in_dim3A_653 = arith.constant 4 : i32
        %broadcast_in_dim3A_654 = vector.broadcast %broadcast_in_dim3A_653 : i32 to vector<16xi32>
        %gather3A_655 = tpu.vector_load_idx %arg13[%add3A_633, %broadcast_in_dim3A_654] : memref<3216x5xf32, #tpu.memory_space<vmem>>[vector<16xi32>, vector<16xi32>], vector<16xf32>,
        %mul3A_656 = arith.mulf %gather3A_108, %gather3A_655 : vector<16xf32>
        %add3A_657 = arith.addf %add3A_652, %mul3A_656 : vector<16xf32>
        %add3A_658 = arith.constant 80 : i32
        %add3A_659 = arith.addi %mul3A_111, %add3A_658 : i32
        %get3A_660 = arith.index_cast %add3A_659 : i32 to index
        %get3A_661 = tpu.vector_load %arg11[%get3A_660] {strides = array<i32>} : memref<3216xi32, #tpu.memory_space<vmem>>, vector<16xi32>,
        %gt3A_662 = arith.constant 0 : i32
        %gt3A_663 = vector.broadcast %gt3A_662 : i32 to vector<16xi32>
        %gt3A_664 = arith.cmpi sgt, %get3A_661, %gt3A_663 : vector<16xi32>
        %mul3A_665 = arith.constant 1.44269502 : f32
        %mul3A_666 = vector.broadcast %mul3A_665 : f32 to vector<16xf32>
        %mul3A_667 = arith.mulf %add3A_657, %mul3A_666 : vector<16xf32>
        %ge3A_668 = arith.constant 0.000000e+00 : f32
        %ge3A_669 = vector.broadcast %ge3A_668 : f32 to vector<16xf32>
        %ge3A_670 = arith.cmpf oge, %mul3A_667, %ge3A_669 : vector<16xf32>
        %jit3A_671 = arith.constant 5.000000e-01 : f32
        %jit3A_672 = arith.constant -5.000000e-01 : f32
        %broadcast_in_dim3A_673 = vector.broadcast %jit3A_671 : f32 to vector<16xf32>
        %broadcast_in_dim3A_674 = vector.broadcast %jit3A_672 : f32 to vector<16xf32>
        %select_n3A_675 = arith.select %ge3A_670, %broadcast_in_dim3A_673, %broadcast_in_dim3A_674 : vector<16xi1>, vector<16xf32>
        %add3A_676 = arith.addf %mul3A_667, %select_n3A_675 : vector<16xf32>
        %convert_element_type3A_677 = arith.fptosi %add3A_676 : vector<16xf32> to vector<16xi32>
        %jit3A_678 = arith.constant -126 : i32
        %jit3A_679 = arith.constant 127 : i32
        %max3A_680 = vector.broadcast %jit3A_678 : i32 to vector<16xi32>
        %max3A_681 = arith.maxsi %max3A_680, %convert_element_type3A_677 : vector<16xi32>
        %min3A_682 = vector.broadcast %jit3A_679 : i32 to vector<16xi32>
        %min3A_683 = arith.minsi %min3A_682, %max3A_681 : vector<16xi32>
        %convert_element_type3A_684 = arith.sitofp %min3A_683 : vector<16xi32> to vector<16xf32>
        %mul3A_685 = arith.constant 0.693145751 : f32
        %mul3A_686 = vector.broadcast %mul3A_685 : f32 to vector<16xf32>
        %mul3A_687 = arith.mulf %convert_element_type3A_684, %mul3A_686 : vector<16xf32>
        %sub3A_688 = arith.subf %add3A_657, %mul3A_687 : vector<16xf32>
        %mul3A_689 = arith.constant 1.42860677E-6 : f32
        %mul3A_690 = vector.broadcast %mul3A_689 : f32 to vector<16xf32>
        %mul3A_691 = arith.mulf %convert_element_type3A_684, %mul3A_690 : vector<16xf32>
        %sub3A_692 = arith.subf %sub3A_688, %mul3A_691 : vector<16xf32>
        %mul3A_693 = arith.constant 0.00833333377 : f32
        %mul3A_694 = vector.broadcast %mul3A_693 : f32 to vector<16xf32>
        %mul3A_695 = arith.mulf %mul3A_694, %sub3A_692 : vector<16xf32>
        %add3A_696 = arith.constant 0.0416666679 : f32
        %add3A_697 = vector.broadcast %add3A_696 : f32 to vector<16xf32>
        %add3A_698 = arith.addf %mul3A_695, %add3A_697 : vector<16xf32>
        %mul3A_699 = arith.mulf %add3A_698, %sub3A_692 : vector<16xf32>
        %add3A_700 = arith.constant 0.166666672 : f32
        %add3A_701 = vector.broadcast %add3A_700 : f32 to vector<16xf32>
        %add3A_702 = arith.addf %mul3A_699, %add3A_701 : vector<16xf32>
        %mul3A_703 = arith.mulf %add3A_702, %sub3A_692 : vector<16xf32>
        %add3A_704 = arith.constant 5.000000e-01 : f32
        %add3A_705 = vector.broadcast %add3A_704 : f32 to vector<16xf32>
        %add3A_706 = arith.addf %mul3A_703, %add3A_705 : vector<16xf32>
        %mul3A_707 = arith.mulf %add3A_706, %sub3A_692 : vector<16xf32>
        %add3A_708 = arith.constant 1.000000e+00 : f32
        %add3A_709 = vector.broadcast %add3A_708 : f32 to vector<16xf32>
        %add3A_710 = arith.addf %mul3A_707, %add3A_709 : vector<16xf32>
        %mul3A_711 = arith.mulf %add3A_710, %sub3A_692 : vector<16xf32>
        %add3A_712 = arith.constant 1.000000e+00 : f32
        %add3A_713 = vector.broadcast %add3A_712 : f32 to vector<16xf32>
        %add3A_714 = arith.addf %mul3A_711, %add3A_713 : vector<16xf32>
        %add3A_715 = arith.constant 127 : i32
        %add3A_716 = vector.broadcast %add3A_715 : i32 to vector<16xi32>
        %add3A_717 = arith.addi %min3A_683, %add3A_716 : vector<16xi32>
        %shift_left3A_718 = arith.constant 23 : i32
        %shift_left3A_719 = vector.broadcast %shift_left3A_718 : i32 to vector<16xi32>
        %shift_left3A_720 = arith.shli %add3A_717, %shift_left3A_719 : vector<16xi32>
        %bitcast_convert_type3A_721 = tpu.bitcast %shift_left3A_720 : vector<16xi32> -> vector<16xf32>
        %mul3A_722 = arith.mulf %add3A_714, %bitcast_convert_type3A_721 : vector<16xf32>
        %jit3A_723 = arith.constant 0.000000e+00 : f32
        %broadcast_in_dim3A_724 = vector.broadcast %jit3A_723 : f32 to vector<16xf32>
        %select_n3A_725 = arith.select %gt3A_664, %mul3A_722, %broadcast_in_dim3A_724 : vector<16xi1>, vector<16xf32>
        %add3A_726 = arith.addf %add3A_621, %select_n3A_725 : vector<16xf32>
        %add3A_727 = arith.constant 80 : i32
        %add3A_728 = vector.broadcast %add3A_727 : i32 to vector<16xi32>
        %add3A_729 = arith.addi %iota3A, %add3A_728 : vector<16xi32>
        %eq3A_730 = arith.cmpi eq, %add3A_729, %gather3A_109 : vector<16xi32>
        %jit3A_731 = arith.constant 0.000000e+00 : f32
        %broadcast_in_dim3A_732 = vector.broadcast %jit3A_731 : f32 to vector<16xf32>
        %select_n3A_733 = arith.select %eq3A_730, %select_n3A_725, %broadcast_in_dim3A_732 : vector<16xi1>, vector<16xf32>
        %add3A_734 = arith.addf %add3A_629, %select_n3A_733 : vector<16xf32>
        %add3A_735 = arith.constant 96 : i32
        %add3A_736 = arith.addi %mul3A_111, %add3A_735 : i32
        %add3A_737 = vector.broadcast %add3A_736 : i32 to vector<16xi32>
        %add3A_738 = arith.addi %iota3A, %add3A_737 : vector<16xi32>
        %broadcast_in_dim3A_739 = arith.constant 0 : i32
        %broadcast_in_dim3A_740 = vector.broadcast %broadcast_in_dim3A_739 : i32 to vector<16xi32>
        %gather3A_741 = tpu.vector_load_idx %arg13[%add3A_738, %broadcast_in_dim3A_740] : memref<3216x5xf32, #tpu.memory_space<vmem>>[vector<16xi32>, vector<16xi32>], vector<16xf32>,
        %mul3A_742 = arith.mulf %gather3A, %gather3A_741 : vector<16xf32>
        %broadcast_in_dim3A_743 = arith.constant 1 : i32
        %broadcast_in_dim3A_744 = vector.broadcast %broadcast_in_dim3A_743 : i32 to vector<16xi32>
        %gather3A_745 = tpu.vector_load_idx %arg13[%add3A_738, %broadcast_in_dim3A_744] : memref<3216x5xf32, #tpu.memory_space<vmem>>[vector<16xi32>, vector<16xi32>], vector<16xf32>,
        %mul3A_746 = arith.mulf %gather3A_99, %gather3A_745 : vector<16xf32>
        %add3A_747 = arith.addf %mul3A_742, %mul3A_746 : vector<16xf32>
        %broadcast_in_dim3A_748 = arith.constant 2 : i32
        %broadcast_in_dim3A_749 = vector.broadcast %broadcast_in_dim3A_748 : i32 to vector<16xi32>
        %gather3A_750 = tpu.vector_load_idx %arg13[%add3A_738, %broadcast_in_dim3A_749] : memref<3216x5xf32, #tpu.memory_space<vmem>>[vector<16xi32>, vector<16xi32>], vector<16xf32>,
        %mul3A_751 = arith.mulf %gather3A_102, %gather3A_750 : vector<16xf32>
        %add3A_752 = arith.addf %add3A_747, %mul3A_751 : vector<16xf32>
        %broadcast_in_dim3A_753 = arith.constant 3 : i32
        %broadcast_in_dim3A_754 = vector.broadcast %broadcast_in_dim3A_753 : i32 to vector<16xi32>
        %gather3A_755 = tpu.vector_load_idx %arg13[%add3A_738, %broadcast_in_dim3A_754] : memref<3216x5xf32, #tpu.memory_space<vmem>>[vector<16xi32>, vector<16xi32>], vector<16xf32>,
        %mul3A_756 = arith.mulf %gather3A_105, %gather3A_755 : vector<16xf32>
        %add3A_757 = arith.addf %add3A_752, %mul3A_756 : vector<16xf32>
        %broadcast_in_dim3A_758 = arith.constant 4 : i32
        %broadcast_in_dim3A_759 = vector.broadcast %broadcast_in_dim3A_758 : i32 to vector<16xi32>
        %gather3A_760 = tpu.vector_load_idx %arg13[%add3A_738, %broadcast_in_dim3A_759] : memref<3216x5xf32, #tpu.memory_space<vmem>>[vector<16xi32>, vector<16xi32>], vector<16xf32>,
        %mul3A_761 = arith.mulf %gather3A_108, %gather3A_760 : vector<16xf32>
        %add3A_762 = arith.addf %add3A_757, %mul3A_761 : vector<16xf32>
        %add3A_763 = arith.constant 96 : i32
        %add3A_764 = arith.addi %mul3A_111, %add3A_763 : i32
        %get3A_765 = arith.index_cast %add3A_764 : i32 to index
        %get3A_766 = tpu.vector_load %arg11[%get3A_765] {strides = array<i32>} : memref<3216xi32, #tpu.memory_space<vmem>>, vector<16xi32>,
        %gt3A_767 = arith.constant 0 : i32
        %gt3A_768 = vector.broadcast %gt3A_767 : i32 to vector<16xi32>
        %gt3A_769 = arith.cmpi sgt, %get3A_766, %gt3A_768 : vector<16xi32>
        %mul3A_770 = arith.constant 1.44269502 : f32
        %mul3A_771 = vector.broadcast %mul3A_770 : f32 to vector<16xf32>
        %mul3A_772 = arith.mulf %add3A_762, %mul3A_771 : vector<16xf32>
        %ge3A_773 = arith.constant 0.000000e+00 : f32
        %ge3A_774 = vector.broadcast %ge3A_773 : f32 to vector<16xf32>
        %ge3A_775 = arith.cmpf oge, %mul3A_772, %ge3A_774 : vector<16xf32>
        %jit3A_776 = arith.constant 5.000000e-01 : f32
        %jit3A_777 = arith.constant -5.000000e-01 : f32
        %broadcast_in_dim3A_778 = vector.broadcast %jit3A_776 : f32 to vector<16xf32>
        %broadcast_in_dim3A_779 = vector.broadcast %jit3A_777 : f32 to vector<16xf32>
        %select_n3A_780 = arith.select %ge3A_775, %broadcast_in_dim3A_778, %broadcast_in_dim3A_779 : vector<16xi1>, vector<16xf32>
        %add3A_781 = arith.addf %mul3A_772, %select_n3A_780 : vector<16xf32>
        %convert_element_type3A_782 = arith.fptosi %add3A_781 : vector<16xf32> to vector<16xi32>
        %jit3A_783 = arith.constant -126 : i32
        %jit3A_784 = arith.constant 127 : i32
        %max3A_785 = vector.broadcast %jit3A_783 : i32 to vector<16xi32>
        %max3A_786 = arith.maxsi %max3A_785, %convert_element_type3A_782 : vector<16xi32>
        %min3A_787 = vector.broadcast %jit3A_784 : i32 to vector<16xi32>
        %min3A_788 = arith.minsi %min3A_787, %max3A_786 : vector<16xi32>
        %convert_element_type3A_789 = arith.sitofp %min3A_788 : vector<16xi32> to vector<16xf32>
        %mul3A_790 = arith.constant 0.693145751 : f32
        %mul3A_791 = vector.broadcast %mul3A_790 : f32 to vector<16xf32>
        %mul3A_792 = arith.mulf %convert_element_type3A_789, %mul3A_791 : vector<16xf32>
        %sub3A_793 = arith.subf %add3A_762, %mul3A_792 : vector<16xf32>
        %mul3A_794 = arith.constant 1.42860677E-6 : f32
        %mul3A_795 = vector.broadcast %mul3A_794 : f32 to vector<16xf32>
        %mul3A_796 = arith.mulf %convert_element_type3A_789, %mul3A_795 : vector<16xf32>
        %sub3A_797 = arith.subf %sub3A_793, %mul3A_796 : vector<16xf32>
        %mul3A_798 = arith.constant 0.00833333377 : f32
        %mul3A_799 = vector.broadcast %mul3A_798 : f32 to vector<16xf32>
        %mul3A_800 = arith.mulf %mul3A_799, %sub3A_797 : vector<16xf32>
        %add3A_801 = arith.constant 0.0416666679 : f32
        %add3A_802 = vector.broadcast %add3A_801 : f32 to vector<16xf32>
        %add3A_803 = arith.addf %mul3A_800, %add3A_802 : vector<16xf32>
        %mul3A_804 = arith.mulf %add3A_803, %sub3A_797 : vector<16xf32>
        %add3A_805 = arith.constant 0.166666672 : f32
        %add3A_806 = vector.broadcast %add3A_805 : f32 to vector<16xf32>
        %add3A_807 = arith.addf %mul3A_804, %add3A_806 : vector<16xf32>
        %mul3A_808 = arith.mulf %add3A_807, %sub3A_797 : vector<16xf32>
        %add3A_809 = arith.constant 5.000000e-01 : f32
        %add3A_810 = vector.broadcast %add3A_809 : f32 to vector<16xf32>
        %add3A_811 = arith.addf %mul3A_808, %add3A_810 : vector<16xf32>
        %mul3A_812 = arith.mulf %add3A_811, %sub3A_797 : vector<16xf32>
        %add3A_813 = arith.constant 1.000000e+00 : f32
        %add3A_814 = vector.broadcast %add3A_813 : f32 to vector<16xf32>
        %add3A_815 = arith.addf %mul3A_812, %add3A_814 : vector<16xf32>
        %mul3A_816 = arith.mulf %add3A_815, %sub3A_797 : vector<16xf32>
        %add3A_817 = arith.constant 1.000000e+00 : f32
        %add3A_818 = vector.broadcast %add3A_817 : f32 to vector<16xf32>
        %add3A_819 = arith.addf %mul3A_816, %add3A_818 : vector<16xf32>
        %add3A_820 = arith.constant 127 : i32
        %add3A_821 = vector.broadcast %add3A_820 : i32 to vector<16xi32>
        %add3A_822 = arith.addi %min3A_788, %add3A_821 : vector<16xi32>
        %shift_left3A_823 = arith.constant 23 : i32
        %shift_left3A_824 = vector.broadcast %shift_left3A_823 : i32 to vector<16xi32>
        %shift_left3A_825 = arith.shli %add3A_822, %shift_left3A_824 : vector<16xi32>
        %bitcast_convert_type3A_826 = tpu.bitcast %shift_left3A_825 : vector<16xi32> -> vector<16xf32>
        %mul3A_827 = arith.mulf %add3A_819, %bitcast_convert_type3A_826 : vector<16xf32>
        %jit3A_828 = arith.constant 0.000000e+00 : f32
        %broadcast_in_dim3A_829 = vector.broadcast %jit3A_828 : f32 to vector<16xf32>
        %select_n3A_830 = arith.select %gt3A_769, %mul3A_827, %broadcast_in_dim3A_829 : vector<16xi1>, vector<16xf32>
        %add3A_831 = arith.addf %add3A_726, %select_n3A_830 : vector<16xf32>
        %add3A_832 = arith.constant 96 : i32
        %add3A_833 = vector.broadcast %add3A_832 : i32 to vector<16xi32>
        %add3A_834 = arith.addi %iota3A, %add3A_833 : vector<16xi32>
        %eq3A_835 = arith.cmpi eq, %add3A_834, %gather3A_109 : vector<16xi32>
        %jit3A_836 = arith.constant 0.000000e+00 : f32
        %broadcast_in_dim3A_837 = vector.broadcast %jit3A_836 : f32 to vector<16xf32>
        %select_n3A_838 = arith.select %eq3A_835, %select_n3A_830, %broadcast_in_dim3A_837 : vector<16xi1>, vector<16xf32>
        %add3A_839 = arith.addf %add3A_734, %select_n3A_838 : vector<16xf32>
        %add3A_840 = arith.constant 112 : i32
        %add3A_841 = arith.addi %mul3A_111, %add3A_840 : i32
        %add3A_842 = vector.broadcast %add3A_841 : i32 to vector<16xi32>
        %add3A_843 = arith.addi %iota3A, %add3A_842 : vector<16xi32>
        %broadcast_in_dim3A_844 = arith.constant 0 : i32
        %broadcast_in_dim3A_845 = vector.broadcast %broadcast_in_dim3A_844 : i32 to vector<16xi32>
        %gather3A_846 = tpu.vector_load_idx %arg13[%add3A_843, %broadcast_in_dim3A_845] : memref<3216x5xf32, #tpu.memory_space<vmem>>[vector<16xi32>, vector<16xi32>], vector<16xf32>,
        %mul3A_847 = arith.mulf %gather3A, %gather3A_846 : vector<16xf32>
        %broadcast_in_dim3A_848 = arith.constant 1 : i32
        %broadcast_in_dim3A_849 = vector.broadcast %broadcast_in_dim3A_848 : i32 to vector<16xi32>
        %gather3A_850 = tpu.vector_load_idx %arg13[%add3A_843, %broadcast_in_dim3A_849] : memref<3216x5xf32, #tpu.memory_space<vmem>>[vector<16xi32>, vector<16xi32>], vector<16xf32>,
        %mul3A_851 = arith.mulf %gather3A_99, %gather3A_850 : vector<16xf32>
        %add3A_852 = arith.addf %mul3A_847, %mul3A_851 : vector<16xf32>
        %broadcast_in_dim3A_853 = arith.constant 2 : i32
        %broadcast_in_dim3A_854 = vector.broadcast %broadcast_in_dim3A_853 : i32 to vector<16xi32>
        %gather3A_855 = tpu.vector_load_idx %arg13[%add3A_843, %broadcast_in_dim3A_854] : memref<3216x5xf32, #tpu.memory_space<vmem>>[vector<16xi32>, vector<16xi32>], vector<16xf32>,
        %mul3A_856 = arith.mulf %gather3A_102, %gather3A_855 : vector<16xf32>
        %add3A_857 = arith.addf %add3A_852, %mul3A_856 : vector<16xf32>
        %broadcast_in_dim3A_858 = arith.constant 3 : i32
        %broadcast_in_dim3A_859 = vector.broadcast %broadcast_in_dim3A_858 : i32 to vector<16xi32>
        %gather3A_860 = tpu.vector_load_idx %arg13[%add3A_843, %broadcast_in_dim3A_859] : memref<3216x5xf32, #tpu.memory_space<vmem>>[vector<16xi32>, vector<16xi32>], vector<16xf32>,
        %mul3A_861 = arith.mulf %gather3A_105, %gather3A_860 : vector<16xf32>
        %add3A_862 = arith.addf %add3A_857, %mul3A_861 : vector<16xf32>
        %broadcast_in_dim3A_863 = arith.constant 4 : i32
        %broadcast_in_dim3A_864 = vector.broadcast %broadcast_in_dim3A_863 : i32 to vector<16xi32>
        %gather3A_865 = tpu.vector_load_idx %arg13[%add3A_843, %broadcast_in_dim3A_864] : memref<3216x5xf32, #tpu.memory_space<vmem>>[vector<16xi32>, vector<16xi32>], vector<16xf32>,
        %mul3A_866 = arith.mulf %gather3A_108, %gather3A_865 : vector<16xf32>
        %add3A_867 = arith.addf %add3A_862, %mul3A_866 : vector<16xf32>
        %add3A_868 = arith.constant 112 : i32
        %add3A_869 = arith.addi %mul3A_111, %add3A_868 : i32
        %get3A_870 = arith.index_cast %add3A_869 : i32 to index
        %get3A_871 = tpu.vector_load %arg11[%get3A_870] {strides = array<i32>} : memref<3216xi32, #tpu.memory_space<vmem>>, vector<16xi32>,
        %gt3A_872 = arith.constant 0 : i32
        %gt3A_873 = vector.broadcast %gt3A_872 : i32 to vector<16xi32>
        %gt3A_874 = arith.cmpi sgt, %get3A_871, %gt3A_873 : vector<16xi32>
        %mul3A_875 = arith.constant 1.44269502 : f32
        %mul3A_876 = vector.broadcast %mul3A_875 : f32 to vector<16xf32>
        %mul3A_877 = arith.mulf %add3A_867, %mul3A_876 : vector<16xf32>
        %ge3A_878 = arith.constant 0.000000e+00 : f32
        %ge3A_879 = vector.broadcast %ge3A_878 : f32 to vector<16xf32>
        %ge3A_880 = arith.cmpf oge, %mul3A_877, %ge3A_879 : vector<16xf32>
        %jit3A_881 = arith.constant 5.000000e-01 : f32
        %jit3A_882 = arith.constant -5.000000e-01 : f32
        %broadcast_in_dim3A_883 = vector.broadcast %jit3A_881 : f32 to vector<16xf32>
        %broadcast_in_dim3A_884 = vector.broadcast %jit3A_882 : f32 to vector<16xf32>
        %select_n3A_885 = arith.select %ge3A_880, %broadcast_in_dim3A_883, %broadcast_in_dim3A_884 : vector<16xi1>, vector<16xf32>
        %add3A_886 = arith.addf %mul3A_877, %select_n3A_885 : vector<16xf32>
        %convert_element_type3A_887 = arith.fptosi %add3A_886 : vector<16xf32> to vector<16xi32>
        %jit3A_888 = arith.constant -126 : i32
        %jit3A_889 = arith.constant 127 : i32
        %max3A_890 = vector.broadcast %jit3A_888 : i32 to vector<16xi32>
        %max3A_891 = arith.maxsi %max3A_890, %convert_element_type3A_887 : vector<16xi32>
        %min3A_892 = vector.broadcast %jit3A_889 : i32 to vector<16xi32>
        %min3A_893 = arith.minsi %min3A_892, %max3A_891 : vector<16xi32>
        %convert_element_type3A_894 = arith.sitofp %min3A_893 : vector<16xi32> to vector<16xf32>
        %mul3A_895 = arith.constant 0.693145751 : f32
        %mul3A_896 = vector.broadcast %mul3A_895 : f32 to vector<16xf32>
        %mul3A_897 = arith.mulf %convert_element_type3A_894, %mul3A_896 : vector<16xf32>
        %sub3A_898 = arith.subf %add3A_867, %mul3A_897 : vector<16xf32>
        %mul3A_899 = arith.constant 1.42860677E-6 : f32
        %mul3A_900 = vector.broadcast %mul3A_899 : f32 to vector<16xf32>
        %mul3A_901 = arith.mulf %convert_element_type3A_894, %mul3A_900 : vector<16xf32>
        %sub3A_902 = arith.subf %sub3A_898, %mul3A_901 : vector<16xf32>
        %mul3A_903 = arith.constant 0.00833333377 : f32
        %mul3A_904 = vector.broadcast %mul3A_903 : f32 to vector<16xf32>
        %mul3A_905 = arith.mulf %mul3A_904, %sub3A_902 : vector<16xf32>
        %add3A_906 = arith.constant 0.0416666679 : f32
        %add3A_907 = vector.broadcast %add3A_906 : f32 to vector<16xf32>
        %add3A_908 = arith.addf %mul3A_905, %add3A_907 : vector<16xf32>
        %mul3A_909 = arith.mulf %add3A_908, %sub3A_902 : vector<16xf32>
        %add3A_910 = arith.constant 0.166666672 : f32
        %add3A_911 = vector.broadcast %add3A_910 : f32 to vector<16xf32>
        %add3A_912 = arith.addf %mul3A_909, %add3A_911 : vector<16xf32>
        %mul3A_913 = arith.mulf %add3A_912, %sub3A_902 : vector<16xf32>
        %add3A_914 = arith.constant 5.000000e-01 : f32
        %add3A_915 = vector.broadcast %add3A_914 : f32 to vector<16xf32>
        %add3A_916 = arith.addf %mul3A_913, %add3A_915 : vector<16xf32>
        %mul3A_917 = arith.mulf %add3A_916, %sub3A_902 : vector<16xf32>
        %add3A_918 = arith.constant 1.000000e+00 : f32
        %add3A_919 = vector.broadcast %add3A_918 : f32 to vector<16xf32>
        %add3A_920 = arith.addf %mul3A_917, %add3A_919 : vector<16xf32>
        %mul3A_921 = arith.mulf %add3A_920, %sub3A_902 : vector<16xf32>
        %add3A_922 = arith.constant 1.000000e+00 : f32
        %add3A_923 = vector.broadcast %add3A_922 : f32 to vector<16xf32>
        %add3A_924 = arith.addf %mul3A_921, %add3A_923 : vector<16xf32>
        %add3A_925 = arith.constant 127 : i32
        %add3A_926 = vector.broadcast %add3A_925 : i32 to vector<16xi32>
        %add3A_927 = arith.addi %min3A_893, %add3A_926 : vector<16xi32>
        %shift_left3A_928 = arith.constant 23 : i32
        %shift_left3A_929 = vector.broadcast %shift_left3A_928 : i32 to vector<16xi32>
        %shift_left3A_930 = arith.shli %add3A_927, %shift_left3A_929 : vector<16xi32>
        %bitcast_convert_type3A_931 = tpu.bitcast %shift_left3A_930 : vector<16xi32> -> vector<16xf32>
        %mul3A_932 = arith.mulf %add3A_924, %bitcast_convert_type3A_931 : vector<16xf32>
        %jit3A_933 = arith.constant 0.000000e+00 : f32
        %broadcast_in_dim3A_934 = vector.broadcast %jit3A_933 : f32 to vector<16xf32>
        %select_n3A_935 = arith.select %gt3A_874, %mul3A_932, %broadcast_in_dim3A_934 : vector<16xi1>, vector<16xf32>
        %add3A_936 = arith.addf %add3A_831, %select_n3A_935 : vector<16xf32>
        %add3A_937 = arith.constant 112 : i32
        %add3A_938 = vector.broadcast %add3A_937 : i32 to vector<16xi32>
        %add3A_939 = arith.addi %iota3A, %add3A_938 : vector<16xi32>
        %eq3A_940 = arith.cmpi eq, %add3A_939, %gather3A_109 : vector<16xi32>
        %jit3A_941 = arith.constant 0.000000e+00 : f32
        %broadcast_in_dim3A_942 = vector.broadcast %jit3A_941 : f32 to vector<16xf32>
        %select_n3A_943 = arith.select %eq3A_940, %select_n3A_935, %broadcast_in_dim3A_942 : vector<16xi1>, vector<16xf32>
        %add3A_944 = arith.addf %add3A_839, %select_n3A_943 : vector<16xf32>
        %add3A_945 = arith.constant 128 : i32
        %add3A_946 = arith.addi %mul3A_111, %add3A_945 : i32
        %add3A_947 = vector.broadcast %add3A_946 : i32 to vector<16xi32>
        %add3A_948 = arith.addi %iota3A, %add3A_947 : vector<16xi32>
        %broadcast_in_dim3A_949 = arith.constant 0 : i32
        %broadcast_in_dim3A_950 = vector.broadcast %broadcast_in_dim3A_949 : i32 to vector<16xi32>
        %gather3A_951 = tpu.vector_load_idx %arg13[%add3A_948, %broadcast_in_dim3A_950] : memref<3216x5xf32, #tpu.memory_space<vmem>>[vector<16xi32>, vector<16xi32>], vector<16xf32>,
        %mul3A_952 = arith.mulf %gather3A, %gather3A_951 : vector<16xf32>
        %broadcast_in_dim3A_953 = arith.constant 1 : i32
        %broadcast_in_dim3A_954 = vector.broadcast %broadcast_in_dim3A_953 : i32 to vector<16xi32>
        %gather3A_955 = tpu.vector_load_idx %arg13[%add3A_948, %broadcast_in_dim3A_954] : memref<3216x5xf32, #tpu.memory_space<vmem>>[vector<16xi32>, vector<16xi32>], vector<16xf32>,
        %mul3A_956 = arith.mulf %gather3A_99, %gather3A_955 : vector<16xf32>
        %add3A_957 = arith.addf %mul3A_952, %mul3A_956 : vector<16xf32>
        %broadcast_in_dim3A_958 = arith.constant 2 : i32
        %broadcast_in_dim3A_959 = vector.broadcast %broadcast_in_dim3A_958 : i32 to vector<16xi32>
        %gather3A_960 = tpu.vector_load_idx %arg13[%add3A_948, %broadcast_in_dim3A_959] : memref<3216x5xf32, #tpu.memory_space<vmem>>[vector<16xi32>, vector<16xi32>], vector<16xf32>,
        %mul3A_961 = arith.mulf %gather3A_102, %gather3A_960 : vector<16xf32>
        %add3A_962 = arith.addf %add3A_957, %mul3A_961 : vector<16xf32>
        %broadcast_in_dim3A_963 = arith.constant 3 : i32
        %broadcast_in_dim3A_964 = vector.broadcast %broadcast_in_dim3A_963 : i32 to vector<16xi32>
        %gather3A_965 = tpu.vector_load_idx %arg13[%add3A_948, %broadcast_in_dim3A_964] : memref<3216x5xf32, #tpu.memory_space<vmem>>[vector<16xi32>, vector<16xi32>], vector<16xf32>,
        %mul3A_966 = arith.mulf %gather3A_105, %gather3A_965 : vector<16xf32>
        %add3A_967 = arith.addf %add3A_962, %mul3A_966 : vector<16xf32>
        %broadcast_in_dim3A_968 = arith.constant 4 : i32
        %broadcast_in_dim3A_969 = vector.broadcast %broadcast_in_dim3A_968 : i32 to vector<16xi32>
        %gather3A_970 = tpu.vector_load_idx %arg13[%add3A_948, %broadcast_in_dim3A_969] : memref<3216x5xf32, #tpu.memory_space<vmem>>[vector<16xi32>, vector<16xi32>], vector<16xf32>,
        %mul3A_971 = arith.mulf %gather3A_108, %gather3A_970 : vector<16xf32>
        %add3A_972 = arith.addf %add3A_967, %mul3A_971 : vector<16xf32>
        %add3A_973 = arith.constant 128 : i32
        %add3A_974 = arith.addi %mul3A_111, %add3A_973 : i32
        %get3A_975 = arith.index_cast %add3A_974 : i32 to index
        %get3A_976 = tpu.vector_load %arg11[%get3A_975] {strides = array<i32>} : memref<3216xi32, #tpu.memory_space<vmem>>, vector<16xi32>,
        %gt3A_977 = arith.constant 0 : i32
        %gt3A_978 = vector.broadcast %gt3A_977 : i32 to vector<16xi32>
        %gt3A_979 = arith.cmpi sgt, %get3A_976, %gt3A_978 : vector<16xi32>
        %mul3A_980 = arith.constant 1.44269502 : f32
        %mul3A_981 = vector.broadcast %mul3A_980 : f32 to vector<16xf32>
        %mul3A_982 = arith.mulf %add3A_972, %mul3A_981 : vector<16xf32>
        %ge3A_983 = arith.constant 0.000000e+00 : f32
        %ge3A_984 = vector.broadcast %ge3A_983 : f32 to vector<16xf32>
        %ge3A_985 = arith.cmpf oge, %mul3A_982, %ge3A_984 : vector<16xf32>
        %jit3A_986 = arith.constant 5.000000e-01 : f32
        %jit3A_987 = arith.constant -5.000000e-01 : f32
        %broadcast_in_dim3A_988 = vector.broadcast %jit3A_986 : f32 to vector<16xf32>
        %broadcast_in_dim3A_989 = vector.broadcast %jit3A_987 : f32 to vector<16xf32>
        %select_n3A_990 = arith.select %ge3A_985, %broadcast_in_dim3A_988, %broadcast_in_dim3A_989 : vector<16xi1>, vector<16xf32>
        %add3A_991 = arith.addf %mul3A_982, %select_n3A_990 : vector<16xf32>
        %convert_element_type3A_992 = arith.fptosi %add3A_991 : vector<16xf32> to vector<16xi32>
        %jit3A_993 = arith.constant -126 : i32
        %jit3A_994 = arith.constant 127 : i32
        %max3A_995 = vector.broadcast %jit3A_993 : i32 to vector<16xi32>
        %max3A_996 = arith.maxsi %max3A_995, %convert_element_type3A_992 : vector<16xi32>
        %min3A_997 = vector.broadcast %jit3A_994 : i32 to vector<16xi32>
        %min3A_998 = arith.minsi %min3A_997, %max3A_996 : vector<16xi32>
        %convert_element_type3A_999 = arith.sitofp %min3A_998 : vector<16xi32> to vector<16xf32>
        %mul3A_1000 = arith.constant 0.693145751 : f32
        %mul3A_1001 = vector.broadcast %mul3A_1000 : f32 to vector<16xf32>
        %mul3A_1002 = arith.mulf %convert_element_type3A_999, %mul3A_1001 : vector<16xf32>
        %sub3A_1003 = arith.subf %add3A_972, %mul3A_1002 : vector<16xf32>
        %mul3A_1004 = arith.constant 1.42860677E-6 : f32
        %mul3A_1005 = vector.broadcast %mul3A_1004 : f32 to vector<16xf32>
        %mul3A_1006 = arith.mulf %convert_element_type3A_999, %mul3A_1005 : vector<16xf32>
        %sub3A_1007 = arith.subf %sub3A_1003, %mul3A_1006 : vector<16xf32>
        %mul3A_1008 = arith.constant 0.00833333377 : f32
        %mul3A_1009 = vector.broadcast %mul3A_1008 : f32 to vector<16xf32>
        %mul3A_1010 = arith.mulf %mul3A_1009, %sub3A_1007 : vector<16xf32>
        %add3A_1011 = arith.constant 0.0416666679 : f32
        %add3A_1012 = vector.broadcast %add3A_1011 : f32 to vector<16xf32>
        %add3A_1013 = arith.addf %mul3A_1010, %add3A_1012 : vector<16xf32>
        %mul3A_1014 = arith.mulf %add3A_1013, %sub3A_1007 : vector<16xf32>
        %add3A_1015 = arith.constant 0.166666672 : f32
        %add3A_1016 = vector.broadcast %add3A_1015 : f32 to vector<16xf32>
        %add3A_1017 = arith.addf %mul3A_1014, %add3A_1016 : vector<16xf32>
        %mul3A_1018 = arith.mulf %add3A_1017, %sub3A_1007 : vector<16xf32>
        %add3A_1019 = arith.constant 5.000000e-01 : f32
        %add3A_1020 = vector.broadcast %add3A_1019 : f32 to vector<16xf32>
        %add3A_1021 = arith.addf %mul3A_1018, %add3A_1020 : vector<16xf32>
        %mul3A_1022 = arith.mulf %add3A_1021, %sub3A_1007 : vector<16xf32>
        %add3A_1023 = arith.constant 1.000000e+00 : f32
        %add3A_1024 = vector.broadcast %add3A_1023 : f32 to vector<16xf32>
        %add3A_1025 = arith.addf %mul3A_1022, %add3A_1024 : vector<16xf32>
        %mul3A_1026 = arith.mulf %add3A_1025, %sub3A_1007 : vector<16xf32>
        %add3A_1027 = arith.constant 1.000000e+00 : f32
        %add3A_1028 = vector.broadcast %add3A_1027 : f32 to vector<16xf32>
        %add3A_1029 = arith.addf %mul3A_1026, %add3A_1028 : vector<16xf32>
        %add3A_1030 = arith.constant 127 : i32
        %add3A_1031 = vector.broadcast %add3A_1030 : i32 to vector<16xi32>
        %add3A_1032 = arith.addi %min3A_998, %add3A_1031 : vector<16xi32>
        %shift_left3A_1033 = arith.constant 23 : i32
        %shift_left3A_1034 = vector.broadcast %shift_left3A_1033 : i32 to vector<16xi32>
        %shift_left3A_1035 = arith.shli %add3A_1032, %shift_left3A_1034 : vector<16xi32>
        %bitcast_convert_type3A_1036 = tpu.bitcast %shift_left3A_1035 : vector<16xi32> -> vector<16xf32>
        %mul3A_1037 = arith.mulf %add3A_1029, %bitcast_convert_type3A_1036 : vector<16xf32>
        %jit3A_1038 = arith.constant 0.000000e+00 : f32
        %broadcast_in_dim3A_1039 = vector.broadcast %jit3A_1038 : f32 to vector<16xf32>
        %select_n3A_1040 = arith.select %gt3A_979, %mul3A_1037, %broadcast_in_dim3A_1039 : vector<16xi1>, vector<16xf32>
        %add3A_1041 = arith.addf %add3A_936, %select_n3A_1040 : vector<16xf32>
        %add3A_1042 = arith.constant 128 : i32
        %add3A_1043 = vector.broadcast %add3A_1042 : i32 to vector<16xi32>
        %add3A_1044 = arith.addi %iota3A, %add3A_1043 : vector<16xi32>
        %eq3A_1045 = arith.cmpi eq, %add3A_1044, %gather3A_109 : vector<16xi32>
        %jit3A_1046 = arith.constant 0.000000e+00 : f32
        %broadcast_in_dim3A_1047 = vector.broadcast %jit3A_1046 : f32 to vector<16xf32>
        %select_n3A_1048 = arith.select %eq3A_1045, %select_n3A_1040, %broadcast_in_dim3A_1047 : vector<16xi1>, vector<16xf32>
        %add3A_1049 = arith.addf %add3A_944, %select_n3A_1048 : vector<16xf32>
        %add3A_1050 = arith.constant 144 : i32
        %add3A_1051 = arith.addi %mul3A_111, %add3A_1050 : i32
        %add3A_1052 = vector.broadcast %add3A_1051 : i32 to vector<16xi32>
        %add3A_1053 = arith.addi %iota3A, %add3A_1052 : vector<16xi32>
        %broadcast_in_dim3A_1054 = arith.constant 0 : i32
        %broadcast_in_dim3A_1055 = vector.broadcast %broadcast_in_dim3A_1054 : i32 to vector<16xi32>
        %gather3A_1056 = tpu.vector_load_idx %arg13[%add3A_1053, %broadcast_in_dim3A_1055] : memref<3216x5xf32, #tpu.memory_space<vmem>>[vector<16xi32>, vector<16xi32>], vector<16xf32>,
        %mul3A_1057 = arith.mulf %gather3A, %gather3A_1056 : vector<16xf32>
        %broadcast_in_dim3A_1058 = arith.constant 1 : i32
        %broadcast_in_dim3A_1059 = vector.broadcast %broadcast_in_dim3A_1058 : i32 to vector<16xi32>
        %gather3A_1060 = tpu.vector_load_idx %arg13[%add3A_1053, %broadcast_in_dim3A_1059] : memref<3216x5xf32, #tpu.memory_space<vmem>>[vector<16xi32>, vector<16xi32>], vector<16xf32>,
        %mul3A_1061 = arith.mulf %gather3A_99, %gather3A_1060 : vector<16xf32>
        %add3A_1062 = arith.addf %mul3A_1057, %mul3A_1061 : vector<16xf32>
        %broadcast_in_dim3A_1063 = arith.constant 2 : i32
        %broadcast_in_dim3A_1064 = vector.broadcast %broadcast_in_dim3A_1063 : i32 to vector<16xi32>
        %gather3A_1065 = tpu.vector_load_idx %arg13[%add3A_1053, %broadcast_in_dim3A_1064] : memref<3216x5xf32, #tpu.memory_space<vmem>>[vector<16xi32>, vector<16xi32>], vector<16xf32>,
        %mul3A_1066 = arith.mulf %gather3A_102, %gather3A_1065 : vector<16xf32>
        %add3A_1067 = arith.addf %add3A_1062, %mul3A_1066 : vector<16xf32>
        %broadcast_in_dim3A_1068 = arith.constant 3 : i32
        %broadcast_in_dim3A_1069 = vector.broadcast %broadcast_in_dim3A_1068 : i32 to vector<16xi32>
        %gather3A_1070 = tpu.vector_load_idx %arg13[%add3A_1053, %broadcast_in_dim3A_1069] : memref<3216x5xf32, #tpu.memory_space<vmem>>[vector<16xi32>, vector<16xi32>], vector<16xf32>,
        %mul3A_1071 = arith.mulf %gather3A_105, %gather3A_1070 : vector<16xf32>
        %add3A_1072 = arith.addf %add3A_1067, %mul3A_1071 : vector<16xf32>
        %broadcast_in_dim3A_1073 = arith.constant 4 : i32
        %broadcast_in_dim3A_1074 = vector.broadcast %broadcast_in_dim3A_1073 : i32 to vector<16xi32>
        %gather3A_1075 = tpu.vector_load_idx %arg13[%add3A_1053, %broadcast_in_dim3A_1074] : memref<3216x5xf32, #tpu.memory_space<vmem>>[vector<16xi32>, vector<16xi32>], vector<16xf32>,
        %mul3A_1076 = arith.mulf %gather3A_108, %gather3A_1075 : vector<16xf32>
        %add3A_1077 = arith.addf %add3A_1072, %mul3A_1076 : vector<16xf32>
        %add3A_1078 = arith.constant 144 : i32
        %add3A_1079 = arith.addi %mul3A_111, %add3A_1078 : i32
        %get3A_1080 = arith.index_cast %add3A_1079 : i32 to index
        %get3A_1081 = tpu.vector_load %arg11[%get3A_1080] {strides = array<i32>} : memref<3216xi32, #tpu.memory_space<vmem>>, vector<16xi32>,
        %gt3A_1082 = arith.constant 0 : i32
        %gt3A_1083 = vector.broadcast %gt3A_1082 : i32 to vector<16xi32>
        %gt3A_1084 = arith.cmpi sgt, %get3A_1081, %gt3A_1083 : vector<16xi32>
        %mul3A_1085 = arith.constant 1.44269502 : f32
        %mul3A_1086 = vector.broadcast %mul3A_1085 : f32 to vector<16xf32>
        %mul3A_1087 = arith.mulf %add3A_1077, %mul3A_1086 : vector<16xf32>
        %ge3A_1088 = arith.constant 0.000000e+00 : f32
        %ge3A_1089 = vector.broadcast %ge3A_1088 : f32 to vector<16xf32>
        %ge3A_1090 = arith.cmpf oge, %mul3A_1087, %ge3A_1089 : vector<16xf32>
        %jit3A_1091 = arith.constant 5.000000e-01 : f32
        %jit3A_1092 = arith.constant -5.000000e-01 : f32
        %broadcast_in_dim3A_1093 = vector.broadcast %jit3A_1091 : f32 to vector<16xf32>
        %broadcast_in_dim3A_1094 = vector.broadcast %jit3A_1092 : f32 to vector<16xf32>
        %select_n3A_1095 = arith.select %ge3A_1090, %broadcast_in_dim3A_1093, %broadcast_in_dim3A_1094 : vector<16xi1>, vector<16xf32>
        %add3A_1096 = arith.addf %mul3A_1087, %select_n3A_1095 : vector<16xf32>
        %convert_element_type3A_1097 = arith.fptosi %add3A_1096 : vector<16xf32> to vector<16xi32>
        %jit3A_1098 = arith.constant -126 : i32
        %jit3A_1099 = arith.constant 127 : i32
        %max3A_1100 = vector.broadcast %jit3A_1098 : i32 to vector<16xi32>
        %max3A_1101 = arith.maxsi %max3A_1100, %convert_element_type3A_1097 : vector<16xi32>
        %min3A_1102 = vector.broadcast %jit3A_1099 : i32 to vector<16xi32>
        %min3A_1103 = arith.minsi %min3A_1102, %max3A_1101 : vector<16xi32>
        %convert_element_type3A_1104 = arith.sitofp %min3A_1103 : vector<16xi32> to vector<16xf32>
        %mul3A_1105 = arith.constant 0.693145751 : f32
        %mul3A_1106 = vector.broadcast %mul3A_1105 : f32 to vector<16xf32>
        %mul3A_1107 = arith.mulf %convert_element_type3A_1104, %mul3A_1106 : vector<16xf32>
        %sub3A_1108 = arith.subf %add3A_1077, %mul3A_1107 : vector<16xf32>
        %mul3A_1109 = arith.constant 1.42860677E-6 : f32
        %mul3A_1110 = vector.broadcast %mul3A_1109 : f32 to vector<16xf32>
        %mul3A_1111 = arith.mulf %convert_element_type3A_1104, %mul3A_1110 : vector<16xf32>
        %sub3A_1112 = arith.subf %sub3A_1108, %mul3A_1111 : vector<16xf32>
        %mul3A_1113 = arith.constant 0.00833333377 : f32
        %mul3A_1114 = vector.broadcast %mul3A_1113 : f32 to vector<16xf32>
        %mul3A_1115 = arith.mulf %mul3A_1114, %sub3A_1112 : vector<16xf32>
        %add3A_1116 = arith.constant 0.0416666679 : f32
        %add3A_1117 = vector.broadcast %add3A_1116 : f32 to vector<16xf32>
        %add3A_1118 = arith.addf %mul3A_1115, %add3A_1117 : vector<16xf32>
        %mul3A_1119 = arith.mulf %add3A_1118, %sub3A_1112 : vector<16xf32>
        %add3A_1120 = arith.constant 0.166666672 : f32
        %add3A_1121 = vector.broadcast %add3A_1120 : f32 to vector<16xf32>
        %add3A_1122 = arith.addf %mul3A_1119, %add3A_1121 : vector<16xf32>
        %mul3A_1123 = arith.mulf %add3A_1122, %sub3A_1112 : vector<16xf32>
        %add3A_1124 = arith.constant 5.000000e-01 : f32
        %add3A_1125 = vector.broadcast %add3A_1124 : f32 to vector<16xf32>
        %add3A_1126 = arith.addf %mul3A_1123, %add3A_1125 : vector<16xf32>
        %mul3A_1127 = arith.mulf %add3A_1126, %sub3A_1112 : vector<16xf32>
        %add3A_1128 = arith.constant 1.000000e+00 : f32
        %add3A_1129 = vector.broadcast %add3A_1128 : f32 to vector<16xf32>
        %add3A_1130 = arith.addf %mul3A_1127, %add3A_1129 : vector<16xf32>
        %mul3A_1131 = arith.mulf %add3A_1130, %sub3A_1112 : vector<16xf32>
        %add3A_1132 = arith.constant 1.000000e+00 : f32
        %add3A_1133 = vector.broadcast %add3A_1132 : f32 to vector<16xf32>
        %add3A_1134 = arith.addf %mul3A_1131, %add3A_1133 : vector<16xf32>
        %add3A_1135 = arith.constant 127 : i32
        %add3A_1136 = vector.broadcast %add3A_1135 : i32 to vector<16xi32>
        %add3A_1137 = arith.addi %min3A_1103, %add3A_1136 : vector<16xi32>
        %shift_left3A_1138 = arith.constant 23 : i32
        %shift_left3A_1139 = vector.broadcast %shift_left3A_1138 : i32 to vector<16xi32>
        %shift_left3A_1140 = arith.shli %add3A_1137, %shift_left3A_1139 : vector<16xi32>
        %bitcast_convert_type3A_1141 = tpu.bitcast %shift_left3A_1140 : vector<16xi32> -> vector<16xf32>
        %mul3A_1142 = arith.mulf %add3A_1134, %bitcast_convert_type3A_1141 : vector<16xf32>
        %jit3A_1143 = arith.constant 0.000000e+00 : f32
        %broadcast_in_dim3A_1144 = vector.broadcast %jit3A_1143 : f32 to vector<16xf32>
        %select_n3A_1145 = arith.select %gt3A_1084, %mul3A_1142, %broadcast_in_dim3A_1144 : vector<16xi1>, vector<16xf32>
        %add3A_1146 = arith.addf %add3A_1041, %select_n3A_1145 : vector<16xf32>
        %add3A_1147 = arith.constant 144 : i32
        %add3A_1148 = vector.broadcast %add3A_1147 : i32 to vector<16xi32>
        %add3A_1149 = arith.addi %iota3A, %add3A_1148 : vector<16xi32>
        %eq3A_1150 = arith.cmpi eq, %add3A_1149, %gather3A_109 : vector<16xi32>
        %jit3A_1151 = arith.constant 0.000000e+00 : f32
        %broadcast_in_dim3A_1152 = vector.broadcast %jit3A_1151 : f32 to vector<16xf32>
        %select_n3A_1153 = arith.select %eq3A_1150, %select_n3A_1145, %broadcast_in_dim3A_1152 : vector<16xi1>, vector<16xf32>
        %add3A_1154 = arith.addf %add3A_1049, %select_n3A_1153 : vector<16xf32>
        %add3A_1155 = arith.constant 160 : i32
        %add3A_1156 = arith.addi %mul3A_111, %add3A_1155 : i32
        %add3A_1157 = vector.broadcast %add3A_1156 : i32 to vector<16xi32>
        %add3A_1158 = arith.addi %iota3A, %add3A_1157 : vector<16xi32>
        %broadcast_in_dim3A_1159 = arith.constant 0 : i32
        %broadcast_in_dim3A_1160 = vector.broadcast %broadcast_in_dim3A_1159 : i32 to vector<16xi32>
        %gather3A_1161 = tpu.vector_load_idx %arg13[%add3A_1158, %broadcast_in_dim3A_1160] : memref<3216x5xf32, #tpu.memory_space<vmem>>[vector<16xi32>, vector<16xi32>], vector<16xf32>,
        %mul3A_1162 = arith.mulf %gather3A, %gather3A_1161 : vector<16xf32>
        %broadcast_in_dim3A_1163 = arith.constant 1 : i32
        %broadcast_in_dim3A_1164 = vector.broadcast %broadcast_in_dim3A_1163 : i32 to vector<16xi32>
        %gather3A_1165 = tpu.vector_load_idx %arg13[%add3A_1158, %broadcast_in_dim3A_1164] : memref<3216x5xf32, #tpu.memory_space<vmem>>[vector<16xi32>, vector<16xi32>], vector<16xf32>,
        %mul3A_1166 = arith.mulf %gather3A_99, %gather3A_1165 : vector<16xf32>
        %add3A_1167 = arith.addf %mul3A_1162, %mul3A_1166 : vector<16xf32>
        %broadcast_in_dim3A_1168 = arith.constant 2 : i32
        %broadcast_in_dim3A_1169 = vector.broadcast %broadcast_in_dim3A_1168 : i32 to vector<16xi32>
        %gather3A_1170 = tpu.vector_load_idx %arg13[%add3A_1158, %broadcast_in_dim3A_1169] : memref<3216x5xf32, #tpu.memory_space<vmem>>[vector<16xi32>, vector<16xi32>], vector<16xf32>,
        %mul3A_1171 = arith.mulf %gather3A_102, %gather3A_1170 : vector<16xf32>
        %add3A_1172 = arith.addf %add3A_1167, %mul3A_1171 : vector<16xf32>
        %broadcast_in_dim3A_1173 = arith.constant 3 : i32
        %broadcast_in_dim3A_1174 = vector.broadcast %broadcast_in_dim3A_1173 : i32 to vector<16xi32>
        %gather3A_1175 = tpu.vector_load_idx %arg13[%add3A_1158, %broadcast_in_dim3A_1174] : memref<3216x5xf32, #tpu.memory_space<vmem>>[vector<16xi32>, vector<16xi32>], vector<16xf32>,
        %mul3A_1176 = arith.mulf %gather3A_105, %gather3A_1175 : vector<16xf32>
        %add3A_1177 = arith.addf %add3A_1172, %mul3A_1176 : vector<16xf32>
        %broadcast_in_dim3A_1178 = arith.constant 4 : i32
        %broadcast_in_dim3A_1179 = vector.broadcast %broadcast_in_dim3A_1178 : i32 to vector<16xi32>
        %gather3A_1180 = tpu.vector_load_idx %arg13[%add3A_1158, %broadcast_in_dim3A_1179] : memref<3216x5xf32, #tpu.memory_space<vmem>>[vector<16xi32>, vector<16xi32>], vector<16xf32>,
        %mul3A_1181 = arith.mulf %gather3A_108, %gather3A_1180 : vector<16xf32>
        %add3A_1182 = arith.addf %add3A_1177, %mul3A_1181 : vector<16xf32>
        %add3A_1183 = arith.constant 160 : i32
        %add3A_1184 = arith.addi %mul3A_111, %add3A_1183 : i32
        %get3A_1185 = arith.index_cast %add3A_1184 : i32 to index
        %get3A_1186 = tpu.vector_load %arg11[%get3A_1185] {strides = array<i32>} : memref<3216xi32, #tpu.memory_space<vmem>>, vector<16xi32>,
        %gt3A_1187 = arith.constant 0 : i32
        %gt3A_1188 = vector.broadcast %gt3A_1187 : i32 to vector<16xi32>
        %gt3A_1189 = arith.cmpi sgt, %get3A_1186, %gt3A_1188 : vector<16xi32>
        %mul3A_1190 = arith.constant 1.44269502 : f32
        %mul3A_1191 = vector.broadcast %mul3A_1190 : f32 to vector<16xf32>
        %mul3A_1192 = arith.mulf %add3A_1182, %mul3A_1191 : vector<16xf32>
        %ge3A_1193 = arith.constant 0.000000e+00 : f32
        %ge3A_1194 = vector.broadcast %ge3A_1193 : f32 to vector<16xf32>
        %ge3A_1195 = arith.cmpf oge, %mul3A_1192, %ge3A_1194 : vector<16xf32>
        %jit3A_1196 = arith.constant 5.000000e-01 : f32
        %jit3A_1197 = arith.constant -5.000000e-01 : f32
        %broadcast_in_dim3A_1198 = vector.broadcast %jit3A_1196 : f32 to vector<16xf32>
        %broadcast_in_dim3A_1199 = vector.broadcast %jit3A_1197 : f32 to vector<16xf32>
        %select_n3A_1200 = arith.select %ge3A_1195, %broadcast_in_dim3A_1198, %broadcast_in_dim3A_1199 : vector<16xi1>, vector<16xf32>
        %add3A_1201 = arith.addf %mul3A_1192, %select_n3A_1200 : vector<16xf32>
        %convert_element_type3A_1202 = arith.fptosi %add3A_1201 : vector<16xf32> to vector<16xi32>
        %jit3A_1203 = arith.constant -126 : i32
        %jit3A_1204 = arith.constant 127 : i32
        %max3A_1205 = vector.broadcast %jit3A_1203 : i32 to vector<16xi32>
        %max3A_1206 = arith.maxsi %max3A_1205, %convert_element_type3A_1202 : vector<16xi32>
        %min3A_1207 = vector.broadcast %jit3A_1204 : i32 to vector<16xi32>
        %min3A_1208 = arith.minsi %min3A_1207, %max3A_1206 : vector<16xi32>
        %convert_element_type3A_1209 = arith.sitofp %min3A_1208 : vector<16xi32> to vector<16xf32>
        %mul3A_1210 = arith.constant 0.693145751 : f32
        %mul3A_1211 = vector.broadcast %mul3A_1210 : f32 to vector<16xf32>
        %mul3A_1212 = arith.mulf %convert_element_type3A_1209, %mul3A_1211 : vector<16xf32>
        %sub3A_1213 = arith.subf %add3A_1182, %mul3A_1212 : vector<16xf32>
        %mul3A_1214 = arith.constant 1.42860677E-6 : f32
        %mul3A_1215 = vector.broadcast %mul3A_1214 : f32 to vector<16xf32>
        %mul3A_1216 = arith.mulf %convert_element_type3A_1209, %mul3A_1215 : vector<16xf32>
        %sub3A_1217 = arith.subf %sub3A_1213, %mul3A_1216 : vector<16xf32>
        %mul3A_1218 = arith.constant 0.00833333377 : f32
        %mul3A_1219 = vector.broadcast %mul3A_1218 : f32 to vector<16xf32>
        %mul3A_1220 = arith.mulf %mul3A_1219, %sub3A_1217 : vector<16xf32>
        %add3A_1221 = arith.constant 0.0416666679 : f32
        %add3A_1222 = vector.broadcast %add3A_1221 : f32 to vector<16xf32>
        %add3A_1223 = arith.addf %mul3A_1220, %add3A_1222 : vector<16xf32>
        %mul3A_1224 = arith.mulf %add3A_1223, %sub3A_1217 : vector<16xf32>
        %add3A_1225 = arith.constant 0.166666672 : f32
        %add3A_1226 = vector.broadcast %add3A_1225 : f32 to vector<16xf32>
        %add3A_1227 = arith.addf %mul3A_1224, %add3A_1226 : vector<16xf32>
        %mul3A_1228 = arith.mulf %add3A_1227, %sub3A_1217 : vector<16xf32>
        %add3A_1229 = arith.constant 5.000000e-01 : f32
        %add3A_1230 = vector.broadcast %add3A_1229 : f32 to vector<16xf32>
        %add3A_1231 = arith.addf %mul3A_1228, %add3A_1230 : vector<16xf32>
        %mul3A_1232 = arith.mulf %add3A_1231, %sub3A_1217 : vector<16xf32>
        %add3A_1233 = arith.constant 1.000000e+00 : f32
        %add3A_1234 = vector.broadcast %add3A_1233 : f32 to vector<16xf32>
        %add3A_1235 = arith.addf %mul3A_1232, %add3A_1234 : vector<16xf32>
        %mul3A_1236 = arith.mulf %add3A_1235, %sub3A_1217 : vector<16xf32>
        %add3A_1237 = arith.constant 1.000000e+00 : f32
        %add3A_1238 = vector.broadcast %add3A_1237 : f32 to vector<16xf32>
        %add3A_1239 = arith.addf %mul3A_1236, %add3A_1238 : vector<16xf32>
        %add3A_1240 = arith.constant 127 : i32
        %add3A_1241 = vector.broadcast %add3A_1240 : i32 to vector<16xi32>
        %add3A_1242 = arith.addi %min3A_1208, %add3A_1241 : vector<16xi32>
        %shift_left3A_1243 = arith.constant 23 : i32
        %shift_left3A_1244 = vector.broadcast %shift_left3A_1243 : i32 to vector<16xi32>
        %shift_left3A_1245 = arith.shli %add3A_1242, %shift_left3A_1244 : vector<16xi32>
        %bitcast_convert_type3A_1246 = tpu.bitcast %shift_left3A_1245 : vector<16xi32> -> vector<16xf32>
        %mul3A_1247 = arith.mulf %add3A_1239, %bitcast_convert_type3A_1246 : vector<16xf32>
        %jit3A_1248 = arith.constant 0.000000e+00 : f32
        %broadcast_in_dim3A_1249 = vector.broadcast %jit3A_1248 : f32 to vector<16xf32>
        %select_n3A_1250 = arith.select %gt3A_1189, %mul3A_1247, %broadcast_in_dim3A_1249 : vector<16xi1>, vector<16xf32>
        %add3A_1251 = arith.addf %add3A_1146, %select_n3A_1250 : vector<16xf32>
        %add3A_1252 = arith.constant 160 : i32
        %add3A_1253 = vector.broadcast %add3A_1252 : i32 to vector<16xi32>
        %add3A_1254 = arith.addi %iota3A, %add3A_1253 : vector<16xi32>
        %eq3A_1255 = arith.cmpi eq, %add3A_1254, %gather3A_109 : vector<16xi32>
        %jit3A_1256 = arith.constant 0.000000e+00 : f32
        %broadcast_in_dim3A_1257 = vector.broadcast %jit3A_1256 : f32 to vector<16xf32>
        %select_n3A_1258 = arith.select %eq3A_1255, %select_n3A_1250, %broadcast_in_dim3A_1257 : vector<16xi1>, vector<16xf32>
        %add3A_1259 = arith.addf %add3A_1154, %select_n3A_1258 : vector<16xf32>
        %add3A_1260 = arith.constant 176 : i32
        %add3A_1261 = arith.addi %mul3A_111, %add3A_1260 : i32
        %add3A_1262 = vector.broadcast %add3A_1261 : i32 to vector<16xi32>
        %add3A_1263 = arith.addi %iota3A, %add3A_1262 : vector<16xi32>
        %broadcast_in_dim3A_1264 = arith.constant 0 : i32
        %broadcast_in_dim3A_1265 = vector.broadcast %broadcast_in_dim3A_1264 : i32 to vector<16xi32>
        %gather3A_1266 = tpu.vector_load_idx %arg13[%add3A_1263, %broadcast_in_dim3A_1265] : memref<3216x5xf32, #tpu.memory_space<vmem>>[vector<16xi32>, vector<16xi32>], vector<16xf32>,
        %mul3A_1267 = arith.mulf %gather3A, %gather3A_1266 : vector<16xf32>
        %broadcast_in_dim3A_1268 = arith.constant 1 : i32
        %broadcast_in_dim3A_1269 = vector.broadcast %broadcast_in_dim3A_1268 : i32 to vector<16xi32>
        %gather3A_1270 = tpu.vector_load_idx %arg13[%add3A_1263, %broadcast_in_dim3A_1269] : memref<3216x5xf32, #tpu.memory_space<vmem>>[vector<16xi32>, vector<16xi32>], vector<16xf32>,
        %mul3A_1271 = arith.mulf %gather3A_99, %gather3A_1270 : vector<16xf32>
        %add3A_1272 = arith.addf %mul3A_1267, %mul3A_1271 : vector<16xf32>
        %broadcast_in_dim3A_1273 = arith.constant 2 : i32
        %broadcast_in_dim3A_1274 = vector.broadcast %broadcast_in_dim3A_1273 : i32 to vector<16xi32>
        %gather3A_1275 = tpu.vector_load_idx %arg13[%add3A_1263, %broadcast_in_dim3A_1274] : memref<3216x5xf32, #tpu.memory_space<vmem>>[vector<16xi32>, vector<16xi32>], vector<16xf32>,
        %mul3A_1276 = arith.mulf %gather3A_102, %gather3A_1275 : vector<16xf32>
        %add3A_1277 = arith.addf %add3A_1272, %mul3A_1276 : vector<16xf32>
        %broadcast_in_dim3A_1278 = arith.constant 3 : i32
        %broadcast_in_dim3A_1279 = vector.broadcast %broadcast_in_dim3A_1278 : i32 to vector<16xi32>
        %gather3A_1280 = tpu.vector_load_idx %arg13[%add3A_1263, %broadcast_in_dim3A_1279] : memref<3216x5xf32, #tpu.memory_space<vmem>>[vector<16xi32>, vector<16xi32>], vector<16xf32>,
        %mul3A_1281 = arith.mulf %gather3A_105, %gather3A_1280 : vector<16xf32>
        %add3A_1282 = arith.addf %add3A_1277, %mul3A_1281 : vector<16xf32>
        %broadcast_in_dim3A_1283 = arith.constant 4 : i32
        %broadcast_in_dim3A_1284 = vector.broadcast %broadcast_in_dim3A_1283 : i32 to vector<16xi32>
        %gather3A_1285 = tpu.vector_load_idx %arg13[%add3A_1263, %broadcast_in_dim3A_1284] : memref<3216x5xf32, #tpu.memory_space<vmem>>[vector<16xi32>, vector<16xi32>], vector<16xf32>,
        %mul3A_1286 = arith.mulf %gather3A_108, %gather3A_1285 : vector<16xf32>
        %add3A_1287 = arith.addf %add3A_1282, %mul3A_1286 : vector<16xf32>
        %add3A_1288 = arith.constant 176 : i32
        %add3A_1289 = arith.addi %mul3A_111, %add3A_1288 : i32
        %get3A_1290 = arith.index_cast %add3A_1289 : i32 to index
        %get3A_1291 = tpu.vector_load %arg11[%get3A_1290] {strides = array<i32>} : memref<3216xi32, #tpu.memory_space<vmem>>, vector<16xi32>,
        %gt3A_1292 = arith.constant 0 : i32
        %gt3A_1293 = vector.broadcast %gt3A_1292 : i32 to vector<16xi32>
        %gt3A_1294 = arith.cmpi sgt, %get3A_1291, %gt3A_1293 : vector<16xi32>
        %mul3A_1295 = arith.constant 1.44269502 : f32
        %mul3A_1296 = vector.broadcast %mul3A_1295 : f32 to vector<16xf32>
        %mul3A_1297 = arith.mulf %add3A_1287, %mul3A_1296 : vector<16xf32>
        %ge3A_1298 = arith.constant 0.000000e+00 : f32
        %ge3A_1299 = vector.broadcast %ge3A_1298 : f32 to vector<16xf32>
        %ge3A_1300 = arith.cmpf oge, %mul3A_1297, %ge3A_1299 : vector<16xf32>
        %jit3A_1301 = arith.constant 5.000000e-01 : f32
        %jit3A_1302 = arith.constant -5.000000e-01 : f32
        %broadcast_in_dim3A_1303 = vector.broadcast %jit3A_1301 : f32 to vector<16xf32>
        %broadcast_in_dim3A_1304 = vector.broadcast %jit3A_1302 : f32 to vector<16xf32>
        %select_n3A_1305 = arith.select %ge3A_1300, %broadcast_in_dim3A_1303, %broadcast_in_dim3A_1304 : vector<16xi1>, vector<16xf32>
        %add3A_1306 = arith.addf %mul3A_1297, %select_n3A_1305 : vector<16xf32>
        %convert_element_type3A_1307 = arith.fptosi %add3A_1306 : vector<16xf32> to vector<16xi32>
        %jit3A_1308 = arith.constant -126 : i32
        %jit3A_1309 = arith.constant 127 : i32
        %max3A_1310 = vector.broadcast %jit3A_1308 : i32 to vector<16xi32>
        %max3A_1311 = arith.maxsi %max3A_1310, %convert_element_type3A_1307 : vector<16xi32>
        %min3A_1312 = vector.broadcast %jit3A_1309 : i32 to vector<16xi32>
        %min3A_1313 = arith.minsi %min3A_1312, %max3A_1311 : vector<16xi32>
        %convert_element_type3A_1314 = arith.sitofp %min3A_1313 : vector<16xi32> to vector<16xf32>
        %mul3A_1315 = arith.constant 0.693145751 : f32
        %mul3A_1316 = vector.broadcast %mul3A_1315 : f32 to vector<16xf32>
        %mul3A_1317 = arith.mulf %convert_element_type3A_1314, %mul3A_1316 : vector<16xf32>
        %sub3A_1318 = arith.subf %add3A_1287, %mul3A_1317 : vector<16xf32>
        %mul3A_1319 = arith.constant 1.42860677E-6 : f32
        %mul3A_1320 = vector.broadcast %mul3A_1319 : f32 to vector<16xf32>
        %mul3A_1321 = arith.mulf %convert_element_type3A_1314, %mul3A_1320 : vector<16xf32>
        %sub3A_1322 = arith.subf %sub3A_1318, %mul3A_1321 : vector<16xf32>
        %mul3A_1323 = arith.constant 0.00833333377 : f32
        %mul3A_1324 = vector.broadcast %mul3A_1323 : f32 to vector<16xf32>
        %mul3A_1325 = arith.mulf %mul3A_1324, %sub3A_1322 : vector<16xf32>
        %add3A_1326 = arith.constant 0.0416666679 : f32
        %add3A_1327 = vector.broadcast %add3A_1326 : f32 to vector<16xf32>
        %add3A_1328 = arith.addf %mul3A_1325, %add3A_1327 : vector<16xf32>
        %mul3A_1329 = arith.mulf %add3A_1328, %sub3A_1322 : vector<16xf32>
        %add3A_1330 = arith.constant 0.166666672 : f32
        %add3A_1331 = vector.broadcast %add3A_1330 : f32 to vector<16xf32>
        %add3A_1332 = arith.addf %mul3A_1329, %add3A_1331 : vector<16xf32>
        %mul3A_1333 = arith.mulf %add3A_1332, %sub3A_1322 : vector<16xf32>
        %add3A_1334 = arith.constant 5.000000e-01 : f32
        %add3A_1335 = vector.broadcast %add3A_1334 : f32 to vector<16xf32>
        %add3A_1336 = arith.addf %mul3A_1333, %add3A_1335 : vector<16xf32>
        %mul3A_1337 = arith.mulf %add3A_1336, %sub3A_1322 : vector<16xf32>
        %add3A_1338 = arith.constant 1.000000e+00 : f32
        %add3A_1339 = vector.broadcast %add3A_1338 : f32 to vector<16xf32>
        %add3A_1340 = arith.addf %mul3A_1337, %add3A_1339 : vector<16xf32>
        %mul3A_1341 = arith.mulf %add3A_1340, %sub3A_1322 : vector<16xf32>
        %add3A_1342 = arith.constant 1.000000e+00 : f32
        %add3A_1343 = vector.broadcast %add3A_1342 : f32 to vector<16xf32>
        %add3A_1344 = arith.addf %mul3A_1341, %add3A_1343 : vector<16xf32>
        %add3A_1345 = arith.constant 127 : i32
        %add3A_1346 = vector.broadcast %add3A_1345 : i32 to vector<16xi32>
        %add3A_1347 = arith.addi %min3A_1313, %add3A_1346 : vector<16xi32>
        %shift_left3A_1348 = arith.constant 23 : i32
        %shift_left3A_1349 = vector.broadcast %shift_left3A_1348 : i32 to vector<16xi32>
        %shift_left3A_1350 = arith.shli %add3A_1347, %shift_left3A_1349 : vector<16xi32>
        %bitcast_convert_type3A_1351 = tpu.bitcast %shift_left3A_1350 : vector<16xi32> -> vector<16xf32>
        %mul3A_1352 = arith.mulf %add3A_1344, %bitcast_convert_type3A_1351 : vector<16xf32>
        %jit3A_1353 = arith.constant 0.000000e+00 : f32
        %broadcast_in_dim3A_1354 = vector.broadcast %jit3A_1353 : f32 to vector<16xf32>
        %select_n3A_1355 = arith.select %gt3A_1294, %mul3A_1352, %broadcast_in_dim3A_1354 : vector<16xi1>, vector<16xf32>
        %add3A_1356 = arith.addf %add3A_1251, %select_n3A_1355 : vector<16xf32>
        %add3A_1357 = arith.constant 176 : i32
        %add3A_1358 = vector.broadcast %add3A_1357 : i32 to vector<16xi32>
        %add3A_1359 = arith.addi %iota3A, %add3A_1358 : vector<16xi32>
        %eq3A_1360 = arith.cmpi eq, %add3A_1359, %gather3A_109 : vector<16xi32>
        %jit3A_1361 = arith.constant 0.000000e+00 : f32
        %broadcast_in_dim3A_1362 = vector.broadcast %jit3A_1361 : f32 to vector<16xf32>
        %select_n3A_1363 = arith.select %eq3A_1360, %select_n3A_1355, %broadcast_in_dim3A_1362 : vector<16xi1>, vector<16xf32>
        %add3A_1364 = arith.addf %add3A_1259, %select_n3A_1363 : vector<16xf32>
        %add3A_1365 = arith.constant 192 : i32
        %add3A_1366 = arith.addi %mul3A_111, %add3A_1365 : i32
        %add3A_1367 = vector.broadcast %add3A_1366 : i32 to vector<16xi32>
        %add3A_1368 = arith.addi %iota3A, %add3A_1367 : vector<16xi32>
        %broadcast_in_dim3A_1369 = arith.constant 0 : i32
        %broadcast_in_dim3A_1370 = vector.broadcast %broadcast_in_dim3A_1369 : i32 to vector<16xi32>
        %gather3A_1371 = tpu.vector_load_idx %arg13[%add3A_1368, %broadcast_in_dim3A_1370] : memref<3216x5xf32, #tpu.memory_space<vmem>>[vector<16xi32>, vector<16xi32>], vector<16xf32>,
        %mul3A_1372 = arith.mulf %gather3A, %gather3A_1371 : vector<16xf32>
        %broadcast_in_dim3A_1373 = arith.constant 1 : i32
        %broadcast_in_dim3A_1374 = vector.broadcast %broadcast_in_dim3A_1373 : i32 to vector<16xi32>
        %gather3A_1375 = tpu.vector_load_idx %arg13[%add3A_1368, %broadcast_in_dim3A_1374] : memref<3216x5xf32, #tpu.memory_space<vmem>>[vector<16xi32>, vector<16xi32>], vector<16xf32>,
        %mul3A_1376 = arith.mulf %gather3A_99, %gather3A_1375 : vector<16xf32>
        %add3A_1377 = arith.addf %mul3A_1372, %mul3A_1376 : vector<16xf32>
        %broadcast_in_dim3A_1378 = arith.constant 2 : i32
        %broadcast_in_dim3A_1379 = vector.broadcast %broadcast_in_dim3A_1378 : i32 to vector<16xi32>
        %gather3A_1380 = tpu.vector_load_idx %arg13[%add3A_1368, %broadcast_in_dim3A_1379] : memref<3216x5xf32, #tpu.memory_space<vmem>>[vector<16xi32>, vector<16xi32>], vector<16xf32>,
        %mul3A_1381 = arith.mulf %gather3A_102, %gather3A_1380 : vector<16xf32>
        %add3A_1382 = arith.addf %add3A_1377, %mul3A_1381 : vector<16xf32>
        %broadcast_in_dim3A_1383 = arith.constant 3 : i32
        %broadcast_in_dim3A_1384 = vector.broadcast %broadcast_in_dim3A_1383 : i32 to vector<16xi32>
        %gather3A_1385 = tpu.vector_load_idx %arg13[%add3A_1368, %broadcast_in_dim3A_1384] : memref<3216x5xf32, #tpu.memory_space<vmem>>[vector<16xi32>, vector<16xi32>], vector<16xf32>,
        %mul3A_1386 = arith.mulf %gather3A_105, %gather3A_1385 : vector<16xf32>
        %add3A_1387 = arith.addf %add3A_1382, %mul3A_1386 : vector<16xf32>
        %broadcast_in_dim3A_1388 = arith.constant 4 : i32
        %broadcast_in_dim3A_1389 = vector.broadcast %broadcast_in_dim3A_1388 : i32 to vector<16xi32>
        %gather3A_1390 = tpu.vector_load_idx %arg13[%add3A_1368, %broadcast_in_dim3A_1389] : memref<3216x5xf32, #tpu.memory_space<vmem>>[vector<16xi32>, vector<16xi32>], vector<16xf32>,
        %mul3A_1391 = arith.mulf %gather3A_108, %gather3A_1390 : vector<16xf32>
        %add3A_1392 = arith.addf %add3A_1387, %mul3A_1391 : vector<16xf32>
        %add3A_1393 = arith.constant 192 : i32
        %add3A_1394 = arith.addi %mul3A_111, %add3A_1393 : i32
        %get3A_1395 = arith.index_cast %add3A_1394 : i32 to index
        %get3A_1396 = tpu.vector_load %arg11[%get3A_1395] {strides = array<i32>} : memref<3216xi32, #tpu.memory_space<vmem>>, vector<16xi32>,
        %gt3A_1397 = arith.constant 0 : i32
        %gt3A_1398 = vector.broadcast %gt3A_1397 : i32 to vector<16xi32>
        %gt3A_1399 = arith.cmpi sgt, %get3A_1396, %gt3A_1398 : vector<16xi32>
        %add3A_1400 = arith.constant 192 : i32
        %add3A_1401 = vector.broadcast %add3A_1400 : i32 to vector<16xi32>
        %add3A_1402 = arith.addi %iota3A, %add3A_1401 : vector<16xi32>
        %lt3A_1403 = arith.constant 200 : i32
        %lt3A_1404 = vector.broadcast %lt3A_1403 : i32 to vector<16xi32>
        %lt3A_1405 = arith.cmpi slt, %add3A_1402, %lt3A_1404 : vector<16xi32>
        %and3A = arith.andi %gt3A_1399, %lt3A_1405 : vector<16xi1>
        %mul3A_1406 = arith.constant 1.44269502 : f32
        %mul3A_1407 = vector.broadcast %mul3A_1406 : f32 to vector<16xf32>
        %mul3A_1408 = arith.mulf %add3A_1392, %mul3A_1407 : vector<16xf32>
        %ge3A_1409 = arith.constant 0.000000e+00 : f32
        %ge3A_1410 = vector.broadcast %ge3A_1409 : f32 to vector<16xf32>
        %ge3A_1411 = arith.cmpf oge, %mul3A_1408, %ge3A_1410 : vector<16xf32>
        %jit3A_1412 = arith.constant 5.000000e-01 : f32
        %jit3A_1413 = arith.constant -5.000000e-01 : f32
        %broadcast_in_dim3A_1414 = vector.broadcast %jit3A_1412 : f32 to vector<16xf32>
        %broadcast_in_dim3A_1415 = vector.broadcast %jit3A_1413 : f32 to vector<16xf32>
        %select_n3A_1416 = arith.select %ge3A_1411, %broadcast_in_dim3A_1414, %broadcast_in_dim3A_1415 : vector<16xi1>, vector<16xf32>
        %add3A_1417 = arith.addf %mul3A_1408, %select_n3A_1416 : vector<16xf32>
        %convert_element_type3A_1418 = arith.fptosi %add3A_1417 : vector<16xf32> to vector<16xi32>
        %jit3A_1419 = arith.constant -126 : i32
        %jit3A_1420 = arith.constant 127 : i32
        %max3A_1421 = vector.broadcast %jit3A_1419 : i32 to vector<16xi32>
        %max3A_1422 = arith.maxsi %max3A_1421, %convert_element_type3A_1418 : vector<16xi32>
        %min3A_1423 = vector.broadcast %jit3A_1420 : i32 to vector<16xi32>
        %min3A_1424 = arith.minsi %min3A_1423, %max3A_1422 : vector<16xi32>
        %convert_element_type3A_1425 = arith.sitofp %min3A_1424 : vector<16xi32> to vector<16xf32>
        %mul3A_1426 = arith.constant 0.693145751 : f32
        %mul3A_1427 = vector.broadcast %mul3A_1426 : f32 to vector<16xf32>
        %mul3A_1428 = arith.mulf %convert_element_type3A_1425, %mul3A_1427 : vector<16xf32>
        %sub3A_1429 = arith.subf %add3A_1392, %mul3A_1428 : vector<16xf32>
        %mul3A_1430 = arith.constant 1.42860677E-6 : f32
        %mul3A_1431 = vector.broadcast %mul3A_1430 : f32 to vector<16xf32>
        %mul3A_1432 = arith.mulf %convert_element_type3A_1425, %mul3A_1431 : vector<16xf32>
        %sub3A_1433 = arith.subf %sub3A_1429, %mul3A_1432 : vector<16xf32>
        %mul3A_1434 = arith.constant 0.00833333377 : f32
        %mul3A_1435 = vector.broadcast %mul3A_1434 : f32 to vector<16xf32>
        %mul3A_1436 = arith.mulf %mul3A_1435, %sub3A_1433 : vector<16xf32>
        %add3A_1437 = arith.constant 0.0416666679 : f32
        %add3A_1438 = vector.broadcast %add3A_1437 : f32 to vector<16xf32>
        %add3A_1439 = arith.addf %mul3A_1436, %add3A_1438 : vector<16xf32>
        %mul3A_1440 = arith.mulf %add3A_1439, %sub3A_1433 : vector<16xf32>
        %add3A_1441 = arith.constant 0.166666672 : f32
        %add3A_1442 = vector.broadcast %add3A_1441 : f32 to vector<16xf32>
        %add3A_1443 = arith.addf %mul3A_1440, %add3A_1442 : vector<16xf32>
        %mul3A_1444 = arith.mulf %add3A_1443, %sub3A_1433 : vector<16xf32>
        %add3A_1445 = arith.constant 5.000000e-01 : f32
        %add3A_1446 = vector.broadcast %add3A_1445 : f32 to vector<16xf32>
        %add3A_1447 = arith.addf %mul3A_1444, %add3A_1446 : vector<16xf32>
        %mul3A_1448 = arith.mulf %add3A_1447, %sub3A_1433 : vector<16xf32>
        %add3A_1449 = arith.constant 1.000000e+00 : f32
        %add3A_1450 = vector.broadcast %add3A_1449 : f32 to vector<16xf32>
        %add3A_1451 = arith.addf %mul3A_1448, %add3A_1450 : vector<16xf32>
        %mul3A_1452 = arith.mulf %add3A_1451, %sub3A_1433 : vector<16xf32>
        %add3A_1453 = arith.constant 1.000000e+00 : f32
        %add3A_1454 = vector.broadcast %add3A_1453 : f32 to vector<16xf32>
        %add3A_1455 = arith.addf %mul3A_1452, %add3A_1454 : vector<16xf32>
        %add3A_1456 = arith.constant 127 : i32
        %add3A_1457 = vector.broadcast %add3A_1456 : i32 to vector<16xi32>
        %add3A_1458 = arith.addi %min3A_1424, %add3A_1457 : vector<16xi32>
        %shift_left3A_1459 = arith.constant 23 : i32
        %shift_left3A_1460 = vector.broadcast %shift_left3A_1459 : i32 to vector<16xi32>
        %shift_left3A_1461 = arith.shli %add3A_1458, %shift_left3A_1460 : vector<16xi32>
        %bitcast_convert_type3A_1462 = tpu.bitcast %shift_left3A_1461 : vector<16xi32> -> vector<16xf32>
        %mul3A_1463 = arith.mulf %add3A_1455, %bitcast_convert_type3A_1462 : vector<16xf32>
        %jit3A_1464 = arith.constant 0.000000e+00 : f32
        %broadcast_in_dim3A_1465 = vector.broadcast %jit3A_1464 : f32 to vector<16xf32>
        %select_n3A_1466 = arith.select %and3A, %mul3A_1463, %broadcast_in_dim3A_1465 : vector<16xi1>, vector<16xf32>
        %add3A_1467 = arith.addf %add3A_1356, %select_n3A_1466 : vector<16xf32>
        %add3A_1468 = arith.constant 192 : i32
        %add3A_1469 = vector.broadcast %add3A_1468 : i32 to vector<16xi32>
        %add3A_1470 = arith.addi %iota3A, %add3A_1469 : vector<16xi32>
        %eq3A_1471 = arith.cmpi eq, %add3A_1470, %gather3A_109 : vector<16xi32>
        %jit3A_1472 = arith.constant 0.000000e+00 : f32
        %broadcast_in_dim3A_1473 = vector.broadcast %jit3A_1472 : f32 to vector<16xf32>
        %select_n3A_1474 = arith.select %eq3A_1471, %select_n3A_1466, %broadcast_in_dim3A_1473 : vector<16xi1>, vector<16xf32>
        %add3A_1475 = arith.addf %add3A_1364, %select_n3A_1474 : vector<16xf32>
        %broadcast_in_dim3A_1476 = vector.shape_cast %xor3A_14 : vector<16xi32> to vector<16x1xi32>
        %gather3A_1477 = vector.shape_cast %broadcast_in_dim3A_1476 : vector<16x1xi32> to vector<16xi32>
        %gather3A_1478 = tpu.dynamic_gather %add3A_1467[%gather3A_1477] in [0] : vector<16xf32>, vector<16xi32> -> vector<16xf32>
        %add3A_1479 = arith.addf %add3A_1467, %gather3A_1478 : vector<16xf32>
        %broadcast_in_dim3A_1480 = vector.shape_cast %xor3A_14 : vector<16xi32> to vector<16x1xi32>
        %gather3A_1481 = vector.shape_cast %broadcast_in_dim3A_1480 : vector<16x1xi32> to vector<16xi32>
        %gather3A_1482 = tpu.dynamic_gather %add3A_1475[%gather3A_1481] in [0] : vector<16xf32>, vector<16xi32> -> vector<16xf32>
        %add3A_1483 = arith.addf %add3A_1475, %gather3A_1482 : vector<16xf32>
        %broadcast_in_dim3A_1484 = vector.shape_cast %xor3A_17 : vector<16xi32> to vector<16x1xi32>
        %gather3A_1485 = vector.shape_cast %broadcast_in_dim3A_1484 : vector<16x1xi32> to vector<16xi32>
        %gather3A_1486 = tpu.dynamic_gather %add3A_1479[%gather3A_1485] in [0] : vector<16xf32>, vector<16xi32> -> vector<16xf32>
        %add3A_1487 = arith.addf %add3A_1479, %gather3A_1486 : vector<16xf32>
        %broadcast_in_dim3A_1488 = vector.shape_cast %xor3A_17 : vector<16xi32> to vector<16x1xi32>
        %gather3A_1489 = vector.shape_cast %broadcast_in_dim3A_1488 : vector<16x1xi32> to vector<16xi32>
        %gather3A_1490 = tpu.dynamic_gather %add3A_1483[%gather3A_1489] in [0] : vector<16xf32>, vector<16xi32> -> vector<16xf32>
        %add3A_1491 = arith.addf %add3A_1483, %gather3A_1490 : vector<16xf32>
        %broadcast_in_dim3A_1492 = vector.shape_cast %xor3A_20 : vector<16xi32> to vector<16x1xi32>
        %gather3A_1493 = vector.shape_cast %broadcast_in_dim3A_1492 : vector<16x1xi32> to vector<16xi32>
        %gather3A_1494 = tpu.dynamic_gather %add3A_1487[%gather3A_1493] in [0] : vector<16xf32>, vector<16xi32> -> vector<16xf32>
        %add3A_1495 = arith.addf %add3A_1487, %gather3A_1494 : vector<16xf32>
        %broadcast_in_dim3A_1496 = vector.shape_cast %xor3A_20 : vector<16xi32> to vector<16x1xi32>
        %gather3A_1497 = vector.shape_cast %broadcast_in_dim3A_1496 : vector<16x1xi32> to vector<16xi32>
        %gather3A_1498 = tpu.dynamic_gather %add3A_1491[%gather3A_1497] in [0] : vector<16xf32>, vector<16xi32> -> vector<16xf32>
        %add3A_1499 = arith.addf %add3A_1491, %gather3A_1498 : vector<16xf32>
        %broadcast_in_dim3A_1500 = vector.shape_cast %xor3A_23 : vector<16xi32> to vector<16x1xi32>
        %gather3A_1501 = vector.shape_cast %broadcast_in_dim3A_1500 : vector<16x1xi32> to vector<16xi32>
        %gather3A_1502 = tpu.dynamic_gather %add3A_1495[%gather3A_1501] in [0] : vector<16xf32>, vector<16xi32> -> vector<16xf32>
        %add3A_1503 = arith.addf %add3A_1495, %gather3A_1502 : vector<16xf32>
        %broadcast_in_dim3A_1504 = vector.shape_cast %xor3A_23 : vector<16xi32> to vector<16x1xi32>
        %gather3A_1505 = vector.shape_cast %broadcast_in_dim3A_1504 : vector<16x1xi32> to vector<16xi32>
        %gather3A_1506 = tpu.dynamic_gather %add3A_1499[%gather3A_1505] in [0] : vector<16xf32>, vector<16xi32> -> vector<16xf32>
        %add3A_1507 = arith.addf %add3A_1499, %gather3A_1506 : vector<16xf32>
        %eq3A_1508 = vector.broadcast %scan3A_86 : i32 to vector<16xi32>
        %eq3A_1509 = arith.cmpi eq, %iota3A, %eq3A_1508 : vector<16xi32>
        %div3A = arith.divf %add3A_1507, %add3A_1503 : vector<16xf32>
        %select_n3A_1510 = arith.select %eq3A_1509, %div3A, %scan3A_87 : vector<16xi1>, vector<16xf32>
        scf.yield %select_n3A_1510 : vector<16xf32>
      }
      %scan3A_81 = arith.constant 16 : i32
      %mul3A_82 = arith.constant 16 : i32
      %mul3A_83 = arith.muli %add3A_73, %mul3A_82 : i32
      %swap3A_84 = arith.index_cast %mul3A_83 : i32 to index
      %swap3A_85 = tpu.vector_load %arg14[%swap3A_84] {strides = array<i32>} : memref<512xf32, #tpu.memory_space<vmem>>, vector<16xf32>,
      tpu.vector_store %arg14[%swap3A_84], %scan3A_80 {strides = array<i32>} : memref<512xf32, #tpu.memory_space<vmem>>, vector<16xf32>,
    }
    %scan3A_34 = arith.constant 16 : i32
    "tpu.region"() ({
      %run_scoped3A = tpu.sem_alloc : memref<!tpu.dma_semaphore, #tpu.memory_space<semaphore_mem>>
      %dma_start3A_35 = tpu.memref_slice %arg6[%mul3A_2] : memref<16384xf32, #tpu.memory_space<hbm>> -> memref<512xf32, #tpu.memory_space<hbm>>
      %dma_start3A_36 = tpu.memref_slice %arg6[%mul3A_2] : memref<16384xf32, #tpu.memory_space<hbm>> -> memref<512xf32, #tpu.memory_space<hbm>>
      tpu.enqueue_dma source(%arg14 : memref<512xf32, #tpu.memory_space<vmem>>) target(%dma_start3A_36 : memref<512xf32, #tpu.memory_space<hbm>>) target_semaphore(%run_scoped3A : memref<!tpu.dma_semaphore, #tpu.memory_space<semaphore_mem>>)
      %dma_wait3A_37 = tpu.memref_slice %arg6[%mul3A_2] : memref<16384xf32, #tpu.memory_space<hbm>> -> memref<512xf32, #tpu.memory_space<hbm>>
      %dma_wait3A_38 = tpu.memref_slice %arg6[%mul3A_2] : memref<16384xf32, #tpu.memory_space<hbm>> -> memref<512xf32, #tpu.memory_space<hbm>>
      tpu.wait_dma2 semaphore(%run_scoped3A : memref<!tpu.dma_semaphore, #tpu.memory_space<semaphore_mem>>) src(%arg14 : memref<512xf32, #tpu.memory_space<vmem>>) dst(%dma_wait3A_38 : memref<512xf32, #tpu.memory_space<hbm>>)
      tpu.yield
    }) : () -> ()
    return
  }
}

</mosaic_0001>

<sc_bundles>
// kernel: kernel.3.cloned.1.call-start
scs
__scs_entry_jumppad:
0x0: {  	(pc) =	sbr.rel $0x88, $3  }
0x1: {  	(tag) =	ssettag $0x0;
	lr =	simm.s32 $0x1  }
0x2: {  	[smem:$0x3F9D] =	sst lr;
	_ =	strace $0xD0000000  }
0x3: {  	_ = 	snop  }
0x4: {  	_ = 	snop  }
0x5: {  	_ = 	snop  }
0x6: {  	_ = 	snop  }
0x7: {  	_ = 	snop  }
__scs_overlays_trampoline_lowered:
0x8: {  	[smem:$0x3FAC] =	sst s0  }
0x9: {  	[smem:$0x3FAD] =	sst s1  }
0xa: {  	[smem:$0x3FAE] =	sst s2  }
0xb: {  	[smem:$0x3FAF] =	sst s3  }
0xc: {  	[smem:$0x3FB0] =	sst s4  }
0xd: {  	[smem:$0x3FB1] =	sst s5  }
0xe: {  	[smem:$0x3FB2] =	sst s6  }
0xf: {  	[smem:$0x3FB3] =	sst s7  }
0x10: {  	[smem:$0x3FB4] =	sst s8  }
0x11: {  	[smem:$0x3FB5] =	sst s9;
	s0 =	simm.s32 @!p0 $0x0  }
0x12: {  	s1 =	sld [smem:$0x3F9B];
	s0 =	simm.s32 @p0 $0x1  }
0x13: {  	[smem:$0x3FB6] =	sst s0;
	s0 =	simm.s32 @!p1 $0x0  }
0x14: {  	s2 =	sld [smem:$0x3F9A];
	s0 =	simm.s32 @p1 $0x1  }
0x15: {  	[smem:$0x3FB7] =	sst s0;
	s0 =	simm.s32 @!p2 $0x0  }
0x16: {  	s3 =	sld [smem:$0x3FDB];
	s0 =	simm.s32 @p2 $0x1  }
0x17: {  	s4 =	simm.s32 $0x1BF5;
	[smem:$0x3FB9] =	sst s0  }
0x18: {  	s0 =	sld [smem:$0x3F9C];
	_ =	swait.ge [sflag:s4], $0x0  }
0x19: {  	s7 =	sld [smem:$0x3F9D]  }
0x1a: {  	s8 =	sadd.s32 $0xFFFFE003, lr  }
0x1b: {  	s9 =	sadd.s32 $0xFFFFFEF7, lr;
	s5 =	simm.s32 $0xFFFFFFFF;
	p2 =	slt.u32 s8, $0xFFFFF086  }
0x1c: {  	p1 =	slt.u32 s9, $0xF7A;
	s5 =	simm.s32 @!p2 $0x0  }
0x1d: {  	s5 =	simm.s32 @p1 $0x1;
	p0 =	seq.s32 s7, s2  }
0x1e: {  	s7 =	smul.u32 @!p0 $0xF7A, s2;
	p2 =	seq.s32 @!p0 s5, $0x0  }
0x1f: {  	s9 =	smul.u32 $0xF7A, s1;
	s8 =	simm.s32 @!p0 $0x1BF5;
	p2 =	por !p2, p0  }
0x20: {  	[sflag:s8] =	ssyncset.s32 @!p0 $0xFFFFF086;
	s6 =	sadd.s32 @!p0 s3, s7;
	s7 =	simm.s32 @!p0 $0x108  }
0x21: {  	s3 =	sadd.s32 s3, s9;
	s6 =	sadd.s32 @!p0 $0x88, s6;
	s7 =	simm.s32 @p2 $0x1082  }
0x22: {  	[simem:s7], [sflag:s8] =	dma.local @!p0 [hbm:s6], $0xF7A  }
0x23: {  	s9 =	sor.u32 $0xD0000000, s2;
	s6 =	simm.s32 $0x108;
	_ =	swait.ge @!p0 [sflag:s8], $0x0  }
0x24: {  	s3 =	sadd.s32 $0x88, s3;
	s6 =	simm.s32 @!p1 $0x1082;
	[sflag:s4] =	ssyncset.s32 $0xFFFFF086  }
0x25: {  	[simem:s6], [sflag:s4] =	dma.local [hbm:s3], $0xF7A  }
0x26: {  	[smem:$0x3F9D] =	sst s1;
	(tag) =	ssettag s2;
	_ =	strace s9  }
0x27: {  	s1 =	sld [smem:$0x3FAD]  }
0x28: {  	s2 =	sld [smem:$0x3FAE]  }
0x29: {  	s4 =	sld [smem:$0x3FB0]  }
0x2a: {  	p0 =	seq.s32 s5, $0x0;
	s5 =	sld [smem:$0x3FB1]  }
0x2b: {  	s6 =	sld [smem:$0x3FB2]  }
0x2c: {  	s7 =	sld [smem:$0x3FB3]  }
0x2d: {  	s3 =	simm.s32 $0x108;
	s8 =	sld [smem:$0x3FB4]  }
0x2e: {  	s3 =	simm.s32 @!p0 $0x1082;
	s9 =	sld [smem:$0x3FB5]  }
0x2f: {  	lr =	sadd.s32 s0, s3;
	s0 =	sld [smem:$0x3FAC]  }
0x30: {  	s3 =	sld [smem:$0x3FAF]  }
0x31: {  	[smem:$0x3FB8] =	sst s10  }
0x32: {  	s10 =	sld [smem:$0x3FB6];
	_ =	sdelay $0x3  }
0x33: {  	p0 =	seq.s32 s10, $0x1;
	s10 =	sld [smem:$0x3FB8];
	_ =	sdelay $0x3  }
0x34: {  	[smem:$0x3FB8] =	sst s10  }
0x35: {  	s10 =	sld [smem:$0x3FB7];
	_ =	sdelay $0x3  }
0x36: {  	p1 =	seq.s32 s10, $0x1;
	s10 =	sld [smem:$0x3FB8];
	_ =	sdelay $0x3  }
0x37: {  	[smem:$0x3FB8] =	sst s10  }
0x38: {  	s10 =	sld [smem:$0x3FB9]  }
0x39: {  	_ = 	snop;
	(pc) =	sbr.ind lr, $3  }
0x3a: {  	_ = 	snop  }
0x3b: {  	_ = 	snop  }
0x3c: {  	p2 =	seq.s32 s10, $0x1;
	s10 =	sld [smem:$0x3FB8]  }
0x3d: {  	_ =	shalt  }
0x3e: {  	_ =	shalt  }
0x3f: {  	_ =	shalt  }
0x40: {  	_ =	shalt  }
0x41: {  	_ =	shalt  }
0x42: {  	_ =	shalt  }
0x43: {  	_ =	shalt  }
0x44: {  	_ =	shalt  }
0x45: {  	_ =	shalt  }
0x46: {  	_ =	shalt  }
0x47: {  	_ =	shalt  }
0x48: {  	_ =	shalt  }
0x49: {  	_ =	shalt  }
0x4a: {  	_ =	shalt  }
0x4b: {  	_ =	shalt  }
0x4c: {  	_ =	shalt  }
0x4d: {  	_ =	shalt  }
0x4e: {  	_ =	shalt  }
0x4f: {  	_ =	shalt  }
0x50: {  	_ =	shalt  }
0x51: {  	_ =	shalt  }
0x52: {  	_ =	shalt  }
0x53: {  	_ =	shalt  }
0x54: {  	_ =	shalt  }
0x55: {  	_ =	shalt  }
0x56: {  	_ =	shalt  }
0x57: {  	_ =	shalt  }
0x58: {  	_ =	shalt  }
0x59: {  	_ =	shalt  }
0x5a: {  	_ =	shalt  }
0x5b: {  	_ =	shalt  }
0x5c: {  	_ =	shalt  }
0x5d: {  	_ =	shalt  }
0x5e: {  	_ =	shalt  }
0x5f: {  	_ =	shalt  }
0x60: {  	_ =	shalt  }
0x61: {  	_ =	shalt  }
0x62: {  	_ =	shalt  }
0x63: {  	_ =	shalt  }
0x64: {  	_ =	shalt  }
0x65: {  	_ =	shalt  }
0x66: {  	_ =	shalt  }
0x67: {  	_ =	shalt  }
0x68: {  	_ =	shalt  }
0x69: {  	_ =	shalt  }
0x6a: {  	_ =	shalt  }
0x6b: {  	_ =	shalt  }
0x6c: {  	_ =	shalt  }
0x6d: {  	_ =	shalt  }
0x6e: {  	_ =	shalt  }
0x6f: {  	_ =	shalt  }
0x70: {  	_ =	shalt  }
0x71: {  	_ =	shalt  }
0x72: {  	_ =	shalt  }
0x73: {  	_ =	shalt  }
0x74: {  	_ =	shalt  }
0x75: {  	_ =	shalt  }
0x76: {  	_ =	shalt  }
0x77: {  	_ =	shalt  }
0x78: {  	_ =	shalt  }
0x79: {  	_ =	shalt  }
0x7a: {  	_ =	shalt  }
0x7b: {  	_ =	shalt  }
0x7c: {  	_ =	shalt  }
0x7d: {  	_ =	shalt  }
0x7e: {  	_ =	shalt  }
0x7f: {  	_ =	shalt  }
0x80: {  	_ =	shalt  }
0x81: {  	_ =	shalt  }
0x82: {  	_ =	shalt  }
0x83: {  	_ =	shalt  }
0x84: {  	_ =	shalt  }
0x85: {  	_ =	shalt  }
0x86: {  	_ =	shalt  }
0x87: {  	_ =	shalt  }
.Lfunc_end0:
.L_simem_size_0:
called_computation_lowered:
.L_overlay_start_0:
0x88: {  	s2 =	sld [smem:$0x3FD9]  }
0x89: {  	s3 =	sld [smem:$0x3FFE];
	_ =	sdelay $0x1  }
0x8a: {  	s1 =	srdreg.scid  }
0x8b: {  	s0 =	sand.u32 $0x1, s1  }
0x8c: {  	s17 =	sshll.u32 s0, $0xA;
	s2 =	sadd.s32 s3, s2  }
0x8d: {  	s2 =	sadd.s32 s2, s17  }
0x8e: {  	[smem:$0x3FC4] =	sst s2  }
0x8f: {  	_ = 	snop  }
0x90: {  	s2 =	sld [smem:$0x3FC9]  }
0x91: {  	s18 =	sld [smem:$0x3FC8]  }
0x92: {  	s4 =	sld [smem:$0x3FD0];
	(tm) =	ssettm $0x1  }
0x93: {  	s5 =	sld [smem:$0x3FFB];
	_ =	sdelay $0x3  }
0x94: {  	_ =	strace s5  }
0x95: {  	s5 =	sld [smem:$0x3FFC];
	_ =	sdelay $0x3  }
0x96: {  	_ =	strace s5  }
0x97: {  	s5 =	sld [smem:$0x3FFD];
	_ =	sdelay $0x3  }
0x98: {  	_ =	strace s5  }
0x99: {  	_ =	strace $0x8FFFFFFF  }
0x9a: {  	s19 =	sld [smem:$0x3FDB];
	_ =	sdelay $0x1  }
0x9b: {  	s6 =	simm.s32 $_scs_section_size  }
0x9c: {  	s7 =	simm.s32 $_size__tile_overlayer_lowered;
	s8 =	simm.s32 $_tile_overlayer_lowered  }
0x9d: {  	s22 =	simm.s32 $0x1BFF;
	s21 =	sshll.u32 s8, $0x1;
	s5 =	sadd.s32 s6, s19  }
0x9e: {  	s9 =	simm.s32 $0x0;
	s20 =	sshll.u32 s7, $0x1;
	s7 =	sadd.s32 s21, s5  }
0x9f: {  	[timem:s9], [sflag:s22] =	dma.local [hbm:s7], s20  }
0xa0: {  	_ =	swait.ge [sflag:s22], s20  }
0xa1: {  	s6 =	ssub.s32 $0x0, s20;
	[sflag:s22] =	ssyncset.done $0x0  }
0xa2: {  	[sflag:s22] =	ssyncadd.s32 s6;
	_ =	sdelay $0x1  }
0xa3: {  	s23 =	simm.s32 $0x1B8B  }
0xa4: {  	_ =	swait.ge [sflag:s23], $0x1  }
0xa5: {  	[sflag:s23] =	ssyncset.done $0x0  }
0xa6: {  	s25 =	simm.s32 $0x1B8E;
	s24 =	sld [smem:$0x3FFE];
	[sflag:s23] =	ssyncadd.s32 $0xFFFFFFFF  }
0xa7: {  	s26 =	simm.s32 $execute0_lowered;
	[smem:$0x3FD2] =	sst s25  }
0xa8: {  	s7 =	sshll.u32 s26, $0x1;
	_ =	strace $0x80000046;
	[dreg:$0x1] =	wrdreg $0xFFFFFFFF  }
0xa9: {  	s28 =	simm.s32 $_size_execute0_lowered;
	s5 =	sadd.s32 s5, s7;
	[dreg:$0x0] =	wrdreg $0x0  }
0xaa: {  	s7 =	sshll.u32 s28, $0x1;
	[dreg:$0x2] =	wrdreg s5  }
0xab: {  	[dreg:$0x3] =	wrdreg s7  }
0xac: {  	[dreg:$0x4] =	wrdreg $0xC0  }
0xad: {  	_ =	task [dreg:s9], $0x5FFFF  }
0xae: {  	[dreg:$0x1] =	wrdreg $0xFFFFFFFF  }
0xaf: {  	[dreg:$0x0] =	wrdreg $0x60  }
0xb0: {  	[dreg:$0x2] =	wrdreg s24  }
0xb1: {  	[dreg:$0x3] =	wrdreg s2  }
0xb2: {  	[dreg:$0x4] =	wrdreg s18  }
0xb3: {  	[dreg:$0x5] =	wrdreg s4  }
0xb4: {  	[dreg:$0x6] =	wrdreg $0x9  }
0xb5: {  	_ =	task.clear_ibuf [dreg:s9], $0x7FFFF;
	_ =	strace $0x90000046  }
0xb6: {  	s29 =	simm.s32 $0x9;
	_ =	strace $0x80000048  }
0xb7: {  	_ =	swait.ge [sflag:s29], $0x1  }
0xb8: {  	[sflag:s29] =	ssyncadd.s32 $0xFFFFFFFF  }
0xb9: {  	_ =	strace $0x90000048  }
0xba: {  	_ =	sfence  }
0xbb: {  	s30 =	sld [smem:$0x0];
	_ =	sdelay $0x2  }
0xbc: {  	s31 =	sshll.u32 s1, $0xD;
	s1 =	sshrl.u32 s1, $0x2  }
0xbd: {  	s3 =	sand.u32 $0x4000, s31;
	s1 =	sadd.s32 s1, s30  }
0xbe: {  	s0 =	sor.u32 s3, s0;
	s1 =	sshll.u32 s1, $0x11  }
0xbf: {  	s0 =	sor.u32 s1, s0  }
0xc0: {  	s0 =	sadd.s32 $0x8F2B, s0  }
0xc1: {  	[sflag:s0] =	ssyncadd.remote.s32 $0x1  }
0xc2: {  	_ =	sfence.sel $0xFFFF  }
0xc3: {  	[dreg:$0x0] =	wrdreg $0xFFFFFFFF;
	(pc) =	sbr.abs _section_cstart, $3  }
0xc4: {  	[dreg:$0x1] =	wrdreg $0xFFFFFFFF  }
0xc5: {  	_ =	task.clear_ibuf [dreg:s9], $0x2FFFF;
	_ =	strace $0x9FFFFFFF  }
0xc6: {  	(tm) =	ssettm $0x7FFFFFFF  }
0xc7: {  	_ =	shalt  }
tec
execute0_lowered:
.L_overlay_start_1:
0x0: {  	(tag) =	ssettag $0x1  }
0x1: {  	v0 =	vlaneseq.u32  }
0x2: {  	v12 =	vimm.s32 $0xBA98FEDC;
	v13 =	vimm.s32 $0x76543210;
	v1 =	vor.u32 $0x10, v0  }
0x3: {  	v14 =	vimm.s32 $0xFEDCBA98;
	v57 =	vimm.s32 $0x32107654;
	[tilespmem:$0x1FEE0] =	vst v1;
	v1 =	vor.u32 $0x20, v0  }
0x4: {  	v17 =	vimm.s32 $0xDCFE98BA;
	v18 =	vimm.s32 $0x54761032;
	[tilespmem:$0x1FEF0] =	vst v1;
	v1 =	vor.u32 $0x30, v0  }
0x5: {  	s0 =	rddreg [dreg:$0x0];
	v19 =	vimm.s32 $0xEFCDAB89;
	v20 =	vimm.s32 $0x67452301;
	[tilespmem:$0x1FF00] =	vst v1;
	v1 =	vor.u32 $0x40, v0  }
0x6: {  	s6 =	rddreg [dreg:$0x1];
	v56 =	vmul.u32 $0x8, v0;
	v52 =	vor.u32 $0x70, v0;
	[tilespmem:$0x1FF10] =	vst v1;
	v1 =	vor.u32 $0x50, v0  }
0x7: {  	s7 =	rddreg [dreg:$0x2];
	s1 =	simm.s32 $0x0;
	v54 =	vor.u32 $0x80, v0;
	v15 =	vunpack.c.l.s4.s8 v12;
	[tilespmem:$0x1FF20] =	vst v1;
	v1 =	vor.u32 $0x60, v0  }
0x8: {  	[smem:$0x7FF] =	sst s1;
	v62 =	vor.u32 $0x90, v0;
	v16 =	vunpack.c.l.s4.s8 v13;
	v53 =	vunpack.c.l.s4.s8 v14;
	[tilespmem:$0x1FF30] =	vst v1  }
0x9: {  	s10 =	rddreg [dreg:$0x3];
	v17 =	vunpack.c.l.s4.s8 v17;
	v18 =	vunpack.c.l.s4.s8 v18;
	v19 =	vunpack.c.l.s4.s8 v19;
	_ =	strace $0x80000047;
	[tilespmem:$0x1FF40] =	vst v56  }
0xa: {  	v20 =	vunpack.c.l.s4.s8 v20;
	v60 =	vor.u32 $0xA0, v0;
	v2 =	vor.u32 $0xB0, v0;
	[tilespmem:$0x1FF50] =	vst v52  }
0xb: {  	s3 =	srdreg.scid;
	s2 =	stileid.u32;
	s13 =	simm.s32 $0x1200;
	v55 =	vunpack.c.0.s8.s32 v15;
	v15 =	vunpack.c.l.s4.s8 v57;
	v21 =	vunpack.c.0.s8.s32 v53;
	[tilespmem:$0x1FF60] =	vst v54  }
0xc: {  	s14 =	simm.s32 $0x200;
	s15 =	simm.s32 $0x1;
	s16 =	simm.s32 $0x1400;
	v17 =	vunpack.c.0.s8.s32 v17;
	v18 =	vunpack.c.0.s8.s32 v18;
	v16 =	vunpack.c.0.s8.s32 v16;
	[tilespmem:$0x1FF70] =	vst v62  }
0xd: {  	s17 =	simm.s32 $0xC90;
	s18 =	simm.s32 $0x2D20;
	s19 =	simm.s32 $0x2090;
	v58 =	vunpack.c.0.s8.s32 v19;
	v59 =	vunpack.c.0.s8.s32 v20;
	v63 =	vand.u32 $0xF, v21;
	[tilespmem:$0x1FF80] =	vst v60  }
0xe: {  	s20 =	simm.s32 $0x91A0;
	s21 =	simm.s32 $0x2;
	s23 =	simm.s32 $0x0;
	v3 =	vor.u32 $0xC0, v0;
	v18 =	vcombine.low v18, v17;
	v4 =	vcombine.low v63, v16;
	[tilespmem:$0x1FFA0] =	vst v2  }
0xf: {  	s4 =	sand.u32 $0x1, s3;
	s5 =	sshll.u32 s2, $0x1;
	s3 =	sadd.s32 $0x1400, s0;
	v15 =	vunpack.c.0.s8.s32 v15;
	v19 =	vcombine.low v59, v58;
	[tilespmem:$0x1FFB0] =	vst v3  }
0x10: {  	vm13 =	vmmov $0xff;
	s8 =	ssub.s32 $0x2, s4;
	s9 =	sor.u32 s4, s5;
	s4 =	sadd.s32 $0x19C00, s0;
	v6 =	vand.u32 $0xF, v18;
	[tilespmem:$0x1FFC0] =	vst v4  }
0x11: {  	s31 =	sshrl.u32 s8, $0x1;
	s11 =	smul.u32 $0x3200, s9;
	s12 =	sshll.u32 s9, $0x6;
	v22 =	vcombine.low v15, v55;
	v7 =	vand.u32 $0xF, v19;
	v1 =	vimm.s32 $0x0;
	[tilespmem:$0x1FFE0] =	vst v6  }
0x12: {  	s5 =	sshll.u32 s9, $0x9;
	s0 =	ssub.s32 s8, s31;
	s6 =	sadd.s32 s6, s12;
	v1 =	vsel vm13, $0xFFFFFFFF, v1;
	[tilespmem:$0x1FFF0] =	vst v7  }
0x13: {  	s7 =	sadd.s32 s7, s12;
	s9 =	sor.u32 $0x20, s5;
	s10 =	sadd.s32 s10, s12;
	v5 =	vand.u32 $0xF, v22;
	[tilespmem:$0x1FF90] =	vst v1  }
0x14: {  	s12 =	simm.s32 $0x3;
	s8 =	sadd.s32 s4, s11;
	s11 =	smax.u32 s0, $0x1;
	[tilespmem:$0x1FFD0] =	vst v5  }
.LBB2_1:
0x15: {  	[tilespmem:s1], [sflag:$0x3] =	stream.linear.gather [hbm4b:s6+s1], $0x200, $0x38;
	[tilespmem:$0xF820] =	vst v63  }
0x16: {  	_ =	swait.ge [sflag:s12], $0x200  }
0x17: {  	[sflag:s12] =	ssyncset.done $0x0  }
0x18: {  	[sflag:s12] =	ssyncadd.s32 $0xFFFFFE00  }
0x19: {  	[tilespmem:s13], [sflag:$0x3] =	stream.linear.gather [hbm4b:s7+s1], $0x200, $0x38;
	[tilespmem:$0xF820] =	vst v63  }
0x1a: {  	_ =	swait.ge [sflag:s12], $0x200  }
0x1b: {  	[sflag:s12] =	ssyncset.done $0x0  }
0x1c: {  	[sflag:s12] =	ssyncadd.s32 $0xFFFFFE00  }
0x1d: {  	[tilespmem:s14], [sflag:$0x1] =	stream.indirect.gather [hbm4b:s3+s14], $0x5, s1, s14, $0xb8;
	[tilespmem:$0xF820] =	vst v63  }
0x1e: {  	_ =	swait.ge [sflag:s15], $0xA00  }
0x1f: {  	[sflag:s15] =	ssyncset.done $0x0  }
0x20: {  	v1 =	vimm.s32 $0x0;
	[sflag:s15] =	ssyncadd.s32 $0xFFFFF600  }
0x21: {  	[tilespmem:$0x2080] =	vst v1  }
0x22: {  	[tilespmem:$0x2D10] =	vst v1  }
0x23: {  	[tilespmem:s16], [sflag:$0x3] =	stream.linear.gather [hbm4b:s8+s1], $0xC80, $0x38;
	[tilespmem:$0xF820] =	vst v63  }
0x24: {  	_ =	swait.ge [sflag:s12], $0xC80  }
0x25: {  	s24 =	simm.s32 $0x10;
	[sflag:s12] =	ssyncset.done $0x0  }
0x26: {  	s25 =	simm.s32 $0x0;
	s26 =	simm.s32 $0x0;
	[sflag:s12] =	ssyncadd.s32 $0xFFFFF380  }
0x27: {  	[tilespmem:s18], [sflag:$0x1] =	stream.indirect.gather [hbm4b:s3+s17], $0x5, s16, s17, $0xb8;
	[tilespmem:$0xF820] =	vst v63  }
.LBB2_2:
0x28: {  	s29 =	sshll.u32 s26, $0x5  }
0x29: {  	s28 =	sor.u32 $0x10, s29  }
0x2a: {  	s0 =	sadd.s32 s5, s28  }
0x2b: {  	s0 =	smul.u32 $0x19, s0;
	_ =	sdelay $0x1  }
0x2c: {  	s30 =	simm.s32 $0x0;
	s0 =	sadd.s32 s4, s0  }
0x2d: {  	[tilespmem:s19], [sflag:$0x3] =	stream.linear.gather [hbm4b:s0+s30], $0xC80, $0x38;
	[tilespmem:$0xF820] =	vst v63  }
0x2e: {  	_ =	swait.ge [sflag:s12], $0xC80  }
0x2f: {  	[sflag:s12] =	ssyncset.done $0x0  }
0x30: {  	[sflag:s12] =	ssyncadd.s32 $0xFFFFF380  }
0x31: {  	[tilespmem:s20], [sflag:$0x2] =	stream.indirect.gather [hbm4b:s3+s17], $0x5, s19, s17, $0xb8;
	[tilespmem:$0xF820] =	vst v63  }
0x32: {  	_ =	swait.ge [sflag:s15], $0x3ED0  }
0x33: {  	[sflag:s15] =	ssyncset.done $0x0  }
0x34: {  	s2 =	simm.s32 $0xC0;
	s31 =	simm.s32 $0x1460;
	[sflag:s15] =	ssyncadd.s32 $0xFFFFC130  }
0x35: {  	v20 =	vmov s2;
	v40 =	vld [tilespmem:s31+$0x60]  }
0x36: {  	v20 =	vshll.u32 v20, $0x3;
	v41 =	vld [tilespmem:s31+$0x50]  }
0x37: {  	v20 =	vadd.s32 v56, v20;
	v42 =	vld [tilespmem:s31+$0x40]  }
0x38: {  	s22 =	simm.s32 $0xB0;
	v21 =	vor.u32 $0x4, v20;
	v43 =	vld [tilespmem:s31+$0x30]  }
0x39: {  	s2 =	simm.s32 $0xA0;
	v23 =	vmov s22;
	v22 =	vor.u32 $0x3, v20;
	v44 =	vld [tilespmem:s31+$0x20]  }
0x3a: {  	v25 =	vmov s2;
	s2 =	simm.s32 $0x90;
	v23 =	vshll.u32 v23, $0x3;
	v24 =	vor.u32 $0x2, v20;
	v45 =	vld [tilespmem:s31+$0x10]  }
0x3b: {  	v27 =	vmov s2;
	v25 =	vshll.u32 v25, $0x3;
	s2 =	simm.s32 $0x70;
	v26 =	vor.u32 $0x1, v20;
	v46 =	vld [tilespmem:s31+$0x0]  }
0x3c: {  	v33 =	vadd.s32 v56, v23;
	v47 =	vadd.s32 v56, v25;
	v25 =	vmov s2;
	v38 =	vld.idx.msk [tilespmem:v20+s18+$0x0], $0xffff  }
0x3d: {  	v23 =	vshll.u32 v27, $0x3;
	s2 =	simm.s32 $0x40;
	v25 =	vshll.u32 v25, $0x3;
	v2 =	vld.idx.msk [tilespmem:v21+s18+$0x0], $0xffff  }
0x3e: {  	v34 =	vadd.s32 v56, v23;
	v37 =	vadd.s32 v56, v25;
	v25 =	vmov s2;
	v4 =	vld.idx.msk [tilespmem:v22+s18+$0x0], $0xffff  }
0x3f: {  	v25 =	vshll.u32 v25, $0x3;
	v9 =	vld.idx.msk [tilespmem:v24+s18+$0x0], $0xffff  }
0x40: {  	v25 =	vadd.s32 v56, v25;
	v48 =	vld.idx.msk [tilespmem:v26+s18+$0x0], $0xffff  }
0x41: {  	v31 =	vor.u32 $0x4, v33;
	v49 =	vld.idx.msk [tilespmem:v33+s18+$0x0], $0xffff  }
0x42: {  	v39 =	vor.u32 $0x4, v47;
	v50 =	vld.idx.msk [tilespmem:v47+s18+$0x0], $0xffff  }
0x43: {  	v59 =	vor.u32 $0x3, v33;
	v51 =	vld.idx.msk [tilespmem:v34+s18+$0x0], $0xffff  }
0x44: {  	v61 =	vor.u32 $0x4, v34;
	v53 =	vld.idx.msk [tilespmem:v37+s18+$0x0], $0xffff  }
0x45: {  	v1 =	vor.u32 $0x3, v47;
	v15 =	vld.idx.msk [tilespmem:v25+s18+$0x0], $0xffff  }
0x46: {  	s22 =	simm.s32 $0x80;
	v11 =	vor.u32 $0x1, v34;
	v6 =	vld.idx.msk [tilespmem:v31+s18+$0x0], $0xffff  }
0x47: {  	v20 =	vmov s22;
	s22 =	simm.s32 $0x60;
	v5 =	vld.idx.msk [tilespmem:v39+s18+$0x0], $0xffff;
	v21 =	vor.u32 $0x1, v33  }
0x48: {  	v39 =	vld.idx.msk [tilespmem:v59+s18+$0x0], $0xffff;
	v22 =	vor.u32 $0x1, v37;
	v20 =	vshll.u32 v20, $0x3;
	v23 =	vmov s22;
	s22 =	simm.s32 $0x50  }
0x49: {  	v12 =	vor.u32 $0x1, v25;
	v7 =	vld.idx.msk [tilespmem:v61+s18+$0x0], $0xffff;
	v36 =	vadd.s32 v56, v20;
	v20 =	vmov s22;
	s22 =	simm.s32 $0x30  }
0x4a: {  	v8 =	vld.idx.msk [tilespmem:v1+s18+$0x0], $0xffff;
	v24 =	vshll.u32 v23, $0x3;
	v26 =	vmov s22;
	s22 =	simm.s32 $0x10  }
0x4b: {  	v1 =	vld.idx.msk [tilespmem:v11+s18+$0x0], $0xffff;
	v20 =	vshll.u32 v20, $0x3;
	v32 =	vadd.s32 v56, v24;
	v28 =	vmov s22;
	s22 =	sadd.s32 $0x0, s25  }
0x4c: {  	v10 =	vimm.s32 $0x0;
	v27 =	vadd.s32 v56, v20;
	v3 =	vmov s22;
	v24 =	vld.idx.msk [tilespmem:v21+s18+$0x0], $0xffff  }
0x4d: {  	v13 =	vimm.s32 $0x0;
	s2 =	simm.s32 $0x20;
	v26 =	vshll.u32 v26, $0x3;
	v22 =	vld.idx.msk [tilespmem:v22+s18+$0x0], $0xffff;
	v35 =	vshll.u32 v3, $0x3  }
0x4e: {  	v20 =	vmov s2;
	v26 =	vadd.s32 v56, v26;
	vm0 =	vgt.s32 v40, $0x0;
	v40 =	vld.idx.msk [tilespmem:v12+s18+$0x0], $0xffff  }
0x4f: {  	v17 =	vor.u32 $0x1, v47;
	s2 =	simm.s32 $0x0;
	v20 =	vshll.u32 v20, $0x3;
	v23 =	vor.u32 $0x1, v27;
	v52 =	vld.idx.msk [tilespmem:v36+s18+$0x0], $0xffff  }
0x50: {  	v29 =	vshll.u32 v28, $0x3;
	v30 =	vmov s2;
	v28 =	vadd.s32 v56, v20;
	v54 =	vld.idx.msk [tilespmem:v32+s18+$0x0], $0xffff  }
0x51: {  	v11 =	vor.u32 $0x2, v36;
	v29 =	vadd.s32 v56, v29;
	v30 =	vshll.u32 v30, $0x3;
	v55 =	vld.idx.msk [tilespmem:v27+s18+$0x0], $0xffff  }
0x52: {  	v21 =	vor.u32 $0x1, v32;
	vm1 =	vgt.s32 v41, $0x0;
	v30 =	vadd.s32 v56, v30;
	v62 =	vld.idx.msk [tilespmem:v35+s14+$0x0], $0xffff  }
0x53: {  	vm8 =	vgt.s32 v43, $0x0;
	vm11 =	vgt.s32 v44, $0x0;
	v16 =	vor.u32 $0x1, v35;
	v57 =	vld.idx.msk [tilespmem:v26+s18+$0x0], $0xffff  }
0x54: {  	vm12 =	vgt.s32 v45, $0x0;
	vm14 =	vgt.s32 v46, $0x0;
	v20 =	vor.u32 $0x2, v33;
	v23 =	vld.idx.msk [tilespmem:v23+s18+$0x0], $0xffff  }
0x55: {  	v10 =	vsel vm1, $0xFFFFFFFF, v10;
	vm1 =	vgt.s32 v42, $0x0;
	v14 =	vor.u32 $0x1, v26;
	v58 =	vld.idx.msk [tilespmem:v28+s18+$0x0], $0xffff  }
0x56: {  	v12 =	vor.u32 $0x2, v37;
	[tilespmem:$0x1FE70] =	vst v10;
	v10 =	vsel vm1, $0xFFFFFFFF, v13;
	v13 =	vor.u32 $0x2, v32;
	v60 =	vld.idx.msk [tilespmem:v29+s18+$0x0], $0xffff  }
0x57: {  	[tilespmem:$0x1FE80] =	vst v10;
	v10 =	vor.u32 $0x2, v34;
	v63 =	vld.idx.msk [tilespmem:v30+s18+$0x0], $0xffff;
	v49 =	vmul.f32 v49, v62;
	v31 =	vmul.f32 v38, v62  }
0x58: {  	v34 =	vor.u32 $0x3, v34;
	v59 =	vld.idx.msk [tilespmem:v16+s14+$0x0], $0xffff;
	v51 =	vmul.f32 v51, v62;
	v50 =	vmul.f32 v50, v62  }
0x59: {  	v33 =	vld.idx.msk [tilespmem:v20+s18+$0x0], $0xffff;
	v20 =	vor.u32 $0x1, v36;
	v53 =	vmul.f32 v53, v62;
	v52 =	vmul.f32 v52, v62  }
0x5a: {  	v41 =	vld.idx.msk [tilespmem:v14+s18+$0x0], $0xffff;
	v14 =	vor.u32 $0x2, v27;
	v55 =	vmul.f32 v55, v62;
	v54 =	vmul.f32 v54, v62  }
0x5b: {  	v21 =	vld.idx.msk [tilespmem:v21+s18+$0x0], $0xffff;
	v16 =	vor.u32 $0x1, v29;
	v57 =	vmul.f32 v57, v62;
	v56 =	vmul.f32 v15, v62  }
0x5c: {  	v45 =	vld.idx.msk [tilespmem:v10+s18+$0x0], $0xffff;
	v10 =	vor.u32 $0x3, v35;
	v60 =	vmul.f32 v60, v62;
	v58 =	vmul.f32 v58, v62  }
0x5d: {  	v34 =	vld.idx.msk [tilespmem:v34+s18+$0x0], $0xffff;
	v15 =	vor.u32 $0x1, v28;
	v61 =	vmul.f32 v63, v62;
	v24 =	vmul.f32 v24, v59  }
0x5e: {  	v38 =	vld.idx.msk [tilespmem:v17+s18+$0x0], $0xffff;
	v17 =	vor.u32 $0x1, v30;
	v48 =	vmul.f32 v48, v59;
	v1 =	vmul.f32 v1, v59  }
0x5f: {  	v20 =	vld.idx.msk [tilespmem:v20+s18+$0x0], $0xffff;
	v62 =	vor.u32 $0x2, v47;
	v22 =	vmul.f32 v22, v59;
	v23 =	vmul.f32 v23, v59  }
0x60: {  	v63 =	vor.u32 $0x2, v35;
	v43 =	vld.idx.msk [tilespmem:v16+s18+$0x0], $0xffff;
	v21 =	vmul.f32 v21, v59;
	v41 =	vmul.f32 v41, v59  }
0x61: {  	v40 =	vmul.f32 v40, v59;
	v24 =	vadd.f32 v24, v49;
	v1 =	vadd.f32 v1, v51;
	v51 =	vld.idx.msk [tilespmem:v14+s18+$0x0], $0xffff  }
0x62: {  	v16 =	vor.u32 $0x2, v26;
	v31 =	vadd.f32 v48, v31;
	v41 =	vadd.f32 v41, v57;
	v57 =	vld.idx.msk [tilespmem:v10+s14+$0x0], $0xffff  }
0x63: {  	v35 =	vor.u32 $0x4, v35;
	v22 =	vadd.f32 v22, v53;
	v23 =	vadd.f32 v23, v55;
	v42 =	vld.idx.msk [tilespmem:v15+s18+$0x0], $0xffff  }
0x64: {  	v21 =	vadd.f32 v21, v54;
	v40 =	vadd.f32 v40, v56;
	v14 =	vor.u32 $0x3, v37;
	v44 =	vld.idx.msk [tilespmem:v17+s18+$0x0], $0xffff  }
0x65: {  	v10 =	vor.u32 $0x3, v30;
	v37 =	vor.u32 $0x4, v37;
	v38 =	vmul.f32 v38, v59;
	v46 =	vld.idx.msk [tilespmem:v62+s18+$0x0], $0xffff  }
0x66: {  	v20 =	vmul.f32 v20, v59;
	v15 =	vor.u32 $0x2, v25;
	v17 =	vor.u32 $0x2, v28;
	v47 =	vld.idx.msk [tilespmem:v63+s14+$0x0], $0xffff  }
0x67: {  	v43 =	vmul.f32 v43, v59;
	v62 =	vor.u32 $0x2, v30;
	v53 =	vld.idx.msk [tilespmem:v16+s18+$0x0], $0xffff;
	v16 =	vor.u32 $0x3, v32  }
0x68: {  	v48 =	vld.idx.msk [tilespmem:v11+s18+$0x0], $0xffff;
	v32 =	vor.u32 $0x4, v32;
	v30 =	vor.u32 $0x4, v30;
	v38 =	vadd.f32 v38, v50  }
0x69: {  	v49 =	vld.idx.msk [tilespmem:v12+s18+$0x0], $0xffff;
	v20 =	vadd.f32 v20, v52;
	v43 =	vadd.f32 v43, v60;
	v39 =	vmul.f32 v39, v57  }
0x6a: {  	v60 =	vor.u32 $0x2, v29;
	v34 =	vmul.f32 v34, v57;
	v42 =	vmul.f32 v42, v59  }
0x6b: {  	v44 =	vmul.f32 v44, v59;
	v12 =	vld.idx.msk [tilespmem:v17+s18+$0x0], $0xffff;
	v17 =	vor.u32 $0x3, v27;
	v63 =	vmul.f32 v9, v47  }
0x6c: {  	v50 =	vld.idx.msk [tilespmem:v13+s18+$0x0], $0xffff;
	v27 =	vor.u32 $0x4, v27;
	v46 =	vmul.f32 v46, v47;
	v33 =	vmul.f32 v33, v47  }
0x6d: {  	v52 =	vld.idx.msk [tilespmem:v15+s18+$0x0], $0xffff;
	v9 =	vor.u32 $0x4, v36;
	v11 =	vmul.f32 v48, v47;
	v45 =	vmul.f32 v45, v47  }
0x6e: {  	v36 =	vor.u32 $0x3, v36;
	v15 =	vld.idx.msk [tilespmem:v62+s18+$0x0], $0xffff;
	v49 =	vmul.f32 v49, v47;
	v51 =	vmul.f32 v51, v47  }
0x6f: {  	v53 =	vmul.f32 v53, v47;
	v62 =	vor.u32 $0x3, v28;
	v42 =	vadd.f32 v42, v58;
	v13 =	vld.idx.msk [tilespmem:v60+s18+$0x0], $0xffff  }
0x70: {  	v28 =	vor.u32 $0x4, v28;
	v44 =	vadd.f32 v44, v61;
	v24 =	vadd.f32 v33, v24;
	v33 =	vld.idx.msk [tilespmem:v14+s18+$0x0], $0xffff  }
0x71: {  	v50 =	vmul.f32 v50, v47;
	v31 =	vadd.f32 v63, v31;
	v1 =	vadd.f32 v45, v1;
	v45 =	vld.idx.msk [tilespmem:v17+s18+$0x0], $0xffff  }
0x72: {  	v61 =	vor.u32 $0x3, v26;
	v38 =	vadd.f32 v46, v38;
	v20 =	vadd.f32 v11, v20;
	v46 =	vld.idx.msk [tilespmem:v9+s18+$0x0], $0xffff  }
0x73: {  	v60 =	vor.u32 $0x3, v25;
	v22 =	vadd.f32 v49, v22;
	v23 =	vadd.f32 v51, v23;
	v36 =	vld.idx.msk [tilespmem:v36+s18+$0x0], $0xffff  }
0x74: {  	v63 =	vor.u32 $0x3, v29;
	v41 =	vadd.f32 v53, v41;
	v25 =	vor.u32 $0x4, v25;
	v9 =	vld.idx.msk [tilespmem:v16+s18+$0x0], $0xffff  }
0x75: {  	v29 =	vor.u32 $0x4, v29;
	v21 =	vadd.f32 v50, v21;
	v52 =	vmul.f32 v52, v47;
	v14 =	vld.idx.msk [tilespmem:v62+s18+$0x0], $0xffff  }
0x76: {  	v48 =	vmul.f32 v12, v47;
	v24 =	vadd.f32 v39, v24;
	v1 =	vadd.f32 v34, v1;
	v16 =	vld.idx.msk [tilespmem:v10+s18+$0x0], $0xffff  }
0x77: {  	v40 =	vadd.f32 v52, v40;
	v12 =	vld.idx.msk [tilespmem:v61+s18+$0x0], $0xffff;
	v54 =	vmul.f32 v13, v47;
	v47 =	vmul.f32 v15, v47  }
0x78: {  	v42 =	vadd.f32 v48, v42;
	v11 =	vld.idx.msk [tilespmem:v60+s18+$0x0], $0xffff;
	v13 =	vmul.f32 v4, v57;
	v33 =	vmul.f32 v33, v57  }
0x79: {  	v15 =	vmul.f32 v8, v57;
	v51 =	vld.idx.msk [tilespmem:v63+s18+$0x0], $0xffff;
	v44 =	vadd.f32 v47, v44;
	v43 =	vadd.f32 v54, v43  }
0x7a: {  	v33 =	vadd.f32 v33, v22;
	v22 =	vor.u32 $0x4, v26;
	v26 =	vld.idx.msk [tilespmem:v35+s14+$0x0], $0xffff;
	v45 =	vmul.f32 v45, v57  }
0x7b: {  	v32 =	vld.idx.msk [tilespmem:v32+s18+$0x0], $0xffff;
	v31 =	vadd.f32 v13, v31;
	v36 =	vmul.f32 v36, v57;
	v53 =	vmul.f32 v9, v57  }
0x7c: {  	v17 =	vld.idx.msk [tilespmem:v37+s18+$0x0], $0xffff;
	v38 =	vadd.f32 v15, v38;
	v54 =	vmul.f32 v14, v57;
	v34 =	vmul.f32 v16, v57  }
0x7d: {  	v27 =	vld.idx.msk [tilespmem:v27+s18+$0x0], $0xffff;
	v14 =	vimm.s32 $0x0;
	v39 =	vmul.f32 v12, v57;
	v45 =	vadd.f32 v45, v23  }
0x7e: {  	v25 =	vld.idx.msk [tilespmem:v25+s18+$0x0], $0xffff;
	v47 =	vmul.f32 v11, v57;
	v20 =	vadd.f32 v36, v20;
	v55 =	vmul.f32 v51, v57  }
0x7f: {  	v29 =	vld.idx.msk [tilespmem:v29+s18+$0x0], $0xffff;
	v21 =	vadd.f32 v53, v21;
	v23 =	vmul.f32 v2, v26;
	v56 =	vmul.f32 v6, v26  }
0x80: {  	v28 =	vld.idx.msk [tilespmem:v28+s18+$0x0], $0xffff;
	v42 =	vadd.f32 v54, v42;
	v57 =	vmul.f32 v5, v26;
	v58 =	vmul.f32 v7, v26  }
0x81: {  	v30 =	vld.idx.msk [tilespmem:v30+s18+$0x0], $0xffff;
	v34 =	vadd.f32 v34, v44;
	v59 =	vmul.f32 v46, v26;
	v35 =	vmul.f32 v17, v26  }
0x82: {  	v39 =	vadd.f32 v39, v41;
	v32 =	vmul.f32 v32, v26;
	v60 =	vmul.f32 v27, v26  }
0x83: {  	v40 =	vadd.f32 v47, v40;
	v36 =	vadd.f32 v55, v43;
	v61 =	vmul.f32 v25, v26  }
0x84: {  	v63 =	vmul.f32 v29, v26;
	v25 =	vadd.f32 v23, v31;
	v27 =	vadd.f32 v56, v24  }
0x85: {  	v31 =	vmul.f32 v28, v26;
	v23 =	vadd.f32 v59, v20;
	v28 =	vadd.f32 v58, v1  }
0x86: {  	v22 =	vld.idx.msk [tilespmem:v22+s18+$0x0], $0xffff;
	v4 =	vmul.f32 v30, v26;
	v24 =	vadd.f32 v32, v21;
	v29 =	vadd.f32 v35, v33  }
0x87: {  	v5 =	vld [tilespmem:s31+$0xFFFFFFE0];
	v30 =	vadd.f32 v60, v45;
	v21 =	vmul.f32 $1.442695020e+00, v25;
	v6 =	vmul.f32 $1.442695020e+00, v27  }
0x88: {  	v34 =	vadd.f32 v4, v34;
	v7 =	vmul.f32 $1.442695020e+00, v23;
	v8 =	vmul.f32 $1.442695020e+00, v28  }
0x89: {  	v33 =	vadd.f32 v63, v36;
	v9 =	vmul.f32 $1.442695020e+00, v24;
	v10 =	vmul.f32 $1.442695020e+00, v29  }
0x8a: {  	v17 =	vimm.f32 $-5.000000000e-01;
	v12 =	vmul.f32 $1.442695020e+00, v30;
	v15 =	vmul.f32 $1.442695020e+00, v34  }
0x8b: {  	v20 =	vld [tilespmem:s31+$0xFFFFFFF0];
	v31 =	vadd.f32 v31, v42;
	v16 =	vmul.f32 $1.442695020e+00, v33;
	v62 =	vmul.f32 v22, v26  }
0x8c: {  	v22 =	vadd.f32 v57, v38;
	v26 =	vadd.f32 v61, v40;
	vm1 =	vgt.s32 v5, $0x0  }
0x8d: {  	v2 =	vsel vm1, $0xFFFFFFFF, v14;
	vm1 =	vge.f32 v21, $0.0e+00;
	vm2 =	vge.f32 v8, $0.0e+00  }
0x8e: {  	vm4 =	vge.f32 v6, $0.0e+00;
	vm5 =	vge.f32 v9, $0.0e+00;
	vm9 =	vge.f32 v10, $0.0e+00  }
0x8f: {  	v4 =	vld [tilespmem:s31+$0xFFFFFFD0];
	vm10 =	vge.f32 v7, $0.0e+00;
	v32 =	vadd.f32 v62, v39;
	v38 =	vmul.f32 $1.442695020e+00, v22  }
0x90: {  	v11 =	vmul.f32 $1.442695020e+00, v26;
	vm15 =	vgt.s32 v20, $0x0;
	v20 =	vmul.f32 $1.442695020e+00, v31  }
0x91: {  	v53 =	vsel vm4, $0x3F000000, v17;
	v54 =	vsel vm1, $0x3F000000, v17;
	vm1 =	vge.f32 v12, $0.0e+00  }
0x92: {  	v55 =	vsel vm9, $0x3F000000, v17;
	vm9 =	vge.f32 v15, $0.0e+00;
	v56 =	vsel vm10, $0x3F000000, v17  }
0x93: {  	vm10 =	vge.f32 v16, $0.0e+00;
	v57 =	vsel vm2, $0x3F000000, v17;
	v60 =	vsel vm5, $0x3F000000, v17  }
0x94: {  	vm7 =	vgt.s32 v4, $0x0;
	v39 =	vadd.f32 v53, v6;
	v21 =	vadd.f32 v54, v21  }
0x95: {  	v41 =	vadd.f32 v57, v8;
	v59 =	vsel vm1, $0x3F000000, v17;
	v37 =	vadd.f32 v55, v10  }
0x96: {  	v40 =	vadd.f32 v56, v7;
	v63 =	vsel vm10, $0x3F000000, v17;
	v36 =	vadd.f32 v60, v9  }
0x97: {  	v8 =	vsel vm9, $0x3F000000, v17;
	v10 =	vimm.s32 $0x0;
	vm9 =	vmand vm0, vm13  }
0x98: {  	v13 =	vmul.f32 $1.442695020e+00, v32;
	vm3 =	vge.f32 v38, $0.0e+00;
	vm4 =	vge.f32 v11, $0.0e+00  }
0x99: {  	vm2 =	vge.f32 v20, $0.0e+00;
	v42 =	vadd.f32 v59, v12;
	v44 =	vadd.f32 v63, v16  }
0x9a: {  	v35 =	vadd.f32 v8, v15;
	v63 =	vimm.s32 $0x0;
	v52 =	vsel vm3, $0x3F000000, v17  }
0x9b: {  	v58 =	vsel vm4, $0x3F000000, v17;
	v39 =	vtrunc.f32 v39;
	v5 =	vtrunc.f32 v21  }
0x9c: {  	v62 =	vsel vm2, $0x3F000000, v17;
	v41 =	vtrunc.f32 v41;
	v37 =	vtrunc.f32 v37  }
0x9d: {  	v40 =	vtrunc.f32 v40;
	v36 =	vtrunc.f32 v36;
	vm3 =	vge.f32 v13, $0.0e+00  }
0x9e: {  	v38 =	vadd.f32 v52, v38;
	v42 =	vtrunc.f32 v42;
	v44 =	vtrunc.f32 v44  }
0x9f: {  	v1 =	vadd.f32 v58, v11;
	v35 =	vtrunc.f32 v35;
	v47 =	vcvt.f32.s32 v5  }
0xa0: {  	v6 =	vld [tilespmem:s31+$0xFFFFFFA0];
	v20 =	vadd.f32 v62, v20;
	v39 =	vcvt.f32.s32 v39;
	v40 =	vcvt.f32.s32 v40  }
0xa1: {  	v11 =	vimm.s32 $0x0;
	v41 =	vcvt.f32.s32 v41;
	v36 =	vcvt.f32.s32 v36  }
0xa2: {  	v7 =	vld [tilespmem:s31+$0xFFFFFFB0];
	v37 =	vcvt.f32.s32 v37;
	v58 =	vimm.s32 $0x0;
	v42 =	vcvt.f32.s32 v42  }
0xa3: {  	v61 =	vsel vm3, $0x3F000000, v17;
	v35 =	vcvt.f32.s32 v35;
	v44 =	vcvt.f32.s32 v44  }
0xa4: {  	v21 =	vld [tilespmem:s31+$0xFFFFFFC0];
	v43 =	vadd.f32 v61, v13;
	v38 =	vtrunc.f32 v38;
	v1 =	vtrunc.f32 v1  }
0xa5: {  	v9 =	vtrunc.f32 v20;
	vm1 =	vgt.s32 v6, $0x0;
	v20 =	vimm.f32 $0.0e+00  }
0xa6: {  	[tilespmem:$0x1FE90] =	vst v2;
	vm0 =	vgt.s32 v39, $0xFFFFFF82;
	v2 =	vsel vm1, $0xFFFFFFFF, v10;
	v38 =	vcvt.f32.s32 v38  }
0xa7: {  	vm1 =	vgt.s32 v7, $0x0;
	v1 =	vcvt.f32.s32 v1;
	v45 =	vcvt.f32.s32 v9  }
0xa8: {  	v39 =	vnsel vm0, $0xFFFFFF82, v39;
	vm0 =	vgt.s32 v40, $0xFFFFFF82;
	v43 =	vtrunc.f32 v43  }
0xa9: {  	v12 =	vld [tilespmem:$0x1FF30];
	vm10 =	vgt.s32 v21, $0x0;
	[tilespmem:$0x1FEA0] =	vst v2;
	v2 =	vsel vm1, $0xFFFFFFFF, v11;
	vm1 =	vgt.s32 v47, $0xFFFFFF82  }
0xaa: {  	v21 =	vld.idx.msk [tilespmem:v3+s13+$0x0], $0xffff;
	v14 =	vnsel vm0, $0xFFFFFF82, v40;
	v13 =	vnsel vm1, $0xFFFFFF82, v47;
	vm1 =	vgt.s32 v41, $0xFFFFFF82  }
0xab: {  	v43 =	vcvt.f32.s32 v43;
	vm0 =	vgt.s32 v38, $0xFFFFFF82;
	v41 =	vnsel vm1, $0xFFFFFF82, v41  }
0xac: {  	vm1 =	vgt.s32 v42, $0xFFFFFF82;
	v38 =	vnsel vm0, $0xFFFFFF82, v38;
	vm0 =	vgt.s32 v36, $0xFFFFFF82  }
0xad: {  	v15 =	vnsel vm1, $0xFFFFFF82, v42;
	vm1 =	vgt.s32 v37, $0xFFFFFF82;
	v36 =	vnsel vm0, $0xFFFFFF82, v36  }
0xae: {  	vm0 =	vgt.s32 v45, $0xFFFFFF82;
	v37 =	vnsel vm1, $0xFFFFFF82, v37;
	vm1 =	vgt.s32 v43, $0xFFFFFF82  }
0xaf: {  	v16 =	vnsel vm0, $0xFFFFFF82, v45;
	vm0 =	vgt.s32 v1, $0xFFFFFF82;
	vm6 =	veq.s32 v21, v12  }
0xb0: {  	v17 =	vnsel vm1, $0xFFFFFF82, v43;
	v1 =	vnsel vm0, $0xFFFFFF82, v1;
	vm0 =	vgt.s32 v35, $0xFFFFFF82  }
0xb1: {  	vm1 =	vgt.s32 v44, $0xFFFFFF82;
	v35 =	vnsel vm0, $0xFFFFFF82, v35;
	vm0 =	vlt.s32 v38, $0x7F  }
0xb2: {  	v60 =	vld [tilespmem:$0x1FF00];
	v56 =	vnsel vm1, $0xFFFFFF82, v44;
	v42 =	vnsel vm0, $0x7F, v38;
	vm0 =	vlt.s32 v39, $0x7F  }
0xb3: {  	v61 =	vld [tilespmem:$0x1FEF0];
	vm1 =	vlt.s32 v13, $0x7F;
	v44 =	vnsel vm0, $0x7F, v39;
	vm0 =	vlt.s32 v37, $0x7F  }
0xb4: {  	v57 =	vld [tilespmem:$0x1FF20];
	v47 =	vnsel vm1, $0x7F, v13;
	v40 =	vnsel vm0, $0x7F, v37;
	vm0 =	vlt.s32 v14, $0x7F  }
0xb5: {  	v62 =	vld [tilespmem:$0x1FEE0];
	vm1 =	vlt.s32 v41, $0x7F;
	v45 =	vnsel vm0, $0x7F, v14;
	vm0 =	vlt.s32 v1, $0x7F  }
0xb6: {  	v46 =	vnsel vm1, $0x7F, v41;
	v41 =	vnsel vm0, $0x7F, v1;
	vm0 =	vlt.s32 v15, $0x7F  }
0xb7: {  	v59 =	vld [tilespmem:$0x1FF10];
	vm4 =	veq.s32 v21, v60;
	v43 =	vnsel vm0, $0x7F, v15;
	vm0 =	vlt.s32 v56, $0x7F  }
0xb8: {  	vm2 =	veq.s32 v21, v61;
	v49 =	vnsel vm0, $0x7F, v56;
	vm0 =	vlt.s32 v16, $0x7F  }
0xb9: {  	vm3 =	veq.s32 v21, v0;
	v50 =	vnsel vm0, $0x7F, v16;
	vm0 =	veq.s32 v21, v57  }
0xba: {  	[tilespmem:$0x1FEB0] =	vst v2;
	vm1 =	vlt.s32 v36, $0x7F;
	v1 =	vsel vm0, $0xFFFFFFFF, v58;
	vm0 =	veq.s32 v21, v62  }
0xbb: {  	v48 =	vnsel vm1, $0x7F, v36;
	vm1 =	vlt.s32 v17, $0x7F;
	[tilespmem:$0x1FEC0] =	vst v1;
	v0 =	vsel vm0, $0xFFFFFFFF, v63  }
0xbc: {  	s0 =	simm.s32 $0x188;
	vm5 =	vlt.s32 v35, $0x7F;
	v51 =	vnsel vm1, $0x7F, v17;
	vm1 =	veq.s32 v21, v59;
	[tilespmem:$0x1FED0] =	vst v0  }
.LBB2_3:
0xbd: {  	v1 =	vnsel vm5, $0x7F, v35;
	v36 =	vshll.u32 v44, $0x17;
	v35 =	vshll.u32 v47, $0x17  }
0xbe: {  	v39 =	vshll.u32 v45, $0x17;
	v38 =	vshll.u32 v46, $0x17;
	v37 =	vshll.u32 v42, $0x17  }
0xbf: {  	v52 =	vshll.u32 v48, $0x17;
	v12 =	vcvt.s32.f32 v47;
	v55 =	vcvt.s32.f32 v42  }
0xc0: {  	v53 =	vshll.u32 v40, $0x17;
	v13 =	vcvt.s32.f32 v44;
	v57 =	vcvt.s32.f32 v45  }
0xc1: {  	v54 =	vshll.u32 v43, $0x17;
	v14 =	vcvt.s32.f32 v46;
	v16 =	vcvt.s32.f32 v48  }
0xc2: {  	v15 =	vshll.u32 v51, $0x17;
	v58 =	vcvt.s32.f32 v40;
	v60 =	vcvt.s32.f32 v41  }
0xc3: {  	v59 =	vshll.u32 v50, $0x17;
	v61 =	vcvt.s32.f32 v43;
	v50 =	vcvt.s32.f32 v50  }
0xc4: {  	v62 =	vshll.u32 v49, $0x17;
	v51 =	vcvt.s32.f32 v51;
	v49 =	vcvt.s32.f32 v49  }
0xc5: {  	v56 =	vshll.u32 v41, $0x17;
	v63 =	vcvt.s32.f32 v1;
	v17 =	vmul.f32 $6.931457510e-01, v12  }
0xc6: {  	v41 =	vadd.s32 $0x3F800000, v52;
	v0 =	vmul.f32 $1.428606770e-06, v12;
	v52 =	vmul.f32 $1.428606770e-06, v55  }
0xc7: {  	v1 =	vshll.u32 v1, $0x17;
	v4 =	vmul.f32 $1.428606770e-06, v13;
	v9 =	vmul.f32 $1.428606770e-06, v14  }
0xc8: {  	v40 =	vadd.s32 $0x3F800000, v53;
	v5 =	vmul.f32 $6.931457510e-01, v13;
	v10 =	vmul.f32 $1.428606770e-06, v57  }
0xc9: {  	v42 =	vadd.s32 $0x3F800000, v54;
	v55 =	vmul.f32 $6.931457510e-01, v55;
	v6 =	vmul.f32 $1.428606770e-06, v58  }
0xca: {  	v44 =	vadd.s32 $0x3F800000, v15;
	v7 =	vmul.f32 $6.931457510e-01, v14;
	v11 =	vmul.f32 $1.428606770e-06, v16  }
0xcb: {  	v45 =	vadd.s32 $0x3F800000, v59;
	v57 =	vmul.f32 $6.931457510e-01, v57;
	v12 =	vmul.f32 $1.428606770e-06, v61  }
0xcc: {  	v46 =	vadd.s32 $0x3F800000, v62;
	v58 =	vmul.f32 $6.931457510e-01, v58;
	v13 =	vmul.f32 $6.931457510e-01, v61  }
0xcd: {  	v47 =	vadd.s32 $0x3F800000, v1;
	v48 =	vmul.f32 $6.931457510e-01, v16;
	v14 =	vmul.f32 $6.931457510e-01, v60  }
0xce: {  	v5 =	vsub.f32 v27, v5;
	v25 =	vsub.f32 v25, v17;
	v27 =	vmul.f32 $6.931457510e-01, v51  }
0xcf: {  	v2 =	vld [tilespmem:$0x1FEA0];
	v7 =	vsub.f32 v28, v7;
	v22 =	vsub.f32 v22, v55;
	v28 =	vmul.f32 $6.931457510e-01, v50  }
0xd0: {  	v15 =	vsub.f32 v29, v58;
	v23 =	vsub.f32 v23, v57;
	v29 =	vmul.f32 $6.931457510e-01, v49  }
0xd1: {  	v1 =	vsub.f32 v30, v13;
	v24 =	vsub.f32 v24, v48;
	v30 =	vmul.f32 $6.931457510e-01, v63  }
0xd2: {  	v16 =	vsub.f32 v26, v14;
	v57 =	vmul.f32 $1.428606770e-06, v49;
	v32 =	vsub.f32 v32, v27  }
0xd3: {  	v58 =	vmul.f32 $1.428606770e-06, v63;
	v33 =	vsub.f32 v33, v29;
	v17 =	vsub.f32 v31, v28  }
0xd4: {  	vm0 =	vnez.u8 v2;
	v34 =	vsub.f32 v34, v30;
	v29 =	vsub.f32 v25, v0  }
0xd5: {  	v28 =	vmul.f32 $1.428606770e-06, v60;
	v27 =	vsub.f32 v22, v52;
	v30 =	vsub.f32 v5, v4  }
0xd6: {  	v31 =	vmul.f32 $1.428606770e-06, v51;
	v22 =	vsub.f32 v23, v10;
	v26 =	vsub.f32 v7, v9  }
0xd7: {  	v51 =	vmul.f32 $1.428606770e-06, v50;
	v24 =	vsub.f32 v24, v11;
	v23 =	vsub.f32 v15, v6  }
0xd8: {  	v25 =	vsub.f32 v1, v12;
	v28 =	vsub.f32 v16, v28;
	v59 =	vmul.f32 $8.333333770e-03, v29  }
0xd9: {  	v31 =	vsub.f32 v32, v31;
	v60 =	vmul.f32 $8.333333770e-03, v27;
	v61 =	vmul.f32 $8.333333770e-03, v30  }
0xda: {  	v62 =	vsub.f32 v17, v51;
	v63 =	vmul.f32 $8.333333770e-03, v22;
	v9 =	vmul.f32 $8.333333770e-03, v26  }
0xdb: {  	v33 =	vsub.f32 v33, v57;
	v10 =	vmul.f32 $8.333333770e-03, v24;
	v11 =	vmul.f32 $8.333333770e-03, v23  }
0xdc: {  	v5 =	vsub.f32 v34, v58;
	v13 =	vmul.f32 $8.333333770e-03, v25;
	v12 =	vmul.f32 $8.333333770e-03, v28  }
0xdd: {  	v14 =	vmul.f32 $8.333333770e-03, v31;
	v7 =	vadd.f32 $4.166666790e-02, v61;
	v1 =	vadd.f32 $4.166666790e-02, v59  }
0xde: {  	v15 =	vmul.f32 $8.333333770e-03, v62;
	v48 =	vadd.f32 $4.166666790e-02, v9;
	v6 =	vadd.f32 $4.166666790e-02, v60  }
0xdf: {  	v16 =	vmul.f32 $8.333333770e-03, v33;
	v49 =	vadd.f32 $4.166666790e-02, v11;
	v0 =	vadd.f32 $4.166666790e-02, v63  }
0xe0: {  	v17 =	vmul.f32 $8.333333770e-03, v5;
	v50 =	vadd.f32 $4.166666790e-02, v13;
	v4 =	vadd.f32 $4.166666790e-02, v10  }
0xe1: {  	v51 =	vadd.f32 $4.166666790e-02, v14;
	v34 =	vadd.f32 $4.166666790e-02, v12;
	v1 =	vmul.f32 v1, v29  }
0xe2: {  	v52 =	vadd.f32 $4.166666790e-02, v15;
	v6 =	vmul.f32 v6, v27;
	v7 =	vmul.f32 v7, v30  }
0xe3: {  	v53 =	vadd.f32 $4.166666790e-02, v16;
	v0 =	vmul.f32 v0, v22;
	v48 =	vmul.f32 v48, v26  }
0xe4: {  	v54 =	vadd.f32 $4.166666790e-02, v17;
	v4 =	vmul.f32 v4, v24;
	v49 =	vmul.f32 v49, v23  }
0xe5: {  	v50 =	vmul.f32 v50, v25;
	v34 =	vmul.f32 v34, v28;
	v1 =	vadd.f32 $1.666666720e-01, v1  }
0xe6: {  	v51 =	vmul.f32 v51, v31;
	v6 =	vadd.f32 $1.666666720e-01, v6;
	v7 =	vadd.f32 $1.666666720e-01, v7  }
0xe7: {  	v52 =	vmul.f32 v52, v62;
	v0 =	vadd.f32 $1.666666720e-01, v0;
	v48 =	vadd.f32 $1.666666720e-01, v48  }
0xe8: {  	v53 =	vmul.f32 v53, v33;
	v4 =	vadd.f32 $1.666666720e-01, v4;
	v49 =	vadd.f32 $1.666666720e-01, v49  }
0xe9: {  	v54 =	vmul.f32 v54, v5;
	v50 =	vadd.f32 $1.666666720e-01, v50;
	v34 =	vadd.f32 $1.666666720e-01, v34  }
0xea: {  	v51 =	vadd.f32 $1.666666720e-01, v51;
	v7 =	vmul.f32 v7, v30;
	v1 =	vmul.f32 v1, v29  }
0xeb: {  	v52 =	vadd.f32 $1.666666720e-01, v52;
	v48 =	vmul.f32 v48, v26;
	v6 =	vmul.f32 v6, v27  }
0xec: {  	v53 =	vadd.f32 $1.666666720e-01, v53;
	v49 =	vmul.f32 v49, v23;
	v0 =	vmul.f32 v0, v22  }
0xed: {  	v54 =	vadd.f32 $1.666666720e-01, v54;
	v50 =	vmul.f32 v50, v25;
	v4 =	vmul.f32 v4, v24  }
0xee: {  	v51 =	vmul.f32 v51, v31;
	v34 =	vmul.f32 v34, v28;
	v1 =	vadd.f32 $5.000000000e-01, v1  }
0xef: {  	v52 =	vmul.f32 v52, v62;
	v6 =	vadd.f32 $5.000000000e-01, v6;
	v7 =	vadd.f32 $5.000000000e-01, v7  }
0xf0: {  	v53 =	vmul.f32 v53, v33;
	v0 =	vadd.f32 $5.000000000e-01, v0;
	v48 =	vadd.f32 $5.000000000e-01, v48  }
0xf1: {  	v54 =	vmul.f32 v54, v5;
	v4 =	vadd.f32 $5.000000000e-01, v4;
	v49 =	vadd.f32 $5.000000000e-01, v49  }
0xf2: {  	v50 =	vadd.f32 $5.000000000e-01, v50;
	v34 =	vadd.f32 $5.000000000e-01, v34;
	v1 =	vmul.f32 v1, v29  }
0xf3: {  	v51 =	vadd.f32 $5.000000000e-01, v51;
	v6 =	vmul.f32 v6, v27;
	v7 =	vmul.f32 v7, v30  }
0xf4: {  	v54 =	vadd.f32 $5.000000000e-01, v54;
	v0 =	vmul.f32 v0, v22;
	v48 =	vmul.f32 v48, v26  }
0xf5: {  	v52 =	vadd.f32 $5.000000000e-01, v52;
	v4 =	vmul.f32 v4, v24;
	v49 =	vmul.f32 v49, v23  }
0xf6: {  	v53 =	vadd.f32 $5.000000000e-01, v53;
	v50 =	vmul.f32 v50, v25;
	v54 =	vmul.f32 v54, v5  }
0xf7: {  	v34 =	vmul.f32 v34, v28;
	v7 =	vadd.f32 $1.000000000e+00, v7;
	v1 =	vadd.f32 $1.000000000e+00, v1  }
0xf8: {  	v53 =	vmul.f32 v53, v33;
	v6 =	vadd.f32 $1.000000000e+00, v6;
	v0 =	vadd.f32 $1.000000000e+00, v0  }
0xf9: {  	v52 =	vmul.f32 v52, v62;
	v48 =	vadd.f32 $1.000000000e+00, v48;
	v49 =	vadd.f32 $1.000000000e+00, v49  }
0xfa: {  	v51 =	vmul.f32 v51, v31;
	v50 =	vadd.f32 $1.000000000e+00, v50;
	v54 =	vadd.f32 $1.000000000e+00, v54  }
0xfb: {  	v4 =	vadd.f32 $1.000000000e+00, v4;
	v53 =	vadd.f32 $1.000000000e+00, v53;
	v7 =	vmul.f32 v7, v30  }
0xfc: {  	v52 =	vadd.f32 $1.000000000e+00, v52;
	v1 =	vmul.f32 v1, v29;
	v5 =	vmul.f32 v54, v5  }
0xfd: {  	v51 =	vadd.f32 $1.000000000e+00, v51;
	v6 =	vmul.f32 v6, v27;
	v26 =	vmul.f32 v48, v26  }
0xfe: {  	v25 =	vmul.f32 v50, v25;
	v4 =	vmul.f32 v4, v24;
	v5 =	vadd.f32 $1.000000000e+00, v5  }
0xff: {  	v48 =	vld [tilespmem:$0x1FEB0];
	v23 =	vmul.f32 v49, v23;
	v33 =	vmul.f32 v53, v33;
	v1 =	vadd.f32 $1.000000000e+00, v1  }
0x100: {  	v7 =	vadd.f32 $1.000000000e+00, v7;
	v25 =	vadd.f32 $1.000000000e+00, v25;
	v5 =	vmul.f32 v47, v5  }
0x101: {  	v30 =	vmul.f32 v52, v62;
	v6 =	vadd.f32 $1.000000000e+00, v6;
	v29 =	vadd.f32 $1.000000000e+00, v33  }
0x102: {  	v31 =	vmul.f32 v51, v31;
	v4 =	vadd.f32 $1.000000000e+00, v4;
	v5 =	vadd.f32 $0.0e+00, v5  }
0x103: {  	v47 =	vadd.f32 $1.000000000e+00, v34;
	v27 =	vmul.f32 v46, v29;
	v29 =	vadd.f32 $1.000000000e+00, v30  }
0x104: {  	v30 =	vadd.f32 $1.000000000e+00, v31;
	v5 =	vnsel vm0, $0x0, v5;
	vm0 =	vnez.u8 v48  }
0x105: {  	v49 =	vld [tilespmem:$0x1FE90];
	v28 =	vmul.f32 v47, v28;
	v29 =	vmul.f32 v45, v29;
	v27 =	vnsel vm0, $0x0, v27  }
0x106: {  	v0 =	vmul.f32 v0, v22;
	v50 =	vld [tilespmem:$0x1FED0];
	v23 =	vadd.f32 $1.000000000e+00, v23;
	v31 =	vadd.f32 v27, v5  }
0x107: {  	v30 =	vmul.f32 v44, v30;
	v29 =	vnsel vm10, $0x0, v29;
	v28 =	vadd.f32 $1.000000000e+00, v28  }
0x108: {  	v43 =	vadd.s32 $0x3F800000, v56;
	v0 =	vadd.f32 $1.000000000e+00, v0;
	v31 =	vadd.f32 v29, v31  }
0x109: {  	v25 =	vmul.f32 v42, v25;
	v24 =	vnsel vm7, $0x0, v30;
	v28 =	vmul.f32 v43, v28  }
0x10a: {  	v4 =	vmul.f32 v41, v4;
	vm0 =	vnez.u8 v49;
	v30 =	vadd.f32 v24, v31  }
0x10b: {  	v23 =	vmul.f32 v40, v23;
	v28 =	vnsel vm0, $0x0, v28;
	vm0 =	vnez.u8 v50  }
0x10c: {  	v5 =	vnsel vm3, $0x0, v5;
	v27 =	vnsel vm0, $0x0, v27;
	v30 =	vadd.f32 v28, v30  }
0x10d: {  	v51 =	vld [tilespmem:$0x1FEC0];
	v22 =	vnsel vm15, $0x0, v25;
	v25 =	vadd.f32 $1.000000000e+00, v26;
	v5 =	vadd.f32 v27, v5  }
0x10e: {  	v4 =	vnsel vm14, $0x0, v4;
	v29 =	vnsel vm2, $0x0, v29;
	v26 =	vadd.f32 v22, v30  }
0x10f: {  	v27 =	vadd.s32 $0x3F800000, v39;
	v24 =	vnsel vm4, $0x0, v24;
	v5 =	vadd.f32 v29, v5  }
0x110: {  	v52 =	vld [tilespmem:$0x1FE80];
	v0 =	vmul.f32 v27, v0;
	v27 =	vadd.s32 $0x3F800000, v38;
	v26 =	vadd.f32 v4, v26  }
0x111: {  	v23 =	vnsel vm12, $0x0, v23;
	v25 =	vmul.f32 v27, v25;
	v5 =	vadd.f32 v24, v5  }
0x112: {  	vm0 =	vnez.u8 v51;
	v27 =	vnsel vm1, $0x0, v28;
	v26 =	vadd.f32 v23, v26  }
0x113: {  	v53 =	vld [tilespmem:$0x1FE70];
	v0 =	vnsel vm11, $0x0, v0;
	v25 =	vnsel vm8, $0x0, v25;
	v5 =	vadd.f32 v27, v5  }
0x114: {  	v54 =	vld [tilespmem:$0x1FF50];
	v22 =	vnsel vm0, $0x0, v22;
	v24 =	vadd.f32 v0, v26;
	v26 =	vadd.s32 $0x3F800000, v37  }
0x115: {  	v3 =	vld [tilespmem:$0x1FFC0];
	vm0 =	vnez.u8 v52;
	v5 =	vadd.f32 v22, v5;
	v6 =	vmul.f32 v26, v6  }
0x116: {  	v56 =	vld [tilespmem:$0x1FF60];
	v4 =	vnsel vm6, $0x0, v4;
	v26 =	vadd.s32 $0x3F800000, v36;
	v24 =	vadd.f32 v25, v24  }
0x117: {  	v58 =	vld [tilespmem:$0x1FF70];
	v4 =	vadd.f32 v4, v5;
	v7 =	vmul.f32 v26, v7;
	v6 =	vnsel vm0, $0x0, v6  }
0x118: {  	s31 =	sadd.s32 $0xC8, s31;
	v8 =	vld [tilespmem:$0x1FF80];
	vm0 =	vnez.u8 v53;
	v22 =	vadd.f32 v6, v24;
	v24 =	vadd.s32 $0x3F800000, v35  }
0x119: {  	v57 =	vld [tilespmem:s31+$0x60];
	v7 =	vnsel vm0, $0x0, v7;
	vm0 =	veq.s32 v21, v54;
	v1 =	vmul.f32 v24, v1  }
0x11a: {  	v9 =	vld [tilespmem:s31+$0x30];
	v23 =	vnsel vm0, $0x0, v23;
	v55 =	vadd.f32 v7, v22  }
0x11b: {  	v10 =	vld [tilespmem:s31+$0x20];
	vm0 =	veq.s32 v21, v56;
	v4 =	vadd.f32 v23, v4;
	v1 =	vnsel vm9, $0x0, v1  }
0x11c: {  	v11 =	vld [tilespmem:$0x1FFA0];
	v0 =	vnsel vm0, $0x0, v0;
	vm0 =	veq.s32 v21, v58;
	v5 =	vadd.f32 v1, v55  }
0x11d: {  	v25 =	vnsel vm0, $0x0, v25;
	vm0 =	veq.s32 v21, v8;
	v8 =	vld [tilespmem:$0x1FFD0]  }
0x11e: {  	v17 =	vld [tilespmem:$0x1FFE0];
	v0 =	vadd.f32 v0, v4;
	v59 =	vperm.xlane v5, v3  }
0x11f: {  	v52 =	vld [tilespmem:$0x1FFB0]  }
0x120: {  	v62 =	vld [tilespmem:s31+$0x50];
	v0 =	vadd.f32 v25, v0;
	v4 =	vadd.f32 v5, v59  }
0x121: {  	[tilespmem:$0x1FCA0] =	vst v9;
	v9 =	vld [tilespmem:$0x1FF40];
	v6 =	vnsel vm0, $0x0, v6  }
0x122: {  	s22 =	sadd.s32 $0xFFFFFFF0, s0;
	v63 =	vld [tilespmem:s31+$0x40];
	vm0 =	veq.s32 v21, v11;
	v0 =	vadd.f32 v6, v0;
	v12 =	vperm.xlane v4, v8  }
0x123: {  	v61 =	vmov s22;
	v14 =	vld [tilespmem:s31+$0xFFFFFFF0];
	v22 =	vmov s0;
	v7 =	vnsel vm0, $0x0, v7  }
0x124: {  	s22 =	sadd.s32 $0xFFFFFFD0, s0;
	[tilespmem:$0x1FCB0] =	vst v10;
	v10 =	vld [tilespmem:s31+$0xFFFFFFD0];
	vm0 =	veq.s32 v21, v52;
	v0 =	vadd.f32 v7, v0;
	v4 =	vadd.f32 v4, v12  }
0x125: {  	[tilespmem:$0x1FC80] =	vst v62;
	v62 =	vld [tilespmem:$0x1FFF0];
	v36 =	vmov s22;
	v30 =	vshll.u32 v22, $0x3;
	v1 =	vnsel vm0, $0x0, v1  }
0x126: {  	s2 =	sadd.s32 $0xFFFFFFE0, s0;
	v50 =	vld [tilespmem:s31+$0x10];
	s22 =	sadd.s32 $0xFFFFFFB0, s0;
	v15 =	vadd.s32 v9, v30;
	v0 =	vadd.f32 v1, v0;
	v48 =	vperm.xlane v4, v17  }
0x127: {  	v60 =	vmov s2;
	v16 =	vld [tilespmem:s31+$0xFFFFFFE0];
	[tilespmem:$0x1FC70] =	vst v57;
	v38 =	vmov s22;
	v21 =	vor.u32 $0x4, v15  }
0x128: {  	[tilespmem:$0x1FC90] =	vst v63;
	s22 =	sadd.s32 $0xFFFFFF90, s0;
	v36 =	vshll.u32 v36, $0x3;
	v57 =	vperm.xlane v0, v3;
	v1 =	vadd.f32 v4, v48  }
0x129: {  	[tilespmem:$0x1FD00] =	vst v10;
	v10 =	vlaneseq.u32;
	v53 =	vmov s22;
	v36 =	vadd.s32 v9, v36  }
0x12a: {  	[tilespmem:$0x1FCE0] =	vst v14;
	s22 =	sadd.s32 $0xFFFFFF80, s0;
	v14 =	vshll.u32 v38, $0x3;
	v0 =	vadd.f32 v0, v57;
	v63 =	vperm.xlane v1, v62  }
0x12b: {  	v51 =	vld [tilespmem:s31+$0x0];
	[tilespmem:$0x1FCC0] =	vst v50;
	v50 =	vmov s22;
	s22 =	sadd.s32 $0xFFFFFF60, s0;
	v37 =	vadd.s32 v9, v14;
	v56 =	vor.u32 $0x2, v15  }
0x12c: {  	[tilespmem:$0x1FCF0] =	vst v16;
	v16 =	vmov s22;
	v44 =	vld.idx.msk [tilespmem:v21+s18+$0x0], $0xffff;
	v21 =	vperm.xlane v0, v8;
	v1 =	vadd.f32 v1, v63  }
0x12d: {  	v58 =	vld [tilespmem:s31+$0xFFFFFFA0];
	v54 =	vor.u32 $0x3, v15;
	v59 =	vshll.u32 v60, $0x3;
	v60 =	vshll.u32 v61, $0x3  }
0x12e: {  	s2 =	sadd.s32 $0xFFFFFFC0, s0;
	v55 =	vld [tilespmem:s31+$0xFFFFFFC0];
	v61 =	vor.u32 $0x1, v15;
	v0 =	vadd.f32 v0, v21;
	(erf) = vrcp.f32 v1  }
0x12f: {  	v5 =	vmov s2;
	v6 =	vshll.u32 v53, $0x3;
	v34 =	vadd.s32 v9, v60;
	v40 =	vld.idx.msk [tilespmem:v15+s18+$0x0], $0xffff  }
0x130: {  	s2 =	sadd.s32 $0xFFFFFFA0, s0;
	v5 =	vshll.u32 v5, $0x3;
	v6 =	vadd.s32 v9, v6;
	v15 =	vld.idx.msk [tilespmem:v56+s18+$0x0], $0xffff;
	v17 =	vperm.xlane v0, v17  }
0x131: {  	v18 =	vor.u32 $0x3, v37;
	v13 =	vmov s2;
	s2 =	sadd.s32 $0xFFFFFF70, s0;
	v5 =	vadd.s32 v9, v5;
	v56 =	vld.idx.msk [tilespmem:v36+s18+$0x0], $0xffff  }
0x132: {  	s22 =	sadd.s32 $0xFFFFFF50, s0;
	v49 =	vmov s2;
	v13 =	vshll.u32 v13, $0x3;
	v12 =	vld.idx.msk [tilespmem:v54+s18+$0x0], $0xffff;
	v0 =	vadd.f32 v0, v17  }
0x133: {  	v33 =	vmov s22;
	v7 =	vadd.s32 v9, v13;
	v39 =	vshll.u32 v49, $0x3;
	v42 =	vld.idx.msk [tilespmem:v61+s18+$0x0], $0xffff  }
0x134: {  	v46 =	vor.u32 $0x4, v5;
	v14 =	vor.u32 $0x3, v5;
	v52 =	vld.idx.msk [tilespmem:v34+s18+$0x0], $0xffff;
	v41 =	vperm.xlane v0, v62  }
0x135: {  	[tilespmem:$0x1FD20] =	vst v58;
	v60 =	vld.idx.msk [tilespmem:v6+s18+$0x0], $0xffff;
	v4 =	vadd.s32 v9, v59;
	v57 =	vadd.s32 v9, v39;
	v39 =	vshll.u32 v33, $0x3  }
0x136: {  	[tilespmem:$0x1FD10] =	vst v55;
	v58 =	vld.idx.msk [tilespmem:v5+s18+$0x0], $0xffff;
	v55 =	vadd.s32 v9, v39;
	v43 =	vor.u32 $0x4, v4;
	v0 =	vadd.f32 v0, v41  }
0x137: {  	v33 =	vld.idx.msk [tilespmem:v37+s18+$0x0], $0xffff;
	[tilespmem:$0x1FC50] =	vst v12;
	v11 =	vor.u32 $0x3, v4;
	v12 =	vor.u32 $0x3, v7;
	v8 =	vmov s30;
	v49 =	vpop (erf)  }
0x138: {  	s22 =	sadd.s32 $0xFFFFFF40, s0;
	v59 =	vld.idx.msk [tilespmem:v7+s18+$0x0], $0xffff;
	s30 =	sadd.s32 $0x1, s30;
	vm0 =	veq.s32 v8, v10;
	v21 =	vshll.u32 v50, $0x3;
	v0 =	vmul.f32 v49, v0  }
0x139: {  	[tilespmem:$0x1FCD0] =	vst v51;
	v22 =	vld.idx.msk [tilespmem:v46+s18+$0x0], $0xffff;
	v50 =	vor.u32 $0x3, v34;
	v51 =	vadd.s32 v9, v21;
	v21 =	vmov s22;
	s22 =	sadd.s32 s30, s25  }
0x13a: {  	[tilespmem:$0x1FC60] =	vst v15;
	v53 =	vld.idx.msk [tilespmem:v4+s18+$0x0], $0xffff;
	v41 =	vmov s22;
	v20 =	vsel vm0, v0, v20;
	v0 =	vor.u32 $0x2, v34  }
0x13b: {  	v15 =	vor.u32 $0x2, v36;
	[tilespmem:$0x1FD30] =	vst v12;
	v12 =	vor.u32 $0x1, v37;
	v24 =	vld.idx.msk [tilespmem:v55+s18+$0x0], $0xffff;
	v39 =	vshll.u32 v41, $0x3  }
0x13c: {  	v10 =	vor.u32 $0x1, v36;
	v1 =	vshll.u32 v16, $0x3;
	v21 =	vshll.u32 v21, $0x3;
	v29 =	vld.idx.msk [tilespmem:v43+s18+$0x0], $0xffff  }
0x13d: {  	v43 =	vor.u32 $0x3, v36;
	v23 =	vld.idx.msk [tilespmem:v11+s18+$0x0], $0xffff;
	v54 =	vadd.s32 v9, v21;
	v21 =	vor.u32 $0x4, v34  }
0x13e: {  	v48 =	vadd.s32 v9, v1;
	v9 =	vor.u32 $0x4, v36;
	v27 =	vld.idx.msk [tilespmem:v50+s18+$0x0], $0xffff;
	v34 =	vor.u32 $0x1, v34  }
0x13f: {  	v36 =	vor.u32 $0x2, v37;
	v50 =	vor.u32 $0x4, v37;
	v37 =	vor.u32 $0x4, v39;
	v25 =	vld.idx.msk [tilespmem:v0+s18+$0x0], $0xffff  }
0x140: {  	v3 =	vor.u32 $0x2, v39;
	v0 =	vld.idx.msk [tilespmem:v39+s14+$0x0], $0xffff  }
0x141: {  	v11 =	vld.idx.msk [tilespmem:v14+s18+$0x0], $0xffff  }
0x142: {  	v47 =	vor.u32 $0x2, v4;
	v28 =	vld.idx.msk [tilespmem:v21+s18+$0x0], $0xffff  }
0x143: {  	[tilespmem:$0x1FDB0] =	vst v20;
	v20 =	vld.idx.msk [tilespmem:v34+s18+$0x0], $0xffff  }
0x144: {  	v34 =	vld.idx.msk [tilespmem:v37+s14+$0x0], $0xffff  }
0x145: {  	v14 =	vmul.f32 v52, v0;
	v52 =	vld.idx.msk [tilespmem:v3+s14+$0x0], $0xffff  }
0x146: {  	v3 =	vmul.f32 v33, v0;
	v33 =	vld [tilespmem:$0x1FC60]  }
0x147: {  	v38 =	vld.idx.msk [tilespmem:v47+s18+$0x0], $0xffff  }
0x148: {  	v16 =	vor.u32 $0x3, v6;
	v61 =	vld.idx.msk [tilespmem:v51+s18+$0x0], $0xffff  }
0x149: {  	v8 =	vor.u32 $0x1, v4;
	[tilespmem:$0x1FD40] =	vst v16;
	v47 =	vor.u32 $0x4, v54;
	v62 =	vld.idx.msk [tilespmem:v57+s18+$0x0], $0xffff  }
0x14a: {  	v16 =	vor.u32 $0x2, v7;
	[tilespmem:$0x1FDA0] =	vst v47;
	v63 =	vld.idx.msk [tilespmem:v48+s18+$0x0], $0xffff;
	v47 =	vmul.f32 v28, v34  }
0x14b: {  	v28 =	vmul.f32 v29, v34;
	v29 =	vmul.f32 v33, v52;
	v33 =	vld [tilespmem:$0x1FC70]  }
0x14c: {  	v13 =	vor.u32 $0x4, v51;
	v26 =	vld.idx.msk [tilespmem:v54+s18+$0x0], $0xffff  }
0x14d: {  	v19 =	vor.u32 $0x4, v6;
	[tilespmem:$0x1FD60] =	vst v13;
	v13 =	vor.u32 $0x1, v7;
	v21 =	vld.idx.msk [tilespmem:v43+s18+$0x0], $0xffff  }
0x14e: {  	v17 =	vor.u32 $0x4, v7;
	v7 =	vor.u32 $0x1, v6;
	v43 =	vor.u32 $0x2, v6;
	v6 =	vld.idx.msk [tilespmem:v8+s18+$0x0], $0xffff  }
0x14f: {  	v1 =	vld.idx.msk [tilespmem:v16+s18+$0x0], $0xffff;
	v8 =	vmul.f32 v40, v0  }
0x150: {  	v56 =	vmul.f32 v56, v0;
	v53 =	vmul.f32 v53, v0;
	vm0 =	vgt.s32 v33, $0x0;
	v33 =	vld [tilespmem:$0x1FC80]  }
0x151: {  	v58 =	vmul.f32 v58, v0;
	v16 =	vmul.f32 v22, v34;
	v22 =	vld [tilespmem:$0x1FC90]  }
0x152: {  	v60 =	vmul.f32 v60, v0;
	v59 =	vmul.f32 v59, v0  }
0x153: {  	v62 =	vmul.f32 v62, v0;
	v61 =	vmul.f32 v61, v0  }
0x154: {  	v24 =	vmul.f32 v24, v0;
	v63 =	vmul.f32 v63, v0  }
0x155: {  	v26 =	vmul.f32 v26, v0;
	vm1 =	vgt.s32 v33, $0x0;
	v33 =	vimm.s32 $0x0  }
0x156: {  	v0 =	vsel vm1, $0xFFFFFFFF, v33;
	vm1 =	vgt.s32 v22, $0x0;
	v33 =	vimm.s32 $0x0  }
0x157: {  	[tilespmem:$0x1FE70] =	vst v0;
	v0 =	vsel vm1, $0xFFFFFFFF, v33  }
0x158: {  	[tilespmem:$0x1FE80] =	vst v0;
	v0 =	vld [tilespmem:$0x1FCA0];
	_ =	sdelay $0x4  }
0x159: {  	v33 =	vimm.s32 $0x0;
	vm1 =	vgt.s32 v0, $0x0  }
0x15a: {  	v50 =	vld.idx.msk [tilespmem:v50+s18+$0x0], $0xffff;
	v0 =	vsel vm1, $0xFFFFFFFF, v33  }
0x15b: {  	[tilespmem:$0x1FE30] =	vst v0;
	v0 =	vld [tilespmem:$0x1FCB0];
	_ =	sdelay $0x3  }
0x15c: {  	v22 =	vmul.f32 v25, v52  }
0x15d: {  	v25 =	vld.idx.msk [tilespmem:v12+s18+$0x0], $0xffff;
	v12 =	vmul.f32 v50, v34;
	v50 =	vimm.s32 $0x0;
	vm1 =	vgt.s32 v0, $0x0  }
0x15e: {  	v0 =	vsel vm1, $0xFFFFFFFF, v50  }
0x15f: {  	[tilespmem:$0x1FE60] =	vst v0;
	v0 =	vld [tilespmem:$0x1FCC0];
	_ =	sdelay $0x1  }
0x160: {  	v18 =	vld.idx.msk [tilespmem:v18+s18+$0x0], $0xffff  }
0x161: {  	v19 =	vld.idx.msk [tilespmem:v19+s18+$0x0], $0xffff  }
0x162: {  	v35 =	vor.u32 $0x3, v51;
	v10 =	vld.idx.msk [tilespmem:v10+s18+$0x0], $0xffff  }
0x163: {  	[tilespmem:$0x1FD50] =	vst v35;
	v35 =	vor.u32 $0x2, v51;
	v30 =	vld.idx.msk [tilespmem:v9+s18+$0x0], $0xffff;
	v50 =	vimm.s32 $0x0;
	vm1 =	vgt.s32 v0, $0x0  }
0x164: {  	v17 =	vld.idx.msk [tilespmem:v17+s18+$0x0], $0xffff;
	v4 =	vor.u32 $0x1, v39;
	v0 =	vsel vm1, $0xFFFFFFFF, v50  }
0x165: {  	v32 =	vor.u32 $0x4, v57;
	[tilespmem:$0x1FE20] =	vst v0;
	v0 =	vld [tilespmem:$0x1FCD0]  }
0x166: {  	v46 =	vor.u32 $0x3, v57;
	[tilespmem:$0x1FD70] =	vst v32;
	v32 =	vor.u32 $0x2, v57;
	v57 =	vor.u32 $0x1, v57;
	v36 =	vld.idx.msk [tilespmem:v36+s18+$0x0], $0xffff  }
0x167: {  	v13 =	vld.idx.msk [tilespmem:v13+s18+$0x0], $0xffff  }
0x168: {  	v31 =	vor.u32 $0x2, v48;
	v51 =	vor.u32 $0x1, v51;
	v35 =	vld.idx.msk [tilespmem:v35+s18+$0x0], $0xffff;
	[tilespmem:$0x1FDC0] =	vst v41;
	v41 =	vor.u32 $0x4, v48  }
0x169: {  	[tilespmem:$0x1FD80] =	vst v41;
	v41 =	vor.u32 $0x3, v48;
	v48 =	vor.u32 $0x1, v48;
	v4 =	vld.idx.msk [tilespmem:v4+s14+$0x0], $0xffff;
	v33 =	vmul.f32 v38, v52  }
0x16a: {  	v38 =	vld.idx.msk [tilespmem:v7+s18+$0x0], $0xffff;
	v7 =	vmul.f32 v17, v34;
	v17 =	vimm.s32 $0x0;
	vm1 =	vgt.s32 v0, $0x0  }
0x16b: {  	v2 =	vor.u32 $0x3, v39;
	v0 =	vsel vm1, $0xFFFFFFFF, v17;
	v17 =	vld.idx.msk [tilespmem:v57+s18+$0x0], $0xffff  }
0x16c: {  	v57 =	vld [tilespmem:$0x1FCE0]  }
0x16d: {  	v9 =	vor.u32 $0x2, v5;
	v49 =	vor.u32 $0x1, v5;
	v5 =	vld.idx.msk [tilespmem:v15+s18+$0x0], $0xffff  }
0x16e: {  	v45 =	vor.u32 $0x4, v55;
	v51 =	vld.idx.msk [tilespmem:v51+s18+$0x0], $0xffff;
	v15 =	vor.u32 $0x2, v54;
	v39 =	vor.u32 $0x3, v55  }
0x16f: {  	v48 =	vld.idx.msk [tilespmem:v48+s18+$0x0], $0xffff;
	v37 =	vor.u32 $0x3, v54;
	v42 =	vmul.f32 v42, v4;
	v6 =	vmul.f32 v6, v4  }
0x170: {  	[tilespmem:$0x1FD90] =	vst v45;
	v10 =	vmul.f32 v10, v4;
	v40 =	vld.idx.msk [tilespmem:v2+s14+$0x0], $0xffff;
	v2 =	vor.u32 $0x2, v55;
	v45 =	vmul.f32 v44, v34  }
0x171: {  	v44 =	vor.u32 $0x1, v55;
	v55 =	vld [tilespmem:$0x1FC50];
	vm1 =	vgt.s32 v57, $0x0;
	v57 =	vimm.s32 $0x0  }
0x172: {  	v20 =	vmul.f32 v20, v4;
	v50 =	vmul.f32 v5, v52;
	v5 =	vsel vm1, $0xFFFFFFFF, v57;
	v57 =	vld [tilespmem:$0x1FCF0]  }
0x173: {  	v31 =	vld.idx.msk [tilespmem:v31+s18+$0x0], $0xffff;
	v54 =	vor.u32 $0x1, v54;
	v13 =	vmul.f32 v13, v4;
	v38 =	vmul.f32 v38, v4  }
0x174: {  	v9 =	vld.idx.msk [tilespmem:v9+s18+$0x0], $0xffff;
	v51 =	vmul.f32 v51, v4;
	v14 =	vadd.f32 v20, v14;
	v8 =	vadd.f32 v42, v8  }
0x175: {  	v30 =	vmul.f32 v30, v34;
	v10 =	vadd.f32 v10, v56;
	v38 =	vadd.f32 v38, v60;
	v60 =	vld [tilespmem:$0x1FD30]  }
0x176: {  	v20 =	vld.idx.msk [tilespmem:v32+s18+$0x0], $0xffff;
	v6 =	vadd.f32 v6, v53;
	v32 =	vmul.f32 v48, v4;
	v13 =	vadd.f32 v13, v59  }
0x177: {  	v43 =	vld.idx.msk [tilespmem:v43+s18+$0x0], $0xffff;
	v55 =	vmul.f32 v55, v40;
	vm1 =	vgt.s32 v57, $0x0;
	v57 =	vimm.s32 $0x0  }
0x178: {  	v27 =	vmul.f32 v27, v40;
	v23 =	vmul.f32 v23, v40;
	[tilespmem:$0x1FE50] =	vst v5;
	v5 =	vsel vm1, $0xFFFFFFFF, v57;
	v57 =	vld [tilespmem:$0x1FD00]  }
0x179: {  	v49 =	vld.idx.msk [tilespmem:v49+s18+$0x0], $0xffff;
	v21 =	vmul.f32 v21, v40;
	v11 =	vmul.f32 v11, v40;
	v10 =	vadd.f32 v50, v10  }
0x17a: {  	v48 =	vadd.f32 v51, v61;
	v18 =	vmul.f32 v18, v40;
	v9 =	vmul.f32 v9, v52;
	v2 =	vld.idx.msk [tilespmem:v2+s18+$0x0], $0xffff  }
0x17b: {  	v36 =	vmul.f32 v36, v52;
	v8 =	vadd.f32 v29, v8;
	v10 =	vadd.f32 v21, v10;
	v21 =	vld [tilespmem:$0x1FD90]  }
0x17c: {  	v14 =	vadd.f32 v22, v14;
	v22 =	vmul.f32 v31, v52;
	v31 =	vld.idx.msk [tilespmem:v46+s18+$0x0], $0xffff;
	v25 =	vmul.f32 v25, v4  }
0x17d: {  	v20 =	vmul.f32 v20, v52;
	v61 =	vld.idx.msk [tilespmem:v60+s18+$0x0], $0xffff;
	vm1 =	vgt.s32 v57, $0x0;
	v57 =	vimm.s32 $0x0  }
0x17e: {  	v3 =	vadd.f32 v25, v3;
	[tilespmem:$0x1FE90] =	vst v5;
	v5 =	vmul.f32 v19, v34;
	v19 =	vld.idx.msk [tilespmem:v44+s18+$0x0], $0xffff;
	v44 =	vsel vm1, $0xFFFFFFFF, v57  }
0x17f: {  	v8 =	vadd.f32 v55, v8;
	[tilespmem:$0x1FDE0] =	vst v44;
	v44 =	vmul.f32 v49, v4;
	v49 =	vld.idx.msk [tilespmem:v54+s18+$0x0], $0xffff  }
0x180: {  	v2 =	vmul.f32 v2, v52;
	v3 =	vadd.f32 v36, v3;
	v6 =	vadd.f32 v33, v6;
	[tilespmem:$0x1FE40] =	vst v0;
	v0 =	vld [tilespmem:$0x1FF10]  }
0x181: {  	vm0 =	vmand vm0, vm13;
	v14 =	vadd.f32 v27, v14;
	v17 =	vmul.f32 v17, v4;
	v57 =	vld [tilespmem:$0x1FD10]  }
0x182: {  	v46 =	vld [tilespmem:$0x1FDA0];
	v31 =	vmul.f32 v31, v40;
	v3 =	vadd.f32 v18, v3;
	v6 =	vadd.f32 v23, v6  }
0x183: {  	v21 =	vld.idx.msk [tilespmem:v21+s18+$0x0], $0xffff;
	v17 =	vadd.f32 v17, v62;
	v62 =	vmul.f32 v35, v52;
	v25 =	vadd.f32 v44, v58  }
0x184: {  	v53 =	vld.idx.msk [tilespmem:v15+s18+$0x0], $0xffff;
	v35 =	vimm.s32 $0x0;
	v19 =	vmul.f32 v19, v4;
	v4 =	vmul.f32 v49, v4  }
0x185: {  	v17 =	vadd.f32 v20, v17;
	v20 =	vmul.f32 v61, v40;
	v9 =	vadd.f32 v9, v25;
	v25 =	vld.idx.msk [tilespmem:v41+s18+$0x0], $0xffff  }
0x186: {  	vm1 =	vgt.s32 v57, $0x0;
	v57 =	vmovc v0;
	v0 =	vimm.s32 $0x0;
	v4 =	vadd.f32 v4, v26;
	v26 =	vld [tilespmem:$0x1FD40]  }
0x187: {  	v19 =	vadd.f32 v19, v24;
	v24 =	vadd.f32 v32, v63;
	v41 =	vld.idx.msk [tilespmem:v39+s18+$0x0], $0xffff;
	v0 =	vsel vm1, $0xFFFFFFFF, v0  }
0x188: {  	v15 =	vadd.f32 v62, v48;
	v50 =	vmul.f32 v21, v34;
	[tilespmem:$0x1FE00] =	vst v0;
	v0 =	vmul.f32 v1, v52;
	v1 =	vld [tilespmem:$0x1FD20]  }
0x189: {  	v17 =	vadd.f32 v31, v17;
	v44 =	vld [tilespmem:$0x1FD60];
	v22 =	vadd.f32 v22, v24;
	v49 =	vmul.f32 v43, v52  }
0x18a: {  	v54 =	vimm.f32 $-5.000000000e-01;
	v2 =	vadd.f32 v2, v19;
	v24 =	vld [tilespmem:$0x1FD70];
	v9 =	vadd.f32 v11, v9  }
0x18b: {  	v11 =	vld.idx.msk [tilespmem:v46+s18+$0x0], $0xffff;
	v32 =	vadd.f32 v49, v38;
	v0 =	vadd.f32 v0, v13;
	v23 =	vmul.f32 v25, v40  }
0x18c: {  	v13 =	vmul.f32 v41, v40;
	v25 =	vadd.f32 v45, v8;
	v41 =	vimm.s32 $0x0  }
0x18d: {  	v42 =	vld.idx.msk [tilespmem:v37+s18+$0x0], $0xffff;
	v0 =	vadd.f32 v20, v0;
	vm1 =	vgt.s32 v1, $0x0;
	v1 =	vimm.s32 $0x0  }
0x18e: {  	v2 =	vadd.f32 v13, v2;
	v48 =	vadd.f32 v23, v22;
	v1 =	vsel vm1, $0xFFFFFFFF, v1;
	v63 =	vld.idx.msk [tilespmem:v26+s18+$0x0], $0xffff  }
0x18f: {  	v22 =	vadd.f32 v28, v6;
	v23 =	vadd.f32 v16, v9;
	[tilespmem:$0x1FEA0] =	vst v1;
	v1 =	vmul.f32 v53, v52;
	v26 =	vld [tilespmem:$0x1FD50]  }
0x190: {  	v28 =	vadd.f32 v30, v10;
	v51 =	vmul.f32 v11, v34;
	v53 =	vld [tilespmem:s31+$0xFFFFFFB0];
	v33 =	vadd.f32 v50, v2  }
0x191: {  	v60 =	vmul.f32 $1.442695020e+00, v25;
	v61 =	vmul.f32 $1.442695020e+00, v22;
	v1 =	vadd.f32 v1, v4;
	v4 =	vld.idx.msk [tilespmem:v44+s18+$0x0], $0xffff  }
0x192: {  	v24 =	vld.idx.msk [tilespmem:v24+s18+$0x0], $0xffff;
	v16 =	vimm.s32 $0x0;
	v36 =	vmul.f32 $1.442695020e+00, v28;
	v45 =	vmul.f32 $1.442695020e+00, v33  }
0x193: {  	vm3 =	vge.f32 v61, $0.0e+00;
	v19 =	vmul.f32 v63, v40;
	v63 =	vmul.f32 $1.442695020e+00, v23  }
0x194: {  	vm2 =	vge.f32 v36, $0.0e+00;
	v46 =	vsel vm3, $0x3F000000, v54;
	vm11 =	vge.f32 v45, $0.0e+00  }
0x195: {  	v18 =	vadd.f32 v19, v32;
	v19 =	vmul.f32 v42, v40;
	vm14 =	vge.f32 v63, $0.0e+00  }
0x196: {  	vm1 =	vgt.s32 v53, $0x0;
	v4 =	vmul.f32 v4, v34;
	v50 =	vsel vm14, $0x3F000000, v54  }
0x197: {  	v29 =	vld.idx.msk [tilespmem:v26+s18+$0x0], $0xffff;
	v1 =	vadd.f32 v19, v1;
	v19 =	vmul.f32 v24, v34;
	v24 =	vadd.f32 v7, v0  }
0x198: {  	v26 =	vld [tilespmem:$0x1FD80];
	v30 =	vadd.f32 v5, v18;
	v0 =	vsel vm1, $0xFFFFFFFF, v41;
	vm1 =	vge.f32 v60, $0.0e+00  }
0x199: {  	v18 =	vsel vm2, $0x3F000000, v54;
	v7 =	vadd.f32 v50, v63;
	v63 =	vimm.s32 $0x0  }
0x19a: {  	v8 =	vadd.f32 v18, v36;
	v13 =	vsel vm0, $0xFFFFFFFF, v63;
	v36 =	vlaneseq.u32  }
0x19b: {  	v32 =	vadd.f32 v19, v17;
	v37 =	vmul.f32 $1.442695020e+00, v24;
	v7 =	vtrunc.f32 v7  }
0x19c: {  	v17 =	vimm.s32 $0x0;
	v8 =	vtrunc.f32 v8;
	v7 =	vcvt.f32.s32 v7  }
0x19d: {  	v29 =	vmul.f32 v29, v40;
	v40 =	vmul.f32 $1.442695020e+00, v30;
	vm9 =	vge.f32 v37, $0.0e+00  }
0x19e: {  	v43 =	vmul.f32 $1.442695020e+00, v32;
	v8 =	vcvt.f32.s32 v8;
	v21 =	vsel vm9, $0x3F000000, v54  }
0x19f: {  	v15 =	vadd.f32 v29, v15;
	vm7 =	vge.f32 v40, $0.0e+00;
	v2 =	vadd.f32 v21, v37  }
0x1a0: {  	v29 =	vadd.f32 v12, v3;
	vm15 =	vge.f32 v43, $0.0e+00;
	v27 =	vld.idx.msk [tilespmem:v26+s18+$0x0], $0xffff;
	v20 =	vsel vm7, $0x3F000000, v54  }
0x1a1: {  	v26 =	vadd.f32 v4, v15;
	v4 =	vadd.f32 v46, v61;
	v2 =	vtrunc.f32 v2  }
0x1a2: {  	v38 =	vmul.f32 $1.442695020e+00, v29;
	v9 =	vadd.f32 v20, v40;
	v2 =	vcvt.f32.s32 v2  }
0x1a3: {  	v37 =	vimm.s32 $0x0;
	v39 =	vmul.f32 $1.442695020e+00, v26;
	v4 =	vtrunc.f32 v4  }
0x1a4: {  	vm10 =	vge.f32 v38, $0.0e+00;
	v9 =	vtrunc.f32 v9;
	v4 =	vcvt.f32.s32 v4  }
0x1a5: {  	v9 =	vcvt.f32.s32 v9;
	vm13 =	vgt.s32 v2, $0xFFFFFF82;
	v49 =	vmul.f32 v27, v34  }
0x1a6: {  	v27 =	vadd.f32 v47, v14;
	v34 =	vadd.f32 v51, v1;
	vm6 =	vge.f32 v39, $0.0e+00  }
0x1a7: {  	v51 =	vsel vm15, $0x3F000000, v54;
	v2 =	vnsel vm13, $0xFFFFFF82, v2;
	v19 =	vsel vm6, $0x3F000000, v54  }
0x1a8: {  	v10 =	vadd.f32 v51, v43;
	v62 =	vmul.f32 $1.442695020e+00, v27;
	v31 =	vadd.f32 v49, v48  }
0x1a9: {  	v44 =	vmul.f32 $1.442695020e+00, v34;
	v48 =	vsel vm1, $0x3F000000, v54;
	v49 =	vsel vm10, $0x3F000000, v54  }
0x1aa: {  	v1 =	vadd.f32 v19, v39;
	vm10 =	vgt.s32 v9, $0xFFFFFF82;
	v3 =	vadd.f32 v48, v60  }
0x1ab: {  	v60 =	vsel vm11, $0x3F000000, v54;
	v6 =	vadd.f32 v49, v38;
	v10 =	vtrunc.f32 v10  }
0x1ac: {  	vm11 =	vgt.s32 v7, $0xFFFFFF82;
	v9 =	vnsel vm10, $0xFFFFFF82, v9;
	v42 =	vmul.f32 $1.442695020e+00, v31  }
0x1ad: {  	vm5 =	vge.f32 v62, $0.0e+00;
	vm8 =	vge.f32 v44, $0.0e+00;
	v12 =	vadd.f32 v60, v45  }
0x1ae: {  	v1 =	vtrunc.f32 v1;
	v10 =	vcvt.f32.s32 v10;
	v7 =	vnsel vm11, $0xFFFFFF82, v7  }
0x1af: {  	vm13 =	vlt.s32 v9, $0x7F;
	v47 =	vsel vm5, $0x3F000000, v54;
	v3 =	vtrunc.f32 v3  }
0x1b0: {  	v61 =	vsel vm8, $0x3F000000, v54;
	v6 =	vtrunc.f32 v6;
	v1 =	vcvt.f32.s32 v1  }
0x1b1: {  	vm5 =	vgt.s32 v4, $0xFFFFFF82;
	vm10 =	vlt.s32 v7, $0x7F;
	v43 =	vnsel vm13, $0x7F, v9  }
0x1b2: {  	vm12 =	vge.f32 v42, $0.0e+00;
	v5 =	vadd.f32 v47, v62;
	v12 =	vtrunc.f32 v12  }
0x1b3: {  	v11 =	vadd.f32 v61, v44;
	v3 =	vcvt.f32.s32 v3;
	v6 =	vcvt.f32.s32 v6  }
0x1b4: {  	v62 =	vld [tilespmem:$0x1FDC0];
	v4 =	vnsel vm5, $0xFFFFFF82, v4;
	v53 =	vsel vm12, $0x3F000000, v54;
	v12 =	vcvt.f32.s32 v12  }
0x1b5: {  	v56 =	vld [tilespmem:$0x1FF00];
	vm12 =	vgt.s32 v8, $0xFFFFFF82;
	vm9 =	vgt.s32 v1, $0xFFFFFF82;
	v5 =	vtrunc.f32 v5  }
0x1b6: {  	[tilespmem:$0x1FEB0] =	vst v0;
	v51 =	vld [tilespmem:$0x1FE20];
	v0 =	vadd.f32 v53, v42;
	v11 =	vtrunc.f32 v11;
	vm7 =	vgt.s32 v3, $0xFFFFFF82  }
0x1b7: {  	v59 =	vld [tilespmem:$0x1FF30];
	[tilespmem:$0x1FDD0] =	vst v13;
	vm8 =	vgt.s32 v6, $0xFFFFFF82;
	v8 =	vnsel vm12, $0xFFFFFF82, v8;
	v1 =	vnsel vm9, $0xFFFFFF82, v1  }
0x1b8: {  	v45 =	vld [tilespmem:$0x1FDD0];
	v5 =	vcvt.f32.s32 v5;
	v11 =	vcvt.f32.s32 v11;
	vm14 =	vgt.s32 v12, $0xFFFFFF82  }
0x1b9: {  	v49 =	vld [tilespmem:$0x1FE00];
	v3 =	vnsel vm7, $0xFFFFFF82, v3;
	v6 =	vnsel vm8, $0xFFFFFF82, v6;
	vm8 =	vlt.s32 v2, $0x7F  }
0x1ba: {  	v61 =	vld [tilespmem:$0x1FE40];
	vm12 =	vlt.s32 v1, $0x7F;
	v0 =	vtrunc.f32 v0;
	v38 =	vnsel vm14, $0xFFFFFF82, v12  }
0x1bb: {  	v53 =	vld [tilespmem:$0x1FF90];
	vm9 =	vlt.s32 v6, $0x7F;
	v41 =	vnsel vm12, $0x7F, v1;
	vm12 =	vnez.u8 v51  }
0x1bc: {  	v0 =	vcvt.f32.s32 v0;
	vm6 =	vgt.s32 v5, $0xFFFFFF82;
	vm1 =	vgt.s32 v11, $0xFFFFFF82;
	v21 =	vld.idx.msk [tilespmem:v62+s13+$0x0], $0xffff  }
0x1bd: {  	v58 =	vld [tilespmem:$0x1FF20];
	vm14 =	vlt.s32 v38, $0x7F;
	v40 =	vnsel vm9, $0x7F, v6;
	vm9 =	vnez.u8 v45  }
0x1be: {  	v46 =	vld [tilespmem:$0x1FDE0];
	v45 =	vnsel vm10, $0x7F, v7;
	vm10 =	vnez.u8 v49;
	v5 =	vnsel vm6, $0xFFFFFF82, v5  }
0x1bf: {  	v55 =	vld [tilespmem:$0x1FEF0];
	vm6 =	vlt.s32 v4, $0x7F;
	v49 =	vnsel vm14, $0x7F, v38;
	vm14 =	vnez.u8 v61  }
0x1c0: {  	v52 =	vld [tilespmem:$0x1FEE0];
	vm15 =	vgt.s32 v0, $0xFFFFFF82;
	vm7 =	vlt.s32 v5, $0x7F;
	v42 =	vnsel vm6, $0x7F, v4  }
0x1c1: {  	vm13 =	vnez.u8 v53;
	v0 =	vnsel vm15, $0xFFFFFF82, v0;
	vm0 =	veq.s32 v21, v59  }
0x1c2: {  	v63 =	vld [tilespmem:$0x1FE60];
	v44 =	vnsel vm7, $0x7F, v5;
	v13 =	vsel vm0, $0xFFFFFFFF, v16;
	vm0 =	veq.s32 v21, v58  }
0x1c3: {  	v60 =	vld [tilespmem:$0x1FE30];
	vm7 =	vnez.u8 v46;
	[tilespmem:$0x1FDF0] =	vst v13;
	v13 =	vsel vm0, $0xFFFFFFFF, v17;
	vm0 =	veq.s32 v21, v57  }
0x1c4: {  	v62 =	vld [tilespmem:$0x1FE50];
	vm15 =	vlt.s32 v0, $0x7F;
	vm4 =	veq.s32 v21, v56;
	[tilespmem:$0x1FEC0] =	vst v13;
	v13 =	vsel vm0, $0xFFFFFFFF, v35  }
0x1c5: {  	vm2 =	veq.s32 v21, v55;
	vm3 =	veq.s32 v21, v36;
	vm0 =	veq.s32 v21, v52;
	v48 =	vld [tilespmem:$0x1FDF0];
	[tilespmem:$0x1FE10] =	vst v13  }
0x1c6: {  	p0 =	sne.s32 s0, $0xC78;
	v35 =	vnsel vm1, $0xFFFFFF82, v11;
	v13 =	vsel vm0, $0xFFFFFFFF, v37;
	vm0 =	vgt.s32 v10, $0xFFFFFF82;
	v50 =	vld [tilespmem:$0x1FE10]  }
.Ltmp0:
0x1c7: {  	vm1 =	vlt.s32 v8, $0x7F;
	vm5 =	vlt.s32 v35, $0x7F;
	v10 =	vnsel vm0, $0xFFFFFF82, v10;
	(pc) =	sbr.rel @p0 .LBB2_3-.Ltmp0, $4  }
0x1c8: {  	v46 =	vnsel vm1, $0x7F, v8;
	vm0 =	vlt.s32 v3, $0x7F;
	vm11 =	vlt.s32 v10, $0x7F  }
0x1c9: {  	v47 =	vnsel vm0, $0x7F, v3;
	v51 =	vnsel vm11, $0x7F, v10;
	vm11 =	vnez.u8 v63  }
0x1ca: {  	vm6 =	vnez.u8 v48;
	v48 =	vnsel vm8, $0x7F, v2;
	vm8 =	vnez.u8 v60  }
0x1cb: {  	s0 =	sadd.s32 $0xC8, s0;
	v20 =	vld [tilespmem:$0x1FDB0];
	[tilespmem:$0x1FED0] =	vst v13;
	vm1 =	vnez.u8 v50;
	v50 =	vnsel vm15, $0x7F, v0;
	vm15 =	vnez.u8 v62  }
0x1cc: {  	v2 =	vcvt.s32.f32 v51  }
0x1cd: {  	v0 =	vnsel vm5, $0x7F, v35;
	v3 =	vcvt.s32.f32 v49;
	v5 =	vcvt.s32.f32 v50  }
0x1ce: {  	v9 =	vshll.u32 v51, $0x17;
	v10 =	vshll.u32 v50, $0x17;
	v60 =	vcvt.s32.f32 v47  }
0x1cf: {  	v36 =	vshll.u32 v49, $0x17;
	v61 =	vcvt.s32.f32 v42;
	v62 =	vcvt.s32.f32 v44  }
0x1d0: {  	v63 =	vcvt.s32.f32 v45;
	v11 =	vcvt.s32.f32 v43;
	v13 =	vshll.u32 v41, $0x17  }
0x1d1: {  	v1 =	vcvt.s32.f32 v0;
	v0 =	vshll.u32 v0, $0x17;
	v37 =	vadd.s32 $0x3F800000, v9  }
0x1d2: {  	v39 =	vadd.s32 $0x3F800000, v36;
	v6 =	vmul.f32 $6.931457510e-01, v2;
	v7 =	vmul.f32 $6.931457510e-01, v3  }
0x1d3: {  	v49 =	vadd.s32 $0x3F800000, v10;
	v8 =	vmul.f32 $6.931457510e-01, v5;
	v3 =	vmul.f32 $1.428606770e-06, v3  }
0x1d4: {  	v13 =	vadd.s32 $0x3F800000, v13;
	v2 =	vmul.f32 $1.428606770e-06, v2;
	v5 =	vmul.f32 $1.428606770e-06, v5  }
0x1d5: {  	v0 =	vadd.s32 $0x3F800000, v0;
	v4 =	vmul.f32 $6.931457510e-01, v1;
	v7 =	vsub.f32 v33, v7  }
0x1d6: {  	v12 =	vmul.f32 $6.931457510e-01, v60;
	v6 =	vsub.f32 v32, v6;
	v18 =	vsub.f32 v31, v8  }
0x1d7: {  	v1 =	vmul.f32 $1.428606770e-06, v1;
	v4 =	vsub.f32 v34, v4;
	v3 =	vsub.f32 v7, v3  }
0x1d8: {  	v14 =	vmul.f32 $1.428606770e-06, v61;
	v17 =	vmul.f32 $6.931457510e-01, v11;
	v2 =	vsub.f32 v6, v2  }
0x1d9: {  	v51 =	vld [tilespmem:$0x1FEA0];
	v1 =	vsub.f32 v4, v1;
	v4 =	vsub.f32 v18, v5;
	v32 =	vmul.f32 $8.333333770e-03, v3  }
0x1da: {  	v11 =	vmul.f32 $1.428606770e-06, v11;
	v31 =	vshll.u32 v47, $0x17;
	v34 =	vmul.f32 $8.333333770e-03, v2  }
0x1db: {  	v19 =	vmul.f32 $8.333333770e-03, v1;
	v35 =	vmul.f32 $8.333333770e-03, v4;
	v5 =	vadd.f32 $4.166666790e-02, v32  }
0x1dc: {  	v47 =	vcvt.s32.f32 v40;
	v12 =	vsub.f32 v25, v12;
	v7 =	vadd.f32 $4.166666790e-02, v34  }
0x1dd: {  	v33 =	vadd.f32 $4.166666790e-02, v19;
	v8 =	vadd.f32 $4.166666790e-02, v35;
	v5 =	vmul.f32 v5, v3  }
0x1de: {  	v17 =	vsub.f32 v30, v17;
	vm0 =	vnez.u8 v51;
	v7 =	vmul.f32 v7, v2  }
0x1df: {  	v6 =	vmul.f32 v33, v1;
	v8 =	vmul.f32 v8, v4;
	v5 =	vadd.f32 $1.666666720e-01, v5  }
0x1e0: {  	v16 =	vmul.f32 $6.931457510e-01, v47;
	v11 =	vsub.f32 v17, v11;
	v7 =	vadd.f32 $1.666666720e-01, v7  }
0x1e1: {  	v6 =	vadd.f32 $1.666666720e-01, v6;
	v8 =	vadd.f32 $1.666666720e-01, v8;
	v5 =	vmul.f32 v5, v3  }
0x1e2: {  	v16 =	vsub.f32 v29, v16;
	v32 =	vshll.u32 v44, $0x17;
	v7 =	vmul.f32 v7, v2  }
0x1e3: {  	v6 =	vmul.f32 v6, v1;
	v8 =	vmul.f32 v8, v4;
	v5 =	vadd.f32 $5.000000000e-01, v5  }
0x1e4: {  	v34 =	vshll.u32 v42, $0x17;
	v44 =	vcvt.s32.f32 v46;
	v7 =	vadd.f32 $5.000000000e-01, v7  }
0x1e5: {  	v6 =	vadd.f32 $5.000000000e-01, v6;
	v8 =	vadd.f32 $5.000000000e-01, v8;
	v5 =	vmul.f32 v5, v3  }
0x1e6: {  	v35 =	vshll.u32 v46, $0x17;
	v19 =	vshll.u32 v48, $0x17;
	v7 =	vmul.f32 v7, v2  }
0x1e7: {  	v6 =	vmul.f32 v6, v1;
	v8 =	vmul.f32 v8, v4;
	v5 =	vadd.f32 $1.000000000e+00, v5  }
0x1e8: {  	v46 =	vshll.u32 v40, $0x17;
	v15 =	vmul.f32 $1.428606770e-06, v44;
	v7 =	vadd.f32 $1.000000000e+00, v7  }
0x1e9: {  	v6 =	vadd.f32 $1.000000000e+00, v6;
	v8 =	vadd.f32 $1.000000000e+00, v8;
	v3 =	vmul.f32 v5, v3  }
0x1ea: {  	v40 =	vadd.s32 $0x3F800000, v46;
	v2 =	vmul.f32 v7, v2;
	v5 =	vmul.f32 $6.931457510e-01, v44  }
0x1eb: {  	v51 =	vadd.s32 $0x3F800000, v19;
	v1 =	vmul.f32 v6, v1;
	v4 =	vmul.f32 v8, v4  }
0x1ec: {  	v8 =	vmul.f32 $1.428606770e-06, v47;
	v38 =	vadd.f32 $1.000000000e+00, v3;
	v2 =	vadd.f32 $1.000000000e+00, v2  }
0x1ed: {  	v47 =	vmul.f32 $8.333333770e-03, v11;
	v5 =	vsub.f32 v28, v5;
	v1 =	vadd.f32 $1.000000000e+00, v1  }
0x1ee: {  	v3 =	vmul.f32 $1.428606770e-06, v63;
	v4 =	vadd.f32 $1.000000000e+00, v4;
	v8 =	vsub.f32 v16, v8  }
0x1ef: {  	v2 =	vmul.f32 v37, v2;
	v5 =	vsub.f32 v5, v15;
	v0 =	vmul.f32 v0, v1  }
0x1f0: {  	v1 =	vmul.f32 v39, v38;
	v50 =	vmul.f32 v49, v4;
	v39 =	vshll.u32 v45, $0x17  }
0x1f1: {  	v53 =	vld [tilespmem:$0x1FEB0];
	v45 =	vcvt.s32.f32 v48;
	v48 =	vcvt.s32.f32 v41;
	v49 =	vshll.u32 v43, $0x17  }
0x1f2: {  	v33 =	vnsel vm7, $0x0, v2;
	v2 =	vmul.f32 $6.931457510e-01, v62;
	v15 =	vmul.f32 $8.333333770e-03, v5  }
0x1f3: {  	v36 =	vnsel vm10, $0x0, v50;
	v50 =	vmul.f32 $1.428606770e-06, v62;
	v18 =	vmul.f32 $6.931457510e-01, v45  }
0x1f4: {  	v0 =	vadd.f32 $0.0e+00, v0;
	v19 =	vmul.f32 $6.931457510e-01, v48;
	v6 =	vmul.f32 $1.428606770e-06, v45  }
0x1f5: {  	v45 =	vmul.f32 $8.333333770e-03, v8;
	v2 =	vsub.f32 v27, v2;
	v15 =	vadd.f32 $4.166666790e-02, v15  }
0x1f6: {  	v37 =	vnsel vm0, $0x0, v0;
	vm0 =	vnez.u8 v53;
	v0 =	vmul.f32 $1.428606770e-06, v60  }
0x1f7: {  	v53 =	vadd.s32 $0x3F800000, v49;
	v60 =	vmul.f32 $6.931457510e-01, v63;
	v18 =	vsub.f32 v24, v18  }
0x1f8: {  	v19 =	vsub.f32 v26, v19;
	v17 =	vadd.f32 $4.166666790e-02, v45;
	v38 =	vnsel vm0, $0x0, v1  }
0x1f9: {  	v1 =	vmul.f32 $6.931457510e-01, v61;
	v2 =	vsub.f32 v2, v50;
	v61 =	vmul.f32 $1.428606770e-06, v48  }
0x1fa: {  	v15 =	vmul.f32 v15, v5;
	v10 =	vsub.f32 v23, v60;
	v0 =	vsub.f32 v12, v0  }
0x1fb: {  	v6 =	vsub.f32 v18, v6;
	v17 =	vmul.f32 v17, v8;
	v48 =	vadd.f32 v38, v37  }
0x1fc: {  	v50 =	vld [tilespmem:$0x1FE90];
	v60 =	vadd.s32 $0x3F800000, v39;
	v1 =	vsub.f32 v22, v1;
	v7 =	vsub.f32 v19, v61  }
0x1fd: {  	v42 =	vmul.f32 $8.333333770e-03, v2;
	v19 =	vadd.f32 $4.166666790e-02, v47;
	v15 =	vadd.f32 $1.666666720e-01, v15  }
0x1fe: {  	v61 =	vnsel vm2, $0x0, v36;
	v3 =	vsub.f32 v10, v3;
	v62 =	vmul.f32 $8.333333770e-03, v0  }
0x1ff: {  	v44 =	vmul.f32 $8.333333770e-03, v6;
	v17 =	vadd.f32 $1.666666720e-01, v17;
	v1 =	vsub.f32 v1, v14  }
0x200: {  	v12 =	vadd.f32 $4.166666790e-02, v42;
	v46 =	vmul.f32 $8.333333770e-03, v7;
	v19 =	vmul.f32 v19, v11  }
0x201: {  	v15 =	vmul.f32 v15, v5;
	v43 =	vmul.f32 $8.333333770e-03, v3;
	v9 =	vadd.f32 $4.166666790e-02, v62  }
0x202: {  	v16 =	vadd.f32 $4.166666790e-02, v44;
	v17 =	vmul.f32 v17, v8;
	vm0 =	vnez.u8 v50  }
0x203: {  	v62 =	vadd.s32 $0x3F800000, v35;
	v63 =	vmul.f32 $8.333333770e-03, v1;
	v18 =	vadd.f32 $4.166666790e-02, v46  }
0x204: {  	v12 =	vmul.f32 v12, v2;
	v19 =	vadd.f32 $1.666666720e-01, v19;
	v15 =	vadd.f32 $5.000000000e-01, v15  }
0x205: {  	v14 =	vadd.f32 $4.166666790e-02, v43;
	v9 =	vmul.f32 v9, v0;
	v16 =	vmul.f32 v16, v6  }
0x206: {  	v17 =	vadd.f32 $5.000000000e-01, v17;
	v10 =	vadd.f32 $4.166666790e-02, v63;
	v18 =	vmul.f32 v18, v7  }
0x207: {  	v12 =	vadd.f32 $1.666666720e-01, v12;
	v19 =	vmul.f32 v19, v11;
	v15 =	vmul.f32 v15, v5  }
0x208: {  	v63 =	vnsel vm4, $0x0, v33;
	v14 =	vmul.f32 v14, v3;
	v9 =	vadd.f32 $1.666666720e-01, v9  }
0x209: {  	v16 =	vadd.f32 $1.666666720e-01, v16;
	v17 =	vmul.f32 v17, v8;
	v10 =	vmul.f32 v10, v1  }
0x20a: {  	v12 =	vmul.f32 v12, v2;
	v18 =	vadd.f32 $1.666666720e-01, v18;
	v19 =	vadd.f32 $5.000000000e-01, v19  }
0x20b: {  	v15 =	vadd.f32 $1.000000000e+00, v15;
	v14 =	vadd.f32 $1.666666720e-01, v14;
	v9 =	vmul.f32 v9, v0  }
0x20c: {  	v16 =	vmul.f32 v16, v6;
	v10 =	vadd.f32 $1.666666720e-01, v10;
	v18 =	vmul.f32 v18, v7  }
0x20d: {  	v17 =	vadd.f32 $1.000000000e+00, v17;
	v12 =	vadd.f32 $5.000000000e-01, v12;
	v19 =	vmul.f32 v19, v11  }
0x20e: {  	v5 =	vmul.f32 v15, v5;
	v10 =	vmul.f32 v10, v1;
	v18 =	vadd.f32 $5.000000000e-01, v18  }
0x20f: {  	v14 =	vmul.f32 v14, v3;
	v9 =	vadd.f32 $5.000000000e-01, v9;
	v16 =	vadd.f32 $5.000000000e-01, v16  }
0x210: {  	v8 =	vmul.f32 v17, v8;
	v10 =	vadd.f32 $5.000000000e-01, v10;
	v18 =	vmul.f32 v18, v7  }
0x211: {  	v12 =	vmul.f32 v12, v2;
	v19 =	vadd.f32 $1.000000000e+00, v19;
	v5 =	vadd.f32 $1.000000000e+00, v5  }
0x212: {  	v14 =	vadd.f32 $5.000000000e-01, v14;
	v10 =	vmul.f32 v10, v1;
	v18 =	vadd.f32 $1.000000000e+00, v18  }
0x213: {  	v9 =	vmul.f32 v9, v0;
	v16 =	vmul.f32 v16, v6;
	v8 =	vadd.f32 $1.000000000e+00, v8  }
0x214: {  	v49 =	vmul.f32 v19, v11;
	v10 =	vadd.f32 $1.000000000e+00, v10;
	v7 =	vmul.f32 v18, v7  }
0x215: {  	v14 =	vmul.f32 v14, v3;
	v9 =	vadd.f32 $1.000000000e+00, v9;
	v16 =	vadd.f32 $1.000000000e+00, v16  }
0x216: {  	v1 =	vmul.f32 v10, v1;
	v7 =	vadd.f32 $1.000000000e+00, v7;
	v10 =	vadd.f32 $1.000000000e+00, v49  }
0x217: {  	v0 =	vmul.f32 v9, v0;
	v9 =	vadd.f32 v36, v48;
	v6 =	vmul.f32 v16, v6  }
0x218: {  	v12 =	vadd.f32 $1.000000000e+00, v12;
	v7 =	vmul.f32 v13, v7;
	v4 =	vmul.f32 v53, v10;
	v53 =	vld [tilespmem:$0x1FED0]  }
0x219: {  	v5 =	vmul.f32 v62, v5;
	v14 =	vadd.f32 $1.000000000e+00, v14;
	v9 =	vadd.f32 v33, v9  }
0x21a: {  	v8 =	vmul.f32 v40, v8;
	v6 =	vadd.f32 $1.000000000e+00, v6;
	v7 =	vnsel vm0, $0x0, v7  }
0x21b: {  	v2 =	vmul.f32 v12, v2;
	v3 =	vmul.f32 v14, v3;
	v9 =	vadd.f32 v7, v9  }
0x21c: {  	v5 =	vnsel vm8, $0x0, v5;
	v6 =	vmul.f32 v51, v6;
	v4 =	vnsel vm15, $0x0, v4  }
0x21d: {  	v3 =	vadd.f32 $1.000000000e+00, v3;
	v9 =	vadd.f32 v4, v9;
	vm0 =	vnez.u8 v53  }
0x21e: {  	v15 =	vld [tilespmem:$0x1FEC0];
	v51 =	vnsel vm3, $0x0, v37;
	v6 =	vnsel vm14, $0x0, v6;
	v11 =	vnsel vm0, $0x0, v38  }
0x21f: {  	v8 =	vnsel vm12, $0x0, v8;
	v10 =	vadd.f32 v11, v51;
	v9 =	vadd.f32 v6, v9  }
0x220: {  	v16 =	vld [tilespmem:$0x1FE80];
	v2 =	vadd.f32 $1.000000000e+00, v2;
	v18 =	vadd.s32 $0x3F800000, v31;
	v3 =	vmul.f32 v60, v3  }
0x221: {  	v14 =	vadd.s32 $0x3F800000, v32;
	v10 =	vadd.f32 v61, v10;
	v9 =	vadd.f32 v8, v9  }
0x222: {  	v19 =	vld [tilespmem:$0x1FE70];
	v1 =	vadd.f32 $1.000000000e+00, v1;
	v13 =	vadd.s32 $0x3F800000, v34;
	v3 =	vnsel vm11, $0x0, v3  }
0x223: {  	vm0 =	vnez.u8 v15;
	v10 =	vadd.f32 v63, v10;
	v9 =	vadd.f32 v3, v9  }
0x224: {  	v32 =	vld [tilespmem:$0x1FF50];
	v1 =	vmul.f32 v13, v1;
	v7 =	vnsel vm1, $0x0, v7;
	v4 =	vnsel vm0, $0x0, v4  }
0x225: {  	vm0 =	vnez.u8 v16;
	v7 =	vadd.f32 v7, v10;
	v9 =	vadd.f32 v5, v9  }
0x226: {  	v0 =	vadd.f32 $1.000000000e+00, v0;
	v2 =	vmul.f32 v14, v2;
	v1 =	vnsel vm0, $0x0, v1;
	v63 =	vld [tilespmem:$0x1FF60]  }
0x227: {  	v35 =	vld [tilespmem:$0x1FFC0];
	vm0 =	vnez.u8 v19;
	v4 =	vadd.f32 v4, v7;
	v17 =	vadd.f32 v1, v9  }
0x228: {  	v62 =	vld [tilespmem:$0x1FF70];
	v0 =	vmul.f32 v18, v0;
	v6 =	vnsel vm6, $0x0, v6;
	v2 =	vnsel vm0, $0x0, v2  }
0x229: {  	vm0 =	veq.s32 v21, v32;
	v4 =	vadd.f32 v6, v4;
	v33 =	vadd.f32 v2, v17  }
0x22a: {  	v0 =	vnsel vm9, $0x0, v0;
	v60 =	vld [tilespmem:$0x1FF80];
	v34 =	vnsel vm0, $0x0, v8  }
0x22b: {  	v37 =	vld [tilespmem:$0x1FFA0];
	vm0 =	veq.s32 v21, v63;
	v4 =	vadd.f32 v34, v4;
	v6 =	vadd.f32 v0, v33  }
0x22c: {  	v38 =	vld [tilespmem:$0x1FFD0];
	v3 =	vnsel vm0, $0x0, v3  }
0x22d: {  	vm0 =	veq.s32 v21, v62;
	v3 =	vadd.f32 v3, v4;
	v36 =	vperm.xlane v6, v35  }
0x22e: {  	v40 =	vld [tilespmem:$0x1FFB0];
	v5 =	vnsel vm0, $0x0, v5  }
0x22f: {  	vm0 =	veq.s32 v21, v60;
	v3 =	vadd.f32 v5, v3;
	v4 =	vadd.f32 v6, v36  }
0x230: {  	v42 =	vld [tilespmem:$0x1FFE0];
	v1 =	vnsel vm0, $0x0, v1  }
0x231: {  	vm0 =	veq.s32 v21, v37;
	v1 =	vadd.f32 v1, v3;
	v39 =	vperm.xlane v4, v38  }
0x232: {  	v2 =	vnsel vm0, $0x0, v2  }
0x233: {  	vm0 =	veq.s32 v21, v40;
	v1 =	vadd.f32 v2, v1;
	v41 =	vadd.f32 v4, v39  }
0x234: {  	v45 =	vld [tilespmem:$0x1FFF0];
	v0 =	vnsel vm0, $0x0, v0  }
0x235: {  	v0 =	vadd.f32 v0, v1;
	v43 =	vperm.xlane v41, v42;
	_ =	sdelay $0x1  }
0x236: {  	v44 =	vperm.xlane v0, v35;
	v1 =	vadd.f32 v41, v43;
	_ =	sdelay $0x1  }
0x237: {  	v0 =	vadd.f32 v0, v44;
	v2 =	vperm.xlane v1, v45;
	_ =	sdelay $0x1  }
0x238: {  	v3 =	vperm.xlane v0, v38;
	v1 =	vadd.f32 v1, v2;
	_ =	sdelay $0x1  }
0x239: {  	v0 =	vadd.f32 v0, v3;
	(erf) = vrcp.f32 v1;
	_ =	sdelay $0x1  }
0x23a: {  	v46 =	vperm.xlane v0, v42;
	_ =	sdelay $0x1  }
0x23b: {  	v0 =	vadd.f32 v0, v46;
	_ =	sdelay $0x1  }
0x23c: {  	v1 =	vperm.xlane v0, v45;
	_ =	sdelay $0x1  }
0x23d: {  	v0 =	vadd.f32 v0, v1  }
0x23e: {  	p0 =	seq.s32 s26, $0xF;
	v47 =	vpop (erf)  }
0x23f: {  	s0 =	sadd.s32 @!p0 s29, s9;
	v48 =	vmov s30;
	v49 =	vlaneseq.u32;
	v0 =	vmul.f32 v47, v0  }
0x240: {  	s0 =	smul.u32 @!p0 $0x19, s0;
	vm0 =	veq.s32 v48, v49  }
0x241: {  	s2 =	sand.u32 $0x3FFFFFE0, s29;
	v0 =	vsel vm0, v0, v20  }
0x242: {  	s22 =	simm.s32 @!p0 $0x1400;
	s0 =	sadd.s32 @!p0 s4, s0;
	[tilespmem:s2+$0xF620] =	vst v0;
	s2 =	simm.s32 @!p0 $0x0  }
0x243: {  	[tilespmem:s22], [sflag:$0x3] =	stream.linear.gather @!p0 [hbm4b:s0+s2], $0xC80, $0x38;
	[tilespmem:$0xF820] =	vst v63  }
0x244: {  	s0 =	simm.s32 @!p0 $0x3  }
0x245: {  	_ =	swait.ge @!p0 [sflag:s0], $0xC80  }
0x246: {  	s31 =	simm.s32 $0xA0;
	[sflag:s0] =	ssyncset.done @!p0 $0x0  }
0x247: {  	s2 =	simm.s32 @!p0 $0x2D20;
	[sflag:s0] =	ssyncadd.s32 @!p0 $0xFFFFF380;
	s0 =	simm.s32 @!p0 $0xC90  }
0x248: {  	[tilespmem:s2], [sflag:$0x1] =	stream.indirect.gather @!p0 [hbm4b:s3+s0], $0x5, s22, s0, $0xb8;
	[tilespmem:$0xF820] =	vst v63  }
0x249: {  	v40 =	vmov s31;
	s31 =	simm.s32 $0x80;
	_ =	swait.ge [sflag:s21], $0x3ED0  }
0x24a: {  	v43 =	vmov s31;
	s31 =	simm.s32 $0x50;
	[sflag:s21] =	ssyncset.done $0x0;
	v61 =	vld [tilespmem:$0x1FF40]  }
0x24b: {  	s29 =	simm.s32 $0x20F0;
	v46 =	vmov s31;
	s31 =	simm.s32 $0x20;
	[sflag:s21] =	ssyncadd.s32 $0xFFFFC130  }
0x24c: {  	v11 =	vshll.u32 v40, $0x3;
	v15 =	vshll.u32 v43, $0x3;
	v49 =	vmov s31;
	s31 =	sadd.s32 $0x0, s24;
	s2 =	simm.s32 $0xC0;
	v1 =	vld [tilespmem:s29+$0x60]  }
0x24d: {  	v10 =	vshll.u32 v46, $0x3;
	v20 =	vmov s31;
	s22 =	simm.s32 $0xB0;
	v50 =	vmov s2;
	v2 =	vld [tilespmem:s29+$0x50]  }
0x24e: {  	v35 =	vshll.u32 v20, $0x3;
	v18 =	vmov s22;
	s22 =	simm.s32 $0x90;
	v0 =	vshll.u32 v50, $0x3;
	v3 =	vld [tilespmem:s29+$0x40]  }
0x24f: {  	s2 =	simm.s32 $0x70;
	v8 =	vshll.u32 v18, $0x3;
	v42 =	vmov s22;
	v4 =	vld [tilespmem:s29+$0x30];
	v0 =	vadd.s32 v61, v0  }
0x250: {  	s22 =	simm.s32 $0x60;
	v44 =	vmov s2;
	v14 =	vshll.u32 v42, $0x3;
	v6 =	vld [tilespmem:s29+$0x20];
	v8 =	vadd.s32 v61, v8  }
0x251: {  	s2 =	simm.s32 $0x40;
	v45 =	vmov s22;
	v5 =	vshll.u32 v44, $0x3;
	v9 =	vld [tilespmem:s29+$0x10];
	v11 =	vadd.s32 v61, v11  }
0x252: {  	v47 =	vmov s2;
	v12 =	vld [tilespmem:s29+$0x0];
	v7 =	vshll.u32 v45, $0x3;
	v34 =	vadd.s32 v61, v14  }
0x253: {  	v43 =	vld.idx.msk [tilespmem:v35+s14+$0x0], $0xffff;
	v36 =	vadd.s32 v61, v15;
	v23 =	vadd.s32 v61, v5;
	v51 =	vor.u32 $0x4, v0  }
0x254: {  	s22 =	simm.s32 $0x30;
	s2 =	simm.s32 $0x10;
	v53 =	vor.u32 $0x3, v0;
	v19 =	vor.u32 $0x2, v0;
	v41 =	vor.u32 $0x1, v0;
	v0 =	vld.idx.msk [tilespmem:v0+s20+$0x0], $0xffff  }
0x255: {  	v48 =	vmov s22;
	v50 =	vmov s2;
	v24 =	vadd.s32 v61, v7;
	v7 =	vld.idx.msk [tilespmem:v8+s20+$0x0], $0xffff  }
0x256: {  	v13 =	vshll.u32 v47, $0x3;
	v16 =	vshll.u32 v50, $0x3;
	v27 =	vadd.s32 v61, v10;
	v10 =	vld.idx.msk [tilespmem:v11+s20+$0x0], $0xffff  }
0x257: {  	v14 =	vshll.u32 v48, $0x3;
	v25 =	vadd.s32 v61, v13;
	v29 =	vadd.s32 v61, v16;
	v13 =	vld.idx.msk [tilespmem:v34+s20+$0x0], $0xffff  }
0x258: {  	v15 =	vshll.u32 v49, $0x3;
	v26 =	vadd.s32 v61, v14;
	v14 =	vld.idx.msk [tilespmem:v36+s20+$0x0], $0xffff  }
0x259: {  	v28 =	vadd.s32 v61, v15;
	v15 =	vld.idx.msk [tilespmem:v23+s20+$0x0], $0xffff  }
0x25a: {  	v16 =	vld.idx.msk [tilespmem:v24+s20+$0x0], $0xffff  }
0x25b: {  	v18 =	vld.idx.msk [tilespmem:v27+s20+$0x0], $0xffff  }
0x25c: {  	v42 =	vld.idx.msk [tilespmem:v29+s20+$0x0], $0xffff  }
0x25d: {  	v21 =	vld.idx.msk [tilespmem:v51+s20+$0x0], $0xffff  }
0x25e: {  	v48 =	vor.u32 $0x3, v8;
	v22 =	vld.idx.msk [tilespmem:v53+s20+$0x0], $0xffff  }
0x25f: {  	v49 =	vor.u32 $0x4, v34;
	v38 =	vld.idx.msk [tilespmem:v19+s20+$0x0], $0xffff  }
0x260: {  	v50 =	vor.u32 $0x3, v11;
	v5 =	vld.idx.msk [tilespmem:v41+s20+$0x0], $0xffff  }
0x261: {  	v47 =	vor.u32 $0x1, v11;
	v40 =	vld.idx.msk [tilespmem:v26+s20+$0x0], $0xffff  }
0x262: {  	vm0 =	vgt.s32 v1, $0x0;
	v1 =	vor.u32 $0x1, v25;
	v41 =	vld.idx.msk [tilespmem:v28+s20+$0x0], $0xffff  }
0x263: {  	vm8 =	vgt.s32 v4, $0x0;
	v4 =	vor.u32 $0x1, v28;
	v39 =	vld.idx.msk [tilespmem:v48+s20+$0x0], $0xffff  }
0x264: {  	s22 =	simm.s32 $0x0;
	v53 =	vor.u32 $0x4, v8;
	v33 =	vld.idx.msk [tilespmem:v49+s20+$0x0], $0xffff  }
0x265: {  	v51 =	vmov s22;
	v37 =	vld.idx.msk [tilespmem:v50+s20+$0x0], $0xffff  }
0x266: {  	v47 =	vld.idx.msk [tilespmem:v47+s20+$0x0], $0xffff;
	v17 =	vshll.u32 v51, $0x3;
	v51 =	vor.u32 $0x2, v8  }
0x267: {  	v8 =	vor.u32 $0x1, v8;
	v1 =	vld.idx.msk [tilespmem:v1+s20+$0x0], $0xffff  }
0x268: {  	v4 =	vld.idx.msk [tilespmem:v4+s20+$0x0], $0xffff;
	v30 =	vadd.s32 v61, v17  }
0x269: {  	v31 =	vor.u32 $0x4, v11;
	v32 =	vld.idx.msk [tilespmem:v53+s20+$0x0], $0xffff;
	v53 =	vor.u32 $0x1, v35  }
0x26a: {  	v45 =	vor.u32 $0x1, v34;
	vm6 =	vgt.s32 v2, $0x0;
	v49 =	vor.u32 $0x1, v23;
	v17 =	vld.idx.msk [tilespmem:v25+s20+$0x0], $0xffff  }
0x26b: {  	vm7 =	vgt.s32 v3, $0x0;
	v2 =	vor.u32 $0x1, v26;
	v48 =	vor.u32 $0x1, v36;
	v46 =	vld.idx.msk [tilespmem:v51+s20+$0x0], $0xffff  }
0x26c: {  	vm11 =	vgt.s32 v6, $0x0;
	v7 =	vmul.f32 v7, v43;
	v8 =	vld.idx.msk [tilespmem:v8+s20+$0x0], $0xffff;
	v51 =	vor.u32 $0x1, v27  }
0x26d: {  	vm12 =	vgt.s32 v9, $0x0;
	v0 =	vmul.f32 v0, v43;
	v13 =	vmul.f32 v13, v43;
	v44 =	vld.idx.msk [tilespmem:v30+s20+$0x0], $0xffff  }
0x26e: {  	v50 =	vor.u32 $0x1, v24;
	v10 =	vmul.f32 v10, v43;
	v15 =	vmul.f32 v15, v43;
	v19 =	vld.idx.msk [tilespmem:v53+s14+$0x0], $0xffff  }
0x26f: {  	v9 =	vor.u32 $0x1, v29;
	v14 =	vmul.f32 v14, v43;
	v18 =	vmul.f32 v18, v43;
	v6 =	vld.idx.msk [tilespmem:v49+s20+$0x0], $0xffff  }
0x270: {  	vm14 =	vgt.s32 v12, $0x0;
	v16 =	vmul.f32 v16, v43;
	v42 =	vmul.f32 v42, v43;
	v3 =	vld.idx.msk [tilespmem:v48+s20+$0x0], $0xffff  }
0x271: {  	v11 =	vor.u32 $0x2, v11;
	v40 =	vmul.f32 v40, v43;
	v41 =	vmul.f32 v41, v43;
	v53 =	vld.idx.msk [tilespmem:v51+s20+$0x0], $0xffff  }
0x272: {  	v12 =	vor.u32 $0x1, v30;
	v17 =	vmul.f32 v17, v43;
	v43 =	vmul.f32 v44, v43;
	v44 =	vld.idx.msk [tilespmem:v45+s20+$0x0], $0xffff  }
0x273: {  	v45 =	vld.idx.msk [tilespmem:v50+s20+$0x0], $0xffff;
	v50 =	vor.u32 $0x2, v29;
	v8 =	vmul.f32 v8, v19;
	v5 =	vmul.f32 v5, v19  }
0x274: {  	v2 =	vld.idx.msk [tilespmem:v2+s20+$0x0], $0xffff;
	v51 =	vor.u32 $0x2, v30;
	v47 =	vmul.f32 v47, v19;
	v6 =	vmul.f32 v6, v19  }
0x275: {  	v9 =	vld.idx.msk [tilespmem:v9+s20+$0x0], $0xffff;
	v49 =	vor.u32 $0x2, v26;
	v3 =	vmul.f32 v3, v19;
	v1 =	vmul.f32 v1, v19  }
0x276: {  	v11 =	vld.idx.msk [tilespmem:v11+s20+$0x0], $0xffff;
	v4 =	vmul.f32 v4, v19;
	v48 =	vmul.f32 v53, v19;
	v53 =	vor.u32 $0x2, v27  }
0x277: {  	v12 =	vld.idx.msk [tilespmem:v12+s20+$0x0], $0xffff;
	v7 =	vadd.f32 v8, v7;
	v8 =	vor.u32 $0x2, v35;
	v0 =	vadd.f32 v5, v0  }
0x278: {  	v5 =	vor.u32 $0x2, v34;
	v45 =	vmul.f32 v45, v19;
	v1 =	vadd.f32 v1, v17;
	v17 =	vld.idx.msk [tilespmem:v50+s20+$0x0], $0xffff  }
0x279: {  	v10 =	vadd.f32 v47, v10;
	v47 =	vor.u32 $0x2, v23;
	v4 =	vadd.f32 v4, v41;
	v41 =	vld.idx.msk [tilespmem:v51+s20+$0x0], $0xffff  }
0x27a: {  	v6 =	vadd.f32 v6, v15;
	v15 =	vor.u32 $0x2, v24;
	v16 =	vadd.f32 v45, v16;
	v45 =	vld.idx.msk [tilespmem:v49+s20+$0x0], $0xffff  }
0x27b: {  	v44 =	vmul.f32 v44, v19;
	v3 =	vadd.f32 v3, v14;
	v51 =	vor.u32 $0x3, v24;
	v14 =	vld.idx.msk [tilespmem:v53+s20+$0x0], $0xffff  }
0x27c: {  	v2 =	vmul.f32 v2, v19;
	v18 =	vadd.f32 v48, v18;
	v48 =	vor.u32 $0x2, v25;
	v8 =	vld.idx.msk [tilespmem:v8+s14+$0x0], $0xffff  }
0x27d: {  	v9 =	vmul.f32 v9, v19;
	v13 =	vadd.f32 v44, v13;
	v44 =	vor.u32 $0x2, v36;
	v5 =	vld.idx.msk [tilespmem:v5+s20+$0x0], $0xffff  }
0x27e: {  	v12 =	vmul.f32 v12, v19;
	v2 =	vadd.f32 v2, v40;
	v53 =	vor.u32 $0x4, v36;
	v40 =	vld.idx.msk [tilespmem:v47+s20+$0x0], $0xffff  }
0x27f: {  	vm0 =	vmand vm0, vm13;
	v19 =	vor.u32 $0x2, v28;
	v9 =	vadd.f32 v9, v42;
	v15 =	vld.idx.msk [tilespmem:v15+s20+$0x0], $0xffff  }
0x280: {  	v12 =	vadd.f32 v12, v43;
	v50 =	vor.u32 $0x3, v23;
	v24 =	vor.u32 $0x4, v24;
	v42 =	vld.idx.msk [tilespmem:v51+s20+$0x0], $0xffff  }
0x281: {  	v36 =	vor.u32 $0x3, v36;
	v51 =	vor.u32 $0x3, v30;
	v43 =	vld.idx.msk [tilespmem:v48+s20+$0x0], $0xffff;
	v48 =	vor.u32 $0x3, v34  }
0x282: {  	v47 =	vor.u32 $0x4, v25;
	v30 =	vor.u32 $0x4, v30;
	v44 =	vld.idx.msk [tilespmem:v44+s20+$0x0], $0xffff;
	v38 =	vmul.f32 v38, v8  }
0x283: {  	v34 =	vld.idx.msk [tilespmem:v53+s20+$0x0], $0xffff;
	v53 =	vor.u32 $0x3, v27;
	v11 =	vmul.f32 v11, v8;
	v46 =	vmul.f32 v46, v8  }
0x284: {  	v19 =	vld.idx.msk [tilespmem:v19+s20+$0x0], $0xffff;
	v15 =	vmul.f32 v15, v8;
	v0 =	vadd.f32 v38, v0;
	v38 =	vor.u32 $0x3, v35  }
0x285: {  	v24 =	vld.idx.msk [tilespmem:v24+s20+$0x0], $0xffff;
	v27 =	vor.u32 $0x4, v27;
	v5 =	vmul.f32 v5, v8;
	v40 =	vmul.f32 v40, v8  }
0x286: {  	v10 =	vadd.f32 v11, v10;
	v15 =	vadd.f32 v15, v16;
	v16 =	vor.u32 $0x3, v25;
	v11 =	vld.idx.msk [tilespmem:v48+s20+$0x0], $0xffff  }
0x287: {  	v14 =	vmul.f32 v14, v8;
	v49 =	vmul.f32 v44, v8;
	v48 =	vor.u32 $0x3, v26;
	v44 =	vld.idx.msk [tilespmem:v50+s20+$0x0], $0xffff  }
0x288: {  	v45 =	vmul.f32 v45, v8;
	v6 =	vadd.f32 v40, v6;
	v50 =	vor.u32 $0x3, v29;
	v40 =	vld [tilespmem:s29+$0xFFFFFFF0]  }
0x289: {  	v19 =	vmul.f32 v19, v8;
	v17 =	vmul.f32 v17, v8;
	v7 =	vadd.f32 v46, v7;
	v38 =	vld.idx.msk [tilespmem:v38+s14+$0x0], $0xffff  }
0x28a: {  	v43 =	vmul.f32 v43, v8;
	v5 =	vadd.f32 v5, v13;
	v14 =	vadd.f32 v14, v18;
	v13 =	vld.idx.msk [tilespmem:v53+s20+$0x0], $0xffff  }
0x28b: {  	v4 =	vadd.f32 v19, v4;
	v3 =	vadd.f32 v49, v3;
	v49 =	vor.u32 $0x3, v28;
	v16 =	vld.idx.msk [tilespmem:v16+s20+$0x0], $0xffff  }
0x28c: {  	v1 =	vadd.f32 v43, v1;
	v43 =	vor.u32 $0x4, v23;
	v53 =	vor.u32 $0x4, v35;
	v23 =	vld.idx.msk [tilespmem:v48+s20+$0x0], $0xffff  }
0x28d: {  	v8 =	vmul.f32 v41, v8;
	v2 =	vadd.f32 v45, v2;
	v9 =	vadd.f32 v17, v9;
	v18 =	vld.idx.msk [tilespmem:v50+s20+$0x0], $0xffff  }
0x28e: {  	v19 =	vld.idx.msk [tilespmem:v51+s20+$0x0], $0xffff;
	v25 =	vor.u32 $0x4, v28;
	v39 =	vmul.f32 v39, v38;
	v22 =	vmul.f32 v22, v38  }
0x28f: {  	v36 =	vld.idx.msk [tilespmem:v36+s20+$0x0], $0xffff;
	v29 =	vor.u32 $0x4, v29;
	v11 =	vmul.f32 v11, v38;
	v37 =	vmul.f32 v37, v38  }
0x290: {  	v8 =	vadd.f32 v8, v12;
	v45 =	vld.idx.msk [tilespmem:v49+s20+$0x0], $0xffff;
	v46 =	vmul.f32 v44, v38;
	v28 =	vmul.f32 v42, v38  }
0x291: {  	vm15 =	vgt.s32 v40, $0x0;
	v12 =	vld.idx.msk [tilespmem:v53+s14+$0x0], $0xffff;
	v13 =	vmul.f32 v13, v38;
	v16 =	vmul.f32 v16, v38  }
0x292: {  	v17 =	vld.idx.msk [tilespmem:v43+s20+$0x0], $0xffff;
	v23 =	vmul.f32 v23, v38;
	v18 =	vmul.f32 v18, v38;
	v7 =	vadd.f32 v39, v7  }
0x293: {  	v27 =	vld.idx.msk [tilespmem:v27+s20+$0x0], $0xffff;
	v19 =	vmul.f32 v19, v38;
	v0 =	vadd.f32 v22, v0;
	v5 =	vadd.f32 v11, v5  }
0x294: {  	v25 =	vld.idx.msk [tilespmem:v25+s20+$0x0], $0xffff;
	v10 =	vadd.f32 v37, v10;
	v6 =	vadd.f32 v46, v6;
	v22 =	vor.u32 $0x4, v26  }
0x295: {  	v29 =	vld.idx.msk [tilespmem:v29+s20+$0x0], $0xffff;
	v26 =	vmul.f32 v36, v38;
	v35 =	vmul.f32 v45, v38;
	v13 =	vadd.f32 v13, v14  }
0x296: {  	v31 =	vld.idx.msk [tilespmem:v31+s20+$0x0], $0xffff;
	v48 =	vmul.f32 v21, v12;
	v21 =	vmul.f32 v32, v12;
	v15 =	vadd.f32 v28, v15  }
0x297: {  	v28 =	vmul.f32 v33, v12;
	v2 =	vadd.f32 v23, v2;
	v17 =	vmul.f32 v17, v12  }
0x298: {  	v49 =	vmul.f32 v24, v12;
	v50 =	vmul.f32 v27, v12;
	v1 =	vadd.f32 v16, v1  }
0x299: {  	v42 =	vld [tilespmem:s29+$0xFFFFFFE0];
	v9 =	vadd.f32 v18, v9;
	v8 =	vadd.f32 v19, v8;
	v37 =	vmul.f32 v25, v12  }
0x29a: {  	v11 =	vld.idx.msk [tilespmem:v47+s20+$0x0], $0xffff;
	v38 =	vmul.f32 v29, v12;
	v16 =	vimm.f32 $0.0e+00;
	v18 =	vimm.s32 $0x0  }
0x29b: {  	v27 =	vld.idx.msk [tilespmem:v30+s20+$0x0], $0xffff;
	v3 =	vadd.f32 v26, v3;
	v26 =	vmul.f32 v31, v12;
	v4 =	vadd.f32 v35, v4  }
0x29c: {  	v31 =	vmul.f32 v34, v12;
	v23 =	vadd.f32 v21, v7;
	v30 =	vadd.f32 v50, v13  }
0x29d: {  	v33 =	vadd.f32 v38, v9;
	v50 =	vimm.s32 $0x0;
	v53 =	vadd.f32 v26, v10  }
0x29e: {  	vm1 =	vgt.s32 v42, $0x0;
	v25 =	vadd.f32 v31, v3;
	v26 =	vadd.f32 v28, v5  }
0x29f: {  	v28 =	vadd.f32 v49, v15;
	v44 =	vmul.f32 $1.442695020e+00, v23;
	v51 =	vmul.f32 $1.442695020e+00, v33  }
0x2a0: {  	v32 =	vadd.f32 v37, v4;
	v11 =	vmul.f32 v11, v12;
	v39 =	vmul.f32 v27, v12  }
0x2a1: {  	v27 =	vadd.f32 v17, v6;
	v6 =	vsel vm1, $0xFFFFFFFF, v50;
	v43 =	vmul.f32 $1.442695020e+00, v53  }
0x2a2: {  	v17 =	vimm.s32 $0x0;
	v45 =	vmul.f32 $1.442695020e+00, v25;
	v46 =	vmul.f32 $1.442695020e+00, v26  }
0x2a3: {  	v7 =	vmul.f32 $1.442695020e+00, v28;
	v5 =	vmul.f32 $1.442695020e+00, v32;
	vm4 =	vge.f32 v44, $0.0e+00  }
0x2a4: {  	v22 =	vld.idx.msk [tilespmem:v22+s20+$0x0], $0xffff;
	v29 =	vadd.f32 v11, v1;
	v47 =	vmul.f32 $1.442695020e+00, v27;
	v34 =	vadd.f32 v39, v8  }
0x2a5: {  	vm2 =	vge.f32 v46, $0.0e+00;
	vm3 =	vge.f32 v43, $0.0e+00;
	vm5 =	vge.f32 v7, $0.0e+00  }
0x2a6: {  	[tilespmem:$0x1FBD0] =	vst v6;
	vm10 =	vge.f32 v45, $0.0e+00;
	v3 =	vmul.f32 $1.442695020e+00, v29;
	v6 =	vmul.f32 $1.442695020e+00, v34  }
0x2a7: {  	vm9 =	vge.f32 v47, $0.0e+00;
	v35 =	vsel vm3, $0x3F000000, v54;
	v39 =	vsel vm10, $0x3F000000, v54  }
0x2a8: {  	vm10 =	vge.f32 v51, $0.0e+00;
	v40 =	vsel vm2, $0x3F000000, v54;
	vm2 =	vge.f32 v5, $0.0e+00  }
0x2a9: {  	v36 =	vmul.f32 v22, v12;
	v22 =	vadd.f32 v48, v0;
	v48 =	vmul.f32 $1.442695020e+00, v30  }
0x2aa: {  	v38 =	vsel vm9, $0x3F000000, v54;
	v4 =	vadd.f32 v40, v46;
	v0 =	vadd.f32 v39, v45  }
0x2ab: {  	v45 =	vsel vm2, $0x3F000000, v54;
	v46 =	vsel vm10, $0x3F000000, v54;
	v9 =	vadd.f32 v38, v47  }
0x2ac: {  	vm9 =	vge.f32 v6, $0.0e+00;
	v5 =	vadd.f32 v45, v5;
	v12 =	vadd.f32 v46, v51  }
0x2ad: {  	v41 =	vmul.f32 $1.442695020e+00, v22;
	v31 =	vadd.f32 v36, v2;
	v36 =	vsel vm4, $0x3F000000, v54  }
0x2ae: {  	vm4 =	vge.f32 v3, $0.0e+00;
	v2 =	vadd.f32 v35, v43;
	v43 =	vsel vm5, $0x3F000000, v54  }
0x2af: {  	v4 =	vtrunc.f32 v4;
	v51 =	vsel vm9, $0x3F000000, v54;
	v0 =	vtrunc.f32 v0  }
0x2b0: {  	v10 =	vadd.f32 v36, v44;
	v9 =	vtrunc.f32 v9;
	v12 =	vtrunc.f32 v12  }
0x2b1: {  	v7 =	vadd.f32 v43, v7;
	v5 =	vtrunc.f32 v5;
	v0 =	vcvt.f32.s32 v0  }
0x2b2: {  	v6 =	vadd.f32 v51, v6;
	v4 =	vcvt.f32.s32 v4;
	v49 =	vmul.f32 $1.442695020e+00, v31  }
0x2b3: {  	vm1 =	vge.f32 v41, $0.0e+00;
	v2 =	vtrunc.f32 v2;
	v9 =	vcvt.f32.s32 v9  }
0x2b4: {  	v5 =	vcvt.f32.s32 v5;
	v12 =	vcvt.f32.s32 v12;
	v37 =	vsel vm1, $0x3F000000, v54  }
0x2b5: {  	v47 =	vld [tilespmem:s29+$0xFFFFFFD0];
	vm1 =	vge.f32 v48, $0.0e+00;
	v10 =	vtrunc.f32 v10;
	v7 =	vtrunc.f32 v7  }
0x2b6: {  	v50 =	vld [tilespmem:s29+$0xFFFFFFB0];
	v6 =	vtrunc.f32 v6;
	v2 =	vcvt.f32.s32 v2;
	vm3 =	vge.f32 v49, $0.0e+00  }
0x2b7: {  	v1 =	vadd.f32 v37, v41;
	v41 =	vsel vm4, $0x3F000000, v54;
	v44 =	vsel vm3, $0x3F000000, v54  }
0x2b8: {  	v42 =	vsel vm1, $0x3F000000, v54;
	v10 =	vcvt.f32.s32 v10;
	v11 =	vadd.f32 v44, v49;
	v49 =	vld [tilespmem:s29+$0xFFFFFFA0]  }
0x2b9: {  	v7 =	vcvt.f32.s32 v7;
	v8 =	vadd.f32 v42, v48;
	v3 =	vadd.f32 v41, v3;
	v48 =	vld [tilespmem:s29+$0xFFFFFFC0]  }
0x2ba: {  	vm9 =	vgt.s32 v47, $0x0;
	v6 =	vcvt.f32.s32 v6;
	v1 =	vtrunc.f32 v1  }
0x2bb: {  	v21 =	vld.idx.msk [tilespmem:v20+s13+$0x0], $0xffff;
	vm4 =	vgt.s32 v50, $0x0;
	v8 =	vtrunc.f32 v8;
	v3 =	vtrunc.f32 v3  }
0x2bc: {  	v54 =	vimm.s32 $0x0;
	v1 =	vcvt.f32.s32 v1;
	v11 =	vtrunc.f32 v11  }
0x2bd: {  	v3 =	vcvt.f32.s32 v3;
	v8 =	vcvt.f32.s32 v8;
	vm1 =	vgt.s32 v49, $0x0  }
0x2be: {  	v11 =	vcvt.f32.s32 v11;
	vm10 =	vgt.s32 v48, $0x0;
	v13 =	vsel vm1, $0xFFFFFFFF, v54  }
0x2bf: {  	vm1 =	vgt.s32 v1, $0xFFFFFF82;
	v54 =	vimm.s32 $0x0;
	[tilespmem:$0x1FBE0] =	vst v13;
	v13 =	vsel vm0, $0xFFFFFFFF, v17  }
0x2c0: {  	vm0 =	veq.s32 v21, v59;
	v1 =	vnsel vm1, $0xFFFFFF82, v1;
	vm1 =	vgt.s32 v4, $0xFFFFFF82  }
0x2c1: {  	[tilespmem:$0x1FC00] =	vst v13;
	v13 =	vsel vm0, $0xFFFFFFFF, v18;
	vm0 =	vgt.s32 v10, $0xFFFFFF82;
	v4 =	vnsel vm1, $0xFFFFFF82, v4  }
0x2c2: {  	vm1 =	vgt.s32 v8, $0xFFFFFF82;
	v10 =	vnsel vm0, $0xFFFFFF82, v10;
	vm0 =	vgt.s32 v0, $0xFFFFFF82  }
0x2c3: {  	v8 =	vnsel vm1, $0xFFFFFF82, v8;
	vm1 =	vgt.s32 v9, $0xFFFFFF82;
	v0 =	vnsel vm0, $0xFFFFFF82, v0  }
0x2c4: {  	vm0 =	vgt.s32 v2, $0xFFFFFF82;
	v9 =	vnsel vm1, $0xFFFFFF82, v9;
	vm1 =	vgt.s32 v11, $0xFFFFFF82  }
0x2c5: {  	v2 =	vnsel vm0, $0xFFFFFF82, v2;
	vm0 =	vgt.s32 v7, $0xFFFFFF82;
	v11 =	vnsel vm1, $0xFFFFFF82, v11  }
0x2c6: {  	vm1 =	vgt.s32 v12, $0xFFFFFF82;
	v7 =	vnsel vm0, $0xFFFFFF82, v7;
	vm0 =	vgt.s32 v5, $0xFFFFFF82  }
0x2c7: {  	v19 =	vnsel vm1, $0xFFFFFF82, v12;
	v5 =	vnsel vm0, $0xFFFFFF82, v5;
	vm0 =	vgt.s32 v3, $0xFFFFFF82  }
0x2c8: {  	vm1 =	vlt.s32 v1, $0x7F;
	v3 =	vnsel vm0, $0xFFFFFF82, v3;
	vm0 =	vgt.s32 v6, $0xFFFFFF82  }
0x2c9: {  	v41 =	vnsel vm1, $0x7F, v1;
	v35 =	vnsel vm0, $0xFFFFFF82, v6;
	vm0 =	vlt.s32 v2, $0x7F  }
0x2ca: {  	vm1 =	vlt.s32 v4, $0x7F;
	v42 =	vnsel vm0, $0x7F, v2;
	vm0 =	vlt.s32 v10, $0x7F  }
0x2cb: {  	v43 =	vnsel vm1, $0x7F, v4;
	v39 =	vnsel vm0, $0x7F, v10;
	vm0 =	vlt.s32 v9, $0x7F  }
0x2cc: {  	vm1 =	vlt.s32 v7, $0x7F;
	v45 =	vnsel vm0, $0x7F, v9;
	vm0 =	vlt.s32 v0, $0x7F  }
0x2cd: {  	v46 =	vnsel vm1, $0x7F, v7;
	v44 =	vnsel vm0, $0x7F, v0;
	vm0 =	vlt.s32 v3, $0x7F  }
0x2ce: {  	vm1 =	vlt.s32 v11, $0x7F;
	v47 =	vnsel vm0, $0x7F, v3;
	vm0 =	vlt.s32 v8, $0x7F  }
0x2cf: {  	v50 =	vnsel vm1, $0x7F, v11;
	v49 =	vnsel vm0, $0x7F, v8;
	vm0 =	vlt.s32 v19, $0x7F  }
0x2d0: {  	vm1 =	veq.s32 v21, v57;
	v51 =	vnsel vm0, $0x7F, v19;
	vm0 =	vlt.s32 v5, $0x7F  }
0x2d1: {  	[tilespmem:$0x1FBF0] =	vst v16;
	v57 =	vlaneseq.u32;
	v48 =	vnsel vm0, $0x7F, v5;
	vm0 =	veq.s32 v21, v58  }
0x2d2: {  	[tilespmem:$0x1FC10] =	vst v13;
	v58 =	vimm.s32 $0x0;
	v0 =	vsel vm0, $0xFFFFFFFF, v54;
	vm0 =	veq.s32 v21, v57  }
0x2d3: {  	v59 =	vimm.s32 $0x0;
	[tilespmem:$0x1FC20] =	vst v0;
	v0 =	vsel vm0, $0xFFFFFFFF, v58;
	vm0 =	veq.s32 v21, v52  }
0x2d4: {  	vm2 =	veq.s32 v21, v56;
	[tilespmem:$0x1FC30] =	vst v0;
	v0 =	vsel vm0, $0xFFFFFFFF, v59  }
0x2d5: {  	s30 =	simm.s32 $0x0;
	s0 =	simm.s32 $0x188;
	v56 =	vmovc v61;
	vm3 =	veq.s32 v21, v55;
	vm5 =	vlt.s32 v35, $0x7F;
	v54 =	vmov v63;
	v52 =	vld [tilespmem:$0x1FF50];
	[tilespmem:$0x1FC40] =	vst v0  }
.LBB2_5:
0x2d6: {  	v0 =	vnsel vm5, $0x7F, v35;
	v36 =	vshll.u32 v39, $0x17  }
0x2d7: {  	v35 =	vshll.u32 v41, $0x17;
	v40 =	vshll.u32 v44, $0x17;
	v38 =	vshll.u32 v43, $0x17  }
0x2d8: {  	v37 =	vshll.u32 v42, $0x17;
	v1 =	vshll.u32 v46, $0x17;
	v3 =	vcvt.s32.f32 v41  }
0x2d9: {  	v2 =	vshll.u32 v45, $0x17;
	v5 =	vcvt.s32.f32 v42;
	v6 =	vcvt.s32.f32 v39  }
0x2da: {  	v4 =	vshll.u32 v49, $0x17;
	v8 =	vcvt.s32.f32 v44;
	v9 =	vcvt.s32.f32 v43  }
0x2db: {  	v7 =	vshll.u32 v47, $0x17;
	v11 =	vcvt.s32.f32 v46;
	v12 =	vcvt.s32.f32 v45  }
0x2dc: {  	v10 =	vshll.u32 v50, $0x17;
	v14 =	vcvt.s32.f32 v47;
	v15 =	vcvt.s32.f32 v49  }
0x2dd: {  	v13 =	vshll.u32 v48, $0x17;
	v17 =	vcvt.s32.f32 v48;
	v18 =	vcvt.s32.f32 v50  }
0x2de: {  	v16 =	vshll.u32 v51, $0x17;
	v48 =	vcvt.s32.f32 v51;
	v19 =	vcvt.s32.f32 v0  }
0x2df: {  	v39 =	vadd.s32 $0x3F800000, v2;
	v2 =	vmul.f32 $6.931457510e-01, v3;
	v3 =	vmul.f32 $1.428606770e-06, v3  }
0x2e0: {  	v41 =	vadd.s32 $0x3F800000, v1;
	v1 =	vmul.f32 $1.428606770e-06, v5;
	v49 =	vmul.f32 $1.428606770e-06, v6  }
0x2e1: {  	v42 =	vadd.s32 $0x3F800000, v4;
	v4 =	vmul.f32 $1.428606770e-06, v9;
	v6 =	vmul.f32 $6.931457510e-01, v6  }
0x2e2: {  	v0 =	vshll.u32 v0, $0x17;
	v55 =	vmul.f32 $1.428606770e-06, v8;
	v5 =	vmul.f32 $6.931457510e-01, v5  }
0x2e3: {  	v43 =	vadd.s32 $0x3F800000, v7;
	v57 =	vmul.f32 $1.428606770e-06, v12;
	v9 =	vmul.f32 $6.931457510e-01, v9  }
0x2e4: {  	v44 =	vadd.s32 $0x3F800000, v10;
	v58 =	vmul.f32 $1.428606770e-06, v11;
	v8 =	vmul.f32 $6.931457510e-01, v8  }
0x2e5: {  	v45 =	vadd.s32 $0x3F800000, v13;
	v59 =	vmul.f32 $1.428606770e-06, v15;
	v12 =	vmul.f32 $6.931457510e-01, v12  }
0x2e6: {  	v47 =	vadd.s32 $0x3F800000, v0;
	v61 =	vmul.f32 $6.931457510e-01, v15;
	v11 =	vmul.f32 $6.931457510e-01, v11  }
0x2e7: {  	v63 =	vmul.f32 $6.931457510e-01, v14;
	v6 =	vsub.f32 v23, v6;
	v2 =	vsub.f32 v22, v2  }
0x2e8: {  	v24 =	vmul.f32 $6.931457510e-01, v48;
	v9 =	vsub.f32 v26, v9;
	v5 =	vsub.f32 v53, v5  }
0x2e9: {  	v22 =	vmul.f32 $6.931457510e-01, v18;
	v12 =	vsub.f32 v27, v12;
	v8 =	vsub.f32 v25, v8  }
0x2ea: {  	v23 =	vmul.f32 $6.931457510e-01, v17;
	v0 =	vsub.f32 v30, v61;
	v11 =	vsub.f32 v28, v11  }
0x2eb: {  	v25 =	vmul.f32 $6.931457510e-01, v19;
	v15 =	vsub.f32 v29, v63;
	v33 =	vsub.f32 v33, v24  }
0x2ec: {  	v46 =	vadd.s32 $0x3F800000, v16;
	v31 =	vsub.f32 v31, v22;
	v32 =	vsub.f32 v32, v23  }
0x2ed: {  	v14 =	vmul.f32 $1.428606770e-06, v14;
	v34 =	vsub.f32 v34, v25;
	v29 =	vsub.f32 v2, v3  }
0x2ee: {  	v50 =	vmul.f32 $1.428606770e-06, v17;
	v27 =	vsub.f32 v5, v1;
	v30 =	vsub.f32 v6, v49  }
0x2ef: {  	v51 =	vmul.f32 $1.428606770e-06, v48;
	v22 =	vsub.f32 v8, v55;
	v26 =	vsub.f32 v9, v4  }
0x2f0: {  	v18 =	vmul.f32 $1.428606770e-06, v18;
	v24 =	vsub.f32 v11, v58;
	v23 =	vsub.f32 v12, v57  }
0x2f1: {  	v53 =	vmul.f32 $1.428606770e-06, v19;
	v28 =	vsub.f32 v15, v14;
	v25 =	vsub.f32 v0, v59  }
0x2f2: {  	v33 =	vsub.f32 v33, v51;
	v15 =	vadd.s32 $0x3F800000, v37;
	v55 =	vmul.f32 $8.333333770e-03, v29  }
0x2f3: {  	v31 =	vsub.f32 v31, v18;
	v57 =	vmul.f32 $8.333333770e-03, v27;
	v58 =	vmul.f32 $8.333333770e-03, v30  }
0x2f4: {  	v32 =	vsub.f32 v32, v50;
	v59 =	vmul.f32 $8.333333770e-03, v22;
	v61 =	vmul.f32 $8.333333770e-03, v26  }
0x2f5: {  	v63 =	vmul.f32 $8.333333770e-03, v24;
	v16 =	vmul.f32 $8.333333770e-03, v23;
	v3 =	vsub.f32 v34, v53  }
0x2f6: {  	v17 =	vmul.f32 $8.333333770e-03, v28;
	v18 =	vmul.f32 $8.333333770e-03, v25;
	v5 =	vadd.f32 $4.166666790e-02, v58  }
0x2f7: {  	v48 =	vmul.f32 $8.333333770e-03, v33;
	v0 =	vadd.f32 $4.166666790e-02, v55;
	v6 =	vadd.f32 $4.166666790e-02, v61  }
0x2f8: {  	v19 =	vmul.f32 $8.333333770e-03, v31;
	v4 =	vadd.f32 $4.166666790e-02, v57;
	v7 =	vadd.f32 $4.166666790e-02, v16  }
0x2f9: {  	v34 =	vmul.f32 $8.333333770e-03, v32;
	v2 =	vadd.f32 $4.166666790e-02, v59;
	v9 =	vadd.f32 $4.166666790e-02, v18  }
0x2fa: {  	v49 =	vmul.f32 $8.333333770e-03, v3;
	v1 =	vadd.f32 $4.166666790e-02, v63;
	v8 =	vadd.f32 $4.166666790e-02, v17  }
0x2fb: {  	v12 =	vadd.f32 $4.166666790e-02, v48;
	v59 =	vadd.s32 $0x3F800000, v40;
	v63 =	vadd.s32 $0x3F800000, v38  }
0x2fc: {  	s2 =	sadd.s32 $0xFFFFFFE0, s0;
	v17 =	vadd.s32 $0x3F800000, v36;
	v0 =	vmul.f32 v0, v29;
	v4 =	vmul.f32 v4, v27  }
0x2fd: {  	v50 =	vld [tilespmem:$0x1FBE0];
	v40 =	vmov s2;
	v5 =	vmul.f32 v5, v30;
	v2 =	vmul.f32 v2, v22  }
0x2fe: {  	v10 =	vadd.f32 $4.166666790e-02, v19;
	v6 =	vmul.f32 v6, v26;
	v1 =	vmul.f32 v1, v24  }
0x2ff: {  	v11 =	vadd.f32 $4.166666790e-02, v34;
	v7 =	vmul.f32 v7, v23;
	v8 =	vmul.f32 v8, v28  }
0x300: {  	v13 =	vadd.f32 $4.166666790e-02, v49;
	v9 =	vmul.f32 v9, v25;
	v12 =	vmul.f32 v12, v33  }
0x301: {  	v19 =	vadd.s32 $0x3F800000, v35;
	v34 =	vmov s0;
	v0 =	vadd.f32 $1.666666720e-01, v0  }
0x302: {  	vm0 =	vnez.u8 v50;
	v4 =	vadd.f32 $1.666666720e-01, v4;
	v5 =	vadd.f32 $1.666666720e-01, v5  }
0x303: {  	v10 =	vmul.f32 v10, v31;
	v2 =	vadd.f32 $1.666666720e-01, v2;
	v6 =	vadd.f32 $1.666666720e-01, v6  }
0x304: {  	v11 =	vmul.f32 v11, v32;
	v1 =	vadd.f32 $1.666666720e-01, v1;
	v7 =	vadd.f32 $1.666666720e-01, v7  }
0x305: {  	v13 =	vmul.f32 v13, v3;
	v8 =	vadd.f32 $1.666666720e-01, v8;
	v9 =	vadd.f32 $1.666666720e-01, v9  }
0x306: {  	v12 =	vadd.f32 $1.666666720e-01, v12;
	v5 =	vmul.f32 v5, v30;
	v0 =	vmul.f32 v0, v29  }
0x307: {  	v10 =	vadd.f32 $1.666666720e-01, v10;
	v6 =	vmul.f32 v6, v26;
	v4 =	vmul.f32 v4, v27  }
0x308: {  	v11 =	vadd.f32 $1.666666720e-01, v11;
	v7 =	vmul.f32 v7, v23;
	v2 =	vmul.f32 v2, v22  }
0x309: {  	v13 =	vadd.f32 $1.666666720e-01, v13;
	v9 =	vmul.f32 v9, v25;
	v1 =	vmul.f32 v1, v24  }
0x30a: {  	v8 =	vmul.f32 v8, v28;
	v12 =	vmul.f32 v12, v33;
	v0 =	vadd.f32 $5.000000000e-01, v0  }
0x30b: {  	v10 =	vmul.f32 v10, v31;
	v4 =	vadd.f32 $5.000000000e-01, v4;
	v5 =	vadd.f32 $5.000000000e-01, v5  }
0x30c: {  	v11 =	vmul.f32 v11, v32;
	v2 =	vadd.f32 $5.000000000e-01, v2;
	v6 =	vadd.f32 $5.000000000e-01, v6  }
0x30d: {  	v13 =	vmul.f32 v13, v3;
	v1 =	vadd.f32 $5.000000000e-01, v1;
	v7 =	vadd.f32 $5.000000000e-01, v7  }
0x30e: {  	v8 =	vadd.f32 $5.000000000e-01, v8;
	v9 =	vadd.f32 $5.000000000e-01, v9;
	v0 =	vmul.f32 v0, v29  }
0x30f: {  	v12 =	vadd.f32 $5.000000000e-01, v12;
	v4 =	vmul.f32 v4, v27;
	v5 =	vmul.f32 v5, v30  }
0x310: {  	v10 =	vadd.f32 $5.000000000e-01, v10;
	v2 =	vmul.f32 v2, v22;
	v6 =	vmul.f32 v6, v26  }
0x311: {  	v13 =	vadd.f32 $5.000000000e-01, v13;
	v1 =	vmul.f32 v1, v24;
	v7 =	vmul.f32 v7, v23  }
0x312: {  	v11 =	vadd.f32 $5.000000000e-01, v11;
	v9 =	vmul.f32 v9, v25;
	v8 =	vmul.f32 v8, v28  }
0x313: {  	v12 =	vmul.f32 v12, v33;
	v5 =	vadd.f32 $1.000000000e+00, v5;
	v0 =	vadd.f32 $1.000000000e+00, v0  }
0x314: {  	v13 =	vmul.f32 v13, v3;
	v4 =	vadd.f32 $1.000000000e+00, v4;
	v2 =	vadd.f32 $1.000000000e+00, v2  }
0x315: {  	v11 =	vmul.f32 v11, v32;
	v6 =	vadd.f32 $1.000000000e+00, v6;
	v12 =	vadd.f32 $1.000000000e+00, v12  }
0x316: {  	v7 =	vadd.f32 $1.000000000e+00, v7;
	v10 =	vmul.f32 v10, v31;
	v9 =	vadd.f32 $1.000000000e+00, v9  }
0x317: {  	v1 =	vadd.f32 $1.000000000e+00, v1;
	v8 =	vadd.f32 $1.000000000e+00, v8;
	v12 =	vmul.f32 v12, v33  }
0x318: {  	v13 =	vadd.f32 $1.000000000e+00, v13;
	v5 =	vmul.f32 v5, v30;
	v0 =	vmul.f32 v0, v29  }
0x319: {  	v11 =	vadd.f32 $1.000000000e+00, v11;
	v4 =	vmul.f32 v4, v27;
	v8 =	vmul.f32 v8, v28  }
0x31a: {  	v10 =	vadd.f32 $1.000000000e+00, v10;
	v6 =	vmul.f32 v6, v26;
	v3 =	vmul.f32 v13, v3  }
0x31b: {  	v9 =	vmul.f32 v9, v25;
	v1 =	vmul.f32 v1, v24;
	v12 =	vadd.f32 $1.000000000e+00, v12  }
0x31c: {  	v7 =	vmul.f32 v7, v23;
	v0 =	vadd.f32 $1.000000000e+00, v0;
	v3 =	vadd.f32 $1.000000000e+00, v3  }
0x31d: {  	v11 =	vmul.f32 v11, v32;
	v8 =	vadd.f32 $1.000000000e+00, v8;
	v5 =	vadd.f32 $1.000000000e+00, v5  }
0x31e: {  	v9 =	vadd.f32 $1.000000000e+00, v9;
	v4 =	vadd.f32 $1.000000000e+00, v4;
	v3 =	vmul.f32 v47, v3  }
0x31f: {  	v10 =	vmul.f32 v10, v31;
	v1 =	vadd.f32 $1.000000000e+00, v1;
	v7 =	vadd.f32 $1.000000000e+00, v7  }
0x320: {  	v12 =	vmul.f32 v46, v12;
	v11 =	vadd.f32 $1.000000000e+00, v11;
	v3 =	vadd.f32 $0.0e+00, v3  }
0x321: {  	v53 =	vld [tilespmem:$0x1FBD0];
	v2 =	vmul.f32 v2, v22;
	v6 =	vadd.f32 $1.000000000e+00, v6;
	v10 =	vadd.f32 $1.000000000e+00, v10  }
0x322: {  	v55 =	vld [tilespmem:$0x1FC30];
	v12 =	vnsel vm4, $0x0, v12;
	v11 =	vmul.f32 v45, v11;
	v3 =	vnsel vm0, $0x0, v3  }
0x323: {  	v57 =	vld [tilespmem:$0x1FC40];
	v36 =	vshll.u32 v34, $0x3;
	v2 =	vadd.f32 $1.000000000e+00, v2;
	v51 =	vadd.f32 v12, v3  }
0x324: {  	v8 =	vmul.f32 v43, v8;
	v10 =	vmul.f32 v44, v10;
	v11 =	vnsel vm10, $0x0, v11  }
0x325: {  	v9 =	vmul.f32 v42, v9;
	v1 =	vmul.f32 v41, v1;
	v13 =	vadd.f32 v11, v51  }
0x326: {  	v7 =	vmul.f32 v39, v7;
	v10 =	vnsel vm9, $0x0, v10;
	vm0 =	vnez.u8 v53  }
0x327: {  	v8 =	vnsel vm0, $0x0, v8;
	vm0 =	vnez.u8 v55;
	v13 =	vadd.f32 v10, v13  }
0x328: {  	v2 =	vmul.f32 v59, v2;
	v3 =	vnsel vm0, $0x0, v3;
	vm0 =	vnez.u8 v57  }
0x329: {  	v6 =	vmul.f32 v63, v6;
	v12 =	vnsel vm0, $0x0, v12;
	v13 =	vadd.f32 v8, v13  }
0x32a: {  	v4 =	vmul.f32 v15, v4;
	v9 =	vnsel vm15, $0x0, v9;
	v3 =	vadd.f32 v12, v3  }
0x32b: {  	v18 =	vld [tilespmem:$0x1FC20];
	v5 =	vmul.f32 v17, v5;
	v11 =	vnsel vm3, $0x0, v11;
	v13 =	vadd.f32 v9, v13  }
0x32c: {  	s22 =	sadd.s32 $0xFFFFFFF0, s0;
	v0 =	vmul.f32 v19, v0;
	v1 =	vnsel vm14, $0x0, v1;
	v3 =	vadd.f32 v11, v3  }
0x32d: {  	v32 =	vld [tilespmem:$0x1FC10];
	v41 =	vmov s22;
	v10 =	vnsel vm2, $0x0, v10;
	v58 =	vadd.f32 v1, v13  }
0x32e: {  	s29 =	sadd.s32 $0xC8, s29;
	v46 =	vadd.s32 v56, v36;
	v7 =	vnsel vm12, $0x0, v7;
	v3 =	vadd.f32 v10, v3  }
0x32f: {  	v37 =	vld [tilespmem:s29+$0x60];
	v48 =	vor.u32 $0x4, v46;
	v8 =	vnsel vm1, $0x0, v8;
	v61 =	vadd.f32 v7, v58  }
0x330: {  	v35 =	vld [tilespmem:$0x1FC00];
	v2 =	vnsel vm11, $0x0, v2;
	vm0 =	vnez.u8 v18;
	v3 =	vadd.f32 v8, v3  }
0x331: {  	v38 =	vld [tilespmem:$0x1FFC0];
	v63 =	vor.u32 $0x3, v46;
	v9 =	vnsel vm0, $0x0, v9;
	v14 =	vadd.f32 v2, v61  }
0x332: {  	v49 =	vld [tilespmem:$0x1FFE0];
	v6 =	vnsel vm8, $0x0, v6;
	vm0 =	vnez.u8 v32;
	v3 =	vadd.f32 v9, v3  }
0x333: {  	v50 =	vld [tilespmem:s29+$0x30];
	v4 =	vnsel vm7, $0x0, v4;
	v1 =	vnsel vm0, $0x0, v1;
	v16 =	vadd.f32 v6, v14  }
0x334: {  	v34 =	vld [tilespmem:s29+$0xFFFFFFA0];
	v5 =	vnsel vm6, $0x0, v5;
	vm0 =	veq.s32 v21, v52;
	v1 =	vadd.f32 v1, v3  }
0x335: {  	v42 =	vld [tilespmem:s29+$0x50];
	v7 =	vnsel vm0, $0x0, v7;
	vm0 =	vnez.u8 v35;
	v8 =	vadd.f32 v4, v16  }
0x336: {  	v43 =	vld [tilespmem:s29+$0x40];
	v0 =	vnsel vm0, $0x0, v0;
	vm0 =	veq.s32 v21, v54;
	v1 =	vadd.f32 v7, v1  }
0x337: {  	v36 =	vshll.u32 v41, $0x3;
	v52 =	vld [tilespmem:$0x1FFA0];
	v2 =	vnsel vm0, $0x0, v2;
	v33 =	vadd.f32 v5, v8  }
0x338: {  	s31 =	sadd.s32 $0xFFFFFFD0, s0;
	[tilespmem:$0x1FA00] =	vst v37;
	v17 =	vld [tilespmem:$0x1FFD0];
	v37 =	vor.u32 $0x1, v46;
	vm0 =	veq.s32 v21, v62;
	v1 =	vadd.f32 v2, v1  }
0x339: {  	v59 =	vld [tilespmem:$0x1FFB0];
	v44 =	vmov s31;
	s31 =	sadd.s32 $0xFFFFFFB0, s0;
	v6 =	vnsel vm0, $0x0, v6;
	v3 =	vadd.f32 v0, v33  }
0x33a: {  	v45 =	vld [tilespmem:s29+$0xFFFFFFF0];
	v55 =	vmov s31;
	vm0 =	veq.s32 v21, v60;
	v1 =	vadd.f32 v6, v1  }
0x33b: {  	v55 =	vshll.u32 v55, $0x3;
	v58 =	vld [tilespmem:s29+$0x0];
	v4 =	vnsel vm0, $0x0, v4;
	v39 =	vperm.xlane v3, v38  }
0x33c: {  	v47 =	vld [tilespmem:s29+$0xFFFFFFE0];
	v10 =	vadd.s32 v56, v55;
	vm0 =	veq.s32 v21, v52;
	v1 =	vadd.f32 v4, v1  }
0x33d: {  	v41 =	vld.idx.msk [tilespmem:v48+s20+$0x0], $0xffff;
	s31 =	sadd.s32 $0xFFFFFF90, s0;
	v35 =	vshll.u32 v40, $0x3;
	v5 =	vnsel vm0, $0x0, v5;
	v2 =	vadd.f32 v3, v39  }
0x33e: {  	[tilespmem:$0x1FA10] =	vst v42;
	v42 =	vld.idx.msk [tilespmem:v37+s20+$0x0], $0xffff;
	v60 =	vmov s31;
	s31 =	sadd.s32 $0xFFFFFF80, s0;
	vm0 =	veq.s32 v21, v59;
	v1 =	vadd.f32 v5, v1  }
0x33f: {  	[tilespmem:$0x1FA70] =	vst v45;
	v45 =	vld.idx.msk [tilespmem:v63+s20+$0x0], $0xffff;
	v62 =	vmov s31;
	v0 =	vnsel vm0, $0x0, v0;
	v53 =	vperm.xlane v2, v17  }
0x340: {  	v57 =	vld [tilespmem:s29+$0x10];
	[tilespmem:$0x1FA60] =	vst v58;
	v58 =	vshll.u32 v62, $0x3;
	v6 =	vshll.u32 v44, $0x3;
	v0 =	vadd.f32 v0, v1  }
0x341: {  	v51 =	vld [tilespmem:s29+$0x20];
	v9 =	vadd.s32 v56, v58;
	v8 =	vadd.s32 v56, v36;
	v2 =	vadd.f32 v2, v53  }
0x342: {  	s31 =	sadd.s32 $0xFFFFFF50, s0;
	v6 =	vadd.s32 v56, v6;
	v4 =	vshll.u32 v60, $0x3;
	v16 =	vperm.xlane v0, v38;
	v38 =	vld [tilespmem:$0x1FFF0]  }
0x343: {  	[tilespmem:$0x1FA30] =	vst v50;
	v32 =	vld [tilespmem:s29+$0xFFFFFFC0];
	v60 =	vmov s31;
	v63 =	vor.u32 $0x4, v8;
	v50 =	vperm.xlane v2, v49  }
0x344: {  	v11 =	vld [tilespmem:$0x1FBF0];
	v7 =	vor.u32 $0x3, v8;
	v15 =	vor.u32 $0x4, v6;
	v44 =	vor.u32 $0x3, v6  }
0x345: {  	v40 =	vld.idx.msk [tilespmem:v46+s20+$0x0], $0xffff;
	v33 =	vor.u32 $0x2, v46;
	v14 =	vshll.u32 v60, $0x3;
	v1 =	vadd.f32 v2, v50  }
0x346: {  	s22 =	sadd.s32 $0xFFFFFFC0, s0;
	v24 =	vld.idx.msk [tilespmem:v10+s20+$0x0], $0xffff;
	v4 =	vadd.s32 v56, v4;
	v46 =	vlaneseq.u32;
	v55 =	vadd.s32 v56, v14  }
0x347: {  	v61 =	vld [tilespmem:s29+$0xFFFFFFD0];
	v3 =	vmov s22;
	s22 =	sadd.s32 $0xFFFFFFA0, s0;
	v0 =	vadd.f32 v0, v16;
	v52 =	vperm.xlane v1, v38  }
0x348: {  	[tilespmem:$0x1FAA0] =	vst v32;
	v14 =	vmov s30;
	v32 =	vor.u32 $0x2, v4;
	v23 =	vld.idx.msk [tilespmem:v9+s20+$0x0], $0xffff;
	v54 =	vmov s22  }
0x349: {  	v30 =	vld.idx.msk [tilespmem:v8+s20+$0x0], $0xffff;
	s22 =	sadd.s32 $0xFFFFFF70, s0;
	v3 =	vshll.u32 v3, $0x3;
	v53 =	vperm.xlane v0, v17;
	v1 =	vadd.f32 v1, v52  }
0x34a: {  	[tilespmem:$0x1FA40] =	vst v51;
	v27 =	vld.idx.msk [tilespmem:v6+s20+$0x0], $0xffff;
	v51 =	vmov s22;
	v54 =	vshll.u32 v54, $0x3;
	v3 =	vadd.s32 v56, v3  }
0x34b: {  	v19 =	vld.idx.msk [tilespmem:v63+s20+$0x0], $0xffff;
	v5 =	vadd.s32 v56, v54;
	v0 =	vadd.f32 v0, v53;
	(erf) = vrcp.f32 v1  }
0x34c: {  	[tilespmem:$0x1FA20] =	vst v43;
	s30 =	sadd.s32 $0x1, s30;
	vm0 =	veq.s32 v14, v46;
	v60 =	vld.idx.msk [tilespmem:v7+s20+$0x0], $0xffff;
	s22 =	sadd.s32 $0xFFFFFF60, s0;
	v12 =	vshll.u32 v51, $0x3;
	v14 =	vor.u32 $0x4, v3  }
0x34d: {  	[tilespmem:$0x1FA50] =	vst v57;
	s31 =	sadd.s32 s30, s24;
	v43 =	vld.idx.msk [tilespmem:v33+s20+$0x0], $0xffff;
	v57 =	vmov s22;
	s22 =	sadd.s32 $0xFFFFFF40, s0;
	v12 =	vadd.s32 v56, v12;
	v59 =	vperm.xlane v0, v49  }
0x34e: {  	[tilespmem:$0x1FA90] =	vst v61;
	v22 =	vld.idx.msk [tilespmem:v4+s20+$0x0], $0xffff;
	v33 =	vmov s31;
	v61 =	vmov s22;
	v53 =	vor.u32 $0x2, v6  }
0x34f: {  	v46 =	vor.u32 $0x3, v5;
	v28 =	vld.idx.msk [tilespmem:v3+s20+$0x0], $0xffff;
	v2 =	vadd.s32 v56, v35;
	v0 =	vadd.f32 v0, v59  }
0x350: {  	v39 =	vshll.u32 v33, $0x3;
	v13 =	vshll.u32 v61, $0x3;
	[tilespmem:$0x1FAC0] =	vst v46;
	v46 =	vor.u32 $0x3, v4;
	v25 =	vld.idx.msk [tilespmem:v5+s20+$0x0], $0xffff  }
0x351: {  	[tilespmem:$0x1FAB0] =	vst v34;
	v37 =	vld.idx.msk [tilespmem:v14+s20+$0x0], $0xffff;
	v34 =	vor.u32 $0x2, v2;
	v62 =	vperm.xlane v0, v38;
	v1 =	vshll.u32 v57, $0x3  }
0x352: {  	v35 =	vor.u32 $0x4, v4;
	v18 =	vld.idx.msk [tilespmem:v12+s20+$0x0], $0xffff;
	v49 =	vor.u32 $0x1, v6;
	v6 =	vor.u32 $0x4, v12  }
0x353: {  	[tilespmem:$0x1FAE0] =	vst v6;
	v6 =	vor.u32 $0x1, v4;
	v52 =	vadd.s32 v56, v13;
	v4 =	vld.idx.msk [tilespmem:v53+s20+$0x0], $0xffff;
	v0 =	vadd.f32 v0, v62  }
0x354: {  	v13 =	vor.u32 $0x2, v8;
	v31 =	vld.idx.msk [tilespmem:v2+s20+$0x0], $0xffff;
	v48 =	vadd.s32 v56, v1;
	v1 =	vpop (erf)  }
0x355: {  	v7 =	vor.u32 $0x1, v2;
	v57 =	vld.idx.msk [tilespmem:v55+s20+$0x0], $0xffff;
	v0 =	vmul.f32 v1, v0  }
0x356: {  	[tilespmem:$0x1FA80] =	vst v47;
	v21 =	vor.u32 $0x4, v2;
	v47 =	vor.u32 $0x3, v2;
	v2 =	vor.u32 $0x2, v39;
	v16 =	vld.idx.msk [tilespmem:v34+s20+$0x0], $0xffff  }
0x357: {  	v34 =	vor.u32 $0x4, v39;
	v1 =	vsel vm0, v0, v11;
	v0 =	vld.idx.msk [tilespmem:v39+s14+$0x0], $0xffff  }
0x358: {  	v58 =	vld.idx.msk [tilespmem:v52+s20+$0x0], $0xffff  }
0x359: {  	v17 =	vld.idx.msk [tilespmem:v13+s20+$0x0], $0xffff;
	[tilespmem:$0x1FBF0] =	vst v1;
	v1 =	vor.u32 $0x3, v39  }
0x35a: {  	v63 =	vor.u32 $0x4, v5;
	v14 =	vor.u32 $0x2, v5;
	v13 =	vor.u32 $0x1, v5;
	v5 =	vld.idx.msk [tilespmem:v7+s20+$0x0], $0xffff  }
0x35b: {  	v53 =	vld.idx.msk [tilespmem:v2+s14+$0x0], $0xffff  }
0x35c: {  	[tilespmem:$0x1FB20] =	vst v33;
	v33 =	vor.u32 $0x4, v55;
	v51 =	vor.u32 $0x3, v3;
	v34 =	vld.idx.msk [tilespmem:v34+s14+$0x0], $0xffff;
	v30 =	vmul.f32 v30, v0  }
0x35d: {  	v36 =	vor.u32 $0x2, v3;
	v56 =	vld.idx.msk [tilespmem:v48+s20+$0x0], $0xffff;
	v7 =	vmul.f32 v40, v0;
	v27 =	vmul.f32 v27, v0  }
0x35e: {  	v2 =	vor.u32 $0x2, v55;
	v31 =	vmul.f32 v31, v0;
	v24 =	vmul.f32 v24, v0;
	v40 =	vld.idx.msk [tilespmem:v1+s14+$0x0], $0xffff  }
0x35f: {  	v11 =	vor.u32 $0x1, v3;
	v28 =	vmul.f32 v28, v0;
	v22 =	vmul.f32 v22, v0  }
0x360: {  	v3 =	vor.u32 $0x1, v39;
	v25 =	vmul.f32 v25, v0;
	v18 =	vmul.f32 v18, v0  }
0x361: {  	v39 =	vor.u32 $0x4, v52;
	v23 =	vmul.f32 v23, v0;
	v57 =	vmul.f32 v57, v0  }
0x362: {  	[tilespmem:$0x1FB10] =	vst v39;
	v39 =	vor.u32 $0x3, v55;
	v56 =	vmul.f32 v56, v0;
	v58 =	vmul.f32 v58, v0;
	v0 =	vld.idx.msk [tilespmem:v36+s20+$0x0], $0xffff  }
0x363: {  	v36 =	vmul.f32 v41, v34;
	v41 =	vor.u32 $0x1, v55;
	v55 =	vmul.f32 v45, v40;
	v45 =	vld [tilespmem:$0x1FA00];
	_ =	sdelay $0x4  }
0x364: {  	vm0 =	vgt.s32 v45, $0x0;
	v45 =	vld [tilespmem:$0x1FA10];
	_ =	sdelay $0x4  }
0x365: {  	vm1 =	vgt.s32 v45, $0x0;
	v45 =	vimm.s32 $0x0  }
0x366: {  	v45 =	vsel vm1, $0xFFFFFFFF, v45  }
0x367: {  	[tilespmem:$0x1FB30] =	vst v45;
	v45 =	vld [tilespmem:$0x1FA20];
	_ =	sdelay $0x4  }
0x368: {  	vm1 =	vgt.s32 v45, $0x0;
	v45 =	vimm.s32 $0x0  }
0x369: {  	v45 =	vsel vm1, $0xFFFFFFFF, v45  }
0x36a: {  	[tilespmem:$0x1FB40] =	vst v45;
	v45 =	vld [tilespmem:$0x1FA30];
	_ =	sdelay $0x4  }
0x36b: {  	vm1 =	vgt.s32 v45, $0x0;
	v45 =	vimm.s32 $0x0  }
0x36c: {  	v45 =	vsel vm1, $0xFFFFFFFF, v45  }
0x36d: {  	[tilespmem:$0x1FB90] =	vst v45;
	v45 =	vld [tilespmem:$0x1FA40];
	_ =	sdelay $0x3  }
0x36e: {  	v54 =	vor.u32 $0x2, v10  }
0x36f: {  	vm1 =	vgt.s32 v45, $0x0;
	v45 =	vimm.s32 $0x0  }
0x370: {  	v26 =	vor.u32 $0x2, v12;
	v45 =	vsel vm1, $0xFFFFFFFF, v45  }
0x371: {  	[tilespmem:$0x1FBC0] =	vst v45;
	v45 =	vld [tilespmem:$0x1FA50]  }
0x372: {  	v61 =	vld.idx.msk [tilespmem:v15+s20+$0x0], $0xffff  }
0x373: {  	v54 =	vld.idx.msk [tilespmem:v54+s20+$0x0], $0xffff  }
0x374: {  	v63 =	vld.idx.msk [tilespmem:v63+s20+$0x0], $0xffff  }
0x375: {  	v20 =	vor.u32 $0x3, v10;
	v50 =	vor.u32 $0x4, v10;
	v10 =	vor.u32 $0x1, v10;
	v26 =	vld.idx.msk [tilespmem:v26+s20+$0x0], $0xffff  }
0x376: {  	v38 =	vld.idx.msk [tilespmem:v44+s20+$0x0], $0xffff;
	vm1 =	vgt.s32 v45, $0x0;
	v45 =	vimm.s32 $0x0  }
0x377: {  	v35 =	vld.idx.msk [tilespmem:v35+s20+$0x0], $0xffff;
	v45 =	vsel vm1, $0xFFFFFFFF, v45  }
0x378: {  	[tilespmem:$0x1FB80] =	vst v45;
	v45 =	vld [tilespmem:$0x1FA60]  }
0x379: {  	v8 =	vor.u32 $0x1, v8;
	v14 =	vld.idx.msk [tilespmem:v14+s20+$0x0], $0xffff  }
0x37a: {  	v10 =	vld.idx.msk [tilespmem:v10+s20+$0x0], $0xffff  }
0x37b: {  	v59 =	vld.idx.msk [tilespmem:v21+s20+$0x0], $0xffff  }
0x37c: {  	v49 =	vld.idx.msk [tilespmem:v49+s20+$0x0], $0xffff  }
0x37d: {  	v62 =	vld.idx.msk [tilespmem:v47+s20+$0x0], $0xffff;
	v47 =	vor.u32 $0x4, v9;
	vm1 =	vgt.s32 v45, $0x0;
	v45 =	vimm.s32 $0x0  }
0x37e: {  	v29 =	vor.u32 $0x2, v9;
	[tilespmem:$0x1FAD0] =	vst v47;
	v47 =	vor.u32 $0x3, v9;
	v15 =	vld.idx.msk [tilespmem:v8+s20+$0x0], $0xffff;
	v45 =	vsel vm1, $0xFFFFFFFF, v45  }
0x37f: {  	v9 =	vor.u32 $0x1, v9;
	v8 =	vor.u32 $0x4, v48;
	v43 =	vmul.f32 v43, v53;
	[tilespmem:$0x1FBA0] =	vst v45;
	v45 =	vld [tilespmem:$0x1FA70]  }
0x380: {  	[tilespmem:$0x1FAF0] =	vst v8;
	v8 =	vld.idx.msk [tilespmem:v50+s20+$0x0], $0xffff;
	v17 =	vmul.f32 v17, v53;
	v16 =	vmul.f32 v16, v53  }
0x381: {  	v44 =	vor.u32 $0x3, v12;
	v4 =	vmul.f32 v4, v53;
	v54 =	vmul.f32 v54, v53;
	v2 =	vld.idx.msk [tilespmem:v2+s20+$0x0], $0xffff  }
0x382: {  	v12 =	vor.u32 $0x1, v12;
	v14 =	vmul.f32 v14, v53;
	v26 =	vmul.f32 v26, v53;
	v3 =	vld.idx.msk [tilespmem:v3+s14+$0x0], $0xffff  }
0x383: {  	v6 =	vld.idx.msk [tilespmem:v6+s20+$0x0], $0xffff;
	v21 =	vor.u32 $0x2, v48;
	v19 =	vmul.f32 v19, v34;
	v59 =	vmul.f32 v59, v34  }
0x384: {  	v9 =	vld.idx.msk [tilespmem:v9+s20+$0x0], $0xffff;
	v61 =	vmul.f32 v61, v34;
	vm1 =	vgt.s32 v45, $0x0;
	v45 =	vimm.s32 $0x0  }
0x385: {  	v37 =	vmul.f32 v37, v34;
	v8 =	vmul.f32 v8, v34;
	v11 =	vld.idx.msk [tilespmem:v11+s20+$0x0], $0xffff;
	v45 =	vsel vm1, $0xFFFFFFFF, v45  }
0x386: {  	v50 =	vor.u32 $0x3, v48;
	v63 =	vmul.f32 v63, v34;
	v35 =	vmul.f32 v35, v34;
	[tilespmem:$0x1FBB0] =	vst v45;
	v45 =	vld [tilespmem:$0x1FA80]  }
0x387: {  	v48 =	vor.u32 $0x1, v48;
	v13 =	vld.idx.msk [tilespmem:v13+s20+$0x0], $0xffff;
	v2 =	vmul.f32 v2, v53;
	v42 =	vmul.f32 v42, v3  }
0x388: {  	[tilespmem:$0x1FB00] =	vst v33;
	v33 =	vor.u32 $0x3, v52;
	v12 =	vld.idx.msk [tilespmem:v12+s20+$0x0], $0xffff;
	v15 =	vmul.f32 v15, v3;
	v5 =	vmul.f32 v5, v3  }
0x389: {  	v20 =	vld.idx.msk [tilespmem:v20+s20+$0x0], $0xffff;
	v1 =	vor.u32 $0x2, v52;
	v0 =	vmul.f32 v0, v53;
	v49 =	vmul.f32 v49, v3  }
0x38a: {  	v29 =	vld.idx.msk [tilespmem:v29+s20+$0x0], $0xffff;
	v52 =	vor.u32 $0x1, v52;
	v11 =	vmul.f32 v11, v3;
	v10 =	vmul.f32 v10, v3  }
0x38b: {  	v51 =	vld.idx.msk [tilespmem:v51+s20+$0x0], $0xffff;
	v6 =	vmul.f32 v6, v3;
	vm1 =	vgt.s32 v45, $0x0;
	v45 =	vimm.s32 $0x0  }
0x38c: {  	v48 =	vld.idx.msk [tilespmem:v48+s20+$0x0], $0xffff;
	v13 =	vmul.f32 v13, v3;
	v9 =	vmul.f32 v9, v3;
	v45 =	vsel vm1, $0xFFFFFFFF, v45  }
0x38d: {  	v12 =	vmul.f32 v12, v3;
	v60 =	vmul.f32 v60, v40;
	[tilespmem:$0x1FBD0] =	vst v45;
	v45 =	vld [tilespmem:$0x1FA90]  }
0x38e: {  	v32 =	vld.idx.msk [tilespmem:v32+s20+$0x0], $0xffff;
	v62 =	vmul.f32 v62, v40;
	v15 =	vadd.f32 v15, v30;
	v7 =	vadd.f32 v42, v7  }
0x38f: {  	v21 =	vld.idx.msk [tilespmem:v21+s20+$0x0], $0xffff;
	v38 =	vmul.f32 v38, v40;
	v27 =	vadd.f32 v49, v27;
	v5 =	vadd.f32 v5, v31  }
0x390: {  	v41 =	vld.idx.msk [tilespmem:v41+s20+$0x0], $0xffff;
	v51 =	vmul.f32 v51, v40;
	v10 =	vadd.f32 v10, v24;
	v11 =	vadd.f32 v11, v28  }
0x391: {  	v52 =	vld.idx.msk [tilespmem:v52+s20+$0x0], $0xffff;
	v30 =	vmul.f32 v48, v3;
	v6 =	vadd.f32 v6, v22;
	v13 =	vadd.f32 v13, v25  }
0x392: {  	v1 =	vld.idx.msk [tilespmem:v1+s20+$0x0], $0xffff;
	v12 =	vadd.f32 v12, v18;
	vm1 =	vgt.s32 v45, $0x0;
	v45 =	vimm.s32 $0x0  }
0x393: {  	v9 =	vadd.f32 v9, v23;
	v28 =	vld.idx.msk [tilespmem:v46+s20+$0x0], $0xffff;
	v22 =	vadd.f32 v30, v56;
	v45 =	vsel vm1, $0xFFFFFFFF, v45  }
0x394: {  	v25 =	vmul.f32 v29, v53;
	v7 =	vadd.f32 v43, v7;
	v5 =	vadd.f32 v16, v5;
	[tilespmem:$0x1FB50] =	vst v45;
	v45 =	vld [tilespmem:$0x1FAA0]  }
0x395: {  	v20 =	vmul.f32 v20, v40;
	v49 =	vld.idx.msk [tilespmem:v44+s20+$0x0], $0xffff;
	v15 =	vadd.f32 v17, v15;
	v0 =	vadd.f32 v0, v11  }
0x396: {  	v23 =	vmul.f32 v32, v53;
	v4 =	vadd.f32 v4, v27;
	v9 =	vadd.f32 v25, v9;
	v25 =	vld [tilespmem:$0x1FAF0]  }
0x397: {  	v48 =	vmul.f32 v21, v53;
	v10 =	vadd.f32 v54, v10;
	v12 =	vadd.f32 v26, v12;
	v26 =	vld [tilespmem:$0x1FB00]  }
0x398: {  	v32 =	vld [tilespmem:$0x1FAD0];
	v18 =	vimm.s32 $0x0;
	v13 =	vadd.f32 v14, v13;
	v6 =	vadd.f32 v23, v6  }
0x399: {  	v10 =	vadd.f32 v20, v10;
	v20 =	vld [tilespmem:$0x1FB10];
	vm1 =	vgt.s32 v45, $0x0;
	v45 =	vimm.s32 $0x0  }
0x39a: {  	v21 =	vld.idx.msk [tilespmem:v33+s20+$0x0], $0xffff;
	v24 =	vmul.f32 v41, v3;
	v16 =	vadd.f32 v48, v22;
	v45 =	vsel vm1, $0xFFFFFFFF, v45  }
0x39b: {  	v3 =	vmul.f32 v52, v3;
	v15 =	vadd.f32 v60, v15;
	v7 =	vadd.f32 v55, v7;
	[tilespmem:$0x1FB60] =	vst v45;
	v45 =	vld [tilespmem:$0x1FAB0]  }
0x39c: {  	v23 =	vld [tilespmem:$0x1FAE0];
	v1 =	vmul.f32 v1, v53;
	v4 =	vadd.f32 v38, v4;
	v5 =	vadd.f32 v62, v5  }
0x39d: {  	v0 =	vadd.f32 v51, v0;
	v33 =	vmul.f32 v28, v40;
	v3 =	vadd.f32 v3, v58;
	v58 =	vld.idx.msk [tilespmem:v39+s20+$0x0], $0xffff  }
0x39e: {  	v17 =	vmul.f32 v49, v40;
	vm0 =	vmand vm0, vm13;
	v53 =	vadd.f32 v59, v5;
	v25 =	vld.idx.msk [tilespmem:v25+s20+$0x0], $0xffff  }
0x39f: {  	v39 =	vmul.f32 v21, v40;
	v27 =	vadd.f32 v8, v10;
	v6 =	vadd.f32 v33, v6;
	v26 =	vld.idx.msk [tilespmem:v26+s20+$0x0], $0xffff  }
0x3a0: {  	v1 =	vadd.f32 v1, v3;
	v3 =	vld.idx.msk [tilespmem:v32+s20+$0x0], $0xffff;
	vm1 =	vgt.s32 v45, $0x0;
	v45 =	vimm.s32 $0x0  }
0x3a1: {  	v12 =	vadd.f32 v17, v12;
	v46 =	vmul.f32 $1.442695020e+00, v53;
	v20 =	vld.idx.msk [tilespmem:v20+s20+$0x0], $0xffff;
	v45 =	vsel vm1, $0xFFFFFFFF, v45  }
0x3a2: {  	v51 =	vmul.f32 $1.442695020e+00, v27;
	v30 =	vadd.f32 v35, v6;
	[tilespmem:$0x1FBE0] =	vst v45;
	v45 =	vadd.f32 v24, v57;
	v24 =	vld [tilespmem:$0x1FAC0]  }
0x3a3: {  	v1 =	vadd.f32 v39, v1;
	vm4 =	vge.f32 v46, $0.0e+00;
	v14 =	vmul.f32 v58, v40;
	v57 =	vld.idx.msk [tilespmem:v50+s20+$0x0], $0xffff  }
0x3a4: {  	vm12 =	vge.f32 v51, $0.0e+00;
	v41 =	vmul.f32 v25, v34;
	v42 =	vmul.f32 v26, v34  }
0x3a5: {  	v44 =	vld [tilespmem:s29+$0xFFFFFFB0];
	v25 =	vadd.f32 v37, v0;
	v26 =	vadd.f32 v61, v4;
	v37 =	vimm.f32 $-5.000000000e-01  }
0x3a6: {  	v58 =	vimm.s32 $0x0;
	v3 =	vmul.f32 v3, v34;
	v38 =	vsel vm4, $0x3F000000, v37  }
0x3a7: {  	v48 =	vmul.f32 $1.442695020e+00, v25;
	v49 =	vmul.f32 $1.442695020e+00, v26;
	v6 =	vadd.f32 v38, v46  }
0x3a8: {  	v43 =	vmul.f32 v20, v34;
	v2 =	vadd.f32 v2, v45;
	v11 =	vmul.f32 v57, v40  }
0x3a9: {  	v29 =	vld.idx.msk [tilespmem:v47+s20+$0x0], $0xffff;
	vm3 =	vge.f32 v49, $0.0e+00;
	vm14 =	vge.f32 v48, $0.0e+00;
	v6 =	vtrunc.f32 v6  }
0x3aa: {  	vm1 =	vgt.s32 v44, $0x0;
	v2 =	vadd.f32 v14, v2;
	v11 =	vadd.f32 v11, v16;
	v24 =	vld.idx.msk [tilespmem:v24+s20+$0x0], $0xffff  }
0x3ab: {  	v23 =	vld.idx.msk [tilespmem:v23+s20+$0x0], $0xffff;
	v6 =	vcvt.f32.s32 v6;
	v4 =	vsel vm1, $0xFFFFFFFF, v58;
	v57 =	vmul.f32 $1.442695020e+00, v30  }
0x3ac: {  	v33 =	vadd.f32 v42, v2;
	v32 =	vadd.f32 v41, v11;
	v41 =	vsel vm12, $0x3F000000, v37  }
0x3ad: {  	v42 =	vsel vm14, $0x3F000000, v37;
	vm7 =	vge.f32 v57, $0.0e+00;
	v5 =	vadd.f32 v41, v51  }
0x3ae: {  	v16 =	vimm.s32 $0x0;
	v20 =	vsel vm7, $0x3F000000, v37;
	v59 =	vmul.f32 $1.442695020e+00, v32  }
0x3af: {  	v51 =	vimm.s32 $0x0;
	v5 =	vtrunc.f32 v5;
	v22 =	vmul.f32 v24, v40  }
0x3b0: {  	v24 =	vmul.f32 v29, v40;
	v40 =	vmul.f32 v23, v34;
	v23 =	vadd.f32 v19, v15  }
0x3b1: {  	v34 =	vadd.f32 v43, v1;
	vm10 =	vge.f32 v59, $0.0e+00;
	v43 =	vsel vm3, $0x3F000000, v37  }
0x3b2: {  	v1 =	vadd.f32 v20, v57;
	v57 =	vimm.s32 $0x0;
	v13 =	vadd.f32 v22, v13  }
0x3b3: {  	v5 =	vcvt.f32.s32 v5;
	v9 =	vadd.f32 v24, v9;
	v22 =	vadd.f32 v36, v7  }
0x3b4: {  	v31 =	vadd.f32 v40, v12;
	v47 =	vmul.f32 $1.442695020e+00, v23;
	v1 =	vtrunc.f32 v1  }
0x3b5: {  	v36 =	vmul.f32 $1.442695020e+00, v33;
	v7 =	vadd.f32 v42, v48;
	v1 =	vcvt.f32.s32 v1  }
0x3b6: {  	v28 =	vadd.f32 v63, v13;
	v29 =	vadd.f32 v3, v9;
	v45 =	vmul.f32 $1.442695020e+00, v22  }
0x3b7: {  	v61 =	vmul.f32 $1.442695020e+00, v31;
	v63 =	vmul.f32 $1.442695020e+00, v34;
	vm5 =	vge.f32 v47, $0.0e+00  }
0x3b8: {  	vm9 =	vge.f32 v36, $0.0e+00;
	v9 =	vadd.f32 v43, v49;
	v7 =	vtrunc.f32 v7  }
0x3b9: {  	v49 =	vimm.s32 $0x0;
	v39 =	vsel vm5, $0x3F000000, v37;
	v46 =	vsel vm9, $0x3F000000, v37  }
0x3ba: {  	v13 =	vsel vm0, $0xFFFFFFFF, v49;
	v7 =	vcvt.f32.s32 v7;
	vm5 =	vgt.s32 v6, $0xFFFFFF82  }
0x3bb: {  	vm12 =	vgt.s32 v1, $0xFFFFFF82;
	v50 =	vmul.f32 $1.442695020e+00, v28;
	v55 =	vmul.f32 $1.442695020e+00, v29  }
0x3bc: {  	vm1 =	vge.f32 v45, $0.0e+00;
	vm15 =	vge.f32 v61, $0.0e+00;
	vm8 =	vge.f32 v63, $0.0e+00  }
0x3bd: {  	v8 =	vadd.f32 v39, v47;
	v9 =	vtrunc.f32 v9;
	v12 =	vadd.f32 v46, v36  }
0x3be: {  	v6 =	vnsel vm5, $0xFFFFFF82, v6;
	v1 =	vnsel vm12, $0xFFFFFF82, v1;
	v40 =	vsel vm1, $0x3F000000, v37  }
0x3bf: {  	v24 =	vsel vm15, $0x3F000000, v37;
	v47 =	vsel vm8, $0x3F000000, v37;
	v9 =	vcvt.f32.s32 v9  }
0x3c0: {  	vm8 =	vgt.s32 v5, $0xFFFFFF82;
	vm9 =	vgt.s32 v7, $0xFFFFFF82;
	vm11 =	vge.f32 v50, $0.0e+00  }
0x3c1: {  	vm6 =	vge.f32 v55, $0.0e+00;
	v3 =	vadd.f32 v40, v45;
	v45 =	vsel vm10, $0x3F000000, v37  }
0x3c2: {  	v8 =	vtrunc.f32 v8;
	v10 =	vadd.f32 v24, v61;
	v11 =	vadd.f32 v47, v63  }
0x3c3: {  	v12 =	vtrunc.f32 v12;
	v24 =	vlaneseq.u32;
	v63 =	vlaneseq.u32  }
0x3c4: {  	v48 =	vld [tilespmem:$0x1FB20];
	v7 =	vnsel vm9, $0xFFFFFF82, v7;
	v5 =	vnsel vm8, $0xFFFFFF82, v5;
	v44 =	vsel vm6, $0x3F000000, v37  }
0x3c5: {  	[tilespmem:$0x1FB70] =	vst v4;
	v49 =	vld [tilespmem:$0x1FB50];
	v21 =	vsel vm11, $0x3F000000, v37;
	v4 =	vadd.f32 v45, v59;
	v8 =	vcvt.f32.s32 v8  }
0x3c6: {  	v12 =	vcvt.f32.s32 v12;
	vm10 =	vgt.s32 v9, $0xFFFFFF82;
	vm9 =	vlt.s32 v5, $0x7F  }
0x3c7: {  	v2 =	vadd.f32 v21, v50;
	v0 =	vadd.f32 v44, v55;
	v3 =	vtrunc.f32 v3  }
0x3c8: {  	v10 =	vtrunc.f32 v10;
	v11 =	vtrunc.f32 v11;
	v9 =	vnsel vm10, $0xFFFFFF82, v9  }
0x3c9: {  	v58 =	vld [tilespmem:$0x1FF10];
	vm10 =	vlt.s32 v7, $0x7F;
	v45 =	vnsel vm9, $0x7F, v5;
	v4 =	vtrunc.f32 v4  }
0x3ca: {  	v61 =	vld [tilespmem:$0x1FEF0];
	vm9 =	vnez.u8 v49;
	v3 =	vcvt.f32.s32 v3;
	v10 =	vcvt.f32.s32 v10  }
0x3cb: {  	v47 =	vld [tilespmem:$0x1FB30];
	v11 =	vcvt.f32.s32 v11;
	vm6 =	vgt.s32 v8, $0xFFFFFF82;
	vm14 =	vgt.s32 v12, $0xFFFFFF82  }
0x3cc: {  	v21 =	vld.idx.msk [tilespmem:v48+s13+$0x0], $0xffff;
	v44 =	vnsel vm10, $0x7F, v7;
	v2 =	vtrunc.f32 v2;
	v0 =	vtrunc.f32 v0  }
0x3cd: {  	v50 =	vld [tilespmem:$0x1FF30];
	v4 =	vcvt.f32.s32 v4;
	v8 =	vnsel vm6, $0xFFFFFF82, v8;
	v19 =	vnsel vm14, $0xFFFFFF82, v12  }
0x3ce: {  	v59 =	vld [tilespmem:$0x1FF00];
	vm6 =	vlt.s32 v6, $0x7F;
	v2 =	vcvt.f32.s32 v2;
	v0 =	vcvt.f32.s32 v0  }
0x3cf: {  	vm7 =	vgt.s32 v3, $0xFFFFFF82;
	vm15 =	vgt.s32 v10, $0xFFFFFF82;
	vm1 =	vgt.s32 v11, $0xFFFFFF82  }
0x3d0: {  	v48 =	vld [tilespmem:$0x1FB40];
	vm14 =	vlt.s32 v19, $0x7F;
	v42 =	vnsel vm6, $0x7F, v6;
	vm6 =	vnez.u8 v47  }
0x3d1: {  	v55 =	vld [tilespmem:$0x1FF20];
	v3 =	vnsel vm7, $0xFFFFFF82, v3;
	v10 =	vnsel vm15, $0xFFFFFF82, v10;
	v35 =	vnsel vm1, $0xFFFFFF82, v11  }
0x3d2: {  	vm1 =	vlt.s32 v9, $0x7F;
	vm7 =	vlt.s32 v8, $0x7F;
	vm0 =	veq.s32 v21, v50  }
0x3d3: {  	v17 =	vld [tilespmem:$0x1FEE0];
	vm4 =	veq.s32 v21, v58;
	vm2 =	veq.s32 v21, v59;
	vm3 =	veq.s32 v21, v61  }
0x3d4: {  	vm11 =	vgt.s32 v0, $0xFFFFFF82;
	vm13 =	vgt.s32 v2, $0xFFFFFF82;
	vm5 =	vlt.s32 v35, $0x7F;
	v50 =	vld [tilespmem:$0x1FB60]  }
0x3d5: {  	v39 =	vnsel vm7, $0x7F, v8;
	vm7 =	vnez.u8 v48;
	v43 =	vnsel vm1, $0x7F, v9;
	v58 =	vld [tilespmem:$0x1FB90]  }
0x3d6: {  	[tilespmem:$0x1FC00] =	vst v13;
	v59 =	vld [tilespmem:$0x1FBA0];
	v13 =	vsel vm0, $0xFFFFFFFF, v51;
	vm0 =	veq.s32 v21, v55;
	v2 =	vnsel vm13, $0xFFFFFF82, v2  }
0x3d7: {  	v61 =	vld [tilespmem:$0x1FBB0];
	v0 =	vnsel vm11, $0xFFFFFF82, v0;
	vm11 =	vlt.s32 v10, $0x7F;
	vm13 =	vlt.s32 v1, $0x7F  }
0x3d8: {  	vm1 =	vmmov vm4;
	v51 =	vld [tilespmem:$0x1FB70];
	[tilespmem:$0x1FC10] =	vst v13;
	v13 =	vsel vm0, $0xFFFFFFFF, v57;
	vm0 =	veq.s32 v21, v63  }
0x3d9: {  	v55 =	vld [tilespmem:$0x1FB80];
	vm8 =	vlt.s32 v2, $0x7F;
	vm12 =	vlt.s32 v0, $0x7F;
	v49 =	vnsel vm13, $0x7F, v1  }
0x3da: {  	v57 =	vld [tilespmem:$0x1FF90];
	[tilespmem:$0x1FC20] =	vst v13;
	v13 =	vsel vm0, $0xFFFFFFFF, v16;
	vm0 =	veq.s32 v21, v17;
	v47 =	vnsel vm12, $0x7F, v0  }
0x3db: {  	p0 =	sne.s32 s0, $0xC78;
	v63 =	vld [tilespmem:$0x1FBC0];
	v46 =	vnsel vm8, $0x7F, v2;
	[tilespmem:$0x1FC30] =	vst v13;
	v13 =	vsel vm0, $0xFFFFFFFF, v18;
	vm0 =	vgt.s32 v4, $0xFFFFFF82  }
.Ltmp1:
0x3dc: {  	v56 =	vld [tilespmem:$0x1FF40];
	v4 =	vnsel vm0, $0xFFFFFF82, v4;
	vm0 =	vlt.s32 v3, $0x7F;
	vm10 =	vnez.u8 v50;
	(pc) =	sbr.rel @p0 .LBB2_5-.Ltmp1, $4  }
0x3dd: {  	v54 =	vld [tilespmem:$0x1FF60];
	vm8 =	vnez.u8 v58;
	v50 =	vnsel vm11, $0x7F, v10;
	vm15 =	vlt.s32 v4, $0x7F  }
0x3de: {  	v52 =	vld [tilespmem:$0x1FF50];
	v41 =	vnsel vm0, $0x7F, v3;
	vm4 =	vnez.u8 v51;
	vm12 =	vnez.u8 v55  }
0x3df: {  	v62 =	vld [tilespmem:$0x1FF70];
	v51 =	vnsel vm14, $0x7F, v19;
	vm14 =	vnez.u8 v59;
	vm13 =	vnez.u8 v57  }
0x3e0: {  	s0 =	sadd.s32 $0xC8, s0;
	v60 =	vld [tilespmem:$0x1FF80];
	[tilespmem:$0x1FC40] =	vst v13;
	v48 =	vnsel vm15, $0x7F, v4;
	vm15 =	vnez.u8 v61;
	vm11 =	vnez.u8 v63  }
0x3e1: {  	v0 =	vnsel vm5, $0x7F, v35  }
0x3e2: {  	v1 =	vcvt.s32.f32 v0;
	_ =	sdelay $0x1  }
0x3e3: {  	v3 =	vcvt.s32.f32 v51;
	v2 =	vmul.f32 $6.931457510e-01, v1;
	_ =	sdelay $0x1  }
0x3e4: {  	v4 =	vmul.f32 $6.931457510e-01, v3;
	v1 =	vmul.f32 $1.428606770e-06, v1;
	v2 =	vsub.f32 v34, v2;
	_ =	sdelay $0x1  }
0x3e5: {  	v3 =	vmul.f32 $1.428606770e-06, v3;
	v1 =	vsub.f32 v2, v1;
	v2 =	vsub.f32 v33, v4;
	_ =	sdelay $0x1  }
0x3e6: {  	v15 =	vmul.f32 $8.333333770e-03, v1;
	v2 =	vsub.f32 v2, v3;
	_ =	sdelay $0x1  }
0x3e7: {  	v3 =	vadd.f32 $4.166666790e-02, v15;
	v16 =	vmul.f32 $8.333333770e-03, v2;
	_ =	sdelay $0x1  }
0x3e8: {  	v3 =	vmul.f32 v3, v1;
	v4 =	vadd.f32 $4.166666790e-02, v16  }
0x3e9: {  	v17 =	vcvt.s32.f32 v48  }
0x3ea: {  	v5 =	vshll.u32 v47, $0x17;
	v3 =	vadd.f32 $1.666666720e-01, v3;
	v4 =	vmul.f32 v4, v2  }
0x3eb: {  	v6 =	vcvt.s32.f32 v47;
	v7 =	vcvt.s32.f32 v50;
	v8 =	vshll.u32 v50, $0x17  }
0x3ec: {  	v11 =	vshll.u32 v48, $0x17;
	v3 =	vmul.f32 v3, v1;
	v4 =	vadd.f32 $1.666666720e-01, v4  }
0x3ed: {  	v40 =	vcvt.s32.f32 v44;
	v47 =	vshll.u32 v46, $0x17;
	v48 =	vcvt.s32.f32 v43  }
0x3ee: {  	v58 =	vcvt.s32.f32 v42;
	v3 =	vadd.f32 $5.000000000e-01, v3;
	v4 =	vmul.f32 v4, v2  }
0x3ef: {  	v59 =	vshll.u32 v45, $0x17;
	v63 =	vcvt.s32.f32 v41;
	v42 =	vshll.u32 v42, $0x17  }
0x3f0: {  	v0 =	vshll.u32 v0, $0x17;
	v3 =	vmul.f32 v3, v1;
	v4 =	vadd.f32 $5.000000000e-01, v4  }
0x3f1: {  	v5 =	vadd.s32 $0x3F800000, v5;
	v8 =	vadd.s32 $0x3F800000, v8;
	v12 =	vmul.f32 $6.931457510e-01, v7  }
0x3f2: {  	v0 =	vadd.s32 $0x3F800000, v0;
	v3 =	vadd.f32 $1.000000000e+00, v3;
	v4 =	vmul.f32 v4, v2  }
0x3f3: {  	v13 =	vmul.f32 $6.931457510e-01, v6;
	v7 =	vmul.f32 $1.428606770e-06, v7;
	v12 =	vsub.f32 v31, v12  }
0x3f4: {  	v10 =	vmul.f32 $6.931457510e-01, v17;
	v1 =	vmul.f32 v3, v1;
	v3 =	vadd.f32 $1.000000000e+00, v4  }
0x3f5: {  	v6 =	vmul.f32 $1.428606770e-06, v6;
	v13 =	vsub.f32 v29, v13;
	v7 =	vsub.f32 v12, v7  }
0x3f6: {  	v10 =	vsub.f32 v32, v10;
	v1 =	vadd.f32 $1.000000000e+00, v1;
	v2 =	vmul.f32 v3, v2  }
0x3f7: {  	v6 =	vsub.f32 v13, v6;
	v12 =	vmul.f32 $8.333333770e-03, v7;
	v3 =	vcvt.s32.f32 v49  }
0x3f8: {  	v50 =	vld [tilespmem:$0x1FC30];
	v0 =	vmul.f32 v0, v1;
	v1 =	vshll.u32 v51, $0x17;
	v2 =	vadd.f32 $1.000000000e+00, v2  }
0x3f9: {  	v4 =	vmul.f32 $1.428606770e-06, v17;
	v9 =	vmul.f32 $1.428606770e-06, v3;
	v1 =	vadd.s32 $0x3F800000, v1  }
0x3fa: {  	v12 =	vadd.f32 $4.166666790e-02, v12;
	v3 =	vmul.f32 $6.931457510e-01, v3;
	v1 =	vmul.f32 v1, v2;
	v2 =	vld [tilespmem:$0x1FBE0]  }
0x3fb: {  	v11 =	vadd.s32 $0x3F800000, v11;
	v13 =	vmul.f32 $8.333333770e-03, v6;
	v4 =	vsub.f32 v10, v4  }
0x3fc: {  	v20 =	vmul.f32 v12, v7;
	v17 =	vmul.f32 $6.931457510e-01, v63;
	v3 =	vsub.f32 v30, v3  }
0x3fd: {  	vm5 =	vnez.u8 v50;
	v18 =	vmul.f32 $8.333333770e-03, v4;
	v51 =	vmul.f32 $6.931457510e-01, v48  }
0x3fe: {  	v38 =	vld [tilespmem:$0x1FBD0];
	v0 =	vadd.f32 $0.0e+00, v0;
	v34 =	vnsel vm4, $0x0, v1;
	v3 =	vsub.f32 v3, v9  }
0x3ff: {  	v1 =	vcvt.s32.f32 v45;
	v9 =	vadd.f32 $4.166666790e-02, v18;
	vm0 =	vnez.u8 v2  }
0x400: {  	v14 =	vmul.f32 $8.333333770e-03, v3;
	v33 =	vnsel vm0, $0x0, v0;
	v0 =	vcvt.s32.f32 v46  }
0x401: {  	v13 =	vadd.f32 $4.166666790e-02, v13;
	v9 =	vmul.f32 v9, v4;
	v15 =	vmul.f32 $1.428606770e-06, v1  }
0x402: {  	v17 =	vsub.f32 v22, v17;
	v1 =	vmul.f32 $6.931457510e-01, v1;
	v19 =	vmul.f32 $6.931457510e-01, v0  }
0x403: {  	vm4 =	vnez.u8 v38;
	v14 =	vadd.f32 $4.166666790e-02, v14;
	v9 =	vadd.f32 $1.666666720e-01, v9  }
0x404: {  	v1 =	vsub.f32 v27, v1;
	v0 =	vmul.f32 $1.428606770e-06, v0;
	v10 =	vsub.f32 v28, v19  }
0x405: {  	v2 =	vshll.u32 v49, $0x17;
	v49 =	vmul.f32 $6.931457510e-01, v40;
	v29 =	vmul.f32 v14, v3  }
0x406: {  	v9 =	vmul.f32 v9, v4;
	v1 =	vsub.f32 v1, v15;
	v0 =	vsub.f32 v10, v0  }
0x407: {  	v2 =	vadd.s32 $0x3F800000, v2;
	v28 =	vmul.f32 v13, v6;
	v13 =	vadd.f32 $1.666666720e-01, v29  }
0x408: {  	v9 =	vadd.f32 $5.000000000e-01, v9;
	v15 =	vmul.f32 $8.333333770e-03, v1;
	v30 =	vmul.f32 $8.333333770e-03, v0  }
0x409: {  	v19 =	vshll.u32 v44, $0x17;
	v44 =	vadd.s32 $0x3F800000, v42;
	v10 =	vadd.f32 $1.666666720e-01, v20  }
0x40a: {  	v12 =	vadd.f32 $1.666666720e-01, v28;
	v13 =	vmul.f32 v13, v3;
	v14 =	vadd.f32 $4.166666790e-02, v30  }
0x40b: {  	v9 =	vmul.f32 v9, v4;
	v32 =	vadd.f32 $4.166666790e-02, v15;
	v10 =	vmul.f32 v10, v7  }
0x40c: {  	v20 =	vmul.f32 $6.931457510e-01, v58;
	v13 =	vadd.f32 $5.000000000e-01, v13;
	v14 =	vmul.f32 v14, v0  }
0x40d: {  	v12 =	vmul.f32 v12, v6;
	v9 =	vadd.f32 $1.000000000e+00, v9;
	v10 =	vadd.f32 $5.000000000e-01, v10  }
0x40e: {  	v35 =	vmul.f32 v32, v1;
	v15 =	vsub.f32 v53, v20;
	v14 =	vadd.f32 $1.666666720e-01, v14  }
0x40f: {  	v12 =	vadd.f32 $5.000000000e-01, v12;
	v13 =	vmul.f32 v13, v3;
	v10 =	vmul.f32 v10, v7  }
0x410: {  	v4 =	vmul.f32 v9, v4;
	v9 =	vadd.f32 $1.666666720e-01, v35;
	v14 =	vmul.f32 v14, v0  }
0x411: {  	v30 =	vshll.u32 v43, $0x17;
	v12 =	vmul.f32 v12, v6;
	v10 =	vadd.f32 $1.000000000e+00, v10  }
0x412: {  	v38 =	vadd.s32 $0x3F800000, v30;
	v13 =	vadd.f32 $1.000000000e+00, v13;
	v14 =	vadd.f32 $5.000000000e-01, v14  }
0x413: {  	v37 =	vmul.f32 v9, v1;
	v31 =	vadd.f32 $1.000000000e+00, v12;
	v7 =	vmul.f32 v10, v7  }
0x414: {  	v4 =	vadd.f32 $1.000000000e+00, v4;
	v3 =	vmul.f32 v13, v3;
	v36 =	vmul.f32 v14, v0  }
0x415: {  	v9 =	vmul.f32 $1.428606770e-06, v48;
	v6 =	vmul.f32 v31, v6;
	v7 =	vadd.f32 $1.000000000e+00, v7  }
0x416: {  	v4 =	vmul.f32 v11, v4;
	v3 =	vadd.f32 $1.000000000e+00, v3;
	v10 =	vadd.f32 $1.000000000e+00, v36  }
0x417: {  	v13 =	vmul.f32 $1.428606770e-06, v58;
	v6 =	vadd.f32 $1.000000000e+00, v6;
	v7 =	vmul.f32 v8, v7  }
0x418: {  	v11 =	vnsel vm5, $0x0, v33;
	v2 =	vmul.f32 v2, v3;
	v0 =	vmul.f32 v10, v0  }
0x419: {  	v45 =	vld [tilespmem:$0x1FC20];
	v5 =	vmul.f32 v5, v6;
	v6 =	vadd.f32 $5.000000000e-01, v37;
	v3 =	vnsel vm9, $0x0, v7  }
0x41a: {  	v7 =	vmul.f32 $1.428606770e-06, v40;
	v10 =	vsub.f32 v25, v49;
	v0 =	vadd.f32 $1.000000000e+00, v0  }
0x41b: {  	v13 =	vsub.f32 v15, v13;
	v8 =	vadd.s32 $0x3F800000, v47;
	v6 =	vmul.f32 v6, v1  }
0x41c: {  	v7 =	vsub.f32 v10, v7;
	v0 =	vmul.f32 v8, v0;
	v8 =	vsub.f32 v26, v51  }
0x41d: {  	v4 =	vnsel vm10, $0x0, v4;
	v31 =	vadd.f32 v34, v33;
	v6 =	vadd.f32 $1.000000000e+00, v6  }
0x41e: {  	vm10 =	vnez.u8 v45;
	v61 =	vmul.f32 $8.333333770e-03, v7;
	v8 =	vsub.f32 v8, v9  }
0x41f: {  	v57 =	vnsel vm3, $0x0, v4;
	v25 =	vcvt.s32.f32 v39;
	v1 =	vmul.f32 v6, v1  }
0x420: {  	v18 =	vmul.f32 $8.333333770e-03, v13;
	v9 =	vadd.f32 $4.166666790e-02, v61;
	v16 =	vmul.f32 $8.333333770e-03, v8  }
0x421: {  	v4 =	vadd.f32 v4, v31;
	v1 =	vadd.f32 $1.000000000e+00, v1;
	v26 =	vmul.f32 $6.931457510e-01, v25  }
0x422: {  	v55 =	vld [tilespmem:$0x1FC40];
	v6 =	vadd.s32 $0x3F800000, v59;
	v9 =	vmul.f32 v9, v7;
	v16 =	vadd.f32 $4.166666790e-02, v16  }
0x423: {  	v2 =	vnsel vm15, $0x0, v2;
	v1 =	vmul.f32 v6, v1;
	v15 =	vsub.f32 v23, v26  }
0x424: {  	v6 =	vmul.f32 $1.428606770e-06, v25;
	v9 =	vadd.f32 $1.666666720e-01, v9;
	v16 =	vmul.f32 v16, v8  }
0x425: {  	v14 =	vmul.f32 $1.428606770e-06, v63;
	v27 =	vadd.f32 $4.166666790e-02, v18;
	v5 =	vnsel vm4, $0x0, v5  }
0x426: {  	v6 =	vsub.f32 v15, v6;
	v9 =	vmul.f32 v9, v7;
	v16 =	vadd.f32 $1.666666720e-01, v16  }
0x427: {  	vm9 =	vnez.u8 v55;
	v14 =	vsub.f32 v17, v14;
	v17 =	vmul.f32 v27, v13  }
0x428: {  	v20 =	vmul.f32 $8.333333770e-03, v6;
	v9 =	vadd.f32 $5.000000000e-01, v9;
	v16 =	vmul.f32 v16, v8  }
0x429: {  	v12 =	vnsel vm9, $0x0, v34;
	v28 =	vnsel vm2, $0x0, v3;
	v34 =	vadd.s32 $0x3F800000, v19  }
0x42a: {  	v20 =	vadd.f32 $4.166666790e-02, v20;
	v9 =	vmul.f32 v9, v7;
	v16 =	vadd.f32 $5.000000000e-01, v16  }
0x42b: {  	v3 =	vadd.f32 v3, v4;
	v29 =	vmul.f32 $8.333333770e-03, v14;
	v17 =	vadd.f32 $1.666666720e-01, v17  }
0x42c: {  	v32 =	vmul.f32 v20, v6;
	v9 =	vadd.f32 $1.000000000e+00, v9;
	v16 =	vmul.f32 v16, v8  }
0x42d: {  	v11 =	vadd.f32 v12, v11;
	v3 =	vadd.f32 v5, v3;
	v17 =	vmul.f32 v17, v13  }
0x42e: {  	v7 =	vmul.f32 v9, v7;
	v9 =	vadd.f32 $1.666666720e-01, v32;
	v16 =	vadd.f32 $1.000000000e+00, v16  }
0x42f: {  	v49 =	vshll.u32 v39, $0x17;
	v10 =	vadd.f32 v57, v11;
	v17 =	vadd.f32 $5.000000000e-01, v17  }
0x430: {  	v3 =	vadd.f32 v2, v3;
	v36 =	vmul.f32 v9, v6;
	v8 =	vmul.f32 v16, v8  }
0x431: {  	v48 =	vadd.f32 v28, v10;
	v33 =	vmul.f32 v17, v13;
	v15 =	vadd.f32 $4.166666790e-02, v29  }
0x432: {  	v5 =	vnsel vm1, $0x0, v5;
	v35 =	vadd.f32 $1.000000000e+00, v8;
	v8 =	vadd.f32 $5.000000000e-01, v36  }
0x433: {  	v0 =	vnsel vm14, $0x0, v0;
	v37 =	vadd.f32 $1.000000000e+00, v33;
	v15 =	vmul.f32 v15, v14  }
0x434: {  	v5 =	vadd.f32 v5, v48;
	v7 =	vadd.f32 $1.000000000e+00, v7;
	v8 =	vmul.f32 v8, v6  }
0x435: {  	v3 =	vadd.f32 v0, v3;
	v15 =	vadd.f32 $1.666666720e-01, v15;
	v9 =	vmul.f32 v37, v13  }
0x436: {  	v1 =	vnsel vm12, $0x0, v1;
	v7 =	vmul.f32 v34, v7;
	v8 =	vadd.f32 $1.000000000e+00, v8  }
0x437: {  	v3 =	vadd.f32 v1, v3;
	v15 =	vmul.f32 v15, v14;
	v9 =	vadd.f32 $1.000000000e+00, v9  }
0x438: {  	v55 =	vld [tilespmem:$0x1FC10];
	v7 =	vnsel vm11, $0x0, v7;
	v4 =	vmul.f32 v38, v35;
	v6 =	vmul.f32 v8, v6  }
0x439: {  	v50 =	vadd.s32 $0x3F800000, v49;
	v40 =	vadd.f32 $5.000000000e-01, v15;
	v3 =	vadd.f32 v7, v3  }
0x43a: {  	v9 =	vmul.f32 v44, v9;
	v4 =	vnsel vm8, $0x0, v4;
	v6 =	vadd.f32 $1.000000000e+00, v6  }
0x43b: {  	v2 =	vnsel vm10, $0x0, v2;
	v43 =	vmul.f32 v40, v14;
	v3 =	vadd.f32 v4, v3  }
0x43c: {  	v2 =	vadd.f32 v2, v5;
	v47 =	vnsel vm7, $0x0, v9;
	v6 =	vmul.f32 v50, v6  }
0x43d: {  	v46 =	vadd.f32 $1.000000000e+00, v43;
	vm11 =	vnez.u8 v55;
	v3 =	vadd.f32 v47, v3  }
0x43e: {  	v0 =	vnsel vm11, $0x0, v0;
	v6 =	vnsel vm6, $0x0, v6  }
0x43f: {  	v11 =	vmul.f32 v46, v14;
	v0 =	vadd.f32 v0, v2;
	v2 =	vadd.f32 v6, v3;
	v3 =	vld [tilespmem:$0x1FC00];
	_ =	sdelay $0x1  }
0x440: {  	v51 =	vshll.u32 v41, $0x17;
	v11 =	vadd.f32 $1.000000000e+00, v11  }
0x441: {  	v53 =	vadd.s32 $0x3F800000, v51  }
0x442: {  	vm4 =	veq.s32 v21, v52;
	v57 =	vld [tilespmem:$0x1FFC0];
	v5 =	vmul.f32 v53, v11  }
0x443: {  	v1 =	vnsel vm4, $0x0, v1;
	vm5 =	vnez.u8 v3  }
0x444: {  	v0 =	vadd.f32 v1, v0;
	vm6 =	veq.s32 v21, v54;
	v3 =	vnsel vm5, $0x0, v5  }
0x445: {  	v58 =	vld [tilespmem:$0x1FFA0];
	v1 =	vadd.f32 v3, v2;
	v2 =	vnsel vm6, $0x0, v7  }
0x446: {  	v59 =	vld [tilespmem:$0x1FFD0];
	vm7 =	veq.s32 v21, v62;
	v0 =	vadd.f32 v2, v0  }
0x447: {  	v61 =	vld [tilespmem:$0x1FFB0];
	v4 =	vnsel vm7, $0x0, v4;
	v2 =	vperm.xlane v1, v57  }
0x448: {  	vm8 =	veq.s32 v21, v60;
	v0 =	vadd.f32 v4, v0  }
0x449: {  	v1 =	vadd.f32 v1, v2;
	v2 =	vnsel vm8, $0x0, v47  }
0x44a: {  	vm9 =	veq.s32 v21, v58;
	v62 =	vld [tilespmem:$0x1FFE0];
	v0 =	vadd.f32 v2, v0  }
0x44b: {  	v60 =	vnsel vm9, $0x0, v6;
	v2 =	vperm.xlane v1, v59  }
0x44c: {  	vm10 =	veq.s32 v21, v61;
	v0 =	vadd.f32 v60, v0  }
0x44d: {  	v1 =	vadd.f32 v1, v2;
	v2 =	vnsel vm10, $0x0, v3  }
0x44e: {  	v63 =	vld [tilespmem:$0x1FFF0];
	v0 =	vadd.f32 v2, v0  }
0x44f: {  	v2 =	vperm.xlane v1, v62  }
0x450: {  	v3 =	vperm.xlane v0, v57  }
0x451: {  	v1 =	vadd.f32 v1, v2  }
0x452: {  	v0 =	vadd.f32 v0, v3  }
0x453: {  	v2 =	vperm.xlane v1, v63  }
0x454: {  	v3 =	vperm.xlane v0, v59  }
0x455: {  	v1 =	vadd.f32 v1, v2  }
0x456: {  	v0 =	vadd.f32 v0, v3  }
0x457: {  	(erf) = vrcp.f32 v1  }
0x458: {  	v1 =	vperm.xlane v0, v62;
	_ =	sdelay $0x1  }
0x459: {  	v0 =	vadd.f32 v0, v1;
	_ =	sdelay $0x1  }
0x45a: {  	v1 =	vperm.xlane v0, v63;
	_ =	sdelay $0x2  }
0x45b: {  	v0 =	vadd.f32 v0, v1  }
0x45c: {  	v1 =	vpop (erf)  }
0x45d: {  	s26 =	sadd.s32 $0x1, s26;
	v0 =	vmul.f32 v1, v0;
	v1 =	vld [tilespmem:$0x1FBF0]  }
0x45e: {  	p0 =	sne.s32 s26, $0x10  }
.Ltmp2:
0x45f: {  	_ = 	snop;
	(pc) =	sbr.rel @p0 .LBB2_2-.Ltmp2, $4  }
0x460: {  	v2 =	vmov s30  }
0x461: {  	vm11 =	veq.s32 v2, v24  }
0x462: {  	v0 =	vsel vm11, v0, v1  }
0x463: {  	s25 =	sadd.s32 $0x20, s25;
	s24 =	sadd.s32 $0x20, s24;
	[tilespmem:s28+$0xF620] =	vst v0;
	v0 =	vlaneseq.u32  }
0x464: {  	s23 =	sadd.s32 $0x1, s23  }
0x465: {  	p0 =	sne.s32 s23, s11  }
.Ltmp3:
0x466: {  	s0 =	simm.s32 $0xF620;
	(pc) =	sbr.rel @p0 .LBB2_1-.Ltmp3, $4  }
0x467: {  	[hbm4b:s10+s1] =	stream.linear.scatter [tilespmem:s0], [sflag:$0x3], $0x200, $0x38;
	[tilespmem:$0xF820] =	vst v63  }
0x468: {  	_ =	swait.ge [sflag:s12], $0x200  }
0x469: {  	[sflag:s12] =	ssyncset.done $0x0  }
0x46a: {  	[sflag:s12] =	ssyncadd.s32 $0xFFFFFE00  }
0x46b: {  	_ =	sfence.sel $0x180000  }
0x46c: {  	[bflag:$0x0] =	sbarrier.arrive $0xFFFF  }
0x46d: {  	_ =	strace $0x90000047  }
0x46e: {  	s0 =	stileid.u32;
	[bflag:$0x2] =	sbarrier.arrive $0xFFFF  }
0x46f: {  	p0 =	sne.s32 s0, $0x0;
	s0 =	rddreg [dreg:$0x4]  }
0x470: {  	s0 =	sadd.s32 @!p0 $0x100000, s0  }
0x471: {  	[sflag:s0] =	ssyncadd.tile.s32 @!p0 $0x1;
	_ =	shalt  }
.Lfunc_end2:
_tile_overlayer_lowered:
.L_overlay_start_2:
0x472: {  	(tag) =	ssettag $0x2  }
0x473: {  	s0 =	rddreg [dreg:$0x0];
	s2 =	stileid.u32  }
0x474: {  	s1 =	rddreg [dreg:$0x1];
	p0 =	sne.s32 s2, $0x0  }
0x475: {  	s3 =	rddreg [dreg:$0x2];
	[bflag:$0x3] =	sbarrier.arrive $0xFFFF;
	s2 =	simm.s32 @!p0 $0x1C03  }
0x476: {  	[timem:s3], [sflag:s2] =	dma.local @!p0 [hbm:s0], s1  }
0x477: {  	s0 =	simm.s32 @!p0 $0x3  }
0x478: {  	_ =	swait.ge @!p0 [sflag:s0], s1  }
0x479: {  	s1 =	ssub.s32 @!p0 $0x0, s1;
	[sflag:s0] =	ssyncset.done @!p0 $0x0  }
0x47a: {  	[sflag:s0] =	ssyncadd.s32 @!p0 s1  }
0x47b: {  	[bflag:$0x3] =	sbarrier.arrive $0xFFFF  }
0x47c: {  	_ =	shalt  }

</sc_bundles>
